<compile_context>
chip_gen: v7x
topology: tpu7x:2x2x1
jax: 0.10.2.dev20260603
libtpu: 0.0.44.dev20260713+nightly
codegen_flags: <defaults>
</compile_context>

<pallas_src>
import functools

import jax
import jax.numpy as jnp
from jax import lax
from jax.experimental import pallas as pl
from jax.experimental.pallas import tpu as pltpu
from jax.experimental.pallas import tpu_sc as plsc

D = 128
N_GROUPS = 40000
G_PAD = 40960
NW = 32
CH = 64
NBUF = 5
T_PAD = 163840
EPW = T_PAD // NW
NCH = EPW // CH
NB = D // 32


def _proj_body(stu, conc, item, ws, wi, bs, bi, hs_o, hi_o, hc_o):
    hs_o[...] = jnp.dot(stu[...], ws[...],
                        preferred_element_type=jnp.float32).astype(jnp.bfloat16)
    hi_o[...] = jnp.dot(item[...], wi[...],
                        preferred_element_type=jnp.float32).astype(jnp.bfloat16)
    hc_o[:, :D] = (jnp.dot(conc[...], ws[...],
                           preferred_element_type=jnp.float32)
                   + bs[...]).astype(jnp.bfloat16)
    hc_o[:, D:] = (jnp.dot(conc[...], wi[...],
                           preferred_element_type=jnp.float32)
                   + bi[...]).astype(jnp.bfloat16)


def _project(stu_x, conc_x, item_x, ws, wi, bs, bi):
    n_stu, n_conc, n_item = stu_x.shape[0], conc_x.shape[0], item_x.shape[0]
    return pl.pallas_call(
        _proj_body,
        out_shape=[
            jax.ShapeDtypeStruct((n_stu, D), jnp.bfloat16),
            jax.ShapeDtypeStruct((n_item, D), jnp.bfloat16),
            jax.ShapeDtypeStruct((n_conc, 2 * D), jnp.bfloat16),
        ],
    )(stu_x, conc_x, item_x, ws, wi, bs.reshape(1, D), bi.reshape(1, D))


_MESH = plsc.VectorSubcoreMesh(core_axis_name="c", subcore_axis_name="s")

_GDN = lax.GatherDimensionNumbers(offset_dims=(), collapsed_slice_dims=(0,),
                                  start_index_map=(0,))


def _shuffle(x, idx):
    return lax.gather(x, idx[:, None], dimension_numbers=_GDN,
                      slice_sizes=(1,),
                      mode=lax.GatherScatterMode.PROMISE_IN_BOUNDS)


def _lo(v):
    return lax.bitcast_convert_type(lax.shift_left(v, 16), jnp.float32)


def _hi(v):
    return lax.bitcast_convert_type(
        lax.bitwise_and(v, jnp.int32(-65536)), jnp.float32)


def _sigdiff(a, b):
    ea = jnp.exp(a)
    eb = jnp.exp(b)
    return (ea - eb) / ((1.0 + ea) * (1.0 + eb))


@functools.partial(
    pl.kernel,
    out_type=[
        jax.ShapeDtypeStruct((2, G_PAD), jnp.float32),
        jax.ShapeDtypeStruct((2, G_PAD), jnp.float32),
    ],
    mesh=_MESH,
    compiler_params=pltpu.CompilerParams(use_tc_tiling_on_sc=False),
    scratch_types=[
        pltpu.VMEM((NCH, CH), jnp.int32),
        pltpu.VMEM((NCH, CH), jnp.int32),
        pltpu.VMEM((NCH, CH), jnp.int32),
        pltpu.VMEM((NCH, CH), jnp.int32),
        *([pltpu.VMEM((CH, D // 2), jnp.int32)] * NBUF),
        *([pltpu.VMEM((CH, D // 2), jnp.int32)] * NBUF),
        *([pltpu.VMEM((CH, D), jnp.int32)] * NBUF),
        *([pltpu.VMEM((CH,), jnp.float32)] * NBUF),
        pltpu.VMEM((CH,), jnp.float32),
        pltpu.VMEM((D,), jnp.float32),
        pltpu.VMEM_SHARED((G_PAD,), jnp.float32),
        pltpu.VMEM_SHARED((G_PAD,), jnp.float32),
        *([pltpu.SemaphoreType.DMA] * (2 * NBUF)),
    ],
)
def _sc_edges(hs, hi, hc, wpred_hbm, zsum_hbm, zcnt_hbm,
              stu_idx, item_idx, conc_idx, mean_idx,
              sums_out, counts_out,
              stu_iv, item_iv, conc_iv, mean_iv,
              *rest):
    rs = rest[0:NBUF]
    ri = rest[NBUF:2 * NBUF]
    rc = rest[2 * NBUF:3 * NBUF]
    sv = rest[3 * NBUF:4 * NBUF]
    ones_v, w_v, sh_sums, sh_counts = rest[4 * NBUF:4 * NBUF + 4]
    sems = rest[4 * NBUF + 4:4 * NBUF + 4 + NBUF]
    ssems = rest[4 * NBUF + 4 + NBUF:4 * NBUF + 4 + 2 * NBUF]
    cid = lax.axis_index("c")
    sid = lax.axis_index("s")
    wid = sid * 2 + cid

    @pl.when(sid == 0)
    def _zero():
        pltpu.sync_copy(zsum_hbm, sh_sums)
        pltpu.sync_copy(zcnt_hbm, sh_counts)

    pltpu.sync_copy(stu_idx.at[wid], stu_iv)
    pltpu.sync_copy(item_idx.at[wid], item_iv)
    pltpu.sync_copy(conc_idx.at[wid], conc_iv)
    pltpu.sync_copy(mean_idx.at[wid], mean_iv)
    pltpu.sync_copy(wpred_hbm, w_v)
    one = jnp.full((16,), 1.0, jnp.float32)
    for j in range(CH // 16):
        ones_v[pl.ds(j * 16, 16)] = one
    wvecs = [w_v[pl.ds(j * 16, 16)] for j in range(D // 16)]
    lane = jnp.arange(16, dtype=jnp.int32)
    perms = [lane ^ (1 << p) for p in range(4)]

    plsc.subcore_barrier()

    def start(k, b):
        pltpu.async_copy(hs.at[stu_iv.at[k]], rs[b], sems[b])
        pltpu.async_copy(hi.at[item_iv.at[k]], ri[b], sems[b])
        pltpu.async_copy(hc.at[conc_iv.at[k]], rc[b], sems[b])

    def drain(k, b):
        pltpu.make_async_copy(hs.at[stu_iv.at[k]], rs[b], sems[b]).wait()
        pltpu.make_async_copy(hi.at[item_iv.at[k]], ri[b], sems[b]).wait()
        pltpu.make_async_copy(hc.at[conc_iv.at[k]], rc[b], sems[b]).wait()

    def drain_scatter(k, b):
        pltpu.make_async_copy(
            sv[b], sh_sums.at[mean_iv.at[k]], ssems[b]).wait()
        pltpu.make_async_copy(
            ones_v, sh_counts.at[mean_iv.at[k]], ssems[b]).wait()

    for p in range(NBUF - 1):
        start(p, p)

    def outer_body(k0, carry):
        for b in range(NBUF):
            k = k0 * NBUF + b
            drain(k, b)

            @pl.when(k + NBUF - 1 < NCH)
            def _prefetch():
                start(k + NBUF - 1, (b + NBUF - 1) % NBUF)

            @pl.when(k >= NBUF)
            def _sdrain():
                drain_scatter(k - NBUF, b)

            mrs, mri, mrc = rs[b], ri[b], rc[b]
            msv = sv[b]

            def group_body(g, c2):
                def edge_body(e, svec):
                    t2 = g * 16 + e
                    acc = jnp.zeros((16,), jnp.float32)
                    for j in range(NB):
                        vc = mrc[t2, pl.ds(j * 16, 16)]
                        vs = mrs[t2, pl.ds(j * 16, 16)]
                        vc2 = mrc[t2, pl.ds(D // 2 + j * 16, 16)]
                        vi = mri[t2, pl.ds(j * 16, 16)]
                        a0 = _lo(vc) + _lo(vs)
                        a1 = _hi(vc) + _hi(vs)
                        b0 = _lo(vc2) + _lo(vi)
                        b1 = _hi(vc2) + _hi(vi)
                        acc = acc + wvecs[2 * j] * _sigdiff(a0, b0)
                        acc = acc + wvecs[2 * j + 1] * _sigdiff(a1, b1)
                    for p in perms:
                        acc = acc + _shuffle(acc, p)
                    return jnp.where(lane == e, acc, svec)

                svec = plsc.parallel_loop(
                    0, 16, unroll=4,
                    carry=jnp.zeros((16,), jnp.float32))(edge_body)
                msv[pl.ds(g * 16, 16)] = svec
                return c2

            lax.fori_loop(0, CH // 16, group_body, 0)
            pltpu.async_copy(msv, sh_sums.at[mean_iv.at[k]], ssems[b],
                             add=True)
            pltpu.async_copy(ones_v, sh_counts.at[mean_iv.at[k]], ssems[b],
                             add=True)
        return carry

    lax.fori_loop(0, NCH // NBUF, outer_body, 0)
    for p in range(NBUF):
        drain_scatter(NCH - NBUF + p, (NCH - NBUF + p) % NBUF)

    plsc.subcore_barrier()

    @pl.when(sid == 0)
    def _flush():
        pltpu.sync_copy(sh_sums, sums_out.at[cid])
        pltpu.sync_copy(sh_counts, counts_out.at[cid])


def _combine_body(s_ref, c_ref, b_ref, o_ref):
    tot = s_ref[0] + s_ref[1]
    cnt = jnp.maximum(c_ref[0] + c_ref[1], 1.0)
    o_ref[...] = jax.nn.sigmoid(tot / cnt + b_ref[0, 0])


def _combine(sums, counts, b_pred):
    return pl.pallas_call(
        _combine_body,
        out_shape=jax.ShapeDtypeStruct((G_PAD // D, D), jnp.float32),
        in_specs=[
            pl.BlockSpec(memory_space=pltpu.VMEM),
            pl.BlockSpec(memory_space=pltpu.VMEM),
            pl.BlockSpec(memory_space=pltpu.SMEM),
        ],
    )(sums.reshape(2, G_PAD // D, D), counts.reshape(2, G_PAD // D, D),
      b_pred.reshape(1, 1))


def kernel(stu_x, conc_x, item_x, stu_track, item_index, conc_index,
           mean_index, W_feat_stu, b_feat_stu, W_feat_item, b_feat_item,
           W_pred, b_pred):
    hs, hi, hc = _project(stu_x, conc_x, item_x,
                          W_feat_stu, W_feat_item, b_feat_stu, b_feat_item)
    hs = lax.bitcast_convert_type(
        hs.reshape(hs.shape[0], D // 2, 2), jnp.int32)
    hi = lax.bitcast_convert_type(
        hi.reshape(hi.shape[0], D // 2, 2), jnp.int32)
    hc = lax.bitcast_convert_type(
        hc.reshape(hc.shape[0], D, 2), jnp.int32)
    t = stu_track.shape[0]
    pad = T_PAD - t
    st = jnp.pad(stu_track, (0, pad)).reshape(NW, NCH, CH)
    it = jnp.pad(item_index, (0, pad)).reshape(NW, NCH, CH)
    ci = jnp.pad(conc_index, (0, pad)).reshape(NW, NCH, CH)
    mi = jnp.pad(mean_index, (0, pad),
                 constant_values=N_GROUPS).reshape(NW, NCH, CH)
    wp = W_pred.reshape(NB, 16, 2).transpose(0, 2, 1).reshape(D)
    zsum = jnp.zeros((G_PAD,), jnp.float32)
    zcnt = jnp.zeros((G_PAD,), jnp.float32)
    sums, counts = _sc_edges(hs, hi, hc, wp, zsum, zcnt, st, it, ci, mi)
    pred = _combine(sums, counts, b_pred)
    return pred.reshape(-1)[:N_GROUPS]

# --- scband reference (transcript-rebuilt; emitter-appended) ---
"""Pipeline reference for scband-diagnosis-1640677507712 (READ-ONLY COPY).

The authoritative reference and input builder live on the scoring server;
editing this copy changes nothing except your own understanding.
"""

import jax, jax.numpy as jnp
import numpy as np

D = 128
STU_N = 10000
CONC_N = 1000
ITEM_N = 10000
T = 160000
NUM_GROUPS = 40000


def setup_inputs(seed: int = 0) -> dict:
    key = jax.random.key(seed)
    ks = jax.random.split(key, 12)
    stu_x = jax.random.normal(ks[0], (STU_N, D), dtype=jnp.float32)
    conc_x = jax.random.normal(ks[1], (CONC_N, D), dtype=jnp.float32)
    item_x = jax.random.normal(ks[2], (ITEM_N, D), dtype=jnp.float32)
    stu_track = jax.random.randint(ks[3], (T,), 0, STU_N, dtype=jnp.int32)
    item_index = jax.random.randint(ks[4], (T,), 0, ITEM_N, dtype=jnp.int32)
    conc_index = jax.random.randint(ks[5], (T,), 0, CONC_N, dtype=jnp.int32)
    mean_index = jnp.sort(jax.random.randint(ks[6], (T,), 0, NUM_GROUPS, dtype=jnp.int32))
    # Feature.lin_l (shared with lin_r), xavier_normal std = sqrt(2/(fan_in+fan_out))
    W_feat_stu = jax.random.normal(ks[7], (D, D), dtype=jnp.float32) * np.sqrt(2.0 / (D + D))
    b_feat_stu = jnp.zeros((D,), dtype=jnp.float32)
    W_feat_item = jax.random.normal(ks[8], (D, D), dtype=jnp.float32) * np.sqrt(2.0 / (D + D))
    b_feat_item = jnp.zeros((D,), dtype=jnp.float32)
    W_pred = jax.random.normal(ks[9], (D, 1), dtype=jnp.float32) * np.sqrt(2.0 / (D + 1))
    b_pred = jnp.zeros((1,), dtype=jnp.float32)
    return {
        'stu_x': stu_x, 'conc_x': conc_x, 'item_x': item_x,
        'stu_track': stu_track, 'item_index': item_index,
        'conc_index': conc_index, 'mean_index': mean_index,
        'W_feat_stu': W_feat_stu, 'b_feat_stu': b_feat_stu,
        'W_feat_item': W_feat_item, 'b_feat_item': b_feat_item,
        'W_pred': W_pred, 'b_pred': b_pred,
    }


def reference(stu_x, conc_x, item_x, stu_track, item_index, conc_index, mean_index,
              W_feat_stu, b_feat_stu, W_feat_item, b_feat_item, W_pred, b_pred):
    # Feature(stu): heads=1, lin_r = lin_l (shared weight), message = x_j + x_i,
    # aggregate = identity -> per-edge (per-triple) output, then bias + sigmoid.
    h_conc_s = conc_x @ W_feat_stu          # lin_l(source_x)
    h_stu = stu_x @ W_feat_stu              # lin_r(target_x), shared weights
    # edge_index row0 = conc_index (source j), row1 = stu_track (target i)
    stu_feature = jax.nn.sigmoid(jnp.take(h_conc_s, conc_index, axis=0)
                                 + jnp.take(h_stu, stu_track, axis=0)
                                 + b_feat_stu)                     # [T, D]
    # Feature(item): SparseTensor(row=item_index, col=conc_index): x_j = conc, x_i = item
    h_conc_i = conc_x @ W_feat_item
    h_item = item_x @ W_feat_item
    item_feature = jax.nn.sigmoid(jnp.take(h_conc_i, conc_index, axis=0)
                                  + jnp.take(h_item, item_index, axis=0)
                                  + b_feat_item)                   # [T, D]
    diff = stu_feature - item_feature
    # scatter(..., mean_index, reduce='mean')
    seg_sum = jax.ops.segment_sum(diff, mean_index, num_segments=NUM_GROUPS)
    counts = jax.ops.segment_sum(jnp.ones((diff.shape[0],), diff.dtype), mean_index,
                                 num_segments=NUM_GROUPS)
    pred_input = seg_sum / jnp.maximum(counts, 1.0)[:, None]       # [NUM_GROUPS, D]
    pred = jax.nn.sigmoid(pred_input @ W_pred + b_pred)
    return pred.reshape(-1)

if __name__ == "__main__":
    import jax
    _d = setup_inputs()
    print(jax.jit(kernel)(*tuple(_d.values())))

</pallas_src>

<mosaic_0001>
#map = affine_map<(d0, d1) -> (0, 0)>
#map1 = affine_map<(d0, d1) -> (0)>
#map2 = affine_map<(d0, d1) -> (0, 0, 0)>
module attributes {stable_mosaic.version = 14 : i64} {
  func.func @_sc_edges(%arg0: i32, %arg1: i32, %arg2: memref<10000x64xi32, #tpu.memory_space<hbm>>, %arg3: memref<10000x64xi32, #tpu.memory_space<hbm>>, %arg4: memref<1000x128xi32, #tpu.memory_space<hbm>>, %arg5: memref<128xf32, #tpu.memory_space<hbm>>, %arg6: memref<40960xf32, #tpu.memory_space<hbm>>, %arg7: memref<40960xf32, #tpu.memory_space<hbm>>, %arg8: memref<32x80x64xi32, #tpu.memory_space<hbm>>, %arg9: memref<32x80x64xi32, #tpu.memory_space<hbm>>, %arg10: memref<32x80x64xi32, #tpu.memory_space<hbm>>, %arg11: memref<32x80x64xi32, #tpu.memory_space<hbm>>, %arg12: memref<2x40960xf32, #tpu.memory_space<hbm>>, %arg13: memref<2x40960xf32, #tpu.memory_space<hbm>>, %arg14: memref<80x64xi32, #tpu.memory_space<vmem>>, %arg15: memref<80x64xi32, #tpu.memory_space<vmem>>, %arg16: memref<80x64xi32, #tpu.memory_space<vmem>>, %arg17: memref<80x64xi32, #tpu.memory_space<vmem>>, %arg18: memref<64x64xi32, #tpu.memory_space<vmem>>, %arg19: memref<64x64xi32, #tpu.memory_space<vmem>>, %arg20: memref<64x64xi32, #tpu.memory_space<vmem>>, %arg21: memref<64x64xi32, #tpu.memory_space<vmem>>, %arg22: memref<64x64xi32, #tpu.memory_space<vmem>>, %arg23: memref<64x64xi32, #tpu.memory_space<vmem>>, %arg24: memref<64x64xi32, #tpu.memory_space<vmem>>, %arg25: memref<64x64xi32, #tpu.memory_space<vmem>>, %arg26: memref<64x64xi32, #tpu.memory_space<vmem>>, %arg27: memref<64x64xi32, #tpu.memory_space<vmem>>, %arg28: memref<64x128xi32, #tpu.memory_space<vmem>>, %arg29: memref<64x128xi32, #tpu.memory_space<vmem>>, %arg30: memref<64x128xi32, #tpu.memory_space<vmem>>, %arg31: memref<64x128xi32, #tpu.memory_space<vmem>>, %arg32: memref<64x128xi32, #tpu.memory_space<vmem>>, %arg33: memref<64xf32, #tpu.memory_space<vmem>>, %arg34: memref<64xf32, #tpu.memory_space<vmem>>, %arg35: memref<64xf32, #tpu.memory_space<vmem>>, %arg36: memref<64xf32, #tpu.memory_space<vmem>>, %arg37: memref<64xf32, #tpu.memory_space<vmem>>, %arg38: memref<64xf32, #tpu.memory_space<vmem>>, %arg39: memref<128xf32, #tpu.memory_space<vmem>>, %arg40: memref<40960xf32, #tpu.memory_space<vmem_shared>>, %arg41: memref<40960xf32, #tpu.memory_space<vmem_shared>>, %arg42: memref<!tpu.dma_semaphore, #tpu.memory_space<semaphore_mem>>, %arg43: memref<!tpu.dma_semaphore, #tpu.memory_space<semaphore_mem>>, %arg44: memref<!tpu.dma_semaphore, #tpu.memory_space<semaphore_mem>>, %arg45: memref<!tpu.dma_semaphore, #tpu.memory_space<semaphore_mem>>, %arg46: memref<!tpu.dma_semaphore, #tpu.memory_space<semaphore_mem>>, %arg47: memref<!tpu.dma_semaphore, #tpu.memory_space<semaphore_mem>>, %arg48: memref<!tpu.dma_semaphore, #tpu.memory_space<semaphore_mem>>, %arg49: memref<!tpu.dma_semaphore, #tpu.memory_space<semaphore_mem>>, %arg50: memref<!tpu.dma_semaphore, #tpu.memory_space<semaphore_mem>>, %arg51: memref<!tpu.dma_semaphore, #tpu.memory_space<semaphore_mem>>) attributes {dimension_semantics = [#tpu.dimension_semantics<core_parallel>, #tpu.dimension_semantics<subcore_parallel>], iteration_bounds = array<i64: 2, 16>, scalar_prefetch = 0 : i64, scratch_operands = 38 : i64, tpu.core_type = #tpu.core_type<sc_vector_subcore>, window_params = [{transform_indices = #map}, {transform_indices = #map}, {transform_indices = #map}, {transform_indices = #map1}, {transform_indices = #map1}, {transform_indices = #map1}, {transform_indices = #map2}, {transform_indices = #map2}, {transform_indices = #map2}, {transform_indices = #map2}, {transform_indices = #map}, {transform_indices = #map}]} {
    %mul3A = arith.constant 2 : i32
    %mul3A_0 = arith.muli %arg1, %mul3A : i32
    %add3A = arith.addi %mul3A_0, %arg0 : i32
    %eq3A = arith.constant 0 : i32
    %eq3A_1 = arith.cmpi eq, %arg1, %eq3A : i32
    %convert_element_type3A = arith.extui %eq3A_1 : i1 to i32
    %cond3A = arith.constant 0 : i32
    %cond3A_2 = arith.cmpi ne, %convert_element_type3A, %cond3A : i32
    scf.if %cond3A_2 {
      "tpu.region"() ({
        %run_scoped3A = tpu.sem_alloc : memref<!tpu.dma_semaphore, #tpu.memory_space<semaphore_mem>>
        tpu.enqueue_dma source(%arg6 : memref<40960xf32, #tpu.memory_space<hbm>>) target(%arg40 : memref<40960xf32, #tpu.memory_space<vmem_shared>>) target_semaphore(%run_scoped3A : memref<!tpu.dma_semaphore, #tpu.memory_space<semaphore_mem>>)
        tpu.wait_dma2 semaphore(%run_scoped3A : memref<!tpu.dma_semaphore, #tpu.memory_space<semaphore_mem>>) src(%arg6 : memref<40960xf32, #tpu.memory_space<hbm>>) dst(%arg40 : memref<40960xf32, #tpu.memory_space<vmem_shared>>)
        tpu.yield
      }) : () -> ()
      "tpu.region"() ({
        %run_scoped3A = tpu.sem_alloc : memref<!tpu.dma_semaphore, #tpu.memory_space<semaphore_mem>>
        tpu.enqueue_dma source(%arg7 : memref<40960xf32, #tpu.memory_space<hbm>>) target(%arg41 : memref<40960xf32, #tpu.memory_space<vmem_shared>>) target_semaphore(%run_scoped3A : memref<!tpu.dma_semaphore, #tpu.memory_space<semaphore_mem>>)
        tpu.wait_dma2 semaphore(%run_scoped3A : memref<!tpu.dma_semaphore, #tpu.memory_space<semaphore_mem>>) src(%arg7 : memref<40960xf32, #tpu.memory_space<hbm>>) dst(%arg41 : memref<40960xf32, #tpu.memory_space<vmem_shared>>)
        tpu.yield
      }) : () -> ()
    } else {
    }
    "tpu.region"() ({
      %run_scoped3A = tpu.sem_alloc : memref<!tpu.dma_semaphore, #tpu.memory_space<semaphore_mem>>
      %dma_start3A_206 = arith.constant 0 : i32
      %dma_start3A_207 = arith.constant 0 : i32
      %dma_start3A_208 = tpu.memref_slice %arg8[%add3A, %dma_start3A_206, %dma_start3A_207] : memref<32x80x64xi32, #tpu.memory_space<hbm>> -> memref<1x80x64xi32, #tpu.memory_space<hbm>>
      %dma_start3A_209 = tpu.memref_squeeze %dma_start3A_208 : memref<1x80x64xi32, #tpu.memory_space<hbm>> -> memref<80x64xi32, #tpu.memory_space<hbm>>
      %dma_start3A_210 = arith.constant 0 : i32
      %dma_start3A_211 = arith.constant 0 : i32
      %dma_start3A_212 = tpu.memref_slice %arg8[%add3A, %dma_start3A_210, %dma_start3A_211] : memref<32x80x64xi32, #tpu.memory_space<hbm>> -> memref<1x80x64xi32, #tpu.memory_space<hbm>>
      %dma_start3A_213 = tpu.memref_squeeze %dma_start3A_212 : memref<1x80x64xi32, #tpu.memory_space<hbm>> -> memref<80x64xi32, #tpu.memory_space<hbm>>
      tpu.enqueue_dma source(%dma_start3A_213 : memref<80x64xi32, #tpu.memory_space<hbm>>) target(%arg14 : memref<80x64xi32, #tpu.memory_space<vmem>>) target_semaphore(%run_scoped3A : memref<!tpu.dma_semaphore, #tpu.memory_space<semaphore_mem>>)
      %dma_wait3A_214 = arith.constant 0 : i32
      %dma_wait3A_215 = arith.constant 0 : i32
      %dma_wait3A_216 = tpu.memref_slice %arg8[%add3A, %dma_wait3A_214, %dma_wait3A_215] : memref<32x80x64xi32, #tpu.memory_space<hbm>> -> memref<1x80x64xi32, #tpu.memory_space<hbm>>
      %dma_wait3A_217 = tpu.memref_squeeze %dma_wait3A_216 : memref<1x80x64xi32, #tpu.memory_space<hbm>> -> memref<80x64xi32, #tpu.memory_space<hbm>>
      %dma_wait3A_218 = arith.constant 0 : i32
      %dma_wait3A_219 = arith.constant 0 : i32
      %dma_wait3A_220 = tpu.memref_slice %arg8[%add3A, %dma_wait3A_218, %dma_wait3A_219] : memref<32x80x64xi32, #tpu.memory_space<hbm>> -> memref<1x80x64xi32, #tpu.memory_space<hbm>>
      %dma_wait3A_221 = tpu.memref_squeeze %dma_wait3A_220 : memref<1x80x64xi32, #tpu.memory_space<hbm>> -> memref<80x64xi32, #tpu.memory_space<hbm>>
      tpu.wait_dma2 semaphore(%run_scoped3A : memref<!tpu.dma_semaphore, #tpu.memory_space<semaphore_mem>>) src(%dma_wait3A_221 : memref<80x64xi32, #tpu.memory_space<hbm>>) dst(%arg14 : memref<80x64xi32, #tpu.memory_space<vmem>>)
      tpu.yield
    }) : () -> ()
    "tpu.region"() ({
      %run_scoped3A = tpu.sem_alloc : memref<!tpu.dma_semaphore, #tpu.memory_space<semaphore_mem>>
      %dma_start3A_206 = arith.constant 0 : i32
      %dma_start3A_207 = arith.constant 0 : i32
      %dma_start3A_208 = tpu.memref_slice %arg9[%add3A, %dma_start3A_206, %dma_start3A_207] : memref<32x80x64xi32, #tpu.memory_space<hbm>> -> memref<1x80x64xi32, #tpu.memory_space<hbm>>
      %dma_start3A_209 = tpu.memref_squeeze %dma_start3A_208 : memref<1x80x64xi32, #tpu.memory_space<hbm>> -> memref<80x64xi32, #tpu.memory_space<hbm>>
      %dma_start3A_210 = arith.constant 0 : i32
      %dma_start3A_211 = arith.constant 0 : i32
      %dma_start3A_212 = tpu.memref_slice %arg9[%add3A, %dma_start3A_210, %dma_start3A_211] : memref<32x80x64xi32, #tpu.memory_space<hbm>> -> memref<1x80x64xi32, #tpu.memory_space<hbm>>
      %dma_start3A_213 = tpu.memref_squeeze %dma_start3A_212 : memref<1x80x64xi32, #tpu.memory_space<hbm>> -> memref<80x64xi32, #tpu.memory_space<hbm>>
      tpu.enqueue_dma source(%dma_start3A_213 : memref<80x64xi32, #tpu.memory_space<hbm>>) target(%arg15 : memref<80x64xi32, #tpu.memory_space<vmem>>) target_semaphore(%run_scoped3A : memref<!tpu.dma_semaphore, #tpu.memory_space<semaphore_mem>>)
      %dma_wait3A_214 = arith.constant 0 : i32
      %dma_wait3A_215 = arith.constant 0 : i32
      %dma_wait3A_216 = tpu.memref_slice %arg9[%add3A, %dma_wait3A_214, %dma_wait3A_215] : memref<32x80x64xi32, #tpu.memory_space<hbm>> -> memref<1x80x64xi32, #tpu.memory_space<hbm>>
      %dma_wait3A_217 = tpu.memref_squeeze %dma_wait3A_216 : memref<1x80x64xi32, #tpu.memory_space<hbm>> -> memref<80x64xi32, #tpu.memory_space<hbm>>
      %dma_wait3A_218 = arith.constant 0 : i32
      %dma_wait3A_219 = arith.constant 0 : i32
      %dma_wait3A_220 = tpu.memref_slice %arg9[%add3A, %dma_wait3A_218, %dma_wait3A_219] : memref<32x80x64xi32, #tpu.memory_space<hbm>> -> memref<1x80x64xi32, #tpu.memory_space<hbm>>
      %dma_wait3A_221 = tpu.memref_squeeze %dma_wait3A_220 : memref<1x80x64xi32, #tpu.memory_space<hbm>> -> memref<80x64xi32, #tpu.memory_space<hbm>>
      tpu.wait_dma2 semaphore(%run_scoped3A : memref<!tpu.dma_semaphore, #tpu.memory_space<semaphore_mem>>) src(%dma_wait3A_221 : memref<80x64xi32, #tpu.memory_space<hbm>>) dst(%arg15 : memref<80x64xi32, #tpu.memory_space<vmem>>)
      tpu.yield
    }) : () -> ()
    "tpu.region"() ({
      %run_scoped3A = tpu.sem_alloc : memref<!tpu.dma_semaphore, #tpu.memory_space<semaphore_mem>>
      %dma_start3A_206 = arith.constant 0 : i32
      %dma_start3A_207 = arith.constant 0 : i32
      %dma_start3A_208 = tpu.memref_slice %arg10[%add3A, %dma_start3A_206, %dma_start3A_207] : memref<32x80x64xi32, #tpu.memory_space<hbm>> -> memref<1x80x64xi32, #tpu.memory_space<hbm>>
      %dma_start3A_209 = tpu.memref_squeeze %dma_start3A_208 : memref<1x80x64xi32, #tpu.memory_space<hbm>> -> memref<80x64xi32, #tpu.memory_space<hbm>>
      %dma_start3A_210 = arith.constant 0 : i32
      %dma_start3A_211 = arith.constant 0 : i32
      %dma_start3A_212 = tpu.memref_slice %arg10[%add3A, %dma_start3A_210, %dma_start3A_211] : memref<32x80x64xi32, #tpu.memory_space<hbm>> -> memref<1x80x64xi32, #tpu.memory_space<hbm>>
      %dma_start3A_213 = tpu.memref_squeeze %dma_start3A_212 : memref<1x80x64xi32, #tpu.memory_space<hbm>> -> memref<80x64xi32, #tpu.memory_space<hbm>>
      tpu.enqueue_dma source(%dma_start3A_213 : memref<80x64xi32, #tpu.memory_space<hbm>>) target(%arg16 : memref<80x64xi32, #tpu.memory_space<vmem>>) target_semaphore(%run_scoped3A : memref<!tpu.dma_semaphore, #tpu.memory_space<semaphore_mem>>)
      %dma_wait3A_214 = arith.constant 0 : i32
      %dma_wait3A_215 = arith.constant 0 : i32
      %dma_wait3A_216 = tpu.memref_slice %arg10[%add3A, %dma_wait3A_214, %dma_wait3A_215] : memref<32x80x64xi32, #tpu.memory_space<hbm>> -> memref<1x80x64xi32, #tpu.memory_space<hbm>>
      %dma_wait3A_217 = tpu.memref_squeeze %dma_wait3A_216 : memref<1x80x64xi32, #tpu.memory_space<hbm>> -> memref<80x64xi32, #tpu.memory_space<hbm>>
      %dma_wait3A_218 = arith.constant 0 : i32
      %dma_wait3A_219 = arith.constant 0 : i32
      %dma_wait3A_220 = tpu.memref_slice %arg10[%add3A, %dma_wait3A_218, %dma_wait3A_219] : memref<32x80x64xi32, #tpu.memory_space<hbm>> -> memref<1x80x64xi32, #tpu.memory_space<hbm>>
      %dma_wait3A_221 = tpu.memref_squeeze %dma_wait3A_220 : memref<1x80x64xi32, #tpu.memory_space<hbm>> -> memref<80x64xi32, #tpu.memory_space<hbm>>
      tpu.wait_dma2 semaphore(%run_scoped3A : memref<!tpu.dma_semaphore, #tpu.memory_space<semaphore_mem>>) src(%dma_wait3A_221 : memref<80x64xi32, #tpu.memory_space<hbm>>) dst(%arg16 : memref<80x64xi32, #tpu.memory_space<vmem>>)
      tpu.yield
    }) : () -> ()
    "tpu.region"() ({
      %run_scoped3A = tpu.sem_alloc : memref<!tpu.dma_semaphore, #tpu.memory_space<semaphore_mem>>
      %dma_start3A_206 = arith.constant 0 : i32
      %dma_start3A_207 = arith.constant 0 : i32
      %dma_start3A_208 = tpu.memref_slice %arg11[%add3A, %dma_start3A_206, %dma_start3A_207] : memref<32x80x64xi32, #tpu.memory_space<hbm>> -> memref<1x80x64xi32, #tpu.memory_space<hbm>>
      %dma_start3A_209 = tpu.memref_squeeze %dma_start3A_208 : memref<1x80x64xi32, #tpu.memory_space<hbm>> -> memref<80x64xi32, #tpu.memory_space<hbm>>
      %dma_start3A_210 = arith.constant 0 : i32
      %dma_start3A_211 = arith.constant 0 : i32
      %dma_start3A_212 = tpu.memref_slice %arg11[%add3A, %dma_start3A_210, %dma_start3A_211] : memref<32x80x64xi32, #tpu.memory_space<hbm>> -> memref<1x80x64xi32, #tpu.memory_space<hbm>>
      %dma_start3A_213 = tpu.memref_squeeze %dma_start3A_212 : memref<1x80x64xi32, #tpu.memory_space<hbm>> -> memref<80x64xi32, #tpu.memory_space<hbm>>
      tpu.enqueue_dma source(%dma_start3A_213 : memref<80x64xi32, #tpu.memory_space<hbm>>) target(%arg17 : memref<80x64xi32, #tpu.memory_space<vmem>>) target_semaphore(%run_scoped3A : memref<!tpu.dma_semaphore, #tpu.memory_space<semaphore_mem>>)
      %dma_wait3A_214 = arith.constant 0 : i32
      %dma_wait3A_215 = arith.constant 0 : i32
      %dma_wait3A_216 = tpu.memref_slice %arg11[%add3A, %dma_wait3A_214, %dma_wait3A_215] : memref<32x80x64xi32, #tpu.memory_space<hbm>> -> memref<1x80x64xi32, #tpu.memory_space<hbm>>
      %dma_wait3A_217 = tpu.memref_squeeze %dma_wait3A_216 : memref<1x80x64xi32, #tpu.memory_space<hbm>> -> memref<80x64xi32, #tpu.memory_space<hbm>>
      %dma_wait3A_218 = arith.constant 0 : i32
      %dma_wait3A_219 = arith.constant 0 : i32
      %dma_wait3A_220 = tpu.memref_slice %arg11[%add3A, %dma_wait3A_218, %dma_wait3A_219] : memref<32x80x64xi32, #tpu.memory_space<hbm>> -> memref<1x80x64xi32, #tpu.memory_space<hbm>>
      %dma_wait3A_221 = tpu.memref_squeeze %dma_wait3A_220 : memref<1x80x64xi32, #tpu.memory_space<hbm>> -> memref<80x64xi32, #tpu.memory_space<hbm>>
      tpu.wait_dma2 semaphore(%run_scoped3A : memref<!tpu.dma_semaphore, #tpu.memory_space<semaphore_mem>>) src(%dma_wait3A_221 : memref<80x64xi32, #tpu.memory_space<hbm>>) dst(%arg17 : memref<80x64xi32, #tpu.memory_space<vmem>>)
      tpu.yield
    }) : () -> ()
    "tpu.region"() ({
      %run_scoped3A = tpu.sem_alloc : memref<!tpu.dma_semaphore, #tpu.memory_space<semaphore_mem>>
      tpu.enqueue_dma source(%arg5 : memref<128xf32, #tpu.memory_space<hbm>>) target(%arg39 : memref<128xf32, #tpu.memory_space<vmem>>) target_semaphore(%run_scoped3A : memref<!tpu.dma_semaphore, #tpu.memory_space<semaphore_mem>>)
      tpu.wait_dma2 semaphore(%run_scoped3A : memref<!tpu.dma_semaphore, #tpu.memory_space<semaphore_mem>>) src(%arg5 : memref<128xf32, #tpu.memory_space<hbm>>) dst(%arg39 : memref<128xf32, #tpu.memory_space<vmem>>)
      tpu.yield
    }) : () -> ()
    %broadcast_in_dim3A = arith.constant 1.000000e+00 : f32
    %broadcast_in_dim3A_3 = vector.broadcast %broadcast_in_dim3A : f32 to vector<16xf32>
    %swap3A = arith.constant 0 : index
    %swap3A_4 = tpu.vector_load %arg38[%swap3A] {strides = array<i32>} : memref<64xf32, #tpu.memory_space<vmem>>, vector<16xf32>,
    %swap3A_5 = vector.shape_cast %swap3A_4 : vector<16xf32> to vector<16xf32>
    %swap3A_6 = vector.shape_cast %broadcast_in_dim3A_3 : vector<16xf32> to vector<16xf32>
    tpu.vector_store %arg38[%swap3A], %swap3A_6 {strides = array<i32>} : memref<64xf32, #tpu.memory_space<vmem>>, vector<16xf32>,
    %swap3A_7 = arith.constant 16 : index
    %swap3A_8 = tpu.vector_load %arg38[%swap3A_7] {strides = array<i32>} : memref<64xf32, #tpu.memory_space<vmem>>, vector<16xf32>,
    %swap3A_9 = vector.shape_cast %swap3A_8 : vector<16xf32> to vector<16xf32>
    %swap3A_10 = vector.shape_cast %broadcast_in_dim3A_3 : vector<16xf32> to vector<16xf32>
    tpu.vector_store %arg38[%swap3A_7], %swap3A_10 {strides = array<i32>} : memref<64xf32, #tpu.memory_space<vmem>>, vector<16xf32>,
    %swap3A_11 = arith.constant 32 : index
    %swap3A_12 = tpu.vector_load %arg38[%swap3A_11] {strides = array<i32>} : memref<64xf32, #tpu.memory_space<vmem>>, vector<16xf32>,
    %swap3A_13 = vector.shape_cast %swap3A_12 : vector<16xf32> to vector<16xf32>
    %swap3A_14 = vector.shape_cast %broadcast_in_dim3A_3 : vector<16xf32> to vector<16xf32>
    tpu.vector_store %arg38[%swap3A_11], %swap3A_14 {strides = array<i32>} : memref<64xf32, #tpu.memory_space<vmem>>, vector<16xf32>,
    %swap3A_15 = arith.constant 48 : index
    %swap3A_16 = tpu.vector_load %arg38[%swap3A_15] {strides = array<i32>} : memref<64xf32, #tpu.memory_space<vmem>>, vector<16xf32>,
    %swap3A_17 = vector.shape_cast %swap3A_16 : vector<16xf32> to vector<16xf32>
    %swap3A_18 = vector.shape_cast %broadcast_in_dim3A_3 : vector<16xf32> to vector<16xf32>
    tpu.vector_store %arg38[%swap3A_15], %swap3A_18 {strides = array<i32>} : memref<64xf32, #tpu.memory_space<vmem>>, vector<16xf32>,
    %get3A = arith.constant 0 : index
    %get3A_19 = tpu.vector_load %arg39[%get3A] {strides = array<i32>} : memref<128xf32, #tpu.memory_space<vmem>>, vector<16xf32>,
    %get3A_20 = vector.shape_cast %get3A_19 : vector<16xf32> to vector<16xf32>
    %get3A_21 = arith.constant 16 : index
    %get3A_22 = tpu.vector_load %arg39[%get3A_21] {strides = array<i32>} : memref<128xf32, #tpu.memory_space<vmem>>, vector<16xf32>,
    %get3A_23 = vector.shape_cast %get3A_22 : vector<16xf32> to vector<16xf32>
    %get3A_24 = arith.constant 32 : index
    %get3A_25 = tpu.vector_load %arg39[%get3A_24] {strides = array<i32>} : memref<128xf32, #tpu.memory_space<vmem>>, vector<16xf32>,
    %get3A_26 = vector.shape_cast %get3A_25 : vector<16xf32> to vector<16xf32>
    %get3A_27 = arith.constant 48 : index
    %get3A_28 = tpu.vector_load %arg39[%get3A_27] {strides = array<i32>} : memref<128xf32, #tpu.memory_space<vmem>>, vector<16xf32>,
    %get3A_29 = vector.shape_cast %get3A_28 : vector<16xf32> to vector<16xf32>
    %get3A_30 = arith.constant 64 : index
    %get3A_31 = tpu.vector_load %arg39[%get3A_30] {strides = array<i32>} : memref<128xf32, #tpu.memory_space<vmem>>, vector<16xf32>,
    %get3A_32 = vector.shape_cast %get3A_31 : vector<16xf32> to vector<16xf32>
    %get3A_33 = arith.constant 80 : index
    %get3A_34 = tpu.vector_load %arg39[%get3A_33] {strides = array<i32>} : memref<128xf32, #tpu.memory_space<vmem>>, vector<16xf32>,
    %get3A_35 = vector.shape_cast %get3A_34 : vector<16xf32> to vector<16xf32>
    %get3A_36 = arith.constant 96 : index
    %get3A_37 = tpu.vector_load %arg39[%get3A_36] {strides = array<i32>} : memref<128xf32, #tpu.memory_space<vmem>>, vector<16xf32>,
    %get3A_38 = vector.shape_cast %get3A_37 : vector<16xf32> to vector<16xf32>
    %get3A_39 = arith.constant 112 : index
    %get3A_40 = tpu.vector_load %arg39[%get3A_39] {strides = array<i32>} : memref<128xf32, #tpu.memory_space<vmem>>, vector<16xf32>,
    %get3A_41 = vector.shape_cast %get3A_40 : vector<16xf32> to vector<16xf32>
    %iota3A = tpu.iota {dimensions = array<i32: 0>} : vector<16xi32>
    %xor3A = arith.constant 1 : i32
    %xor3A_42 = vector.broadcast %xor3A : i32 to vector<16xi32>
    %xor3A_43 = arith.xori %iota3A, %xor3A_42 : vector<16xi32>
    %xor3A_44 = arith.constant 2 : i32
    %xor3A_45 = vector.broadcast %xor3A_44 : i32 to vector<16xi32>
    %xor3A_46 = arith.xori %iota3A, %xor3A_45 : vector<16xi32>
    %xor3A_47 = arith.constant 4 : i32
    %xor3A_48 = vector.broadcast %xor3A_47 : i32 to vector<16xi32>
    %xor3A_49 = arith.xori %iota3A, %xor3A_48 : vector<16xi32>
    %xor3A_50 = arith.constant 8 : i32
    %xor3A_51 = vector.broadcast %xor3A_50 : i32 to vector<16xi32>
    %xor3A_52 = arith.xori %iota3A, %xor3A_51 : vector<16xi32>
    %barrier3A = arith.constant 0 : index
    tpu.barrier barrier_id(%barrier3A)
    %dma_start3A = arith.constant 0 : i32
    %dma_start3A_53 = arith.constant 0 : i32
    %dma_start3A_54 = tpu.memref_slice %arg14[%dma_start3A, %dma_start3A_53] : memref<80x64xi32, #tpu.memory_space<vmem>> -> memref<1x64xi32, #tpu.memory_space<vmem>>
    %dma_start3A_55 = tpu.memref_squeeze %dma_start3A_54 : memref<1x64xi32, #tpu.memory_space<vmem>> -> memref<64xi32, #tpu.memory_space<vmem>>
    %dma_start3A_56 = arith.constant 0 : i32
    %dma_start3A_57 = arith.constant 0 : i32
    %dma_start3A_58 = tpu.memref_slice %arg2[%dma_start3A_56, %dma_start3A_57] : memref<10000x64xi32, #tpu.memory_space<hbm>> -> memref<10000x64xi32, #tpu.memory_space<hbm>>
    tpu.enqueue_indirect_dma source(%dma_start3A_58 : memref<10000x64xi32, #tpu.memory_space<hbm>>) target(%arg18 : memref<64x64xi32, #tpu.memory_space<vmem>>) offsets(%dma_start3A_55 : memref<64xi32, #tpu.memory_space<vmem>>) semaphore(%arg42 : memref<!tpu.dma_semaphore, #tpu.memory_space<semaphore_mem>>)
    %dma_start3A_59 = arith.constant 0 : i32
    %dma_start3A_60 = arith.constant 0 : i32
    %dma_start3A_61 = tpu.memref_slice %arg15[%dma_start3A_59, %dma_start3A_60] : memref<80x64xi32, #tpu.memory_space<vmem>> -> memref<1x64xi32, #tpu.memory_space<vmem>>
    %dma_start3A_62 = tpu.memref_squeeze %dma_start3A_61 : memref<1x64xi32, #tpu.memory_space<vmem>> -> memref<64xi32, #tpu.memory_space<vmem>>
    %dma_start3A_63 = arith.constant 0 : i32
    %dma_start3A_64 = arith.constant 0 : i32
    %dma_start3A_65 = tpu.memref_slice %arg3[%dma_start3A_63, %dma_start3A_64] : memref<10000x64xi32, #tpu.memory_space<hbm>> -> memref<10000x64xi32, #tpu.memory_space<hbm>>
    tpu.enqueue_indirect_dma source(%dma_start3A_65 : memref<10000x64xi32, #tpu.memory_space<hbm>>) target(%arg23 : memref<64x64xi32, #tpu.memory_space<vmem>>) offsets(%dma_start3A_62 : memref<64xi32, #tpu.memory_space<vmem>>) semaphore(%arg42 : memref<!tpu.dma_semaphore, #tpu.memory_space<semaphore_mem>>)
    %dma_start3A_66 = arith.constant 0 : i32
    %dma_start3A_67 = arith.constant 0 : i32
    %dma_start3A_68 = tpu.memref_slice %arg16[%dma_start3A_66, %dma_start3A_67] : memref<80x64xi32, #tpu.memory_space<vmem>> -> memref<1x64xi32, #tpu.memory_space<vmem>>
    %dma_start3A_69 = tpu.memref_squeeze %dma_start3A_68 : memref<1x64xi32, #tpu.memory_space<vmem>> -> memref<64xi32, #tpu.memory_space<vmem>>
    %dma_start3A_70 = arith.constant 0 : i32
    %dma_start3A_71 = arith.constant 0 : i32
    %dma_start3A_72 = tpu.memref_slice %arg4[%dma_start3A_70, %dma_start3A_71] : memref<1000x128xi32, #tpu.memory_space<hbm>> -> memref<1000x128xi32, #tpu.memory_space<hbm>>
    tpu.enqueue_indirect_dma source(%dma_start3A_72 : memref<1000x128xi32, #tpu.memory_space<hbm>>) target(%arg28 : memref<64x128xi32, #tpu.memory_space<vmem>>) offsets(%dma_start3A_69 : memref<64xi32, #tpu.memory_space<vmem>>) semaphore(%arg42 : memref<!tpu.dma_semaphore, #tpu.memory_space<semaphore_mem>>)
    %dma_start3A_73 = arith.constant 1 : i32
    %dma_start3A_74 = arith.constant 0 : i32
    %dma_start3A_75 = tpu.memref_slice %arg14[%dma_start3A_73, %dma_start3A_74] : memref<80x64xi32, #tpu.memory_space<vmem>> -> memref<1x64xi32, #tpu.memory_space<vmem>>
    %dma_start3A_76 = tpu.memref_squeeze %dma_start3A_75 : memref<1x64xi32, #tpu.memory_space<vmem>> -> memref<64xi32, #tpu.memory_space<vmem>>
    %dma_start3A_77 = arith.constant 0 : i32
    %dma_start3A_78 = arith.constant 0 : i32
    %dma_start3A_79 = tpu.memref_slice %arg2[%dma_start3A_77, %dma_start3A_78] : memref<10000x64xi32, #tpu.memory_space<hbm>> -> memref<10000x64xi32, #tpu.memory_space<hbm>>
    tpu.enqueue_indirect_dma source(%dma_start3A_79 : memref<10000x64xi32, #tpu.memory_space<hbm>>) target(%arg19 : memref<64x64xi32, #tpu.memory_space<vmem>>) offsets(%dma_start3A_76 : memref<64xi32, #tpu.memory_space<vmem>>) semaphore(%arg43 : memref<!tpu.dma_semaphore, #tpu.memory_space<semaphore_mem>>)
    %dma_start3A_80 = arith.constant 1 : i32
    %dma_start3A_81 = arith.constant 0 : i32
    %dma_start3A_82 = tpu.memref_slice %arg15[%dma_start3A_80, %dma_start3A_81] : memref<80x64xi32, #tpu.memory_space<vmem>> -> memref<1x64xi32, #tpu.memory_space<vmem>>
    %dma_start3A_83 = tpu.memref_squeeze %dma_start3A_82 : memref<1x64xi32, #tpu.memory_space<vmem>> -> memref<64xi32, #tpu.memory_space<vmem>>
    %dma_start3A_84 = arith.constant 0 : i32
    %dma_start3A_85 = arith.constant 0 : i32
    %dma_start3A_86 = tpu.memref_slice %arg3[%dma_start3A_84, %dma_start3A_85] : memref<10000x64xi32, #tpu.memory_space<hbm>> -> memref<10000x64xi32, #tpu.memory_space<hbm>>
    tpu.enqueue_indirect_dma source(%dma_start3A_86 : memref<10000x64xi32, #tpu.memory_space<hbm>>) target(%arg24 : memref<64x64xi32, #tpu.memory_space<vmem>>) offsets(%dma_start3A_83 : memref<64xi32, #tpu.memory_space<vmem>>) semaphore(%arg43 : memref<!tpu.dma_semaphore, #tpu.memory_space<semaphore_mem>>)
    %dma_start3A_87 = arith.constant 1 : i32
    %dma_start3A_88 = arith.constant 0 : i32
    %dma_start3A_89 = tpu.memref_slice %arg16[%dma_start3A_87, %dma_start3A_88] : memref<80x64xi32, #tpu.memory_space<vmem>> -> memref<1x64xi32, #tpu.memory_space<vmem>>
    %dma_start3A_90 = tpu.memref_squeeze %dma_start3A_89 : memref<1x64xi32, #tpu.memory_space<vmem>> -> memref<64xi32, #tpu.memory_space<vmem>>
    %dma_start3A_91 = arith.constant 0 : i32
    %dma_start3A_92 = arith.constant 0 : i32
    %dma_start3A_93 = tpu.memref_slice %arg4[%dma_start3A_91, %dma_start3A_92] : memref<1000x128xi32, #tpu.memory_space<hbm>> -> memref<1000x128xi32, #tpu.memory_space<hbm>>
    tpu.enqueue_indirect_dma source(%dma_start3A_93 : memref<1000x128xi32, #tpu.memory_space<hbm>>) target(%arg29 : memref<64x128xi32, #tpu.memory_space<vmem>>) offsets(%dma_start3A_90 : memref<64xi32, #tpu.memory_space<vmem>>) semaphore(%arg43 : memref<!tpu.dma_semaphore, #tpu.memory_space<semaphore_mem>>)
    %dma_start3A_94 = arith.constant 2 : i32
    %dma_start3A_95 = arith.constant 0 : i32
    %dma_start3A_96 = tpu.memref_slice %arg14[%dma_start3A_94, %dma_start3A_95] : memref<80x64xi32, #tpu.memory_space<vmem>> -> memref<1x64xi32, #tpu.memory_space<vmem>>
    %dma_start3A_97 = tpu.memref_squeeze %dma_start3A_96 : memref<1x64xi32, #tpu.memory_space<vmem>> -> memref<64xi32, #tpu.memory_space<vmem>>
    %dma_start3A_98 = arith.constant 0 : i32
    %dma_start3A_99 = arith.constant 0 : i32
    %dma_start3A_100 = tpu.memref_slice %arg2[%dma_start3A_98, %dma_start3A_99] : memref<10000x64xi32, #tpu.memory_space<hbm>> -> memref<10000x64xi32, #tpu.memory_space<hbm>>
    tpu.enqueue_indirect_dma source(%dma_start3A_100 : memref<10000x64xi32, #tpu.memory_space<hbm>>) target(%arg20 : memref<64x64xi32, #tpu.memory_space<vmem>>) offsets(%dma_start3A_97 : memref<64xi32, #tpu.memory_space<vmem>>) semaphore(%arg44 : memref<!tpu.dma_semaphore, #tpu.memory_space<semaphore_mem>>)
    %dma_start3A_101 = arith.constant 2 : i32
    %dma_start3A_102 = arith.constant 0 : i32
    %dma_start3A_103 = tpu.memref_slice %arg15[%dma_start3A_101, %dma_start3A_102] : memref<80x64xi32, #tpu.memory_space<vmem>> -> memref<1x64xi32, #tpu.memory_space<vmem>>
    %dma_start3A_104 = tpu.memref_squeeze %dma_start3A_103 : memref<1x64xi32, #tpu.memory_space<vmem>> -> memref<64xi32, #tpu.memory_space<vmem>>
    %dma_start3A_105 = arith.constant 0 : i32
    %dma_start3A_106 = arith.constant 0 : i32
    %dma_start3A_107 = tpu.memref_slice %arg3[%dma_start3A_105, %dma_start3A_106] : memref<10000x64xi32, #tpu.memory_space<hbm>> -> memref<10000x64xi32, #tpu.memory_space<hbm>>
    tpu.enqueue_indirect_dma source(%dma_start3A_107 : memref<10000x64xi32, #tpu.memory_space<hbm>>) target(%arg25 : memref<64x64xi32, #tpu.memory_space<vmem>>) offsets(%dma_start3A_104 : memref<64xi32, #tpu.memory_space<vmem>>) semaphore(%arg44 : memref<!tpu.dma_semaphore, #tpu.memory_space<semaphore_mem>>)
    %dma_start3A_108 = arith.constant 2 : i32
    %dma_start3A_109 = arith.constant 0 : i32
    %dma_start3A_110 = tpu.memref_slice %arg16[%dma_start3A_108, %dma_start3A_109] : memref<80x64xi32, #tpu.memory_space<vmem>> -> memref<1x64xi32, #tpu.memory_space<vmem>>
    %dma_start3A_111 = tpu.memref_squeeze %dma_start3A_110 : memref<1x64xi32, #tpu.memory_space<vmem>> -> memref<64xi32, #tpu.memory_space<vmem>>
    %dma_start3A_112 = arith.constant 0 : i32
    %dma_start3A_113 = arith.constant 0 : i32
    %dma_start3A_114 = tpu.memref_slice %arg4[%dma_start3A_112, %dma_start3A_113] : memref<1000x128xi32, #tpu.memory_space<hbm>> -> memref<1000x128xi32, #tpu.memory_space<hbm>>
    tpu.enqueue_indirect_dma source(%dma_start3A_114 : memref<1000x128xi32, #tpu.memory_space<hbm>>) target(%arg30 : memref<64x128xi32, #tpu.memory_space<vmem>>) offsets(%dma_start3A_111 : memref<64xi32, #tpu.memory_space<vmem>>) semaphore(%arg44 : memref<!tpu.dma_semaphore, #tpu.memory_space<semaphore_mem>>)
    %dma_start3A_115 = arith.constant 3 : i32
    %dma_start3A_116 = arith.constant 0 : i32
    %dma_start3A_117 = tpu.memref_slice %arg14[%dma_start3A_115, %dma_start3A_116] : memref<80x64xi32, #tpu.memory_space<vmem>> -> memref<1x64xi32, #tpu.memory_space<vmem>>
    %dma_start3A_118 = tpu.memref_squeeze %dma_start3A_117 : memref<1x64xi32, #tpu.memory_space<vmem>> -> memref<64xi32, #tpu.memory_space<vmem>>
    %dma_start3A_119 = arith.constant 0 : i32
    %dma_start3A_120 = arith.constant 0 : i32
    %dma_start3A_121 = tpu.memref_slice %arg2[%dma_start3A_119, %dma_start3A_120] : memref<10000x64xi32, #tpu.memory_space<hbm>> -> memref<10000x64xi32, #tpu.memory_space<hbm>>
    tpu.enqueue_indirect_dma source(%dma_start3A_121 : memref<10000x64xi32, #tpu.memory_space<hbm>>) target(%arg21 : memref<64x64xi32, #tpu.memory_space<vmem>>) offsets(%dma_start3A_118 : memref<64xi32, #tpu.memory_space<vmem>>) semaphore(%arg45 : memref<!tpu.dma_semaphore, #tpu.memory_space<semaphore_mem>>)
    %dma_start3A_122 = arith.constant 3 : i32
    %dma_start3A_123 = arith.constant 0 : i32
    %dma_start3A_124 = tpu.memref_slice %arg15[%dma_start3A_122, %dma_start3A_123] : memref<80x64xi32, #tpu.memory_space<vmem>> -> memref<1x64xi32, #tpu.memory_space<vmem>>
    %dma_start3A_125 = tpu.memref_squeeze %dma_start3A_124 : memref<1x64xi32, #tpu.memory_space<vmem>> -> memref<64xi32, #tpu.memory_space<vmem>>
    %dma_start3A_126 = arith.constant 0 : i32
    %dma_start3A_127 = arith.constant 0 : i32
    %dma_start3A_128 = tpu.memref_slice %arg3[%dma_start3A_126, %dma_start3A_127] : memref<10000x64xi32, #tpu.memory_space<hbm>> -> memref<10000x64xi32, #tpu.memory_space<hbm>>
    tpu.enqueue_indirect_dma source(%dma_start3A_128 : memref<10000x64xi32, #tpu.memory_space<hbm>>) target(%arg26 : memref<64x64xi32, #tpu.memory_space<vmem>>) offsets(%dma_start3A_125 : memref<64xi32, #tpu.memory_space<vmem>>) semaphore(%arg45 : memref<!tpu.dma_semaphore, #tpu.memory_space<semaphore_mem>>)
    %dma_start3A_129 = arith.constant 3 : i32
    %dma_start3A_130 = arith.constant 0 : i32
    %dma_start3A_131 = tpu.memref_slice %arg16[%dma_start3A_129, %dma_start3A_130] : memref<80x64xi32, #tpu.memory_space<vmem>> -> memref<1x64xi32, #tpu.memory_space<vmem>>
    %dma_start3A_132 = tpu.memref_squeeze %dma_start3A_131 : memref<1x64xi32, #tpu.memory_space<vmem>> -> memref<64xi32, #tpu.memory_space<vmem>>
    %dma_start3A_133 = arith.constant 0 : i32
    %dma_start3A_134 = arith.constant 0 : i32
    %dma_start3A_135 = tpu.memref_slice %arg4[%dma_start3A_133, %dma_start3A_134] : memref<1000x128xi32, #tpu.memory_space<hbm>> -> memref<1000x128xi32, #tpu.memory_space<hbm>>
    tpu.enqueue_indirect_dma source(%dma_start3A_135 : memref<1000x128xi32, #tpu.memory_space<hbm>>) target(%arg31 : memref<64x128xi32, #tpu.memory_space<vmem>>) offsets(%dma_start3A_132 : memref<64xi32, #tpu.memory_space<vmem>>) semaphore(%arg45 : memref<!tpu.dma_semaphore, #tpu.memory_space<semaphore_mem>>)
    %scan3A = arith.constant 0 : i32
    %scan3A_136 = arith.constant 0 : i32
    %scan3A_137 = arith.constant 16 : i32
    %scan3A_138 = arith.addi %scan3A_136, %scan3A_137 : i32
    %scan3A_139 = arith.constant 1 : i32
    scf.for %scan3A_206 = %scan3A_136 to %scan3A_138 step %scan3A_139  : i32 {
      %mul3A_207 = arith.constant 5 : i32
      %mul3A_208 = arith.muli %scan3A_206, %mul3A_207 : i32
      %add3A_209 = arith.constant 0 : i32
      %add3A_210 = arith.addi %mul3A_208, %add3A_209 : i32
      %dma_wait3A_211 = arith.constant 0 : i32
      %dma_wait3A_212 = tpu.memref_slice %arg14[%add3A_210, %dma_wait3A_211] : memref<80x64xi32, #tpu.memory_space<vmem>> -> memref<1x64xi32, #tpu.memory_space<vmem>>
      %dma_wait3A_213 = tpu.memref_squeeze %dma_wait3A_212 : memref<1x64xi32, #tpu.memory_space<vmem>> -> memref<64xi32, #tpu.memory_space<vmem>>
      %dma_wait3A_214 = arith.constant 0 : i32
      %dma_wait3A_215 = arith.constant 0 : i32
      %dma_wait3A_216 = tpu.memref_slice %arg2[%dma_wait3A_214, %dma_wait3A_215] : memref<10000x64xi32, #tpu.memory_space<hbm>> -> memref<10000x64xi32, #tpu.memory_space<hbm>>
      tpu.wait_indirect_dma semaphore(%arg42 : memref<!tpu.dma_semaphore, #tpu.memory_space<semaphore_mem>>) src(%dma_wait3A_216 : memref<10000x64xi32, #tpu.memory_space<hbm>>) dst(%arg18 : memref<64x64xi32, #tpu.memory_space<vmem>>)
      %dma_wait3A_217 = arith.constant 0 : i32
      %dma_wait3A_218 = tpu.memref_slice %arg15[%add3A_210, %dma_wait3A_217] : memref<80x64xi32, #tpu.memory_space<vmem>> -> memref<1x64xi32, #tpu.memory_space<vmem>>
      %dma_wait3A_219 = tpu.memref_squeeze %dma_wait3A_218 : memref<1x64xi32, #tpu.memory_space<vmem>> -> memref<64xi32, #tpu.memory_space<vmem>>
      %dma_wait3A_220 = arith.constant 0 : i32
      %dma_wait3A_221 = arith.constant 0 : i32
      %dma_wait3A_222 = tpu.memref_slice %arg3[%dma_wait3A_220, %dma_wait3A_221] : memref<10000x64xi32, #tpu.memory_space<hbm>> -> memref<10000x64xi32, #tpu.memory_space<hbm>>
      tpu.wait_indirect_dma semaphore(%arg42 : memref<!tpu.dma_semaphore, #tpu.memory_space<semaphore_mem>>) src(%dma_wait3A_222 : memref<10000x64xi32, #tpu.memory_space<hbm>>) dst(%arg23 : memref<64x64xi32, #tpu.memory_space<vmem>>)
      %dma_wait3A_223 = arith.constant 0 : i32
      %dma_wait3A_224 = tpu.memref_slice %arg16[%add3A_210, %dma_wait3A_223] : memref<80x64xi32, #tpu.memory_space<vmem>> -> memref<1x64xi32, #tpu.memory_space<vmem>>
      %dma_wait3A_225 = tpu.memref_squeeze %dma_wait3A_224 : memref<1x64xi32, #tpu.memory_space<vmem>> -> memref<64xi32, #tpu.memory_space<vmem>>
      %dma_wait3A_226 = arith.constant 0 : i32
      %dma_wait3A_227 = arith.constant 0 : i32
      %dma_wait3A_228 = tpu.memref_slice %arg4[%dma_wait3A_226, %dma_wait3A_227] : memref<1000x128xi32, #tpu.memory_space<hbm>> -> memref<1000x128xi32, #tpu.memory_space<hbm>>
      tpu.wait_indirect_dma semaphore(%arg42 : memref<!tpu.dma_semaphore, #tpu.memory_space<semaphore_mem>>) src(%dma_wait3A_228 : memref<1000x128xi32, #tpu.memory_space<hbm>>) dst(%arg28 : memref<64x128xi32, #tpu.memory_space<vmem>>)
      %add3A_229 = arith.constant 5 : i32
      %add3A_230 = arith.addi %add3A_210, %add3A_229 : i32
      %sub3A = arith.constant 1 : i32
      %sub3A_231 = arith.subi %add3A_230, %sub3A : i32
      %lt3A = arith.constant 80 : i32
      %lt3A_232 = arith.cmpi slt, %sub3A_231, %lt3A : i32
      %convert_element_type3A_233 = arith.extui %lt3A_232 : i1 to i32
      %cond3A_234 = arith.constant 0 : i32
      %cond3A_235 = arith.cmpi ne, %convert_element_type3A_233, %cond3A_234 : i32
      scf.if %cond3A_235 {
        %add3A_464 = arith.constant 5 : i32
        %add3A_465 = arith.addi %add3A_210, %add3A_464 : i32
        %sub3A_466 = arith.constant 1 : i32
        %sub3A_467 = arith.subi %add3A_465, %sub3A_466 : i32
        %dma_start3A_468 = arith.constant 0 : i32
        %dma_start3A_469 = tpu.memref_slice %arg14[%sub3A_467, %dma_start3A_468] : memref<80x64xi32, #tpu.memory_space<vmem>> -> memref<1x64xi32, #tpu.memory_space<vmem>>
        %dma_start3A_470 = tpu.memref_squeeze %dma_start3A_469 : memref<1x64xi32, #tpu.memory_space<vmem>> -> memref<64xi32, #tpu.memory_space<vmem>>
        %dma_start3A_471 = arith.constant 0 : i32
        %dma_start3A_472 = arith.constant 0 : i32
        %dma_start3A_473 = tpu.memref_slice %arg2[%dma_start3A_471, %dma_start3A_472] : memref<10000x64xi32, #tpu.memory_space<hbm>> -> memref<10000x64xi32, #tpu.memory_space<hbm>>
        tpu.enqueue_indirect_dma source(%dma_start3A_473 : memref<10000x64xi32, #tpu.memory_space<hbm>>) target(%arg22 : memref<64x64xi32, #tpu.memory_space<vmem>>) offsets(%dma_start3A_470 : memref<64xi32, #tpu.memory_space<vmem>>) semaphore(%arg46 : memref<!tpu.dma_semaphore, #tpu.memory_space<semaphore_mem>>)
        %dma_start3A_474 = arith.constant 0 : i32
        %dma_start3A_475 = tpu.memref_slice %arg15[%sub3A_467, %dma_start3A_474] : memref<80x64xi32, #tpu.memory_space<vmem>> -> memref<1x64xi32, #tpu.memory_space<vmem>>
        %dma_start3A_476 = tpu.memref_squeeze %dma_start3A_475 : memref<1x64xi32, #tpu.memory_space<vmem>> -> memref<64xi32, #tpu.memory_space<vmem>>
        %dma_start3A_477 = arith.constant 0 : i32
        %dma_start3A_478 = arith.constant 0 : i32
        %dma_start3A_479 = tpu.memref_slice %arg3[%dma_start3A_477, %dma_start3A_478] : memref<10000x64xi32, #tpu.memory_space<hbm>> -> memref<10000x64xi32, #tpu.memory_space<hbm>>
        tpu.enqueue_indirect_dma source(%dma_start3A_479 : memref<10000x64xi32, #tpu.memory_space<hbm>>) target(%arg27 : memref<64x64xi32, #tpu.memory_space<vmem>>) offsets(%dma_start3A_476 : memref<64xi32, #tpu.memory_space<vmem>>) semaphore(%arg46 : memref<!tpu.dma_semaphore, #tpu.memory_space<semaphore_mem>>)
        %dma_start3A_480 = arith.constant 0 : i32
        %dma_start3A_481 = tpu.memref_slice %arg16[%sub3A_467, %dma_start3A_480] : memref<80x64xi32, #tpu.memory_space<vmem>> -> memref<1x64xi32, #tpu.memory_space<vmem>>
        %dma_start3A_482 = tpu.memref_squeeze %dma_start3A_481 : memref<1x64xi32, #tpu.memory_space<vmem>> -> memref<64xi32, #tpu.memory_space<vmem>>
        %dma_start3A_483 = arith.constant 0 : i32
        %dma_start3A_484 = arith.constant 0 : i32
        %dma_start3A_485 = tpu.memref_slice %arg4[%dma_start3A_483, %dma_start3A_484] : memref<1000x128xi32, #tpu.memory_space<hbm>> -> memref<1000x128xi32, #tpu.memory_space<hbm>>
        tpu.enqueue_indirect_dma source(%dma_start3A_485 : memref<1000x128xi32, #tpu.memory_space<hbm>>) target(%arg32 : memref<64x128xi32, #tpu.memory_space<vmem>>) offsets(%dma_start3A_482 : memref<64xi32, #tpu.memory_space<vmem>>) semaphore(%arg46 : memref<!tpu.dma_semaphore, #tpu.memory_space<semaphore_mem>>)
      } else {
      }
      %ge3A = arith.constant 5 : i32
      %ge3A_236 = arith.cmpi sge, %add3A_210, %ge3A : i32
      %convert_element_type3A_237 = arith.extui %ge3A_236 : i1 to i32
      %cond3A_238 = arith.constant 0 : i32
      %cond3A_239 = arith.cmpi ne, %convert_element_type3A_237, %cond3A_238 : i32
      scf.if %cond3A_239 {
        %sub3A_464 = arith.constant 5 : i32
        %sub3A_465 = arith.subi %add3A_210, %sub3A_464 : i32
        %dma_wait3A_466 = arith.constant 0 : i32
        %dma_wait3A_467 = tpu.memref_slice %arg17[%sub3A_465, %dma_wait3A_466] : memref<80x64xi32, #tpu.memory_space<vmem>> -> memref<1x64xi32, #tpu.memory_space<vmem>>
        %dma_wait3A_468 = tpu.memref_squeeze %dma_wait3A_467 : memref<1x64xi32, #tpu.memory_space<vmem>> -> memref<64xi32, #tpu.memory_space<vmem>>
        %dma_wait3A_469 = arith.constant 0 : i32
        %dma_wait3A_470 = tpu.memref_slice %arg40[%dma_wait3A_469] : memref<40960xf32, #tpu.memory_space<vmem_shared>> -> memref<40960xf32, #tpu.memory_space<vmem_shared>>
        tpu.wait_indirect_dma semaphore(%arg47 : memref<!tpu.dma_semaphore, #tpu.memory_space<semaphore_mem>>) src(%arg33 : memref<64xf32, #tpu.memory_space<vmem>>) dst(%dma_wait3A_470 : memref<40960xf32, #tpu.memory_space<vmem_shared>>)
        %dma_wait3A_471 = arith.constant 0 : i32
        %dma_wait3A_472 = tpu.memref_slice %arg17[%sub3A_465, %dma_wait3A_471] : memref<80x64xi32, #tpu.memory_space<vmem>> -> memref<1x64xi32, #tpu.memory_space<vmem>>
        %dma_wait3A_473 = tpu.memref_squeeze %dma_wait3A_472 : memref<1x64xi32, #tpu.memory_space<vmem>> -> memref<64xi32, #tpu.memory_space<vmem>>
        %dma_wait3A_474 = arith.constant 0 : i32
        %dma_wait3A_475 = tpu.memref_slice %arg41[%dma_wait3A_474] : memref<40960xf32, #tpu.memory_space<vmem_shared>> -> memref<40960xf32, #tpu.memory_space<vmem_shared>>
        tpu.wait_indirect_dma semaphore(%arg47 : memref<!tpu.dma_semaphore, #tpu.memory_space<semaphore_mem>>) src(%arg38 : memref<64xf32, #tpu.memory_space<vmem>>) dst(%dma_wait3A_475 : memref<40960xf32, #tpu.memory_space<vmem_shared>>)
      } else {
      }
      %scan3A_240 = arith.constant 0 : i32
      %scan3A_241 = arith.constant 0 : i32
      %scan3A_242 = arith.constant 4 : i32
      %scan3A_243 = arith.addi %scan3A_241, %scan3A_242 : i32
      %scan3A_244 = arith.constant 1 : i32
      scf.for %scan3A_464 = %scan3A_241 to %scan3A_243 step %scan3A_244  : i32 {
        %broadcast_in_dim3A_465 = arith.constant 0.000000e+00 : f32
        %broadcast_in_dim3A_466 = vector.broadcast %broadcast_in_dim3A_465 : f32 to vector<16xf32>
        %parallel_loop3A = arith.constant 0 : i32
        %parallel_loop3A_467 = arith.constant 16 : i32
        %parallel_loop3A_468 = arith.constant 1 : i32
        %parallel_loop3A_469 = scf.for %parallel_loop3A_476 = %parallel_loop3A to %parallel_loop3A_467 step %parallel_loop3A_468 iter_args(%parallel_loop3A_477 = %broadcast_in_dim3A_466) -> (vector<16xf32>)  : i32 {
          %parallel_loop3A_478 = arith.constant 16 : i32
          %parallel_loop3A_479 = arith.muli %scan3A_464, %parallel_loop3A_478 : i32
          %parallel_loop3A_480 = arith.addi %parallel_loop3A_479, %parallel_loop3A_476 : i32
          %parallel_loop3A_481 = arith.constant 0.000000e+00 : f32
          %parallel_loop3A_482 = vector.broadcast %parallel_loop3A_481 : f32 to vector<16xf32>
          %parallel_loop3A_483 = arith.index_cast %parallel_loop3A_480 : i32 to index
          %parallel_loop3A_484 = arith.constant 0 : index
          %parallel_loop3A_485 = tpu.vector_load %arg28[%parallel_loop3A_483, %parallel_loop3A_484] {strides = array<i32>} : memref<64x128xi32, #tpu.memory_space<vmem>>, vector<1x16xi32>,
          %parallel_loop3A_486 = vector.shape_cast %parallel_loop3A_485 : vector<1x16xi32> to vector<16xi32>
          %parallel_loop3A_487 = arith.index_cast %parallel_loop3A_480 : i32 to index
          %parallel_loop3A_488 = arith.constant 0 : index
          %parallel_loop3A_489 = tpu.vector_load %arg18[%parallel_loop3A_487, %parallel_loop3A_488] {strides = array<i32>} : memref<64x64xi32, #tpu.memory_space<vmem>>, vector<1x16xi32>,
          %parallel_loop3A_490 = vector.shape_cast %parallel_loop3A_489 : vector<1x16xi32> to vector<16xi32>
          %parallel_loop3A_491 = arith.index_cast %parallel_loop3A_480 : i32 to index
          %parallel_loop3A_492 = arith.constant 64 : index
          %parallel_loop3A_493 = tpu.vector_load %arg28[%parallel_loop3A_491, %parallel_loop3A_492] {strides = array<i32>} : memref<64x128xi32, #tpu.memory_space<vmem>>, vector<1x16xi32>,
          %parallel_loop3A_494 = vector.shape_cast %parallel_loop3A_493 : vector<1x16xi32> to vector<16xi32>
          %parallel_loop3A_495 = arith.index_cast %parallel_loop3A_480 : i32 to index
          %parallel_loop3A_496 = arith.constant 0 : index
          %parallel_loop3A_497 = tpu.vector_load %arg23[%parallel_loop3A_495, %parallel_loop3A_496] {strides = array<i32>} : memref<64x64xi32, #tpu.memory_space<vmem>>, vector<1x16xi32>,
          %parallel_loop3A_498 = vector.shape_cast %parallel_loop3A_497 : vector<1x16xi32> to vector<16xi32>
          %parallel_loop3A_499 = arith.constant 16 : i32
          %parallel_loop3A_500 = vector.broadcast %parallel_loop3A_499 : i32 to vector<16xi32>
          %parallel_loop3A_501 = arith.shli %parallel_loop3A_486, %parallel_loop3A_500 : vector<16xi32>
          %parallel_loop3A_502 = tpu.bitcast %parallel_loop3A_501 : vector<16xi32> -> vector<16xf32>
          %parallel_loop3A_503 = arith.constant 16 : i32
          %parallel_loop3A_504 = vector.broadcast %parallel_loop3A_503 : i32 to vector<16xi32>
          %parallel_loop3A_505 = arith.shli %parallel_loop3A_490, %parallel_loop3A_504 : vector<16xi32>
          %parallel_loop3A_506 = tpu.bitcast %parallel_loop3A_505 : vector<16xi32> -> vector<16xf32>
          %parallel_loop3A_507 = arith.addf %parallel_loop3A_502, %parallel_loop3A_506 : vector<16xf32>
          %parallel_loop3A_508 = arith.constant -65536 : i32
          %parallel_loop3A_509 = vector.broadcast %parallel_loop3A_508 : i32 to vector<16xi32>
          %parallel_loop3A_510 = arith.andi %parallel_loop3A_486, %parallel_loop3A_509 : vector<16xi32>
          %parallel_loop3A_511 = tpu.bitcast %parallel_loop3A_510 : vector<16xi32> -> vector<16xf32>
          %parallel_loop3A_512 = arith.constant -65536 : i32
          %parallel_loop3A_513 = vector.broadcast %parallel_loop3A_512 : i32 to vector<16xi32>
          %parallel_loop3A_514 = arith.andi %parallel_loop3A_490, %parallel_loop3A_513 : vector<16xi32>
          %parallel_loop3A_515 = tpu.bitcast %parallel_loop3A_514 : vector<16xi32> -> vector<16xf32>
          %parallel_loop3A_516 = arith.addf %parallel_loop3A_511, %parallel_loop3A_515 : vector<16xf32>
          %parallel_loop3A_517 = arith.constant 16 : i32
          %parallel_loop3A_518 = vector.broadcast %parallel_loop3A_517 : i32 to vector<16xi32>
          %parallel_loop3A_519 = arith.shli %parallel_loop3A_494, %parallel_loop3A_518 : vector<16xi32>
          %parallel_loop3A_520 = tpu.bitcast %parallel_loop3A_519 : vector<16xi32> -> vector<16xf32>
          %parallel_loop3A_521 = arith.constant 16 : i32
          %parallel_loop3A_522 = vector.broadcast %parallel_loop3A_521 : i32 to vector<16xi32>
          %parallel_loop3A_523 = arith.shli %parallel_loop3A_498, %parallel_loop3A_522 : vector<16xi32>
          %parallel_loop3A_524 = tpu.bitcast %parallel_loop3A_523 : vector<16xi32> -> vector<16xf32>
          %parallel_loop3A_525 = arith.addf %parallel_loop3A_520, %parallel_loop3A_524 : vector<16xf32>
          %parallel_loop3A_526 = arith.constant -65536 : i32
          %parallel_loop3A_527 = vector.broadcast %parallel_loop3A_526 : i32 to vector<16xi32>
          %parallel_loop3A_528 = arith.andi %parallel_loop3A_494, %parallel_loop3A_527 : vector<16xi32>
          %parallel_loop3A_529 = tpu.bitcast %parallel_loop3A_528 : vector<16xi32> -> vector<16xf32>
          %parallel_loop3A_530 = arith.constant -65536 : i32
          %parallel_loop3A_531 = vector.broadcast %parallel_loop3A_530 : i32 to vector<16xi32>
          %parallel_loop3A_532 = arith.andi %parallel_loop3A_498, %parallel_loop3A_531 : vector<16xi32>
          %parallel_loop3A_533 = tpu.bitcast %parallel_loop3A_532 : vector<16xi32> -> vector<16xf32>
          %parallel_loop3A_534 = arith.addf %parallel_loop3A_529, %parallel_loop3A_533 : vector<16xf32>
          %parallel_loop3A_535 = math.exp %parallel_loop3A_507 : vector<16xf32>
          %parallel_loop3A_536 = math.exp %parallel_loop3A_525 : vector<16xf32>
          %parallel_loop3A_537 = arith.subf %parallel_loop3A_535, %parallel_loop3A_536 : vector<16xf32>
          %parallel_loop3A_538 = arith.constant 1.000000e+00 : f32
          %parallel_loop3A_539 = vector.broadcast %parallel_loop3A_538 : f32 to vector<16xf32>
          %parallel_loop3A_540 = arith.addf %parallel_loop3A_539, %parallel_loop3A_535 : vector<16xf32>
          %parallel_loop3A_541 = arith.constant 1.000000e+00 : f32
          %parallel_loop3A_542 = vector.broadcast %parallel_loop3A_541 : f32 to vector<16xf32>
          %parallel_loop3A_543 = arith.addf %parallel_loop3A_542, %parallel_loop3A_536 : vector<16xf32>
          %parallel_loop3A_544 = arith.mulf %parallel_loop3A_540, %parallel_loop3A_543 : vector<16xf32>
          %parallel_loop3A_545 = arith.divf %parallel_loop3A_537, %parallel_loop3A_544 : vector<16xf32>
          %parallel_loop3A_546 = arith.mulf %get3A_20, %parallel_loop3A_545 : vector<16xf32>
          %parallel_loop3A_547 = arith.addf %parallel_loop3A_482, %parallel_loop3A_546 : vector<16xf32>
          %parallel_loop3A_548 = math.exp %parallel_loop3A_516 : vector<16xf32>
          %parallel_loop3A_549 = math.exp %parallel_loop3A_534 : vector<16xf32>
          %parallel_loop3A_550 = arith.subf %parallel_loop3A_548, %parallel_loop3A_549 : vector<16xf32>
          %parallel_loop3A_551 = arith.constant 1.000000e+00 : f32
          %parallel_loop3A_552 = vector.broadcast %parallel_loop3A_551 : f32 to vector<16xf32>
          %parallel_loop3A_553 = arith.addf %parallel_loop3A_552, %parallel_loop3A_548 : vector<16xf32>
          %parallel_loop3A_554 = arith.constant 1.000000e+00 : f32
          %parallel_loop3A_555 = vector.broadcast %parallel_loop3A_554 : f32 to vector<16xf32>
          %parallel_loop3A_556 = arith.addf %parallel_loop3A_555, %parallel_loop3A_549 : vector<16xf32>
          %parallel_loop3A_557 = arith.mulf %parallel_loop3A_553, %parallel_loop3A_556 : vector<16xf32>
          %parallel_loop3A_558 = arith.divf %parallel_loop3A_550, %parallel_loop3A_557 : vector<16xf32>
          %parallel_loop3A_559 = arith.mulf %get3A_23, %parallel_loop3A_558 : vector<16xf32>
          %parallel_loop3A_560 = arith.addf %parallel_loop3A_547, %parallel_loop3A_559 : vector<16xf32>
          %parallel_loop3A_561 = arith.index_cast %parallel_loop3A_480 : i32 to index
          %parallel_loop3A_562 = arith.constant 16 : index
          %parallel_loop3A_563 = tpu.vector_load %arg28[%parallel_loop3A_561, %parallel_loop3A_562] {strides = array<i32>} : memref<64x128xi32, #tpu.memory_space<vmem>>, vector<1x16xi32>,
          %parallel_loop3A_564 = vector.shape_cast %parallel_loop3A_563 : vector<1x16xi32> to vector<16xi32>
          %parallel_loop3A_565 = arith.index_cast %parallel_loop3A_480 : i32 to index
          %parallel_loop3A_566 = arith.constant 16 : index
          %parallel_loop3A_567 = tpu.vector_load %arg18[%parallel_loop3A_565, %parallel_loop3A_566] {strides = array<i32>} : memref<64x64xi32, #tpu.memory_space<vmem>>, vector<1x16xi32>,
          %parallel_loop3A_568 = vector.shape_cast %parallel_loop3A_567 : vector<1x16xi32> to vector<16xi32>
          %parallel_loop3A_569 = arith.index_cast %parallel_loop3A_480 : i32 to index
          %parallel_loop3A_570 = arith.constant 80 : index
          %parallel_loop3A_571 = tpu.vector_load %arg28[%parallel_loop3A_569, %parallel_loop3A_570] {strides = array<i32>} : memref<64x128xi32, #tpu.memory_space<vmem>>, vector<1x16xi32>,
          %parallel_loop3A_572 = vector.shape_cast %parallel_loop3A_571 : vector<1x16xi32> to vector<16xi32>
          %parallel_loop3A_573 = arith.index_cast %parallel_loop3A_480 : i32 to index
          %parallel_loop3A_574 = arith.constant 16 : index
          %parallel_loop3A_575 = tpu.vector_load %arg23[%parallel_loop3A_573, %parallel_loop3A_574] {strides = array<i32>} : memref<64x64xi32, #tpu.memory_space<vmem>>, vector<1x16xi32>,
          %parallel_loop3A_576 = vector.shape_cast %parallel_loop3A_575 : vector<1x16xi32> to vector<16xi32>
          %parallel_loop3A_577 = arith.constant 16 : i32
          %parallel_loop3A_578 = vector.broadcast %parallel_loop3A_577 : i32 to vector<16xi32>
          %parallel_loop3A_579 = arith.shli %parallel_loop3A_564, %parallel_loop3A_578 : vector<16xi32>
          %parallel_loop3A_580 = tpu.bitcast %parallel_loop3A_579 : vector<16xi32> -> vector<16xf32>
          %parallel_loop3A_581 = arith.constant 16 : i32
          %parallel_loop3A_582 = vector.broadcast %parallel_loop3A_581 : i32 to vector<16xi32>
          %parallel_loop3A_583 = arith.shli %parallel_loop3A_568, %parallel_loop3A_582 : vector<16xi32>
          %parallel_loop3A_584 = tpu.bitcast %parallel_loop3A_583 : vector<16xi32> -> vector<16xf32>
          %parallel_loop3A_585 = arith.addf %parallel_loop3A_580, %parallel_loop3A_584 : vector<16xf32>
          %parallel_loop3A_586 = arith.constant -65536 : i32
          %parallel_loop3A_587 = vector.broadcast %parallel_loop3A_586 : i32 to vector<16xi32>
          %parallel_loop3A_588 = arith.andi %parallel_loop3A_564, %parallel_loop3A_587 : vector<16xi32>
          %parallel_loop3A_589 = tpu.bitcast %parallel_loop3A_588 : vector<16xi32> -> vector<16xf32>
          %parallel_loop3A_590 = arith.constant -65536 : i32
          %parallel_loop3A_591 = vector.broadcast %parallel_loop3A_590 : i32 to vector<16xi32>
          %parallel_loop3A_592 = arith.andi %parallel_loop3A_568, %parallel_loop3A_591 : vector<16xi32>
          %parallel_loop3A_593 = tpu.bitcast %parallel_loop3A_592 : vector<16xi32> -> vector<16xf32>
          %parallel_loop3A_594 = arith.addf %parallel_loop3A_589, %parallel_loop3A_593 : vector<16xf32>
          %parallel_loop3A_595 = arith.constant 16 : i32
          %parallel_loop3A_596 = vector.broadcast %parallel_loop3A_595 : i32 to vector<16xi32>
          %parallel_loop3A_597 = arith.shli %parallel_loop3A_572, %parallel_loop3A_596 : vector<16xi32>
          %parallel_loop3A_598 = tpu.bitcast %parallel_loop3A_597 : vector<16xi32> -> vector<16xf32>
          %parallel_loop3A_599 = arith.constant 16 : i32
          %parallel_loop3A_600 = vector.broadcast %parallel_loop3A_599 : i32 to vector<16xi32>
          %parallel_loop3A_601 = arith.shli %parallel_loop3A_576, %parallel_loop3A_600 : vector<16xi32>
          %parallel_loop3A_602 = tpu.bitcast %parallel_loop3A_601 : vector<16xi32> -> vector<16xf32>
          %parallel_loop3A_603 = arith.addf %parallel_loop3A_598, %parallel_loop3A_602 : vector<16xf32>
          %parallel_loop3A_604 = arith.constant -65536 : i32
          %parallel_loop3A_605 = vector.broadcast %parallel_loop3A_604 : i32 to vector<16xi32>
          %parallel_loop3A_606 = arith.andi %parallel_loop3A_572, %parallel_loop3A_605 : vector<16xi32>
          %parallel_loop3A_607 = tpu.bitcast %parallel_loop3A_606 : vector<16xi32> -> vector<16xf32>
          %parallel_loop3A_608 = arith.constant -65536 : i32
          %parallel_loop3A_609 = vector.broadcast %parallel_loop3A_608 : i32 to vector<16xi32>
          %parallel_loop3A_610 = arith.andi %parallel_loop3A_576, %parallel_loop3A_609 : vector<16xi32>
          %parallel_loop3A_611 = tpu.bitcast %parallel_loop3A_610 : vector<16xi32> -> vector<16xf32>
          %parallel_loop3A_612 = arith.addf %parallel_loop3A_607, %parallel_loop3A_611 : vector<16xf32>
          %parallel_loop3A_613 = math.exp %parallel_loop3A_585 : vector<16xf32>
          %parallel_loop3A_614 = math.exp %parallel_loop3A_603 : vector<16xf32>
          %parallel_loop3A_615 = arith.subf %parallel_loop3A_613, %parallel_loop3A_614 : vector<16xf32>
          %parallel_loop3A_616 = arith.constant 1.000000e+00 : f32
          %parallel_loop3A_617 = vector.broadcast %parallel_loop3A_616 : f32 to vector<16xf32>
          %parallel_loop3A_618 = arith.addf %parallel_loop3A_617, %parallel_loop3A_613 : vector<16xf32>
          %parallel_loop3A_619 = arith.constant 1.000000e+00 : f32
          %parallel_loop3A_620 = vector.broadcast %parallel_loop3A_619 : f32 to vector<16xf32>
          %parallel_loop3A_621 = arith.addf %parallel_loop3A_620, %parallel_loop3A_614 : vector<16xf32>
          %parallel_loop3A_622 = arith.mulf %parallel_loop3A_618, %parallel_loop3A_621 : vector<16xf32>
          %parallel_loop3A_623 = arith.divf %parallel_loop3A_615, %parallel_loop3A_622 : vector<16xf32>
          %parallel_loop3A_624 = arith.mulf %get3A_26, %parallel_loop3A_623 : vector<16xf32>
          %parallel_loop3A_625 = arith.addf %parallel_loop3A_560, %parallel_loop3A_624 : vector<16xf32>
          %parallel_loop3A_626 = math.exp %parallel_loop3A_594 : vector<16xf32>
          %parallel_loop3A_627 = math.exp %parallel_loop3A_612 : vector<16xf32>
          %parallel_loop3A_628 = arith.subf %parallel_loop3A_626, %parallel_loop3A_627 : vector<16xf32>
          %parallel_loop3A_629 = arith.constant 1.000000e+00 : f32
          %parallel_loop3A_630 = vector.broadcast %parallel_loop3A_629 : f32 to vector<16xf32>
          %parallel_loop3A_631 = arith.addf %parallel_loop3A_630, %parallel_loop3A_626 : vector<16xf32>
          %parallel_loop3A_632 = arith.constant 1.000000e+00 : f32
          %parallel_loop3A_633 = vector.broadcast %parallel_loop3A_632 : f32 to vector<16xf32>
          %parallel_loop3A_634 = arith.addf %parallel_loop3A_633, %parallel_loop3A_627 : vector<16xf32>
          %parallel_loop3A_635 = arith.mulf %parallel_loop3A_631, %parallel_loop3A_634 : vector<16xf32>
          %parallel_loop3A_636 = arith.divf %parallel_loop3A_628, %parallel_loop3A_635 : vector<16xf32>
          %parallel_loop3A_637 = arith.mulf %get3A_29, %parallel_loop3A_636 : vector<16xf32>
          %parallel_loop3A_638 = arith.addf %parallel_loop3A_625, %parallel_loop3A_637 : vector<16xf32>
          %parallel_loop3A_639 = arith.index_cast %parallel_loop3A_480 : i32 to index
          %parallel_loop3A_640 = arith.constant 32 : index
          %parallel_loop3A_641 = tpu.vector_load %arg28[%parallel_loop3A_639, %parallel_loop3A_640] {strides = array<i32>} : memref<64x128xi32, #tpu.memory_space<vmem>>, vector<1x16xi32>,
          %parallel_loop3A_642 = vector.shape_cast %parallel_loop3A_641 : vector<1x16xi32> to vector<16xi32>
          %parallel_loop3A_643 = arith.index_cast %parallel_loop3A_480 : i32 to index
          %parallel_loop3A_644 = arith.constant 32 : index
          %parallel_loop3A_645 = tpu.vector_load %arg18[%parallel_loop3A_643, %parallel_loop3A_644] {strides = array<i32>} : memref<64x64xi32, #tpu.memory_space<vmem>>, vector<1x16xi32>,
          %parallel_loop3A_646 = vector.shape_cast %parallel_loop3A_645 : vector<1x16xi32> to vector<16xi32>
          %parallel_loop3A_647 = arith.index_cast %parallel_loop3A_480 : i32 to index
          %parallel_loop3A_648 = arith.constant 96 : index
          %parallel_loop3A_649 = tpu.vector_load %arg28[%parallel_loop3A_647, %parallel_loop3A_648] {strides = array<i32>} : memref<64x128xi32, #tpu.memory_space<vmem>>, vector<1x16xi32>,
          %parallel_loop3A_650 = vector.shape_cast %parallel_loop3A_649 : vector<1x16xi32> to vector<16xi32>
          %parallel_loop3A_651 = arith.index_cast %parallel_loop3A_480 : i32 to index
          %parallel_loop3A_652 = arith.constant 32 : index
          %parallel_loop3A_653 = tpu.vector_load %arg23[%parallel_loop3A_651, %parallel_loop3A_652] {strides = array<i32>} : memref<64x64xi32, #tpu.memory_space<vmem>>, vector<1x16xi32>,
          %parallel_loop3A_654 = vector.shape_cast %parallel_loop3A_653 : vector<1x16xi32> to vector<16xi32>
          %parallel_loop3A_655 = arith.constant 16 : i32
          %parallel_loop3A_656 = vector.broadcast %parallel_loop3A_655 : i32 to vector<16xi32>
          %parallel_loop3A_657 = arith.shli %parallel_loop3A_642, %parallel_loop3A_656 : vector<16xi32>
          %parallel_loop3A_658 = tpu.bitcast %parallel_loop3A_657 : vector<16xi32> -> vector<16xf32>
          %parallel_loop3A_659 = arith.constant 16 : i32
          %parallel_loop3A_660 = vector.broadcast %parallel_loop3A_659 : i32 to vector<16xi32>
          %parallel_loop3A_661 = arith.shli %parallel_loop3A_646, %parallel_loop3A_660 : vector<16xi32>
          %parallel_loop3A_662 = tpu.bitcast %parallel_loop3A_661 : vector<16xi32> -> vector<16xf32>
          %parallel_loop3A_663 = arith.addf %parallel_loop3A_658, %parallel_loop3A_662 : vector<16xf32>
          %parallel_loop3A_664 = arith.constant -65536 : i32
          %parallel_loop3A_665 = vector.broadcast %parallel_loop3A_664 : i32 to vector<16xi32>
          %parallel_loop3A_666 = arith.andi %parallel_loop3A_642, %parallel_loop3A_665 : vector<16xi32>
          %parallel_loop3A_667 = tpu.bitcast %parallel_loop3A_666 : vector<16xi32> -> vector<16xf32>
          %parallel_loop3A_668 = arith.constant -65536 : i32
          %parallel_loop3A_669 = vector.broadcast %parallel_loop3A_668 : i32 to vector<16xi32>
          %parallel_loop3A_670 = arith.andi %parallel_loop3A_646, %parallel_loop3A_669 : vector<16xi32>
          %parallel_loop3A_671 = tpu.bitcast %parallel_loop3A_670 : vector<16xi32> -> vector<16xf32>
          %parallel_loop3A_672 = arith.addf %parallel_loop3A_667, %parallel_loop3A_671 : vector<16xf32>
          %parallel_loop3A_673 = arith.constant 16 : i32
          %parallel_loop3A_674 = vector.broadcast %parallel_loop3A_673 : i32 to vector<16xi32>
          %parallel_loop3A_675 = arith.shli %parallel_loop3A_650, %parallel_loop3A_674 : vector<16xi32>
          %parallel_loop3A_676 = tpu.bitcast %parallel_loop3A_675 : vector<16xi32> -> vector<16xf32>
          %parallel_loop3A_677 = arith.constant 16 : i32
          %parallel_loop3A_678 = vector.broadcast %parallel_loop3A_677 : i32 to vector<16xi32>
          %parallel_loop3A_679 = arith.shli %parallel_loop3A_654, %parallel_loop3A_678 : vector<16xi32>
          %parallel_loop3A_680 = tpu.bitcast %parallel_loop3A_679 : vector<16xi32> -> vector<16xf32>
          %parallel_loop3A_681 = arith.addf %parallel_loop3A_676, %parallel_loop3A_680 : vector<16xf32>
          %parallel_loop3A_682 = arith.constant -65536 : i32
          %parallel_loop3A_683 = vector.broadcast %parallel_loop3A_682 : i32 to vector<16xi32>
          %parallel_loop3A_684 = arith.andi %parallel_loop3A_650, %parallel_loop3A_683 : vector<16xi32>
          %parallel_loop3A_685 = tpu.bitcast %parallel_loop3A_684 : vector<16xi32> -> vector<16xf32>
          %parallel_loop3A_686 = arith.constant -65536 : i32
          %parallel_loop3A_687 = vector.broadcast %parallel_loop3A_686 : i32 to vector<16xi32>
          %parallel_loop3A_688 = arith.andi %parallel_loop3A_654, %parallel_loop3A_687 : vector<16xi32>
          %parallel_loop3A_689 = tpu.bitcast %parallel_loop3A_688 : vector<16xi32> -> vector<16xf32>
          %parallel_loop3A_690 = arith.addf %parallel_loop3A_685, %parallel_loop3A_689 : vector<16xf32>
          %parallel_loop3A_691 = math.exp %parallel_loop3A_663 : vector<16xf32>
          %parallel_loop3A_692 = math.exp %parallel_loop3A_681 : vector<16xf32>
          %parallel_loop3A_693 = arith.subf %parallel_loop3A_691, %parallel_loop3A_692 : vector<16xf32>
          %parallel_loop3A_694 = arith.constant 1.000000e+00 : f32
          %parallel_loop3A_695 = vector.broadcast %parallel_loop3A_694 : f32 to vector<16xf32>
          %parallel_loop3A_696 = arith.addf %parallel_loop3A_695, %parallel_loop3A_691 : vector<16xf32>
          %parallel_loop3A_697 = arith.constant 1.000000e+00 : f32
          %parallel_loop3A_698 = vector.broadcast %parallel_loop3A_697 : f32 to vector<16xf32>
          %parallel_loop3A_699 = arith.addf %parallel_loop3A_698, %parallel_loop3A_692 : vector<16xf32>
          %parallel_loop3A_700 = arith.mulf %parallel_loop3A_696, %parallel_loop3A_699 : vector<16xf32>
          %parallel_loop3A_701 = arith.divf %parallel_loop3A_693, %parallel_loop3A_700 : vector<16xf32>
          %parallel_loop3A_702 = arith.mulf %get3A_32, %parallel_loop3A_701 : vector<16xf32>
          %parallel_loop3A_703 = arith.addf %parallel_loop3A_638, %parallel_loop3A_702 : vector<16xf32>
          %parallel_loop3A_704 = math.exp %parallel_loop3A_672 : vector<16xf32>
          %parallel_loop3A_705 = math.exp %parallel_loop3A_690 : vector<16xf32>
          %parallel_loop3A_706 = arith.subf %parallel_loop3A_704, %parallel_loop3A_705 : vector<16xf32>
          %parallel_loop3A_707 = arith.constant 1.000000e+00 : f32
          %parallel_loop3A_708 = vector.broadcast %parallel_loop3A_707 : f32 to vector<16xf32>
          %parallel_loop3A_709 = arith.addf %parallel_loop3A_708, %parallel_loop3A_704 : vector<16xf32>
          %parallel_loop3A_710 = arith.constant 1.000000e+00 : f32
          %parallel_loop3A_711 = vector.broadcast %parallel_loop3A_710 : f32 to vector<16xf32>
          %parallel_loop3A_712 = arith.addf %parallel_loop3A_711, %parallel_loop3A_705 : vector<16xf32>
          %parallel_loop3A_713 = arith.mulf %parallel_loop3A_709, %parallel_loop3A_712 : vector<16xf32>
          %parallel_loop3A_714 = arith.divf %parallel_loop3A_706, %parallel_loop3A_713 : vector<16xf32>
          %parallel_loop3A_715 = arith.mulf %get3A_35, %parallel_loop3A_714 : vector<16xf32>
          %parallel_loop3A_716 = arith.addf %parallel_loop3A_703, %parallel_loop3A_715 : vector<16xf32>
          %parallel_loop3A_717 = arith.index_cast %parallel_loop3A_480 : i32 to index
          %parallel_loop3A_718 = arith.constant 48 : index
          %parallel_loop3A_719 = tpu.vector_load %arg28[%parallel_loop3A_717, %parallel_loop3A_718] {strides = array<i32>} : memref<64x128xi32, #tpu.memory_space<vmem>>, vector<1x16xi32>,
          %parallel_loop3A_720 = vector.shape_cast %parallel_loop3A_719 : vector<1x16xi32> to vector<16xi32>
          %parallel_loop3A_721 = arith.index_cast %parallel_loop3A_480 : i32 to index
          %parallel_loop3A_722 = arith.constant 48 : index
          %parallel_loop3A_723 = tpu.vector_load %arg18[%parallel_loop3A_721, %parallel_loop3A_722] {strides = array<i32>} : memref<64x64xi32, #tpu.memory_space<vmem>>, vector<1x16xi32>,
          %parallel_loop3A_724 = vector.shape_cast %parallel_loop3A_723 : vector<1x16xi32> to vector<16xi32>
          %parallel_loop3A_725 = arith.index_cast %parallel_loop3A_480 : i32 to index
          %parallel_loop3A_726 = arith.constant 112 : index
          %parallel_loop3A_727 = tpu.vector_load %arg28[%parallel_loop3A_725, %parallel_loop3A_726] {strides = array<i32>} : memref<64x128xi32, #tpu.memory_space<vmem>>, vector<1x16xi32>,
          %parallel_loop3A_728 = vector.shape_cast %parallel_loop3A_727 : vector<1x16xi32> to vector<16xi32>
          %parallel_loop3A_729 = arith.index_cast %parallel_loop3A_480 : i32 to index
          %parallel_loop3A_730 = arith.constant 48 : index
          %parallel_loop3A_731 = tpu.vector_load %arg23[%parallel_loop3A_729, %parallel_loop3A_730] {strides = array<i32>} : memref<64x64xi32, #tpu.memory_space<vmem>>, vector<1x16xi32>,
          %parallel_loop3A_732 = vector.shape_cast %parallel_loop3A_731 : vector<1x16xi32> to vector<16xi32>
          %parallel_loop3A_733 = arith.constant 16 : i32
          %parallel_loop3A_734 = vector.broadcast %parallel_loop3A_733 : i32 to vector<16xi32>
          %parallel_loop3A_735 = arith.shli %parallel_loop3A_720, %parallel_loop3A_734 : vector<16xi32>
          %parallel_loop3A_736 = tpu.bitcast %parallel_loop3A_735 : vector<16xi32> -> vector<16xf32>
          %parallel_loop3A_737 = arith.constant 16 : i32
          %parallel_loop3A_738 = vector.broadcast %parallel_loop3A_737 : i32 to vector<16xi32>
          %parallel_loop3A_739 = arith.shli %parallel_loop3A_724, %parallel_loop3A_738 : vector<16xi32>
          %parallel_loop3A_740 = tpu.bitcast %parallel_loop3A_739 : vector<16xi32> -> vector<16xf32>
          %parallel_loop3A_741 = arith.addf %parallel_loop3A_736, %parallel_loop3A_740 : vector<16xf32>
          %parallel_loop3A_742 = arith.constant -65536 : i32
          %parallel_loop3A_743 = vector.broadcast %parallel_loop3A_742 : i32 to vector<16xi32>
          %parallel_loop3A_744 = arith.andi %parallel_loop3A_720, %parallel_loop3A_743 : vector<16xi32>
          %parallel_loop3A_745 = tpu.bitcast %parallel_loop3A_744 : vector<16xi32> -> vector<16xf32>
          %parallel_loop3A_746 = arith.constant -65536 : i32
          %parallel_loop3A_747 = vector.broadcast %parallel_loop3A_746 : i32 to vector<16xi32>
          %parallel_loop3A_748 = arith.andi %parallel_loop3A_724, %parallel_loop3A_747 : vector<16xi32>
          %parallel_loop3A_749 = tpu.bitcast %parallel_loop3A_748 : vector<16xi32> -> vector<16xf32>
          %parallel_loop3A_750 = arith.addf %parallel_loop3A_745, %parallel_loop3A_749 : vector<16xf32>
          %parallel_loop3A_751 = arith.constant 16 : i32
          %parallel_loop3A_752 = vector.broadcast %parallel_loop3A_751 : i32 to vector<16xi32>
          %parallel_loop3A_753 = arith.shli %parallel_loop3A_728, %parallel_loop3A_752 : vector<16xi32>
          %parallel_loop3A_754 = tpu.bitcast %parallel_loop3A_753 : vector<16xi32> -> vector<16xf32>
          %parallel_loop3A_755 = arith.constant 16 : i32
          %parallel_loop3A_756 = vector.broadcast %parallel_loop3A_755 : i32 to vector<16xi32>
          %parallel_loop3A_757 = arith.shli %parallel_loop3A_732, %parallel_loop3A_756 : vector<16xi32>
          %parallel_loop3A_758 = tpu.bitcast %parallel_loop3A_757 : vector<16xi32> -> vector<16xf32>
          %parallel_loop3A_759 = arith.addf %parallel_loop3A_754, %parallel_loop3A_758 : vector<16xf32>
          %parallel_loop3A_760 = arith.constant -65536 : i32
          %parallel_loop3A_761 = vector.broadcast %parallel_loop3A_760 : i32 to vector<16xi32>
          %parallel_loop3A_762 = arith.andi %parallel_loop3A_728, %parallel_loop3A_761 : vector<16xi32>
          %parallel_loop3A_763 = tpu.bitcast %parallel_loop3A_762 : vector<16xi32> -> vector<16xf32>
          %parallel_loop3A_764 = arith.constant -65536 : i32
          %parallel_loop3A_765 = vector.broadcast %parallel_loop3A_764 : i32 to vector<16xi32>
          %parallel_loop3A_766 = arith.andi %parallel_loop3A_732, %parallel_loop3A_765 : vector<16xi32>
          %parallel_loop3A_767 = tpu.bitcast %parallel_loop3A_766 : vector<16xi32> -> vector<16xf32>
          %parallel_loop3A_768 = arith.addf %parallel_loop3A_763, %parallel_loop3A_767 : vector<16xf32>
          %parallel_loop3A_769 = math.exp %parallel_loop3A_741 : vector<16xf32>
          %parallel_loop3A_770 = math.exp %parallel_loop3A_759 : vector<16xf32>
          %parallel_loop3A_771 = arith.subf %parallel_loop3A_769, %parallel_loop3A_770 : vector<16xf32>
          %parallel_loop3A_772 = arith.constant 1.000000e+00 : f32
          %parallel_loop3A_773 = vector.broadcast %parallel_loop3A_772 : f32 to vector<16xf32>
          %parallel_loop3A_774 = arith.addf %parallel_loop3A_773, %parallel_loop3A_769 : vector<16xf32>
          %parallel_loop3A_775 = arith.constant 1.000000e+00 : f32
          %parallel_loop3A_776 = vector.broadcast %parallel_loop3A_775 : f32 to vector<16xf32>
          %parallel_loop3A_777 = arith.addf %parallel_loop3A_776, %parallel_loop3A_770 : vector<16xf32>
          %parallel_loop3A_778 = arith.mulf %parallel_loop3A_774, %parallel_loop3A_777 : vector<16xf32>
          %parallel_loop3A_779 = arith.divf %parallel_loop3A_771, %parallel_loop3A_778 : vector<16xf32>
          %parallel_loop3A_780 = arith.mulf %get3A_38, %parallel_loop3A_779 : vector<16xf32>
          %parallel_loop3A_781 = arith.addf %parallel_loop3A_716, %parallel_loop3A_780 : vector<16xf32>
          %parallel_loop3A_782 = math.exp %parallel_loop3A_750 : vector<16xf32>
          %parallel_loop3A_783 = math.exp %parallel_loop3A_768 : vector<16xf32>
          %parallel_loop3A_784 = arith.subf %parallel_loop3A_782, %parallel_loop3A_783 : vector<16xf32>
          %parallel_loop3A_785 = arith.constant 1.000000e+00 : f32
          %parallel_loop3A_786 = vector.broadcast %parallel_loop3A_785 : f32 to vector<16xf32>
          %parallel_loop3A_787 = arith.addf %parallel_loop3A_786, %parallel_loop3A_782 : vector<16xf32>
          %parallel_loop3A_788 = arith.constant 1.000000e+00 : f32
          %parallel_loop3A_789 = vector.broadcast %parallel_loop3A_788 : f32 to vector<16xf32>
          %parallel_loop3A_790 = arith.addf %parallel_loop3A_789, %parallel_loop3A_783 : vector<16xf32>
          %parallel_loop3A_791 = arith.mulf %parallel_loop3A_787, %parallel_loop3A_790 : vector<16xf32>
          %parallel_loop3A_792 = arith.divf %parallel_loop3A_784, %parallel_loop3A_791 : vector<16xf32>
          %parallel_loop3A_793 = arith.mulf %get3A_41, %parallel_loop3A_792 : vector<16xf32>
          %parallel_loop3A_794 = arith.addf %parallel_loop3A_781, %parallel_loop3A_793 : vector<16xf32>
          %parallel_loop3A_795 = vector.shape_cast %xor3A_43 : vector<16xi32> to vector<16x1xi32>
          %parallel_loop3A_796 = vector.shape_cast %parallel_loop3A_795 : vector<16x1xi32> to vector<16xi32>
          %parallel_loop3A_797 = tpu.dynamic_gather %parallel_loop3A_794[%parallel_loop3A_796] in [0] : vector<16xf32>, vector<16xi32> -> vector<16xf32>
          %parallel_loop3A_798 = arith.addf %parallel_loop3A_794, %parallel_loop3A_797 : vector<16xf32>
          %parallel_loop3A_799 = vector.shape_cast %xor3A_46 : vector<16xi32> to vector<16x1xi32>
          %parallel_loop3A_800 = vector.shape_cast %parallel_loop3A_799 : vector<16x1xi32> to vector<16xi32>
          %parallel_loop3A_801 = tpu.dynamic_gather %parallel_loop3A_798[%parallel_loop3A_800] in [0] : vector<16xf32>, vector<16xi32> -> vector<16xf32>
          %parallel_loop3A_802 = arith.addf %parallel_loop3A_798, %parallel_loop3A_801 : vector<16xf32>
          %parallel_loop3A_803 = vector.shape_cast %xor3A_49 : vector<16xi32> to vector<16x1xi32>
          %parallel_loop3A_804 = vector.shape_cast %parallel_loop3A_803 : vector<16x1xi32> to vector<16xi32>
          %parallel_loop3A_805 = tpu.dynamic_gather %parallel_loop3A_802[%parallel_loop3A_804] in [0] : vector<16xf32>, vector<16xi32> -> vector<16xf32>
          %parallel_loop3A_806 = arith.addf %parallel_loop3A_802, %parallel_loop3A_805 : vector<16xf32>
          %parallel_loop3A_807 = vector.shape_cast %xor3A_52 : vector<16xi32> to vector<16x1xi32>
          %parallel_loop3A_808 = vector.shape_cast %parallel_loop3A_807 : vector<16x1xi32> to vector<16xi32>
          %parallel_loop3A_809 = tpu.dynamic_gather %parallel_loop3A_806[%parallel_loop3A_808] in [0] : vector<16xf32>, vector<16xi32> -> vector<16xf32>
          %parallel_loop3A_810 = arith.addf %parallel_loop3A_806, %parallel_loop3A_809 : vector<16xf32>
          %parallel_loop3A_811 = vector.broadcast %parallel_loop3A_476 : i32 to vector<16xi32>
          %parallel_loop3A_812 = arith.cmpi eq, %iota3A, %parallel_loop3A_811 : vector<16xi32>
          %parallel_loop3A_813 = arith.select %parallel_loop3A_812, %parallel_loop3A_810, %parallel_loop3A_477 : vector<16xi1>, vector<16xf32>
          scf.yield %parallel_loop3A_813 : vector<16xf32>
        } {sc.loop_unroll_factor = 4 : i64, sc.parallel_access}
        %mul3A_470 = arith.constant 16 : i32
        %mul3A_471 = arith.muli %scan3A_464, %mul3A_470 : i32
        %swap3A_472 = arith.index_cast %mul3A_471 : i32 to index
        %swap3A_473 = tpu.vector_load %arg33[%swap3A_472] {strides = array<i32>} : memref<64xf32, #tpu.memory_space<vmem>>, vector<16xf32>,
        %swap3A_474 = vector.shape_cast %swap3A_473 : vector<16xf32> to vector<16xf32>
        %swap3A_475 = vector.shape_cast %parallel_loop3A_469 : vector<16xf32> to vector<16xf32>
        tpu.vector_store %arg33[%swap3A_472], %swap3A_475 {strides = array<i32>} : memref<64xf32, #tpu.memory_space<vmem>>, vector<16xf32>,
      }
      %scan3A_245 = arith.constant 4 : i32
      %dma_start3A_246 = arith.constant 0 : i32
      %dma_start3A_247 = tpu.memref_slice %arg17[%add3A_210, %dma_start3A_246] : memref<80x64xi32, #tpu.memory_space<vmem>> -> memref<1x64xi32, #tpu.memory_space<vmem>>
      %dma_start3A_248 = tpu.memref_squeeze %dma_start3A_247 : memref<1x64xi32, #tpu.memory_space<vmem>> -> memref<64xi32, #tpu.memory_space<vmem>>
      %dma_start3A_249 = arith.constant 0 : i32
      %dma_start3A_250 = tpu.memref_slice %arg40[%dma_start3A_249] : memref<40960xf32, #tpu.memory_space<vmem_shared>> -> memref<40960xf32, #tpu.memory_space<vmem_shared>>
      tpu.enqueue_indirect_dma source(%arg33 : memref<64xf32, #tpu.memory_space<vmem>>) target(%dma_start3A_250 : memref<40960xf32, #tpu.memory_space<vmem_shared>>) offsets(%dma_start3A_248 : memref<64xi32, #tpu.memory_space<vmem>>) semaphore(%arg47 : memref<!tpu.dma_semaphore, #tpu.memory_space<semaphore_mem>>) {add = true}
      %dma_start3A_251 = arith.constant 0 : i32
      %dma_start3A_252 = tpu.memref_slice %arg17[%add3A_210, %dma_start3A_251] : memref<80x64xi32, #tpu.memory_space<vmem>> -> memref<1x64xi32, #tpu.memory_space<vmem>>
      %dma_start3A_253 = tpu.memref_squeeze %dma_start3A_252 : memref<1x64xi32, #tpu.memory_space<vmem>> -> memref<64xi32, #tpu.memory_space<vmem>>
      %dma_start3A_254 = arith.constant 0 : i32
      %dma_start3A_255 = tpu.memref_slice %arg41[%dma_start3A_254] : memref<40960xf32, #tpu.memory_space<vmem_shared>> -> memref<40960xf32, #tpu.memory_space<vmem_shared>>
      tpu.enqueue_indirect_dma source(%arg38 : memref<64xf32, #tpu.memory_space<vmem>>) target(%dma_start3A_255 : memref<40960xf32, #tpu.memory_space<vmem_shared>>) offsets(%dma_start3A_253 : memref<64xi32, #tpu.memory_space<vmem>>) semaphore(%arg47 : memref<!tpu.dma_semaphore, #tpu.memory_space<semaphore_mem>>) {add = true}
      %mul3A_256 = arith.constant 5 : i32
      %mul3A_257 = arith.muli %scan3A_206, %mul3A_256 : i32
      %add3A_258 = arith.constant 1 : i32
      %add3A_259 = arith.addi %mul3A_257, %add3A_258 : i32
      %dma_wait3A_260 = arith.constant 0 : i32
      %dma_wait3A_261 = tpu.memref_slice %arg14[%add3A_259, %dma_wait3A_260] : memref<80x64xi32, #tpu.memory_space<vmem>> -> memref<1x64xi32, #tpu.memory_space<vmem>>
      %dma_wait3A_262 = tpu.memref_squeeze %dma_wait3A_261 : memref<1x64xi32, #tpu.memory_space<vmem>> -> memref<64xi32, #tpu.memory_space<vmem>>
      %dma_wait3A_263 = arith.constant 0 : i32
      %dma_wait3A_264 = arith.constant 0 : i32
      %dma_wait3A_265 = tpu.memref_slice %arg2[%dma_wait3A_263, %dma_wait3A_264] : memref<10000x64xi32, #tpu.memory_space<hbm>> -> memref<10000x64xi32, #tpu.memory_space<hbm>>
      tpu.wait_indirect_dma semaphore(%arg43 : memref<!tpu.dma_semaphore, #tpu.memory_space<semaphore_mem>>) src(%dma_wait3A_265 : memref<10000x64xi32, #tpu.memory_space<hbm>>) dst(%arg19 : memref<64x64xi32, #tpu.memory_space<vmem>>)
      %dma_wait3A_266 = arith.constant 0 : i32
      %dma_wait3A_267 = tpu.memref_slice %arg15[%add3A_259, %dma_wait3A_266] : memref<80x64xi32, #tpu.memory_space<vmem>> -> memref<1x64xi32, #tpu.memory_space<vmem>>
      %dma_wait3A_268 = tpu.memref_squeeze %dma_wait3A_267 : memref<1x64xi32, #tpu.memory_space<vmem>> -> memref<64xi32, #tpu.memory_space<vmem>>
      %dma_wait3A_269 = arith.constant 0 : i32
      %dma_wait3A_270 = arith.constant 0 : i32
      %dma_wait3A_271 = tpu.memref_slice %arg3[%dma_wait3A_269, %dma_wait3A_270] : memref<10000x64xi32, #tpu.memory_space<hbm>> -> memref<10000x64xi32, #tpu.memory_space<hbm>>
      tpu.wait_indirect_dma semaphore(%arg43 : memref<!tpu.dma_semaphore, #tpu.memory_space<semaphore_mem>>) src(%dma_wait3A_271 : memref<10000x64xi32, #tpu.memory_space<hbm>>) dst(%arg24 : memref<64x64xi32, #tpu.memory_space<vmem>>)
      %dma_wait3A_272 = arith.constant 0 : i32
      %dma_wait3A_273 = tpu.memref_slice %arg16[%add3A_259, %dma_wait3A_272] : memref<80x64xi32, #tpu.memory_space<vmem>> -> memref<1x64xi32, #tpu.memory_space<vmem>>
      %dma_wait3A_274 = tpu.memref_squeeze %dma_wait3A_273 : memref<1x64xi32, #tpu.memory_space<vmem>> -> memref<64xi32, #tpu.memory_space<vmem>>
      %dma_wait3A_275 = arith.constant 0 : i32
      %dma_wait3A_276 = arith.constant 0 : i32
      %dma_wait3A_277 = tpu.memref_slice %arg4[%dma_wait3A_275, %dma_wait3A_276] : memref<1000x128xi32, #tpu.memory_space<hbm>> -> memref<1000x128xi32, #tpu.memory_space<hbm>>
      tpu.wait_indirect_dma semaphore(%arg43 : memref<!tpu.dma_semaphore, #tpu.memory_space<semaphore_mem>>) src(%dma_wait3A_277 : memref<1000x128xi32, #tpu.memory_space<hbm>>) dst(%arg29 : memref<64x128xi32, #tpu.memory_space<vmem>>)
      %add3A_278 = arith.constant 5 : i32
      %add3A_279 = arith.addi %add3A_259, %add3A_278 : i32
      %sub3A_280 = arith.constant 1 : i32
      %sub3A_281 = arith.subi %add3A_279, %sub3A_280 : i32
      %lt3A_282 = arith.constant 80 : i32
      %lt3A_283 = arith.cmpi slt, %sub3A_281, %lt3A_282 : i32
      %convert_element_type3A_284 = arith.extui %lt3A_283 : i1 to i32
      %cond3A_285 = arith.constant 0 : i32
      %cond3A_286 = arith.cmpi ne, %convert_element_type3A_284, %cond3A_285 : i32
      scf.if %cond3A_286 {
        %add3A_464 = arith.constant 5 : i32
        %add3A_465 = arith.addi %add3A_259, %add3A_464 : i32
        %sub3A_466 = arith.constant 1 : i32
        %sub3A_467 = arith.subi %add3A_465, %sub3A_466 : i32
        %dma_start3A_468 = arith.constant 0 : i32
        %dma_start3A_469 = tpu.memref_slice %arg14[%sub3A_467, %dma_start3A_468] : memref<80x64xi32, #tpu.memory_space<vmem>> -> memref<1x64xi32, #tpu.memory_space<vmem>>
        %dma_start3A_470 = tpu.memref_squeeze %dma_start3A_469 : memref<1x64xi32, #tpu.memory_space<vmem>> -> memref<64xi32, #tpu.memory_space<vmem>>
        %dma_start3A_471 = arith.constant 0 : i32
        %dma_start3A_472 = arith.constant 0 : i32
        %dma_start3A_473 = tpu.memref_slice %arg2[%dma_start3A_471, %dma_start3A_472] : memref<10000x64xi32, #tpu.memory_space<hbm>> -> memref<10000x64xi32, #tpu.memory_space<hbm>>
        tpu.enqueue_indirect_dma source(%dma_start3A_473 : memref<10000x64xi32, #tpu.memory_space<hbm>>) target(%arg18 : memref<64x64xi32, #tpu.memory_space<vmem>>) offsets(%dma_start3A_470 : memref<64xi32, #tpu.memory_space<vmem>>) semaphore(%arg42 : memref<!tpu.dma_semaphore, #tpu.memory_space<semaphore_mem>>)
        %dma_start3A_474 = arith.constant 0 : i32
        %dma_start3A_475 = tpu.memref_slice %arg15[%sub3A_467, %dma_start3A_474] : memref<80x64xi32, #tpu.memory_space<vmem>> -> memref<1x64xi32, #tpu.memory_space<vmem>>
        %dma_start3A_476 = tpu.memref_squeeze %dma_start3A_475 : memref<1x64xi32, #tpu.memory_space<vmem>> -> memref<64xi32, #tpu.memory_space<vmem>>
        %dma_start3A_477 = arith.constant 0 : i32
        %dma_start3A_478 = arith.constant 0 : i32
        %dma_start3A_479 = tpu.memref_slice %arg3[%dma_start3A_477, %dma_start3A_478] : memref<10000x64xi32, #tpu.memory_space<hbm>> -> memref<10000x64xi32, #tpu.memory_space<hbm>>
        tpu.enqueue_indirect_dma source(%dma_start3A_479 : memref<10000x64xi32, #tpu.memory_space<hbm>>) target(%arg23 : memref<64x64xi32, #tpu.memory_space<vmem>>) offsets(%dma_start3A_476 : memref<64xi32, #tpu.memory_space<vmem>>) semaphore(%arg42 : memref<!tpu.dma_semaphore, #tpu.memory_space<semaphore_mem>>)
        %dma_start3A_480 = arith.constant 0 : i32
        %dma_start3A_481 = tpu.memref_slice %arg16[%sub3A_467, %dma_start3A_480] : memref<80x64xi32, #tpu.memory_space<vmem>> -> memref<1x64xi32, #tpu.memory_space<vmem>>
        %dma_start3A_482 = tpu.memref_squeeze %dma_start3A_481 : memref<1x64xi32, #tpu.memory_space<vmem>> -> memref<64xi32, #tpu.memory_space<vmem>>
        %dma_start3A_483 = arith.constant 0 : i32
        %dma_start3A_484 = arith.constant 0 : i32
        %dma_start3A_485 = tpu.memref_slice %arg4[%dma_start3A_483, %dma_start3A_484] : memref<1000x128xi32, #tpu.memory_space<hbm>> -> memref<1000x128xi32, #tpu.memory_space<hbm>>
        tpu.enqueue_indirect_dma source(%dma_start3A_485 : memref<1000x128xi32, #tpu.memory_space<hbm>>) target(%arg28 : memref<64x128xi32, #tpu.memory_space<vmem>>) offsets(%dma_start3A_482 : memref<64xi32, #tpu.memory_space<vmem>>) semaphore(%arg42 : memref<!tpu.dma_semaphore, #tpu.memory_space<semaphore_mem>>)
      } else {
      }
      %ge3A_287 = arith.constant 5 : i32
      %ge3A_288 = arith.cmpi sge, %add3A_259, %ge3A_287 : i32
      %convert_element_type3A_289 = arith.extui %ge3A_288 : i1 to i32
      %cond3A_290 = arith.constant 0 : i32
      %cond3A_291 = arith.cmpi ne, %convert_element_type3A_289, %cond3A_290 : i32
      scf.if %cond3A_291 {
        %sub3A_464 = arith.constant 5 : i32
        %sub3A_465 = arith.subi %add3A_259, %sub3A_464 : i32
        %dma_wait3A_466 = arith.constant 0 : i32
        %dma_wait3A_467 = tpu.memref_slice %arg17[%sub3A_465, %dma_wait3A_466] : memref<80x64xi32, #tpu.memory_space<vmem>> -> memref<1x64xi32, #tpu.memory_space<vmem>>
        %dma_wait3A_468 = tpu.memref_squeeze %dma_wait3A_467 : memref<1x64xi32, #tpu.memory_space<vmem>> -> memref<64xi32, #tpu.memory_space<vmem>>
        %dma_wait3A_469 = arith.constant 0 : i32
        %dma_wait3A_470 = tpu.memref_slice %arg40[%dma_wait3A_469] : memref<40960xf32, #tpu.memory_space<vmem_shared>> -> memref<40960xf32, #tpu.memory_space<vmem_shared>>
        tpu.wait_indirect_dma semaphore(%arg48 : memref<!tpu.dma_semaphore, #tpu.memory_space<semaphore_mem>>) src(%arg34 : memref<64xf32, #tpu.memory_space<vmem>>) dst(%dma_wait3A_470 : memref<40960xf32, #tpu.memory_space<vmem_shared>>)
        %dma_wait3A_471 = arith.constant 0 : i32
        %dma_wait3A_472 = tpu.memref_slice %arg17[%sub3A_465, %dma_wait3A_471] : memref<80x64xi32, #tpu.memory_space<vmem>> -> memref<1x64xi32, #tpu.memory_space<vmem>>
        %dma_wait3A_473 = tpu.memref_squeeze %dma_wait3A_472 : memref<1x64xi32, #tpu.memory_space<vmem>> -> memref<64xi32, #tpu.memory_space<vmem>>
        %dma_wait3A_474 = arith.constant 0 : i32
        %dma_wait3A_475 = tpu.memref_slice %arg41[%dma_wait3A_474] : memref<40960xf32, #tpu.memory_space<vmem_shared>> -> memref<40960xf32, #tpu.memory_space<vmem_shared>>
        tpu.wait_indirect_dma semaphore(%arg48 : memref<!tpu.dma_semaphore, #tpu.memory_space<semaphore_mem>>) src(%arg38 : memref<64xf32, #tpu.memory_space<vmem>>) dst(%dma_wait3A_475 : memref<40960xf32, #tpu.memory_space<vmem_shared>>)
      } else {
      }
      %scan3A_292 = arith.constant 0 : i32
      %scan3A_293 = arith.constant 0 : i32
      %scan3A_294 = arith.constant 4 : i32
      %scan3A_295 = arith.addi %scan3A_293, %scan3A_294 : i32
      %scan3A_296 = arith.constant 1 : i32
      scf.for %scan3A_464 = %scan3A_293 to %scan3A_295 step %scan3A_296  : i32 {
        %broadcast_in_dim3A_465 = arith.constant 0.000000e+00 : f32
        %broadcast_in_dim3A_466 = vector.broadcast %broadcast_in_dim3A_465 : f32 to vector<16xf32>
        %parallel_loop3A = arith.constant 0 : i32
        %parallel_loop3A_467 = arith.constant 16 : i32
        %parallel_loop3A_468 = arith.constant 1 : i32
        %parallel_loop3A_469 = scf.for %parallel_loop3A_476 = %parallel_loop3A to %parallel_loop3A_467 step %parallel_loop3A_468 iter_args(%parallel_loop3A_477 = %broadcast_in_dim3A_466) -> (vector<16xf32>)  : i32 {
          %parallel_loop3A_478 = arith.constant 16 : i32
          %parallel_loop3A_479 = arith.muli %scan3A_464, %parallel_loop3A_478 : i32
          %parallel_loop3A_480 = arith.addi %parallel_loop3A_479, %parallel_loop3A_476 : i32
          %parallel_loop3A_481 = arith.constant 0.000000e+00 : f32
          %parallel_loop3A_482 = vector.broadcast %parallel_loop3A_481 : f32 to vector<16xf32>
          %parallel_loop3A_483 = arith.index_cast %parallel_loop3A_480 : i32 to index
          %parallel_loop3A_484 = arith.constant 0 : index
          %parallel_loop3A_485 = tpu.vector_load %arg29[%parallel_loop3A_483, %parallel_loop3A_484] {strides = array<i32>} : memref<64x128xi32, #tpu.memory_space<vmem>>, vector<1x16xi32>,
          %parallel_loop3A_486 = vector.shape_cast %parallel_loop3A_485 : vector<1x16xi32> to vector<16xi32>
          %parallel_loop3A_487 = arith.index_cast %parallel_loop3A_480 : i32 to index
          %parallel_loop3A_488 = arith.constant 0 : index
          %parallel_loop3A_489 = tpu.vector_load %arg19[%parallel_loop3A_487, %parallel_loop3A_488] {strides = array<i32>} : memref<64x64xi32, #tpu.memory_space<vmem>>, vector<1x16xi32>,
          %parallel_loop3A_490 = vector.shape_cast %parallel_loop3A_489 : vector<1x16xi32> to vector<16xi32>
          %parallel_loop3A_491 = arith.index_cast %parallel_loop3A_480 : i32 to index
          %parallel_loop3A_492 = arith.constant 64 : index
          %parallel_loop3A_493 = tpu.vector_load %arg29[%parallel_loop3A_491, %parallel_loop3A_492] {strides = array<i32>} : memref<64x128xi32, #tpu.memory_space<vmem>>, vector<1x16xi32>,
          %parallel_loop3A_494 = vector.shape_cast %parallel_loop3A_493 : vector<1x16xi32> to vector<16xi32>
          %parallel_loop3A_495 = arith.index_cast %parallel_loop3A_480 : i32 to index
          %parallel_loop3A_496 = arith.constant 0 : index
          %parallel_loop3A_497 = tpu.vector_load %arg24[%parallel_loop3A_495, %parallel_loop3A_496] {strides = array<i32>} : memref<64x64xi32, #tpu.memory_space<vmem>>, vector<1x16xi32>,
          %parallel_loop3A_498 = vector.shape_cast %parallel_loop3A_497 : vector<1x16xi32> to vector<16xi32>
          %parallel_loop3A_499 = arith.constant 16 : i32
          %parallel_loop3A_500 = vector.broadcast %parallel_loop3A_499 : i32 to vector<16xi32>
          %parallel_loop3A_501 = arith.shli %parallel_loop3A_486, %parallel_loop3A_500 : vector<16xi32>
          %parallel_loop3A_502 = tpu.bitcast %parallel_loop3A_501 : vector<16xi32> -> vector<16xf32>
          %parallel_loop3A_503 = arith.constant 16 : i32
          %parallel_loop3A_504 = vector.broadcast %parallel_loop3A_503 : i32 to vector<16xi32>
          %parallel_loop3A_505 = arith.shli %parallel_loop3A_490, %parallel_loop3A_504 : vector<16xi32>
          %parallel_loop3A_506 = tpu.bitcast %parallel_loop3A_505 : vector<16xi32> -> vector<16xf32>
          %parallel_loop3A_507 = arith.addf %parallel_loop3A_502, %parallel_loop3A_506 : vector<16xf32>
          %parallel_loop3A_508 = arith.constant -65536 : i32
          %parallel_loop3A_509 = vector.broadcast %parallel_loop3A_508 : i32 to vector<16xi32>
          %parallel_loop3A_510 = arith.andi %parallel_loop3A_486, %parallel_loop3A_509 : vector<16xi32>
          %parallel_loop3A_511 = tpu.bitcast %parallel_loop3A_510 : vector<16xi32> -> vector<16xf32>
          %parallel_loop3A_512 = arith.constant -65536 : i32
          %parallel_loop3A_513 = vector.broadcast %parallel_loop3A_512 : i32 to vector<16xi32>
          %parallel_loop3A_514 = arith.andi %parallel_loop3A_490, %parallel_loop3A_513 : vector<16xi32>
          %parallel_loop3A_515 = tpu.bitcast %parallel_loop3A_514 : vector<16xi32> -> vector<16xf32>
          %parallel_loop3A_516 = arith.addf %parallel_loop3A_511, %parallel_loop3A_515 : vector<16xf32>
          %parallel_loop3A_517 = arith.constant 16 : i32
          %parallel_loop3A_518 = vector.broadcast %parallel_loop3A_517 : i32 to vector<16xi32>
          %parallel_loop3A_519 = arith.shli %parallel_loop3A_494, %parallel_loop3A_518 : vector<16xi32>
          %parallel_loop3A_520 = tpu.bitcast %parallel_loop3A_519 : vector<16xi32> -> vector<16xf32>
          %parallel_loop3A_521 = arith.constant 16 : i32
          %parallel_loop3A_522 = vector.broadcast %parallel_loop3A_521 : i32 to vector<16xi32>
          %parallel_loop3A_523 = arith.shli %parallel_loop3A_498, %parallel_loop3A_522 : vector<16xi32>
          %parallel_loop3A_524 = tpu.bitcast %parallel_loop3A_523 : vector<16xi32> -> vector<16xf32>
          %parallel_loop3A_525 = arith.addf %parallel_loop3A_520, %parallel_loop3A_524 : vector<16xf32>
          %parallel_loop3A_526 = arith.constant -65536 : i32
          %parallel_loop3A_527 = vector.broadcast %parallel_loop3A_526 : i32 to vector<16xi32>
          %parallel_loop3A_528 = arith.andi %parallel_loop3A_494, %parallel_loop3A_527 : vector<16xi32>
          %parallel_loop3A_529 = tpu.bitcast %parallel_loop3A_528 : vector<16xi32> -> vector<16xf32>
          %parallel_loop3A_530 = arith.constant -65536 : i32
          %parallel_loop3A_531 = vector.broadcast %parallel_loop3A_530 : i32 to vector<16xi32>
          %parallel_loop3A_532 = arith.andi %parallel_loop3A_498, %parallel_loop3A_531 : vector<16xi32>
          %parallel_loop3A_533 = tpu.bitcast %parallel_loop3A_532 : vector<16xi32> -> vector<16xf32>
          %parallel_loop3A_534 = arith.addf %parallel_loop3A_529, %parallel_loop3A_533 : vector<16xf32>
          %parallel_loop3A_535 = math.exp %parallel_loop3A_507 : vector<16xf32>
          %parallel_loop3A_536 = math.exp %parallel_loop3A_525 : vector<16xf32>
          %parallel_loop3A_537 = arith.subf %parallel_loop3A_535, %parallel_loop3A_536 : vector<16xf32>
          %parallel_loop3A_538 = arith.constant 1.000000e+00 : f32
          %parallel_loop3A_539 = vector.broadcast %parallel_loop3A_538 : f32 to vector<16xf32>
          %parallel_loop3A_540 = arith.addf %parallel_loop3A_539, %parallel_loop3A_535 : vector<16xf32>
          %parallel_loop3A_541 = arith.constant 1.000000e+00 : f32
          %parallel_loop3A_542 = vector.broadcast %parallel_loop3A_541 : f32 to vector<16xf32>
          %parallel_loop3A_543 = arith.addf %parallel_loop3A_542, %parallel_loop3A_536 : vector<16xf32>
          %parallel_loop3A_544 = arith.mulf %parallel_loop3A_540, %parallel_loop3A_543 : vector<16xf32>
          %parallel_loop3A_545 = arith.divf %parallel_loop3A_537, %parallel_loop3A_544 : vector<16xf32>
          %parallel_loop3A_546 = arith.mulf %get3A_20, %parallel_loop3A_545 : vector<16xf32>
          %parallel_loop3A_547 = arith.addf %parallel_loop3A_482, %parallel_loop3A_546 : vector<16xf32>
          %parallel_loop3A_548 = math.exp %parallel_loop3A_516 : vector<16xf32>
          %parallel_loop3A_549 = math.exp %parallel_loop3A_534 : vector<16xf32>
          %parallel_loop3A_550 = arith.subf %parallel_loop3A_548, %parallel_loop3A_549 : vector<16xf32>
          %parallel_loop3A_551 = arith.constant 1.000000e+00 : f32
          %parallel_loop3A_552 = vector.broadcast %parallel_loop3A_551 : f32 to vector<16xf32>
          %parallel_loop3A_553 = arith.addf %parallel_loop3A_552, %parallel_loop3A_548 : vector<16xf32>
          %parallel_loop3A_554 = arith.constant 1.000000e+00 : f32
          %parallel_loop3A_555 = vector.broadcast %parallel_loop3A_554 : f32 to vector<16xf32>
          %parallel_loop3A_556 = arith.addf %parallel_loop3A_555, %parallel_loop3A_549 : vector<16xf32>
          %parallel_loop3A_557 = arith.mulf %parallel_loop3A_553, %parallel_loop3A_556 : vector<16xf32>
          %parallel_loop3A_558 = arith.divf %parallel_loop3A_550, %parallel_loop3A_557 : vector<16xf32>
          %parallel_loop3A_559 = arith.mulf %get3A_23, %parallel_loop3A_558 : vector<16xf32>
          %parallel_loop3A_560 = arith.addf %parallel_loop3A_547, %parallel_loop3A_559 : vector<16xf32>
          %parallel_loop3A_561 = arith.index_cast %parallel_loop3A_480 : i32 to index
          %parallel_loop3A_562 = arith.constant 16 : index
          %parallel_loop3A_563 = tpu.vector_load %arg29[%parallel_loop3A_561, %parallel_loop3A_562] {strides = array<i32>} : memref<64x128xi32, #tpu.memory_space<vmem>>, vector<1x16xi32>,
          %parallel_loop3A_564 = vector.shape_cast %parallel_loop3A_563 : vector<1x16xi32> to vector<16xi32>
          %parallel_loop3A_565 = arith.index_cast %parallel_loop3A_480 : i32 to index
          %parallel_loop3A_566 = arith.constant 16 : index
          %parallel_loop3A_567 = tpu.vector_load %arg19[%parallel_loop3A_565, %parallel_loop3A_566] {strides = array<i32>} : memref<64x64xi32, #tpu.memory_space<vmem>>, vector<1x16xi32>,
          %parallel_loop3A_568 = vector.shape_cast %parallel_loop3A_567 : vector<1x16xi32> to vector<16xi32>
          %parallel_loop3A_569 = arith.index_cast %parallel_loop3A_480 : i32 to index
          %parallel_loop3A_570 = arith.constant 80 : index
          %parallel_loop3A_571 = tpu.vector_load %arg29[%parallel_loop3A_569, %parallel_loop3A_570] {strides = array<i32>} : memref<64x128xi32, #tpu.memory_space<vmem>>, vector<1x16xi32>,
          %parallel_loop3A_572 = vector.shape_cast %parallel_loop3A_571 : vector<1x16xi32> to vector<16xi32>
          %parallel_loop3A_573 = arith.index_cast %parallel_loop3A_480 : i32 to index
          %parallel_loop3A_574 = arith.constant 16 : index
          %parallel_loop3A_575 = tpu.vector_load %arg24[%parallel_loop3A_573, %parallel_loop3A_574] {strides = array<i32>} : memref<64x64xi32, #tpu.memory_space<vmem>>, vector<1x16xi32>,
          %parallel_loop3A_576 = vector.shape_cast %parallel_loop3A_575 : vector<1x16xi32> to vector<16xi32>
          %parallel_loop3A_577 = arith.constant 16 : i32
          %parallel_loop3A_578 = vector.broadcast %parallel_loop3A_577 : i32 to vector<16xi32>
          %parallel_loop3A_579 = arith.shli %parallel_loop3A_564, %parallel_loop3A_578 : vector<16xi32>
          %parallel_loop3A_580 = tpu.bitcast %parallel_loop3A_579 : vector<16xi32> -> vector<16xf32>
          %parallel_loop3A_581 = arith.constant 16 : i32
          %parallel_loop3A_582 = vector.broadcast %parallel_loop3A_581 : i32 to vector<16xi32>
          %parallel_loop3A_583 = arith.shli %parallel_loop3A_568, %parallel_loop3A_582 : vector<16xi32>
          %parallel_loop3A_584 = tpu.bitcast %parallel_loop3A_583 : vector<16xi32> -> vector<16xf32>
          %parallel_loop3A_585 = arith.addf %parallel_loop3A_580, %parallel_loop3A_584 : vector<16xf32>
          %parallel_loop3A_586 = arith.constant -65536 : i32
          %parallel_loop3A_587 = vector.broadcast %parallel_loop3A_586 : i32 to vector<16xi32>
          %parallel_loop3A_588 = arith.andi %parallel_loop3A_564, %parallel_loop3A_587 : vector<16xi32>
          %parallel_loop3A_589 = tpu.bitcast %parallel_loop3A_588 : vector<16xi32> -> vector<16xf32>
          %parallel_loop3A_590 = arith.constant -65536 : i32
          %parallel_loop3A_591 = vector.broadcast %parallel_loop3A_590 : i32 to vector<16xi32>
          %parallel_loop3A_592 = arith.andi %parallel_loop3A_568, %parallel_loop3A_591 : vector<16xi32>
          %parallel_loop3A_593 = tpu.bitcast %parallel_loop3A_592 : vector<16xi32> -> vector<16xf32>
          %parallel_loop3A_594 = arith.addf %parallel_loop3A_589, %parallel_loop3A_593 : vector<16xf32>
          %parallel_loop3A_595 = arith.constant 16 : i32
          %parallel_loop3A_596 = vector.broadcast %parallel_loop3A_595 : i32 to vector<16xi32>
          %parallel_loop3A_597 = arith.shli %parallel_loop3A_572, %parallel_loop3A_596 : vector<16xi32>
          %parallel_loop3A_598 = tpu.bitcast %parallel_loop3A_597 : vector<16xi32> -> vector<16xf32>
          %parallel_loop3A_599 = arith.constant 16 : i32
          %parallel_loop3A_600 = vector.broadcast %parallel_loop3A_599 : i32 to vector<16xi32>
          %parallel_loop3A_601 = arith.shli %parallel_loop3A_576, %parallel_loop3A_600 : vector<16xi32>
          %parallel_loop3A_602 = tpu.bitcast %parallel_loop3A_601 : vector<16xi32> -> vector<16xf32>
          %parallel_loop3A_603 = arith.addf %parallel_loop3A_598, %parallel_loop3A_602 : vector<16xf32>
          %parallel_loop3A_604 = arith.constant -65536 : i32
          %parallel_loop3A_605 = vector.broadcast %parallel_loop3A_604 : i32 to vector<16xi32>
          %parallel_loop3A_606 = arith.andi %parallel_loop3A_572, %parallel_loop3A_605 : vector<16xi32>
          %parallel_loop3A_607 = tpu.bitcast %parallel_loop3A_606 : vector<16xi32> -> vector<16xf32>
          %parallel_loop3A_608 = arith.constant -65536 : i32
          %parallel_loop3A_609 = vector.broadcast %parallel_loop3A_608 : i32 to vector<16xi32>
          %parallel_loop3A_610 = arith.andi %parallel_loop3A_576, %parallel_loop3A_609 : vector<16xi32>
          %parallel_loop3A_611 = tpu.bitcast %parallel_loop3A_610 : vector<16xi32> -> vector<16xf32>
          %parallel_loop3A_612 = arith.addf %parallel_loop3A_607, %parallel_loop3A_611 : vector<16xf32>
          %parallel_loop3A_613 = math.exp %parallel_loop3A_585 : vector<16xf32>
          %parallel_loop3A_614 = math.exp %parallel_loop3A_603 : vector<16xf32>
          %parallel_loop3A_615 = arith.subf %parallel_loop3A_613, %parallel_loop3A_614 : vector<16xf32>
          %parallel_loop3A_616 = arith.constant 1.000000e+00 : f32
          %parallel_loop3A_617 = vector.broadcast %parallel_loop3A_616 : f32 to vector<16xf32>
          %parallel_loop3A_618 = arith.addf %parallel_loop3A_617, %parallel_loop3A_613 : vector<16xf32>
          %parallel_loop3A_619 = arith.constant 1.000000e+00 : f32
          %parallel_loop3A_620 = vector.broadcast %parallel_loop3A_619 : f32 to vector<16xf32>
          %parallel_loop3A_621 = arith.addf %parallel_loop3A_620, %parallel_loop3A_614 : vector<16xf32>
          %parallel_loop3A_622 = arith.mulf %parallel_loop3A_618, %parallel_loop3A_621 : vector<16xf32>
          %parallel_loop3A_623 = arith.divf %parallel_loop3A_615, %parallel_loop3A_622 : vector<16xf32>
          %parallel_loop3A_624 = arith.mulf %get3A_26, %parallel_loop3A_623 : vector<16xf32>
          %parallel_loop3A_625 = arith.addf %parallel_loop3A_560, %parallel_loop3A_624 : vector<16xf32>
          %parallel_loop3A_626 = math.exp %parallel_loop3A_594 : vector<16xf32>
          %parallel_loop3A_627 = math.exp %parallel_loop3A_612 : vector<16xf32>
          %parallel_loop3A_628 = arith.subf %parallel_loop3A_626, %parallel_loop3A_627 : vector<16xf32>
          %parallel_loop3A_629 = arith.constant 1.000000e+00 : f32
          %parallel_loop3A_630 = vector.broadcast %parallel_loop3A_629 : f32 to vector<16xf32>
          %parallel_loop3A_631 = arith.addf %parallel_loop3A_630, %parallel_loop3A_626 : vector<16xf32>
          %parallel_loop3A_632 = arith.constant 1.000000e+00 : f32
          %parallel_loop3A_633 = vector.broadcast %parallel_loop3A_632 : f32 to vector<16xf32>
          %parallel_loop3A_634 = arith.addf %parallel_loop3A_633, %parallel_loop3A_627 : vector<16xf32>
          %parallel_loop3A_635 = arith.mulf %parallel_loop3A_631, %parallel_loop3A_634 : vector<16xf32>
          %parallel_loop3A_636 = arith.divf %parallel_loop3A_628, %parallel_loop3A_635 : vector<16xf32>
          %parallel_loop3A_637 = arith.mulf %get3A_29, %parallel_loop3A_636 : vector<16xf32>
          %parallel_loop3A_638 = arith.addf %parallel_loop3A_625, %parallel_loop3A_637 : vector<16xf32>
          %parallel_loop3A_639 = arith.index_cast %parallel_loop3A_480 : i32 to index
          %parallel_loop3A_640 = arith.constant 32 : index
          %parallel_loop3A_641 = tpu.vector_load %arg29[%parallel_loop3A_639, %parallel_loop3A_640] {strides = array<i32>} : memref<64x128xi32, #tpu.memory_space<vmem>>, vector<1x16xi32>,
          %parallel_loop3A_642 = vector.shape_cast %parallel_loop3A_641 : vector<1x16xi32> to vector<16xi32>
          %parallel_loop3A_643 = arith.index_cast %parallel_loop3A_480 : i32 to index
          %parallel_loop3A_644 = arith.constant 32 : index
          %parallel_loop3A_645 = tpu.vector_load %arg19[%parallel_loop3A_643, %parallel_loop3A_644] {strides = array<i32>} : memref<64x64xi32, #tpu.memory_space<vmem>>, vector<1x16xi32>,
          %parallel_loop3A_646 = vector.shape_cast %parallel_loop3A_645 : vector<1x16xi32> to vector<16xi32>
          %parallel_loop3A_647 = arith.index_cast %parallel_loop3A_480 : i32 to index
          %parallel_loop3A_648 = arith.constant 96 : index
          %parallel_loop3A_649 = tpu.vector_load %arg29[%parallel_loop3A_647, %parallel_loop3A_648] {strides = array<i32>} : memref<64x128xi32, #tpu.memory_space<vmem>>, vector<1x16xi32>,
          %parallel_loop3A_650 = vector.shape_cast %parallel_loop3A_649 : vector<1x16xi32> to vector<16xi32>
          %parallel_loop3A_651 = arith.index_cast %parallel_loop3A_480 : i32 to index
          %parallel_loop3A_652 = arith.constant 32 : index
          %parallel_loop3A_653 = tpu.vector_load %arg24[%parallel_loop3A_651, %parallel_loop3A_652] {strides = array<i32>} : memref<64x64xi32, #tpu.memory_space<vmem>>, vector<1x16xi32>,
          %parallel_loop3A_654 = vector.shape_cast %parallel_loop3A_653 : vector<1x16xi32> to vector<16xi32>
          %parallel_loop3A_655 = arith.constant 16 : i32
          %parallel_loop3A_656 = vector.broadcast %parallel_loop3A_655 : i32 to vector<16xi32>
          %parallel_loop3A_657 = arith.shli %parallel_loop3A_642, %parallel_loop3A_656 : vector<16xi32>
          %parallel_loop3A_658 = tpu.bitcast %parallel_loop3A_657 : vector<16xi32> -> vector<16xf32>
          %parallel_loop3A_659 = arith.constant 16 : i32
          %parallel_loop3A_660 = vector.broadcast %parallel_loop3A_659 : i32 to vector<16xi32>
          %parallel_loop3A_661 = arith.shli %parallel_loop3A_646, %parallel_loop3A_660 : vector<16xi32>
          %parallel_loop3A_662 = tpu.bitcast %parallel_loop3A_661 : vector<16xi32> -> vector<16xf32>
          %parallel_loop3A_663 = arith.addf %parallel_loop3A_658, %parallel_loop3A_662 : vector<16xf32>
          %parallel_loop3A_664 = arith.constant -65536 : i32
          %parallel_loop3A_665 = vector.broadcast %parallel_loop3A_664 : i32 to vector<16xi32>
          %parallel_loop3A_666 = arith.andi %parallel_loop3A_642, %parallel_loop3A_665 : vector<16xi32>
          %parallel_loop3A_667 = tpu.bitcast %parallel_loop3A_666 : vector<16xi32> -> vector<16xf32>
          %parallel_loop3A_668 = arith.constant -65536 : i32
          %parallel_loop3A_669 = vector.broadcast %parallel_loop3A_668 : i32 to vector<16xi32>
          %parallel_loop3A_670 = arith.andi %parallel_loop3A_646, %parallel_loop3A_669 : vector<16xi32>
          %parallel_loop3A_671 = tpu.bitcast %parallel_loop3A_670 : vector<16xi32> -> vector<16xf32>
          %parallel_loop3A_672 = arith.addf %parallel_loop3A_667, %parallel_loop3A_671 : vector<16xf32>
          %parallel_loop3A_673 = arith.constant 16 : i32
          %parallel_loop3A_674 = vector.broadcast %parallel_loop3A_673 : i32 to vector<16xi32>
          %parallel_loop3A_675 = arith.shli %parallel_loop3A_650, %parallel_loop3A_674 : vector<16xi32>
          %parallel_loop3A_676 = tpu.bitcast %parallel_loop3A_675 : vector<16xi32> -> vector<16xf32>
          %parallel_loop3A_677 = arith.constant 16 : i32
          %parallel_loop3A_678 = vector.broadcast %parallel_loop3A_677 : i32 to vector<16xi32>
          %parallel_loop3A_679 = arith.shli %parallel_loop3A_654, %parallel_loop3A_678 : vector<16xi32>
          %parallel_loop3A_680 = tpu.bitcast %parallel_loop3A_679 : vector<16xi32> -> vector<16xf32>
          %parallel_loop3A_681 = arith.addf %parallel_loop3A_676, %parallel_loop3A_680 : vector<16xf32>
          %parallel_loop3A_682 = arith.constant -65536 : i32
          %parallel_loop3A_683 = vector.broadcast %parallel_loop3A_682 : i32 to vector<16xi32>
          %parallel_loop3A_684 = arith.andi %parallel_loop3A_650, %parallel_loop3A_683 : vector<16xi32>
          %parallel_loop3A_685 = tpu.bitcast %parallel_loop3A_684 : vector<16xi32> -> vector<16xf32>
          %parallel_loop3A_686 = arith.constant -65536 : i32
          %parallel_loop3A_687 = vector.broadcast %parallel_loop3A_686 : i32 to vector<16xi32>
          %parallel_loop3A_688 = arith.andi %parallel_loop3A_654, %parallel_loop3A_687 : vector<16xi32>
          %parallel_loop3A_689 = tpu.bitcast %parallel_loop3A_688 : vector<16xi32> -> vector<16xf32>
          %parallel_loop3A_690 = arith.addf %parallel_loop3A_685, %parallel_loop3A_689 : vector<16xf32>
          %parallel_loop3A_691 = math.exp %parallel_loop3A_663 : vector<16xf32>
          %parallel_loop3A_692 = math.exp %parallel_loop3A_681 : vector<16xf32>
          %parallel_loop3A_693 = arith.subf %parallel_loop3A_691, %parallel_loop3A_692 : vector<16xf32>
          %parallel_loop3A_694 = arith.constant 1.000000e+00 : f32
          %parallel_loop3A_695 = vector.broadcast %parallel_loop3A_694 : f32 to vector<16xf32>
          %parallel_loop3A_696 = arith.addf %parallel_loop3A_695, %parallel_loop3A_691 : vector<16xf32>
          %parallel_loop3A_697 = arith.constant 1.000000e+00 : f32
          %parallel_loop3A_698 = vector.broadcast %parallel_loop3A_697 : f32 to vector<16xf32>
          %parallel_loop3A_699 = arith.addf %parallel_loop3A_698, %parallel_loop3A_692 : vector<16xf32>
          %parallel_loop3A_700 = arith.mulf %parallel_loop3A_696, %parallel_loop3A_699 : vector<16xf32>
          %parallel_loop3A_701 = arith.divf %parallel_loop3A_693, %parallel_loop3A_700 : vector<16xf32>
          %parallel_loop3A_702 = arith.mulf %get3A_32, %parallel_loop3A_701 : vector<16xf32>
          %parallel_loop3A_703 = arith.addf %parallel_loop3A_638, %parallel_loop3A_702 : vector<16xf32>
          %parallel_loop3A_704 = math.exp %parallel_loop3A_672 : vector<16xf32>
          %parallel_loop3A_705 = math.exp %parallel_loop3A_690 : vector<16xf32>
          %parallel_loop3A_706 = arith.subf %parallel_loop3A_704, %parallel_loop3A_705 : vector<16xf32>
          %parallel_loop3A_707 = arith.constant 1.000000e+00 : f32
          %parallel_loop3A_708 = vector.broadcast %parallel_loop3A_707 : f32 to vector<16xf32>
          %parallel_loop3A_709 = arith.addf %parallel_loop3A_708, %parallel_loop3A_704 : vector<16xf32>
          %parallel_loop3A_710 = arith.constant 1.000000e+00 : f32
          %parallel_loop3A_711 = vector.broadcast %parallel_loop3A_710 : f32 to vector<16xf32>
          %parallel_loop3A_712 = arith.addf %parallel_loop3A_711, %parallel_loop3A_705 : vector<16xf32>
          %parallel_loop3A_713 = arith.mulf %parallel_loop3A_709, %parallel_loop3A_712 : vector<16xf32>
          %parallel_loop3A_714 = arith.divf %parallel_loop3A_706, %parallel_loop3A_713 : vector<16xf32>
          %parallel_loop3A_715 = arith.mulf %get3A_35, %parallel_loop3A_714 : vector<16xf32>
          %parallel_loop3A_716 = arith.addf %parallel_loop3A_703, %parallel_loop3A_715 : vector<16xf32>
          %parallel_loop3A_717 = arith.index_cast %parallel_loop3A_480 : i32 to index
          %parallel_loop3A_718 = arith.constant 48 : index
          %parallel_loop3A_719 = tpu.vector_load %arg29[%parallel_loop3A_717, %parallel_loop3A_718] {strides = array<i32>} : memref<64x128xi32, #tpu.memory_space<vmem>>, vector<1x16xi32>,
          %parallel_loop3A_720 = vector.shape_cast %parallel_loop3A_719 : vector<1x16xi32> to vector<16xi32>
          %parallel_loop3A_721 = arith.index_cast %parallel_loop3A_480 : i32 to index
          %parallel_loop3A_722 = arith.constant 48 : index
          %parallel_loop3A_723 = tpu.vector_load %arg19[%parallel_loop3A_721, %parallel_loop3A_722] {strides = array<i32>} : memref<64x64xi32, #tpu.memory_space<vmem>>, vector<1x16xi32>,
          %parallel_loop3A_724 = vector.shape_cast %parallel_loop3A_723 : vector<1x16xi32> to vector<16xi32>
          %parallel_loop3A_725 = arith.index_cast %parallel_loop3A_480 : i32 to index
          %parallel_loop3A_726 = arith.constant 112 : index
          %parallel_loop3A_727 = tpu.vector_load %arg29[%parallel_loop3A_725, %parallel_loop3A_726] {strides = array<i32>} : memref<64x128xi32, #tpu.memory_space<vmem>>, vector<1x16xi32>,
          %parallel_loop3A_728 = vector.shape_cast %parallel_loop3A_727 : vector<1x16xi32> to vector<16xi32>
          %parallel_loop3A_729 = arith.index_cast %parallel_loop3A_480 : i32 to index
          %parallel_loop3A_730 = arith.constant 48 : index
          %parallel_loop3A_731 = tpu.vector_load %arg24[%parallel_loop3A_729, %parallel_loop3A_730] {strides = array<i32>} : memref<64x64xi32, #tpu.memory_space<vmem>>, vector<1x16xi32>,
          %parallel_loop3A_732 = vector.shape_cast %parallel_loop3A_731 : vector<1x16xi32> to vector<16xi32>
          %parallel_loop3A_733 = arith.constant 16 : i32
          %parallel_loop3A_734 = vector.broadcast %parallel_loop3A_733 : i32 to vector<16xi32>
          %parallel_loop3A_735 = arith.shli %parallel_loop3A_720, %parallel_loop3A_734 : vector<16xi32>
          %parallel_loop3A_736 = tpu.bitcast %parallel_loop3A_735 : vector<16xi32> -> vector<16xf32>
          %parallel_loop3A_737 = arith.constant 16 : i32
          %parallel_loop3A_738 = vector.broadcast %parallel_loop3A_737 : i32 to vector<16xi32>
          %parallel_loop3A_739 = arith.shli %parallel_loop3A_724, %parallel_loop3A_738 : vector<16xi32>
          %parallel_loop3A_740 = tpu.bitcast %parallel_loop3A_739 : vector<16xi32> -> vector<16xf32>
          %parallel_loop3A_741 = arith.addf %parallel_loop3A_736, %parallel_loop3A_740 : vector<16xf32>
          %parallel_loop3A_742 = arith.constant -65536 : i32
          %parallel_loop3A_743 = vector.broadcast %parallel_loop3A_742 : i32 to vector<16xi32>
          %parallel_loop3A_744 = arith.andi %parallel_loop3A_720, %parallel_loop3A_743 : vector<16xi32>
          %parallel_loop3A_745 = tpu.bitcast %parallel_loop3A_744 : vector<16xi32> -> vector<16xf32>
          %parallel_loop3A_746 = arith.constant -65536 : i32
          %parallel_loop3A_747 = vector.broadcast %parallel_loop3A_746 : i32 to vector<16xi32>
          %parallel_loop3A_748 = arith.andi %parallel_loop3A_724, %parallel_loop3A_747 : vector<16xi32>
          %parallel_loop3A_749 = tpu.bitcast %parallel_loop3A_748 : vector<16xi32> -> vector<16xf32>
          %parallel_loop3A_750 = arith.addf %parallel_loop3A_745, %parallel_loop3A_749 : vector<16xf32>
          %parallel_loop3A_751 = arith.constant 16 : i32
          %parallel_loop3A_752 = vector.broadcast %parallel_loop3A_751 : i32 to vector<16xi32>
          %parallel_loop3A_753 = arith.shli %parallel_loop3A_728, %parallel_loop3A_752 : vector<16xi32>
          %parallel_loop3A_754 = tpu.bitcast %parallel_loop3A_753 : vector<16xi32> -> vector<16xf32>
          %parallel_loop3A_755 = arith.constant 16 : i32
          %parallel_loop3A_756 = vector.broadcast %parallel_loop3A_755 : i32 to vector<16xi32>
          %parallel_loop3A_757 = arith.shli %parallel_loop3A_732, %parallel_loop3A_756 : vector<16xi32>
          %parallel_loop3A_758 = tpu.bitcast %parallel_loop3A_757 : vector<16xi32> -> vector<16xf32>
          %parallel_loop3A_759 = arith.addf %parallel_loop3A_754, %parallel_loop3A_758 : vector<16xf32>
          %parallel_loop3A_760 = arith.constant -65536 : i32
          %parallel_loop3A_761 = vector.broadcast %parallel_loop3A_760 : i32 to vector<16xi32>
          %parallel_loop3A_762 = arith.andi %parallel_loop3A_728, %parallel_loop3A_761 : vector<16xi32>
          %parallel_loop3A_763 = tpu.bitcast %parallel_loop3A_762 : vector<16xi32> -> vector<16xf32>
          %parallel_loop3A_764 = arith.constant -65536 : i32
          %parallel_loop3A_765 = vector.broadcast %parallel_loop3A_764 : i32 to vector<16xi32>
          %parallel_loop3A_766 = arith.andi %parallel_loop3A_732, %parallel_loop3A_765 : vector<16xi32>
          %parallel_loop3A_767 = tpu.bitcast %parallel_loop3A_766 : vector<16xi32> -> vector<16xf32>
          %parallel_loop3A_768 = arith.addf %parallel_loop3A_763, %parallel_loop3A_767 : vector<16xf32>
          %parallel_loop3A_769 = math.exp %parallel_loop3A_741 : vector<16xf32>
          %parallel_loop3A_770 = math.exp %parallel_loop3A_759 : vector<16xf32>
          %parallel_loop3A_771 = arith.subf %parallel_loop3A_769, %parallel_loop3A_770 : vector<16xf32>
          %parallel_loop3A_772 = arith.constant 1.000000e+00 : f32
          %parallel_loop3A_773 = vector.broadcast %parallel_loop3A_772 : f32 to vector<16xf32>
          %parallel_loop3A_774 = arith.addf %parallel_loop3A_773, %parallel_loop3A_769 : vector<16xf32>
          %parallel_loop3A_775 = arith.constant 1.000000e+00 : f32
          %parallel_loop3A_776 = vector.broadcast %parallel_loop3A_775 : f32 to vector<16xf32>
          %parallel_loop3A_777 = arith.addf %parallel_loop3A_776, %parallel_loop3A_770 : vector<16xf32>
          %parallel_loop3A_778 = arith.mulf %parallel_loop3A_774, %parallel_loop3A_777 : vector<16xf32>
          %parallel_loop3A_779 = arith.divf %parallel_loop3A_771, %parallel_loop3A_778 : vector<16xf32>
          %parallel_loop3A_780 = arith.mulf %get3A_38, %parallel_loop3A_779 : vector<16xf32>
          %parallel_loop3A_781 = arith.addf %parallel_loop3A_716, %parallel_loop3A_780 : vector<16xf32>
          %parallel_loop3A_782 = math.exp %parallel_loop3A_750 : vector<16xf32>
          %parallel_loop3A_783 = math.exp %parallel_loop3A_768 : vector<16xf32>
          %parallel_loop3A_784 = arith.subf %parallel_loop3A_782, %parallel_loop3A_783 : vector<16xf32>
          %parallel_loop3A_785 = arith.constant 1.000000e+00 : f32
          %parallel_loop3A_786 = vector.broadcast %parallel_loop3A_785 : f32 to vector<16xf32>
          %parallel_loop3A_787 = arith.addf %parallel_loop3A_786, %parallel_loop3A_782 : vector<16xf32>
          %parallel_loop3A_788 = arith.constant 1.000000e+00 : f32
          %parallel_loop3A_789 = vector.broadcast %parallel_loop3A_788 : f32 to vector<16xf32>
          %parallel_loop3A_790 = arith.addf %parallel_loop3A_789, %parallel_loop3A_783 : vector<16xf32>
          %parallel_loop3A_791 = arith.mulf %parallel_loop3A_787, %parallel_loop3A_790 : vector<16xf32>
          %parallel_loop3A_792 = arith.divf %parallel_loop3A_784, %parallel_loop3A_791 : vector<16xf32>
          %parallel_loop3A_793 = arith.mulf %get3A_41, %parallel_loop3A_792 : vector<16xf32>
          %parallel_loop3A_794 = arith.addf %parallel_loop3A_781, %parallel_loop3A_793 : vector<16xf32>
          %parallel_loop3A_795 = vector.shape_cast %xor3A_43 : vector<16xi32> to vector<16x1xi32>
          %parallel_loop3A_796 = vector.shape_cast %parallel_loop3A_795 : vector<16x1xi32> to vector<16xi32>
          %parallel_loop3A_797 = tpu.dynamic_gather %parallel_loop3A_794[%parallel_loop3A_796] in [0] : vector<16xf32>, vector<16xi32> -> vector<16xf32>
          %parallel_loop3A_798 = arith.addf %parallel_loop3A_794, %parallel_loop3A_797 : vector<16xf32>
          %parallel_loop3A_799 = vector.shape_cast %xor3A_46 : vector<16xi32> to vector<16x1xi32>
          %parallel_loop3A_800 = vector.shape_cast %parallel_loop3A_799 : vector<16x1xi32> to vector<16xi32>
          %parallel_loop3A_801 = tpu.dynamic_gather %parallel_loop3A_798[%parallel_loop3A_800] in [0] : vector<16xf32>, vector<16xi32> -> vector<16xf32>
          %parallel_loop3A_802 = arith.addf %parallel_loop3A_798, %parallel_loop3A_801 : vector<16xf32>
          %parallel_loop3A_803 = vector.shape_cast %xor3A_49 : vector<16xi32> to vector<16x1xi32>
          %parallel_loop3A_804 = vector.shape_cast %parallel_loop3A_803 : vector<16x1xi32> to vector<16xi32>
          %parallel_loop3A_805 = tpu.dynamic_gather %parallel_loop3A_802[%parallel_loop3A_804] in [0] : vector<16xf32>, vector<16xi32> -> vector<16xf32>
          %parallel_loop3A_806 = arith.addf %parallel_loop3A_802, %parallel_loop3A_805 : vector<16xf32>
          %parallel_loop3A_807 = vector.shape_cast %xor3A_52 : vector<16xi32> to vector<16x1xi32>
          %parallel_loop3A_808 = vector.shape_cast %parallel_loop3A_807 : vector<16x1xi32> to vector<16xi32>
          %parallel_loop3A_809 = tpu.dynamic_gather %parallel_loop3A_806[%parallel_loop3A_808] in [0] : vector<16xf32>, vector<16xi32> -> vector<16xf32>
          %parallel_loop3A_810 = arith.addf %parallel_loop3A_806, %parallel_loop3A_809 : vector<16xf32>
          %parallel_loop3A_811 = vector.broadcast %parallel_loop3A_476 : i32 to vector<16xi32>
          %parallel_loop3A_812 = arith.cmpi eq, %iota3A, %parallel_loop3A_811 : vector<16xi32>
          %parallel_loop3A_813 = arith.select %parallel_loop3A_812, %parallel_loop3A_810, %parallel_loop3A_477 : vector<16xi1>, vector<16xf32>
          scf.yield %parallel_loop3A_813 : vector<16xf32>
        } {sc.loop_unroll_factor = 4 : i64, sc.parallel_access}
        %mul3A_470 = arith.constant 16 : i32
        %mul3A_471 = arith.muli %scan3A_464, %mul3A_470 : i32
        %swap3A_472 = arith.index_cast %mul3A_471 : i32 to index
        %swap3A_473 = tpu.vector_load %arg34[%swap3A_472] {strides = array<i32>} : memref<64xf32, #tpu.memory_space<vmem>>, vector<16xf32>,
        %swap3A_474 = vector.shape_cast %swap3A_473 : vector<16xf32> to vector<16xf32>
        %swap3A_475 = vector.shape_cast %parallel_loop3A_469 : vector<16xf32> to vector<16xf32>
        tpu.vector_store %arg34[%swap3A_472], %swap3A_475 {strides = array<i32>} : memref<64xf32, #tpu.memory_space<vmem>>, vector<16xf32>,
      }
      %scan3A_297 = arith.constant 4 : i32
      %dma_start3A_298 = arith.constant 0 : i32
      %dma_start3A_299 = tpu.memref_slice %arg17[%add3A_259, %dma_start3A_298] : memref<80x64xi32, #tpu.memory_space<vmem>> -> memref<1x64xi32, #tpu.memory_space<vmem>>
      %dma_start3A_300 = tpu.memref_squeeze %dma_start3A_299 : memref<1x64xi32, #tpu.memory_space<vmem>> -> memref<64xi32, #tpu.memory_space<vmem>>
      %dma_start3A_301 = arith.constant 0 : i32
      %dma_start3A_302 = tpu.memref_slice %arg40[%dma_start3A_301] : memref<40960xf32, #tpu.memory_space<vmem_shared>> -> memref<40960xf32, #tpu.memory_space<vmem_shared>>
      tpu.enqueue_indirect_dma source(%arg34 : memref<64xf32, #tpu.memory_space<vmem>>) target(%dma_start3A_302 : memref<40960xf32, #tpu.memory_space<vmem_shared>>) offsets(%dma_start3A_300 : memref<64xi32, #tpu.memory_space<vmem>>) semaphore(%arg48 : memref<!tpu.dma_semaphore, #tpu.memory_space<semaphore_mem>>) {add = true}
      %dma_start3A_303 = arith.constant 0 : i32
      %dma_start3A_304 = tpu.memref_slice %arg17[%add3A_259, %dma_start3A_303] : memref<80x64xi32, #tpu.memory_space<vmem>> -> memref<1x64xi32, #tpu.memory_space<vmem>>
      %dma_start3A_305 = tpu.memref_squeeze %dma_start3A_304 : memref<1x64xi32, #tpu.memory_space<vmem>> -> memref<64xi32, #tpu.memory_space<vmem>>
      %dma_start3A_306 = arith.constant 0 : i32
      %dma_start3A_307 = tpu.memref_slice %arg41[%dma_start3A_306] : memref<40960xf32, #tpu.memory_space<vmem_shared>> -> memref<40960xf32, #tpu.memory_space<vmem_shared>>
      tpu.enqueue_indirect_dma source(%arg38 : memref<64xf32, #tpu.memory_space<vmem>>) target(%dma_start3A_307 : memref<40960xf32, #tpu.memory_space<vmem_shared>>) offsets(%dma_start3A_305 : memref<64xi32, #tpu.memory_space<vmem>>) semaphore(%arg48 : memref<!tpu.dma_semaphore, #tpu.memory_space<semaphore_mem>>) {add = true}
      %mul3A_308 = arith.constant 5 : i32
      %mul3A_309 = arith.muli %scan3A_206, %mul3A_308 : i32
      %add3A_310 = arith.constant 2 : i32
      %add3A_311 = arith.addi %mul3A_309, %add3A_310 : i32
      %dma_wait3A_312 = arith.constant 0 : i32
      %dma_wait3A_313 = tpu.memref_slice %arg14[%add3A_311, %dma_wait3A_312] : memref<80x64xi32, #tpu.memory_space<vmem>> -> memref<1x64xi32, #tpu.memory_space<vmem>>
      %dma_wait3A_314 = tpu.memref_squeeze %dma_wait3A_313 : memref<1x64xi32, #tpu.memory_space<vmem>> -> memref<64xi32, #tpu.memory_space<vmem>>
      %dma_wait3A_315 = arith.constant 0 : i32
      %dma_wait3A_316 = arith.constant 0 : i32
      %dma_wait3A_317 = tpu.memref_slice %arg2[%dma_wait3A_315, %dma_wait3A_316] : memref<10000x64xi32, #tpu.memory_space<hbm>> -> memref<10000x64xi32, #tpu.memory_space<hbm>>
      tpu.wait_indirect_dma semaphore(%arg44 : memref<!tpu.dma_semaphore, #tpu.memory_space<semaphore_mem>>) src(%dma_wait3A_317 : memref<10000x64xi32, #tpu.memory_space<hbm>>) dst(%arg20 : memref<64x64xi32, #tpu.memory_space<vmem>>)
      %dma_wait3A_318 = arith.constant 0 : i32
      %dma_wait3A_319 = tpu.memref_slice %arg15[%add3A_311, %dma_wait3A_318] : memref<80x64xi32, #tpu.memory_space<vmem>> -> memref<1x64xi32, #tpu.memory_space<vmem>>
      %dma_wait3A_320 = tpu.memref_squeeze %dma_wait3A_319 : memref<1x64xi32, #tpu.memory_space<vmem>> -> memref<64xi32, #tpu.memory_space<vmem>>
      %dma_wait3A_321 = arith.constant 0 : i32
      %dma_wait3A_322 = arith.constant 0 : i32
      %dma_wait3A_323 = tpu.memref_slice %arg3[%dma_wait3A_321, %dma_wait3A_322] : memref<10000x64xi32, #tpu.memory_space<hbm>> -> memref<10000x64xi32, #tpu.memory_space<hbm>>
      tpu.wait_indirect_dma semaphore(%arg44 : memref<!tpu.dma_semaphore, #tpu.memory_space<semaphore_mem>>) src(%dma_wait3A_323 : memref<10000x64xi32, #tpu.memory_space<hbm>>) dst(%arg25 : memref<64x64xi32, #tpu.memory_space<vmem>>)
      %dma_wait3A_324 = arith.constant 0 : i32
      %dma_wait3A_325 = tpu.memref_slice %arg16[%add3A_311, %dma_wait3A_324] : memref<80x64xi32, #tpu.memory_space<vmem>> -> memref<1x64xi32, #tpu.memory_space<vmem>>
      %dma_wait3A_326 = tpu.memref_squeeze %dma_wait3A_325 : memref<1x64xi32, #tpu.memory_space<vmem>> -> memref<64xi32, #tpu.memory_space<vmem>>
      %dma_wait3A_327 = arith.constant 0 : i32
      %dma_wait3A_328 = arith.constant 0 : i32
      %dma_wait3A_329 = tpu.memref_slice %arg4[%dma_wait3A_327, %dma_wait3A_328] : memref<1000x128xi32, #tpu.memory_space<hbm>> -> memref<1000x128xi32, #tpu.memory_space<hbm>>
      tpu.wait_indirect_dma semaphore(%arg44 : memref<!tpu.dma_semaphore, #tpu.memory_space<semaphore_mem>>) src(%dma_wait3A_329 : memref<1000x128xi32, #tpu.memory_space<hbm>>) dst(%arg30 : memref<64x128xi32, #tpu.memory_space<vmem>>)
      %add3A_330 = arith.constant 5 : i32
      %add3A_331 = arith.addi %add3A_311, %add3A_330 : i32
      %sub3A_332 = arith.constant 1 : i32
      %sub3A_333 = arith.subi %add3A_331, %sub3A_332 : i32
      %lt3A_334 = arith.constant 80 : i32
      %lt3A_335 = arith.cmpi slt, %sub3A_333, %lt3A_334 : i32
      %convert_element_type3A_336 = arith.extui %lt3A_335 : i1 to i32
      %cond3A_337 = arith.constant 0 : i32
      %cond3A_338 = arith.cmpi ne, %convert_element_type3A_336, %cond3A_337 : i32
      scf.if %cond3A_338 {
        %add3A_464 = arith.constant 5 : i32
        %add3A_465 = arith.addi %add3A_311, %add3A_464 : i32
        %sub3A_466 = arith.constant 1 : i32
        %sub3A_467 = arith.subi %add3A_465, %sub3A_466 : i32
        %dma_start3A_468 = arith.constant 0 : i32
        %dma_start3A_469 = tpu.memref_slice %arg14[%sub3A_467, %dma_start3A_468] : memref<80x64xi32, #tpu.memory_space<vmem>> -> memref<1x64xi32, #tpu.memory_space<vmem>>
        %dma_start3A_470 = tpu.memref_squeeze %dma_start3A_469 : memref<1x64xi32, #tpu.memory_space<vmem>> -> memref<64xi32, #tpu.memory_space<vmem>>
        %dma_start3A_471 = arith.constant 0 : i32
        %dma_start3A_472 = arith.constant 0 : i32
        %dma_start3A_473 = tpu.memref_slice %arg2[%dma_start3A_471, %dma_start3A_472] : memref<10000x64xi32, #tpu.memory_space<hbm>> -> memref<10000x64xi32, #tpu.memory_space<hbm>>
        tpu.enqueue_indirect_dma source(%dma_start3A_473 : memref<10000x64xi32, #tpu.memory_space<hbm>>) target(%arg19 : memref<64x64xi32, #tpu.memory_space<vmem>>) offsets(%dma_start3A_470 : memref<64xi32, #tpu.memory_space<vmem>>) semaphore(%arg43 : memref<!tpu.dma_semaphore, #tpu.memory_space<semaphore_mem>>)
        %dma_start3A_474 = arith.constant 0 : i32
        %dma_start3A_475 = tpu.memref_slice %arg15[%sub3A_467, %dma_start3A_474] : memref<80x64xi32, #tpu.memory_space<vmem>> -> memref<1x64xi32, #tpu.memory_space<vmem>>
        %dma_start3A_476 = tpu.memref_squeeze %dma_start3A_475 : memref<1x64xi32, #tpu.memory_space<vmem>> -> memref<64xi32, #tpu.memory_space<vmem>>
        %dma_start3A_477 = arith.constant 0 : i32
        %dma_start3A_478 = arith.constant 0 : i32
        %dma_start3A_479 = tpu.memref_slice %arg3[%dma_start3A_477, %dma_start3A_478] : memref<10000x64xi32, #tpu.memory_space<hbm>> -> memref<10000x64xi32, #tpu.memory_space<hbm>>
        tpu.enqueue_indirect_dma source(%dma_start3A_479 : memref<10000x64xi32, #tpu.memory_space<hbm>>) target(%arg24 : memref<64x64xi32, #tpu.memory_space<vmem>>) offsets(%dma_start3A_476 : memref<64xi32, #tpu.memory_space<vmem>>) semaphore(%arg43 : memref<!tpu.dma_semaphore, #tpu.memory_space<semaphore_mem>>)
        %dma_start3A_480 = arith.constant 0 : i32
        %dma_start3A_481 = tpu.memref_slice %arg16[%sub3A_467, %dma_start3A_480] : memref<80x64xi32, #tpu.memory_space<vmem>> -> memref<1x64xi32, #tpu.memory_space<vmem>>
        %dma_start3A_482 = tpu.memref_squeeze %dma_start3A_481 : memref<1x64xi32, #tpu.memory_space<vmem>> -> memref<64xi32, #tpu.memory_space<vmem>>
        %dma_start3A_483 = arith.constant 0 : i32
        %dma_start3A_484 = arith.constant 0 : i32
        %dma_start3A_485 = tpu.memref_slice %arg4[%dma_start3A_483, %dma_start3A_484] : memref<1000x128xi32, #tpu.memory_space<hbm>> -> memref<1000x128xi32, #tpu.memory_space<hbm>>
        tpu.enqueue_indirect_dma source(%dma_start3A_485 : memref<1000x128xi32, #tpu.memory_space<hbm>>) target(%arg29 : memref<64x128xi32, #tpu.memory_space<vmem>>) offsets(%dma_start3A_482 : memref<64xi32, #tpu.memory_space<vmem>>) semaphore(%arg43 : memref<!tpu.dma_semaphore, #tpu.memory_space<semaphore_mem>>)
      } else {
      }
      %ge3A_339 = arith.constant 5 : i32
      %ge3A_340 = arith.cmpi sge, %add3A_311, %ge3A_339 : i32
      %convert_element_type3A_341 = arith.extui %ge3A_340 : i1 to i32
      %cond3A_342 = arith.constant 0 : i32
      %cond3A_343 = arith.cmpi ne, %convert_element_type3A_341, %cond3A_342 : i32
      scf.if %cond3A_343 {
        %sub3A_464 = arith.constant 5 : i32
        %sub3A_465 = arith.subi %add3A_311, %sub3A_464 : i32
        %dma_wait3A_466 = arith.constant 0 : i32
        %dma_wait3A_467 = tpu.memref_slice %arg17[%sub3A_465, %dma_wait3A_466] : memref<80x64xi32, #tpu.memory_space<vmem>> -> memref<1x64xi32, #tpu.memory_space<vmem>>
        %dma_wait3A_468 = tpu.memref_squeeze %dma_wait3A_467 : memref<1x64xi32, #tpu.memory_space<vmem>> -> memref<64xi32, #tpu.memory_space<vmem>>
        %dma_wait3A_469 = arith.constant 0 : i32
        %dma_wait3A_470 = tpu.memref_slice %arg40[%dma_wait3A_469] : memref<40960xf32, #tpu.memory_space<vmem_shared>> -> memref<40960xf32, #tpu.memory_space<vmem_shared>>
        tpu.wait_indirect_dma semaphore(%arg49 : memref<!tpu.dma_semaphore, #tpu.memory_space<semaphore_mem>>) src(%arg35 : memref<64xf32, #tpu.memory_space<vmem>>) dst(%dma_wait3A_470 : memref<40960xf32, #tpu.memory_space<vmem_shared>>)
        %dma_wait3A_471 = arith.constant 0 : i32
        %dma_wait3A_472 = tpu.memref_slice %arg17[%sub3A_465, %dma_wait3A_471] : memref<80x64xi32, #tpu.memory_space<vmem>> -> memref<1x64xi32, #tpu.memory_space<vmem>>
        %dma_wait3A_473 = tpu.memref_squeeze %dma_wait3A_472 : memref<1x64xi32, #tpu.memory_space<vmem>> -> memref<64xi32, #tpu.memory_space<vmem>>
        %dma_wait3A_474 = arith.constant 0 : i32
        %dma_wait3A_475 = tpu.memref_slice %arg41[%dma_wait3A_474] : memref<40960xf32, #tpu.memory_space<vmem_shared>> -> memref<40960xf32, #tpu.memory_space<vmem_shared>>
        tpu.wait_indirect_dma semaphore(%arg49 : memref<!tpu.dma_semaphore, #tpu.memory_space<semaphore_mem>>) src(%arg38 : memref<64xf32, #tpu.memory_space<vmem>>) dst(%dma_wait3A_475 : memref<40960xf32, #tpu.memory_space<vmem_shared>>)
      } else {
      }
      %scan3A_344 = arith.constant 0 : i32
      %scan3A_345 = arith.constant 0 : i32
      %scan3A_346 = arith.constant 4 : i32
      %scan3A_347 = arith.addi %scan3A_345, %scan3A_346 : i32
      %scan3A_348 = arith.constant 1 : i32
      scf.for %scan3A_464 = %scan3A_345 to %scan3A_347 step %scan3A_348  : i32 {
        %broadcast_in_dim3A_465 = arith.constant 0.000000e+00 : f32
        %broadcast_in_dim3A_466 = vector.broadcast %broadcast_in_dim3A_465 : f32 to vector<16xf32>
        %parallel_loop3A = arith.constant 0 : i32
        %parallel_loop3A_467 = arith.constant 16 : i32
        %parallel_loop3A_468 = arith.constant 1 : i32
        %parallel_loop3A_469 = scf.for %parallel_loop3A_476 = %parallel_loop3A to %parallel_loop3A_467 step %parallel_loop3A_468 iter_args(%parallel_loop3A_477 = %broadcast_in_dim3A_466) -> (vector<16xf32>)  : i32 {
          %parallel_loop3A_478 = arith.constant 16 : i32
          %parallel_loop3A_479 = arith.muli %scan3A_464, %parallel_loop3A_478 : i32
          %parallel_loop3A_480 = arith.addi %parallel_loop3A_479, %parallel_loop3A_476 : i32
          %parallel_loop3A_481 = arith.constant 0.000000e+00 : f32
          %parallel_loop3A_482 = vector.broadcast %parallel_loop3A_481 : f32 to vector<16xf32>
          %parallel_loop3A_483 = arith.index_cast %parallel_loop3A_480 : i32 to index
          %parallel_loop3A_484 = arith.constant 0 : index
          %parallel_loop3A_485 = tpu.vector_load %arg30[%parallel_loop3A_483, %parallel_loop3A_484] {strides = array<i32>} : memref<64x128xi32, #tpu.memory_space<vmem>>, vector<1x16xi32>,
          %parallel_loop3A_486 = vector.shape_cast %parallel_loop3A_485 : vector<1x16xi32> to vector<16xi32>
          %parallel_loop3A_487 = arith.index_cast %parallel_loop3A_480 : i32 to index
          %parallel_loop3A_488 = arith.constant 0 : index
          %parallel_loop3A_489 = tpu.vector_load %arg20[%parallel_loop3A_487, %parallel_loop3A_488] {strides = array<i32>} : memref<64x64xi32, #tpu.memory_space<vmem>>, vector<1x16xi32>,
          %parallel_loop3A_490 = vector.shape_cast %parallel_loop3A_489 : vector<1x16xi32> to vector<16xi32>
          %parallel_loop3A_491 = arith.index_cast %parallel_loop3A_480 : i32 to index
          %parallel_loop3A_492 = arith.constant 64 : index
          %parallel_loop3A_493 = tpu.vector_load %arg30[%parallel_loop3A_491, %parallel_loop3A_492] {strides = array<i32>} : memref<64x128xi32, #tpu.memory_space<vmem>>, vector<1x16xi32>,
          %parallel_loop3A_494 = vector.shape_cast %parallel_loop3A_493 : vector<1x16xi32> to vector<16xi32>
          %parallel_loop3A_495 = arith.index_cast %parallel_loop3A_480 : i32 to index
          %parallel_loop3A_496 = arith.constant 0 : index
          %parallel_loop3A_497 = tpu.vector_load %arg25[%parallel_loop3A_495, %parallel_loop3A_496] {strides = array<i32>} : memref<64x64xi32, #tpu.memory_space<vmem>>, vector<1x16xi32>,
          %parallel_loop3A_498 = vector.shape_cast %parallel_loop3A_497 : vector<1x16xi32> to vector<16xi32>
          %parallel_loop3A_499 = arith.constant 16 : i32
          %parallel_loop3A_500 = vector.broadcast %parallel_loop3A_499 : i32 to vector<16xi32>
          %parallel_loop3A_501 = arith.shli %parallel_loop3A_486, %parallel_loop3A_500 : vector<16xi32>
          %parallel_loop3A_502 = tpu.bitcast %parallel_loop3A_501 : vector<16xi32> -> vector<16xf32>
          %parallel_loop3A_503 = arith.constant 16 : i32
          %parallel_loop3A_504 = vector.broadcast %parallel_loop3A_503 : i32 to vector<16xi32>
          %parallel_loop3A_505 = arith.shli %parallel_loop3A_490, %parallel_loop3A_504 : vector<16xi32>
          %parallel_loop3A_506 = tpu.bitcast %parallel_loop3A_505 : vector<16xi32> -> vector<16xf32>
          %parallel_loop3A_507 = arith.addf %parallel_loop3A_502, %parallel_loop3A_506 : vector<16xf32>
          %parallel_loop3A_508 = arith.constant -65536 : i32
          %parallel_loop3A_509 = vector.broadcast %parallel_loop3A_508 : i32 to vector<16xi32>
          %parallel_loop3A_510 = arith.andi %parallel_loop3A_486, %parallel_loop3A_509 : vector<16xi32>
          %parallel_loop3A_511 = tpu.bitcast %parallel_loop3A_510 : vector<16xi32> -> vector<16xf32>
          %parallel_loop3A_512 = arith.constant -65536 : i32
          %parallel_loop3A_513 = vector.broadcast %parallel_loop3A_512 : i32 to vector<16xi32>
          %parallel_loop3A_514 = arith.andi %parallel_loop3A_490, %parallel_loop3A_513 : vector<16xi32>
          %parallel_loop3A_515 = tpu.bitcast %parallel_loop3A_514 : vector<16xi32> -> vector<16xf32>
          %parallel_loop3A_516 = arith.addf %parallel_loop3A_511, %parallel_loop3A_515 : vector<16xf32>
          %parallel_loop3A_517 = arith.constant 16 : i32
          %parallel_loop3A_518 = vector.broadcast %parallel_loop3A_517 : i32 to vector<16xi32>
          %parallel_loop3A_519 = arith.shli %parallel_loop3A_494, %parallel_loop3A_518 : vector<16xi32>
          %parallel_loop3A_520 = tpu.bitcast %parallel_loop3A_519 : vector<16xi32> -> vector<16xf32>
          %parallel_loop3A_521 = arith.constant 16 : i32
          %parallel_loop3A_522 = vector.broadcast %parallel_loop3A_521 : i32 to vector<16xi32>
          %parallel_loop3A_523 = arith.shli %parallel_loop3A_498, %parallel_loop3A_522 : vector<16xi32>
          %parallel_loop3A_524 = tpu.bitcast %parallel_loop3A_523 : vector<16xi32> -> vector<16xf32>
          %parallel_loop3A_525 = arith.addf %parallel_loop3A_520, %parallel_loop3A_524 : vector<16xf32>
          %parallel_loop3A_526 = arith.constant -65536 : i32
          %parallel_loop3A_527 = vector.broadcast %parallel_loop3A_526 : i32 to vector<16xi32>
          %parallel_loop3A_528 = arith.andi %parallel_loop3A_494, %parallel_loop3A_527 : vector<16xi32>
          %parallel_loop3A_529 = tpu.bitcast %parallel_loop3A_528 : vector<16xi32> -> vector<16xf32>
          %parallel_loop3A_530 = arith.constant -65536 : i32
          %parallel_loop3A_531 = vector.broadcast %parallel_loop3A_530 : i32 to vector<16xi32>
          %parallel_loop3A_532 = arith.andi %parallel_loop3A_498, %parallel_loop3A_531 : vector<16xi32>
          %parallel_loop3A_533 = tpu.bitcast %parallel_loop3A_532 : vector<16xi32> -> vector<16xf32>
          %parallel_loop3A_534 = arith.addf %parallel_loop3A_529, %parallel_loop3A_533 : vector<16xf32>
          %parallel_loop3A_535 = math.exp %parallel_loop3A_507 : vector<16xf32>
          %parallel_loop3A_536 = math.exp %parallel_loop3A_525 : vector<16xf32>
          %parallel_loop3A_537 = arith.subf %parallel_loop3A_535, %parallel_loop3A_536 : vector<16xf32>
          %parallel_loop3A_538 = arith.constant 1.000000e+00 : f32
          %parallel_loop3A_539 = vector.broadcast %parallel_loop3A_538 : f32 to vector<16xf32>
          %parallel_loop3A_540 = arith.addf %parallel_loop3A_539, %parallel_loop3A_535 : vector<16xf32>
          %parallel_loop3A_541 = arith.constant 1.000000e+00 : f32
          %parallel_loop3A_542 = vector.broadcast %parallel_loop3A_541 : f32 to vector<16xf32>
          %parallel_loop3A_543 = arith.addf %parallel_loop3A_542, %parallel_loop3A_536 : vector<16xf32>
          %parallel_loop3A_544 = arith.mulf %parallel_loop3A_540, %parallel_loop3A_543 : vector<16xf32>
          %parallel_loop3A_545 = arith.divf %parallel_loop3A_537, %parallel_loop3A_544 : vector<16xf32>
          %parallel_loop3A_546 = arith.mulf %get3A_20, %parallel_loop3A_545 : vector<16xf32>
          %parallel_loop3A_547 = arith.addf %parallel_loop3A_482, %parallel_loop3A_546 : vector<16xf32>
          %parallel_loop3A_548 = math.exp %parallel_loop3A_516 : vector<16xf32>
          %parallel_loop3A_549 = math.exp %parallel_loop3A_534 : vector<16xf32>
          %parallel_loop3A_550 = arith.subf %parallel_loop3A_548, %parallel_loop3A_549 : vector<16xf32>
          %parallel_loop3A_551 = arith.constant 1.000000e+00 : f32
          %parallel_loop3A_552 = vector.broadcast %parallel_loop3A_551 : f32 to vector<16xf32>
          %parallel_loop3A_553 = arith.addf %parallel_loop3A_552, %parallel_loop3A_548 : vector<16xf32>
          %parallel_loop3A_554 = arith.constant 1.000000e+00 : f32
          %parallel_loop3A_555 = vector.broadcast %parallel_loop3A_554 : f32 to vector<16xf32>
          %parallel_loop3A_556 = arith.addf %parallel_loop3A_555, %parallel_loop3A_549 : vector<16xf32>
          %parallel_loop3A_557 = arith.mulf %parallel_loop3A_553, %parallel_loop3A_556 : vector<16xf32>
          %parallel_loop3A_558 = arith.divf %parallel_loop3A_550, %parallel_loop3A_557 : vector<16xf32>
          %parallel_loop3A_559 = arith.mulf %get3A_23, %parallel_loop3A_558 : vector<16xf32>
          %parallel_loop3A_560 = arith.addf %parallel_loop3A_547, %parallel_loop3A_559 : vector<16xf32>
          %parallel_loop3A_561 = arith.index_cast %parallel_loop3A_480 : i32 to index
          %parallel_loop3A_562 = arith.constant 16 : index
          %parallel_loop3A_563 = tpu.vector_load %arg30[%parallel_loop3A_561, %parallel_loop3A_562] {strides = array<i32>} : memref<64x128xi32, #tpu.memory_space<vmem>>, vector<1x16xi32>,
          %parallel_loop3A_564 = vector.shape_cast %parallel_loop3A_563 : vector<1x16xi32> to vector<16xi32>
          %parallel_loop3A_565 = arith.index_cast %parallel_loop3A_480 : i32 to index
          %parallel_loop3A_566 = arith.constant 16 : index
          %parallel_loop3A_567 = tpu.vector_load %arg20[%parallel_loop3A_565, %parallel_loop3A_566] {strides = array<i32>} : memref<64x64xi32, #tpu.memory_space<vmem>>, vector<1x16xi32>,
          %parallel_loop3A_568 = vector.shape_cast %parallel_loop3A_567 : vector<1x16xi32> to vector<16xi32>
          %parallel_loop3A_569 = arith.index_cast %parallel_loop3A_480 : i32 to index
          %parallel_loop3A_570 = arith.constant 80 : index
          %parallel_loop3A_571 = tpu.vector_load %arg30[%parallel_loop3A_569, %parallel_loop3A_570] {strides = array<i32>} : memref<64x128xi32, #tpu.memory_space<vmem>>, vector<1x16xi32>,
          %parallel_loop3A_572 = vector.shape_cast %parallel_loop3A_571 : vector<1x16xi32> to vector<16xi32>
          %parallel_loop3A_573 = arith.index_cast %parallel_loop3A_480 : i32 to index
          %parallel_loop3A_574 = arith.constant 16 : index
          %parallel_loop3A_575 = tpu.vector_load %arg25[%parallel_loop3A_573, %parallel_loop3A_574] {strides = array<i32>} : memref<64x64xi32, #tpu.memory_space<vmem>>, vector<1x16xi32>,
          %parallel_loop3A_576 = vector.shape_cast %parallel_loop3A_575 : vector<1x16xi32> to vector<16xi32>
          %parallel_loop3A_577 = arith.constant 16 : i32
          %parallel_loop3A_578 = vector.broadcast %parallel_loop3A_577 : i32 to vector<16xi32>
          %parallel_loop3A_579 = arith.shli %parallel_loop3A_564, %parallel_loop3A_578 : vector<16xi32>
          %parallel_loop3A_580 = tpu.bitcast %parallel_loop3A_579 : vector<16xi32> -> vector<16xf32>
          %parallel_loop3A_581 = arith.constant 16 : i32
          %parallel_loop3A_582 = vector.broadcast %parallel_loop3A_581 : i32 to vector<16xi32>
          %parallel_loop3A_583 = arith.shli %parallel_loop3A_568, %parallel_loop3A_582 : vector<16xi32>
          %parallel_loop3A_584 = tpu.bitcast %parallel_loop3A_583 : vector<16xi32> -> vector<16xf32>
          %parallel_loop3A_585 = arith.addf %parallel_loop3A_580, %parallel_loop3A_584 : vector<16xf32>
          %parallel_loop3A_586 = arith.constant -65536 : i32
          %parallel_loop3A_587 = vector.broadcast %parallel_loop3A_586 : i32 to vector<16xi32>
          %parallel_loop3A_588 = arith.andi %parallel_loop3A_564, %parallel_loop3A_587 : vector<16xi32>
          %parallel_loop3A_589 = tpu.bitcast %parallel_loop3A_588 : vector<16xi32> -> vector<16xf32>
          %parallel_loop3A_590 = arith.constant -65536 : i32
          %parallel_loop3A_591 = vector.broadcast %parallel_loop3A_590 : i32 to vector<16xi32>
          %parallel_loop3A_592 = arith.andi %parallel_loop3A_568, %parallel_loop3A_591 : vector<16xi32>
          %parallel_loop3A_593 = tpu.bitcast %parallel_loop3A_592 : vector<16xi32> -> vector<16xf32>
          %parallel_loop3A_594 = arith.addf %parallel_loop3A_589, %parallel_loop3A_593 : vector<16xf32>
          %parallel_loop3A_595 = arith.constant 16 : i32
          %parallel_loop3A_596 = vector.broadcast %parallel_loop3A_595 : i32 to vector<16xi32>
          %parallel_loop3A_597 = arith.shli %parallel_loop3A_572, %parallel_loop3A_596 : vector<16xi32>
          %parallel_loop3A_598 = tpu.bitcast %parallel_loop3A_597 : vector<16xi32> -> vector<16xf32>
          %parallel_loop3A_599 = arith.constant 16 : i32
          %parallel_loop3A_600 = vector.broadcast %parallel_loop3A_599 : i32 to vector<16xi32>
          %parallel_loop3A_601 = arith.shli %parallel_loop3A_576, %parallel_loop3A_600 : vector<16xi32>
          %parallel_loop3A_602 = tpu.bitcast %parallel_loop3A_601 : vector<16xi32> -> vector<16xf32>
          %parallel_loop3A_603 = arith.addf %parallel_loop3A_598, %parallel_loop3A_602 : vector<16xf32>
          %parallel_loop3A_604 = arith.constant -65536 : i32
          %parallel_loop3A_605 = vector.broadcast %parallel_loop3A_604 : i32 to vector<16xi32>
          %parallel_loop3A_606 = arith.andi %parallel_loop3A_572, %parallel_loop3A_605 : vector<16xi32>
          %parallel_loop3A_607 = tpu.bitcast %parallel_loop3A_606 : vector<16xi32> -> vector<16xf32>
          %parallel_loop3A_608 = arith.constant -65536 : i32
          %parallel_loop3A_609 = vector.broadcast %parallel_loop3A_608 : i32 to vector<16xi32>
          %parallel_loop3A_610 = arith.andi %parallel_loop3A_576, %parallel_loop3A_609 : vector<16xi32>
          %parallel_loop3A_611 = tpu.bitcast %parallel_loop3A_610 : vector<16xi32> -> vector<16xf32>
          %parallel_loop3A_612 = arith.addf %parallel_loop3A_607, %parallel_loop3A_611 : vector<16xf32>
          %parallel_loop3A_613 = math.exp %parallel_loop3A_585 : vector<16xf32>
          %parallel_loop3A_614 = math.exp %parallel_loop3A_603 : vector<16xf32>
          %parallel_loop3A_615 = arith.subf %parallel_loop3A_613, %parallel_loop3A_614 : vector<16xf32>
          %parallel_loop3A_616 = arith.constant 1.000000e+00 : f32
          %parallel_loop3A_617 = vector.broadcast %parallel_loop3A_616 : f32 to vector<16xf32>
          %parallel_loop3A_618 = arith.addf %parallel_loop3A_617, %parallel_loop3A_613 : vector<16xf32>
          %parallel_loop3A_619 = arith.constant 1.000000e+00 : f32
          %parallel_loop3A_620 = vector.broadcast %parallel_loop3A_619 : f32 to vector<16xf32>
          %parallel_loop3A_621 = arith.addf %parallel_loop3A_620, %parallel_loop3A_614 : vector<16xf32>
          %parallel_loop3A_622 = arith.mulf %parallel_loop3A_618, %parallel_loop3A_621 : vector<16xf32>
          %parallel_loop3A_623 = arith.divf %parallel_loop3A_615, %parallel_loop3A_622 : vector<16xf32>
          %parallel_loop3A_624 = arith.mulf %get3A_26, %parallel_loop3A_623 : vector<16xf32>
          %parallel_loop3A_625 = arith.addf %parallel_loop3A_560, %parallel_loop3A_624 : vector<16xf32>
          %parallel_loop3A_626 = math.exp %parallel_loop3A_594 : vector<16xf32>
          %parallel_loop3A_627 = math.exp %parallel_loop3A_612 : vector<16xf32>
          %parallel_loop3A_628 = arith.subf %parallel_loop3A_626, %parallel_loop3A_627 : vector<16xf32>
          %parallel_loop3A_629 = arith.constant 1.000000e+00 : f32
          %parallel_loop3A_630 = vector.broadcast %parallel_loop3A_629 : f32 to vector<16xf32>
          %parallel_loop3A_631 = arith.addf %parallel_loop3A_630, %parallel_loop3A_626 : vector<16xf32>
          %parallel_loop3A_632 = arith.constant 1.000000e+00 : f32
          %parallel_loop3A_633 = vector.broadcast %parallel_loop3A_632 : f32 to vector<16xf32>
          %parallel_loop3A_634 = arith.addf %parallel_loop3A_633, %parallel_loop3A_627 : vector<16xf32>
          %parallel_loop3A_635 = arith.mulf %parallel_loop3A_631, %parallel_loop3A_634 : vector<16xf32>
          %parallel_loop3A_636 = arith.divf %parallel_loop3A_628, %parallel_loop3A_635 : vector<16xf32>
          %parallel_loop3A_637 = arith.mulf %get3A_29, %parallel_loop3A_636 : vector<16xf32>
          %parallel_loop3A_638 = arith.addf %parallel_loop3A_625, %parallel_loop3A_637 : vector<16xf32>
          %parallel_loop3A_639 = arith.index_cast %parallel_loop3A_480 : i32 to index
          %parallel_loop3A_640 = arith.constant 32 : index
          %parallel_loop3A_641 = tpu.vector_load %arg30[%parallel_loop3A_639, %parallel_loop3A_640] {strides = array<i32>} : memref<64x128xi32, #tpu.memory_space<vmem>>, vector<1x16xi32>,
          %parallel_loop3A_642 = vector.shape_cast %parallel_loop3A_641 : vector<1x16xi32> to vector<16xi32>
          %parallel_loop3A_643 = arith.index_cast %parallel_loop3A_480 : i32 to index
          %parallel_loop3A_644 = arith.constant 32 : index
          %parallel_loop3A_645 = tpu.vector_load %arg20[%parallel_loop3A_643, %parallel_loop3A_644] {strides = array<i32>} : memref<64x64xi32, #tpu.memory_space<vmem>>, vector<1x16xi32>,
          %parallel_loop3A_646 = vector.shape_cast %parallel_loop3A_645 : vector<1x16xi32> to vector<16xi32>
          %parallel_loop3A_647 = arith.index_cast %parallel_loop3A_480 : i32 to index
          %parallel_loop3A_648 = arith.constant 96 : index
          %parallel_loop3A_649 = tpu.vector_load %arg30[%parallel_loop3A_647, %parallel_loop3A_648] {strides = array<i32>} : memref<64x128xi32, #tpu.memory_space<vmem>>, vector<1x16xi32>,
          %parallel_loop3A_650 = vector.shape_cast %parallel_loop3A_649 : vector<1x16xi32> to vector<16xi32>
          %parallel_loop3A_651 = arith.index_cast %parallel_loop3A_480 : i32 to index
          %parallel_loop3A_652 = arith.constant 32 : index
          %parallel_loop3A_653 = tpu.vector_load %arg25[%parallel_loop3A_651, %parallel_loop3A_652] {strides = array<i32>} : memref<64x64xi32, #tpu.memory_space<vmem>>, vector<1x16xi32>,
          %parallel_loop3A_654 = vector.shape_cast %parallel_loop3A_653 : vector<1x16xi32> to vector<16xi32>
          %parallel_loop3A_655 = arith.constant 16 : i32
          %parallel_loop3A_656 = vector.broadcast %parallel_loop3A_655 : i32 to vector<16xi32>
          %parallel_loop3A_657 = arith.shli %parallel_loop3A_642, %parallel_loop3A_656 : vector<16xi32>
          %parallel_loop3A_658 = tpu.bitcast %parallel_loop3A_657 : vector<16xi32> -> vector<16xf32>
          %parallel_loop3A_659 = arith.constant 16 : i32
          %parallel_loop3A_660 = vector.broadcast %parallel_loop3A_659 : i32 to vector<16xi32>
          %parallel_loop3A_661 = arith.shli %parallel_loop3A_646, %parallel_loop3A_660 : vector<16xi32>
          %parallel_loop3A_662 = tpu.bitcast %parallel_loop3A_661 : vector<16xi32> -> vector<16xf32>
          %parallel_loop3A_663 = arith.addf %parallel_loop3A_658, %parallel_loop3A_662 : vector<16xf32>
          %parallel_loop3A_664 = arith.constant -65536 : i32
          %parallel_loop3A_665 = vector.broadcast %parallel_loop3A_664 : i32 to vector<16xi32>
          %parallel_loop3A_666 = arith.andi %parallel_loop3A_642, %parallel_loop3A_665 : vector<16xi32>
          %parallel_loop3A_667 = tpu.bitcast %parallel_loop3A_666 : vector<16xi32> -> vector<16xf32>
          %parallel_loop3A_668 = arith.constant -65536 : i32
          %parallel_loop3A_669 = vector.broadcast %parallel_loop3A_668 : i32 to vector<16xi32>
          %parallel_loop3A_670 = arith.andi %parallel_loop3A_646, %parallel_loop3A_669 : vector<16xi32>
          %parallel_loop3A_671 = tpu.bitcast %parallel_loop3A_670 : vector<16xi32> -> vector<16xf32>
          %parallel_loop3A_672 = arith.addf %parallel_loop3A_667, %parallel_loop3A_671 : vector<16xf32>
          %parallel_loop3A_673 = arith.constant 16 : i32
          %parallel_loop3A_674 = vector.broadcast %parallel_loop3A_673 : i32 to vector<16xi32>
          %parallel_loop3A_675 = arith.shli %parallel_loop3A_650, %parallel_loop3A_674 : vector<16xi32>
          %parallel_loop3A_676 = tpu.bitcast %parallel_loop3A_675 : vector<16xi32> -> vector<16xf32>
          %parallel_loop3A_677 = arith.constant 16 : i32
          %parallel_loop3A_678 = vector.broadcast %parallel_loop3A_677 : i32 to vector<16xi32>
          %parallel_loop3A_679 = arith.shli %parallel_loop3A_654, %parallel_loop3A_678 : vector<16xi32>
          %parallel_loop3A_680 = tpu.bitcast %parallel_loop3A_679 : vector<16xi32> -> vector<16xf32>
          %parallel_loop3A_681 = arith.addf %parallel_loop3A_676, %parallel_loop3A_680 : vector<16xf32>
          %parallel_loop3A_682 = arith.constant -65536 : i32
          %parallel_loop3A_683 = vector.broadcast %parallel_loop3A_682 : i32 to vector<16xi32>
          %parallel_loop3A_684 = arith.andi %parallel_loop3A_650, %parallel_loop3A_683 : vector<16xi32>
          %parallel_loop3A_685 = tpu.bitcast %parallel_loop3A_684 : vector<16xi32> -> vector<16xf32>
          %parallel_loop3A_686 = arith.constant -65536 : i32
          %parallel_loop3A_687 = vector.broadcast %parallel_loop3A_686 : i32 to vector<16xi32>
          %parallel_loop3A_688 = arith.andi %parallel_loop3A_654, %parallel_loop3A_687 : vector<16xi32>
          %parallel_loop3A_689 = tpu.bitcast %parallel_loop3A_688 : vector<16xi32> -> vector<16xf32>
          %parallel_loop3A_690 = arith.addf %parallel_loop3A_685, %parallel_loop3A_689 : vector<16xf32>
          %parallel_loop3A_691 = math.exp %parallel_loop3A_663 : vector<16xf32>
          %parallel_loop3A_692 = math.exp %parallel_loop3A_681 : vector<16xf32>
          %parallel_loop3A_693 = arith.subf %parallel_loop3A_691, %parallel_loop3A_692 : vector<16xf32>
          %parallel_loop3A_694 = arith.constant 1.000000e+00 : f32
          %parallel_loop3A_695 = vector.broadcast %parallel_loop3A_694 : f32 to vector<16xf32>
          %parallel_loop3A_696 = arith.addf %parallel_loop3A_695, %parallel_loop3A_691 : vector<16xf32>
          %parallel_loop3A_697 = arith.constant 1.000000e+00 : f32
          %parallel_loop3A_698 = vector.broadcast %parallel_loop3A_697 : f32 to vector<16xf32>
          %parallel_loop3A_699 = arith.addf %parallel_loop3A_698, %parallel_loop3A_692 : vector<16xf32>
          %parallel_loop3A_700 = arith.mulf %parallel_loop3A_696, %parallel_loop3A_699 : vector<16xf32>
          %parallel_loop3A_701 = arith.divf %parallel_loop3A_693, %parallel_loop3A_700 : vector<16xf32>
          %parallel_loop3A_702 = arith.mulf %get3A_32, %parallel_loop3A_701 : vector<16xf32>
          %parallel_loop3A_703 = arith.addf %parallel_loop3A_638, %parallel_loop3A_702 : vector<16xf32>
          %parallel_loop3A_704 = math.exp %parallel_loop3A_672 : vector<16xf32>
          %parallel_loop3A_705 = math.exp %parallel_loop3A_690 : vector<16xf32>
          %parallel_loop3A_706 = arith.subf %parallel_loop3A_704, %parallel_loop3A_705 : vector<16xf32>
          %parallel_loop3A_707 = arith.constant 1.000000e+00 : f32
          %parallel_loop3A_708 = vector.broadcast %parallel_loop3A_707 : f32 to vector<16xf32>
          %parallel_loop3A_709 = arith.addf %parallel_loop3A_708, %parallel_loop3A_704 : vector<16xf32>
          %parallel_loop3A_710 = arith.constant 1.000000e+00 : f32
          %parallel_loop3A_711 = vector.broadcast %parallel_loop3A_710 : f32 to vector<16xf32>
          %parallel_loop3A_712 = arith.addf %parallel_loop3A_711, %parallel_loop3A_705 : vector<16xf32>
          %parallel_loop3A_713 = arith.mulf %parallel_loop3A_709, %parallel_loop3A_712 : vector<16xf32>
          %parallel_loop3A_714 = arith.divf %parallel_loop3A_706, %parallel_loop3A_713 : vector<16xf32>
          %parallel_loop3A_715 = arith.mulf %get3A_35, %parallel_loop3A_714 : vector<16xf32>
          %parallel_loop3A_716 = arith.addf %parallel_loop3A_703, %parallel_loop3A_715 : vector<16xf32>
          %parallel_loop3A_717 = arith.index_cast %parallel_loop3A_480 : i32 to index
          %parallel_loop3A_718 = arith.constant 48 : index
          %parallel_loop3A_719 = tpu.vector_load %arg30[%parallel_loop3A_717, %parallel_loop3A_718] {strides = array<i32>} : memref<64x128xi32, #tpu.memory_space<vmem>>, vector<1x16xi32>,
          %parallel_loop3A_720 = vector.shape_cast %parallel_loop3A_719 : vector<1x16xi32> to vector<16xi32>
          %parallel_loop3A_721 = arith.index_cast %parallel_loop3A_480 : i32 to index
          %parallel_loop3A_722 = arith.constant 48 : index
          %parallel_loop3A_723 = tpu.vector_load %arg20[%parallel_loop3A_721, %parallel_loop3A_722] {strides = array<i32>} : memref<64x64xi32, #tpu.memory_space<vmem>>, vector<1x16xi32>,
          %parallel_loop3A_724 = vector.shape_cast %parallel_loop3A_723 : vector<1x16xi32> to vector<16xi32>
          %parallel_loop3A_725 = arith.index_cast %parallel_loop3A_480 : i32 to index
          %parallel_loop3A_726 = arith.constant 112 : index
          %parallel_loop3A_727 = tpu.vector_load %arg30[%parallel_loop3A_725, %parallel_loop3A_726] {strides = array<i32>} : memref<64x128xi32, #tpu.memory_space<vmem>>, vector<1x16xi32>,
          %parallel_loop3A_728 = vector.shape_cast %parallel_loop3A_727 : vector<1x16xi32> to vector<16xi32>
          %parallel_loop3A_729 = arith.index_cast %parallel_loop3A_480 : i32 to index
          %parallel_loop3A_730 = arith.constant 48 : index
          %parallel_loop3A_731 = tpu.vector_load %arg25[%parallel_loop3A_729, %parallel_loop3A_730] {strides = array<i32>} : memref<64x64xi32, #tpu.memory_space<vmem>>, vector<1x16xi32>,
          %parallel_loop3A_732 = vector.shape_cast %parallel_loop3A_731 : vector<1x16xi32> to vector<16xi32>
          %parallel_loop3A_733 = arith.constant 16 : i32
          %parallel_loop3A_734 = vector.broadcast %parallel_loop3A_733 : i32 to vector<16xi32>
          %parallel_loop3A_735 = arith.shli %parallel_loop3A_720, %parallel_loop3A_734 : vector<16xi32>
          %parallel_loop3A_736 = tpu.bitcast %parallel_loop3A_735 : vector<16xi32> -> vector<16xf32>
          %parallel_loop3A_737 = arith.constant 16 : i32
          %parallel_loop3A_738 = vector.broadcast %parallel_loop3A_737 : i32 to vector<16xi32>
          %parallel_loop3A_739 = arith.shli %parallel_loop3A_724, %parallel_loop3A_738 : vector<16xi32>
          %parallel_loop3A_740 = tpu.bitcast %parallel_loop3A_739 : vector<16xi32> -> vector<16xf32>
          %parallel_loop3A_741 = arith.addf %parallel_loop3A_736, %parallel_loop3A_740 : vector<16xf32>
          %parallel_loop3A_742 = arith.constant -65536 : i32
          %parallel_loop3A_743 = vector.broadcast %parallel_loop3A_742 : i32 to vector<16xi32>
          %parallel_loop3A_744 = arith.andi %parallel_loop3A_720, %parallel_loop3A_743 : vector<16xi32>
          %parallel_loop3A_745 = tpu.bitcast %parallel_loop3A_744 : vector<16xi32> -> vector<16xf32>
          %parallel_loop3A_746 = arith.constant -65536 : i32
          %parallel_loop3A_747 = vector.broadcast %parallel_loop3A_746 : i32 to vector<16xi32>
          %parallel_loop3A_748 = arith.andi %parallel_loop3A_724, %parallel_loop3A_747 : vector<16xi32>
          %parallel_loop3A_749 = tpu.bitcast %parallel_loop3A_748 : vector<16xi32> -> vector<16xf32>
          %parallel_loop3A_750 = arith.addf %parallel_loop3A_745, %parallel_loop3A_749 : vector<16xf32>
          %parallel_loop3A_751 = arith.constant 16 : i32
          %parallel_loop3A_752 = vector.broadcast %parallel_loop3A_751 : i32 to vector<16xi32>
          %parallel_loop3A_753 = arith.shli %parallel_loop3A_728, %parallel_loop3A_752 : vector<16xi32>
          %parallel_loop3A_754 = tpu.bitcast %parallel_loop3A_753 : vector<16xi32> -> vector<16xf32>
          %parallel_loop3A_755 = arith.constant 16 : i32
          %parallel_loop3A_756 = vector.broadcast %parallel_loop3A_755 : i32 to vector<16xi32>
          %parallel_loop3A_757 = arith.shli %parallel_loop3A_732, %parallel_loop3A_756 : vector<16xi32>
          %parallel_loop3A_758 = tpu.bitcast %parallel_loop3A_757 : vector<16xi32> -> vector<16xf32>
          %parallel_loop3A_759 = arith.addf %parallel_loop3A_754, %parallel_loop3A_758 : vector<16xf32>
          %parallel_loop3A_760 = arith.constant -65536 : i32
          %parallel_loop3A_761 = vector.broadcast %parallel_loop3A_760 : i32 to vector<16xi32>
          %parallel_loop3A_762 = arith.andi %parallel_loop3A_728, %parallel_loop3A_761 : vector<16xi32>
          %parallel_loop3A_763 = tpu.bitcast %parallel_loop3A_762 : vector<16xi32> -> vector<16xf32>
          %parallel_loop3A_764 = arith.constant -65536 : i32
          %parallel_loop3A_765 = vector.broadcast %parallel_loop3A_764 : i32 to vector<16xi32>
          %parallel_loop3A_766 = arith.andi %parallel_loop3A_732, %parallel_loop3A_765 : vector<16xi32>
          %parallel_loop3A_767 = tpu.bitcast %parallel_loop3A_766 : vector<16xi32> -> vector<16xf32>
          %parallel_loop3A_768 = arith.addf %parallel_loop3A_763, %parallel_loop3A_767 : vector<16xf32>
          %parallel_loop3A_769 = math.exp %parallel_loop3A_741 : vector<16xf32>
          %parallel_loop3A_770 = math.exp %parallel_loop3A_759 : vector<16xf32>
          %parallel_loop3A_771 = arith.subf %parallel_loop3A_769, %parallel_loop3A_770 : vector<16xf32>
          %parallel_loop3A_772 = arith.constant 1.000000e+00 : f32
          %parallel_loop3A_773 = vector.broadcast %parallel_loop3A_772 : f32 to vector<16xf32>
          %parallel_loop3A_774 = arith.addf %parallel_loop3A_773, %parallel_loop3A_769 : vector<16xf32>
          %parallel_loop3A_775 = arith.constant 1.000000e+00 : f32
          %parallel_loop3A_776 = vector.broadcast %parallel_loop3A_775 : f32 to vector<16xf32>
          %parallel_loop3A_777 = arith.addf %parallel_loop3A_776, %parallel_loop3A_770 : vector<16xf32>
          %parallel_loop3A_778 = arith.mulf %parallel_loop3A_774, %parallel_loop3A_777 : vector<16xf32>
          %parallel_loop3A_779 = arith.divf %parallel_loop3A_771, %parallel_loop3A_778 : vector<16xf32>
          %parallel_loop3A_780 = arith.mulf %get3A_38, %parallel_loop3A_779 : vector<16xf32>
          %parallel_loop3A_781 = arith.addf %parallel_loop3A_716, %parallel_loop3A_780 : vector<16xf32>
          %parallel_loop3A_782 = math.exp %parallel_loop3A_750 : vector<16xf32>
          %parallel_loop3A_783 = math.exp %parallel_loop3A_768 : vector<16xf32>
          %parallel_loop3A_784 = arith.subf %parallel_loop3A_782, %parallel_loop3A_783 : vector<16xf32>
          %parallel_loop3A_785 = arith.constant 1.000000e+00 : f32
          %parallel_loop3A_786 = vector.broadcast %parallel_loop3A_785 : f32 to vector<16xf32>
          %parallel_loop3A_787 = arith.addf %parallel_loop3A_786, %parallel_loop3A_782 : vector<16xf32>
          %parallel_loop3A_788 = arith.constant 1.000000e+00 : f32
          %parallel_loop3A_789 = vector.broadcast %parallel_loop3A_788 : f32 to vector<16xf32>
          %parallel_loop3A_790 = arith.addf %parallel_loop3A_789, %parallel_loop3A_783 : vector<16xf32>
          %parallel_loop3A_791 = arith.mulf %parallel_loop3A_787, %parallel_loop3A_790 : vector<16xf32>
          %parallel_loop3A_792 = arith.divf %parallel_loop3A_784, %parallel_loop3A_791 : vector<16xf32>
          %parallel_loop3A_793 = arith.mulf %get3A_41, %parallel_loop3A_792 : vector<16xf32>
          %parallel_loop3A_794 = arith.addf %parallel_loop3A_781, %parallel_loop3A_793 : vector<16xf32>
          %parallel_loop3A_795 = vector.shape_cast %xor3A_43 : vector<16xi32> to vector<16x1xi32>
          %parallel_loop3A_796 = vector.shape_cast %parallel_loop3A_795 : vector<16x1xi32> to vector<16xi32>
          %parallel_loop3A_797 = tpu.dynamic_gather %parallel_loop3A_794[%parallel_loop3A_796] in [0] : vector<16xf32>, vector<16xi32> -> vector<16xf32>
          %parallel_loop3A_798 = arith.addf %parallel_loop3A_794, %parallel_loop3A_797 : vector<16xf32>
          %parallel_loop3A_799 = vector.shape_cast %xor3A_46 : vector<16xi32> to vector<16x1xi32>
          %parallel_loop3A_800 = vector.shape_cast %parallel_loop3A_799 : vector<16x1xi32> to vector<16xi32>
          %parallel_loop3A_801 = tpu.dynamic_gather %parallel_loop3A_798[%parallel_loop3A_800] in [0] : vector<16xf32>, vector<16xi32> -> vector<16xf32>
          %parallel_loop3A_802 = arith.addf %parallel_loop3A_798, %parallel_loop3A_801 : vector<16xf32>
          %parallel_loop3A_803 = vector.shape_cast %xor3A_49 : vector<16xi32> to vector<16x1xi32>
          %parallel_loop3A_804 = vector.shape_cast %parallel_loop3A_803 : vector<16x1xi32> to vector<16xi32>
          %parallel_loop3A_805 = tpu.dynamic_gather %parallel_loop3A_802[%parallel_loop3A_804] in [0] : vector<16xf32>, vector<16xi32> -> vector<16xf32>
          %parallel_loop3A_806 = arith.addf %parallel_loop3A_802, %parallel_loop3A_805 : vector<16xf32>
          %parallel_loop3A_807 = vector.shape_cast %xor3A_52 : vector<16xi32> to vector<16x1xi32>
          %parallel_loop3A_808 = vector.shape_cast %parallel_loop3A_807 : vector<16x1xi32> to vector<16xi32>
          %parallel_loop3A_809 = tpu.dynamic_gather %parallel_loop3A_806[%parallel_loop3A_808] in [0] : vector<16xf32>, vector<16xi32> -> vector<16xf32>
          %parallel_loop3A_810 = arith.addf %parallel_loop3A_806, %parallel_loop3A_809 : vector<16xf32>
          %parallel_loop3A_811 = vector.broadcast %parallel_loop3A_476 : i32 to vector<16xi32>
          %parallel_loop3A_812 = arith.cmpi eq, %iota3A, %parallel_loop3A_811 : vector<16xi32>
          %parallel_loop3A_813 = arith.select %parallel_loop3A_812, %parallel_loop3A_810, %parallel_loop3A_477 : vector<16xi1>, vector<16xf32>
          scf.yield %parallel_loop3A_813 : vector<16xf32>
        } {sc.loop_unroll_factor = 4 : i64, sc.parallel_access}
        %mul3A_470 = arith.constant 16 : i32
        %mul3A_471 = arith.muli %scan3A_464, %mul3A_470 : i32
        %swap3A_472 = arith.index_cast %mul3A_471 : i32 to index
        %swap3A_473 = tpu.vector_load %arg35[%swap3A_472] {strides = array<i32>} : memref<64xf32, #tpu.memory_space<vmem>>, vector<16xf32>,
        %swap3A_474 = vector.shape_cast %swap3A_473 : vector<16xf32> to vector<16xf32>
        %swap3A_475 = vector.shape_cast %parallel_loop3A_469 : vector<16xf32> to vector<16xf32>
        tpu.vector_store %arg35[%swap3A_472], %swap3A_475 {strides = array<i32>} : memref<64xf32, #tpu.memory_space<vmem>>, vector<16xf32>,
      }
      %scan3A_349 = arith.constant 4 : i32
      %dma_start3A_350 = arith.constant 0 : i32
      %dma_start3A_351 = tpu.memref_slice %arg17[%add3A_311, %dma_start3A_350] : memref<80x64xi32, #tpu.memory_space<vmem>> -> memref<1x64xi32, #tpu.memory_space<vmem>>
      %dma_start3A_352 = tpu.memref_squeeze %dma_start3A_351 : memref<1x64xi32, #tpu.memory_space<vmem>> -> memref<64xi32, #tpu.memory_space<vmem>>
      %dma_start3A_353 = arith.constant 0 : i32
      %dma_start3A_354 = tpu.memref_slice %arg40[%dma_start3A_353] : memref<40960xf32, #tpu.memory_space<vmem_shared>> -> memref<40960xf32, #tpu.memory_space<vmem_shared>>
      tpu.enqueue_indirect_dma source(%arg35 : memref<64xf32, #tpu.memory_space<vmem>>) target(%dma_start3A_354 : memref<40960xf32, #tpu.memory_space<vmem_shared>>) offsets(%dma_start3A_352 : memref<64xi32, #tpu.memory_space<vmem>>) semaphore(%arg49 : memref<!tpu.dma_semaphore, #tpu.memory_space<semaphore_mem>>) {add = true}
      %dma_start3A_355 = arith.constant 0 : i32
      %dma_start3A_356 = tpu.memref_slice %arg17[%add3A_311, %dma_start3A_355] : memref<80x64xi32, #tpu.memory_space<vmem>> -> memref<1x64xi32, #tpu.memory_space<vmem>>
      %dma_start3A_357 = tpu.memref_squeeze %dma_start3A_356 : memref<1x64xi32, #tpu.memory_space<vmem>> -> memref<64xi32, #tpu.memory_space<vmem>>
      %dma_start3A_358 = arith.constant 0 : i32
      %dma_start3A_359 = tpu.memref_slice %arg41[%dma_start3A_358] : memref<40960xf32, #tpu.memory_space<vmem_shared>> -> memref<40960xf32, #tpu.memory_space<vmem_shared>>
      tpu.enqueue_indirect_dma source(%arg38 : memref<64xf32, #tpu.memory_space<vmem>>) target(%dma_start3A_359 : memref<40960xf32, #tpu.memory_space<vmem_shared>>) offsets(%dma_start3A_357 : memref<64xi32, #tpu.memory_space<vmem>>) semaphore(%arg49 : memref<!tpu.dma_semaphore, #tpu.memory_space<semaphore_mem>>) {add = true}
      %mul3A_360 = arith.constant 5 : i32
      %mul3A_361 = arith.muli %scan3A_206, %mul3A_360 : i32
      %add3A_362 = arith.constant 3 : i32
      %add3A_363 = arith.addi %mul3A_361, %add3A_362 : i32
      %dma_wait3A_364 = arith.constant 0 : i32
      %dma_wait3A_365 = tpu.memref_slice %arg14[%add3A_363, %dma_wait3A_364] : memref<80x64xi32, #tpu.memory_space<vmem>> -> memref<1x64xi32, #tpu.memory_space<vmem>>
      %dma_wait3A_366 = tpu.memref_squeeze %dma_wait3A_365 : memref<1x64xi32, #tpu.memory_space<vmem>> -> memref<64xi32, #tpu.memory_space<vmem>>
      %dma_wait3A_367 = arith.constant 0 : i32
      %dma_wait3A_368 = arith.constant 0 : i32
      %dma_wait3A_369 = tpu.memref_slice %arg2[%dma_wait3A_367, %dma_wait3A_368] : memref<10000x64xi32, #tpu.memory_space<hbm>> -> memref<10000x64xi32, #tpu.memory_space<hbm>>
      tpu.wait_indirect_dma semaphore(%arg45 : memref<!tpu.dma_semaphore, #tpu.memory_space<semaphore_mem>>) src(%dma_wait3A_369 : memref<10000x64xi32, #tpu.memory_space<hbm>>) dst(%arg21 : memref<64x64xi32, #tpu.memory_space<vmem>>)
      %dma_wait3A_370 = arith.constant 0 : i32
      %dma_wait3A_371 = tpu.memref_slice %arg15[%add3A_363, %dma_wait3A_370] : memref<80x64xi32, #tpu.memory_space<vmem>> -> memref<1x64xi32, #tpu.memory_space<vmem>>
      %dma_wait3A_372 = tpu.memref_squeeze %dma_wait3A_371 : memref<1x64xi32, #tpu.memory_space<vmem>> -> memref<64xi32, #tpu.memory_space<vmem>>
      %dma_wait3A_373 = arith.constant 0 : i32
      %dma_wait3A_374 = arith.constant 0 : i32
      %dma_wait3A_375 = tpu.memref_slice %arg3[%dma_wait3A_373, %dma_wait3A_374] : memref<10000x64xi32, #tpu.memory_space<hbm>> -> memref<10000x64xi32, #tpu.memory_space<hbm>>
      tpu.wait_indirect_dma semaphore(%arg45 : memref<!tpu.dma_semaphore, #tpu.memory_space<semaphore_mem>>) src(%dma_wait3A_375 : memref<10000x64xi32, #tpu.memory_space<hbm>>) dst(%arg26 : memref<64x64xi32, #tpu.memory_space<vmem>>)
      %dma_wait3A_376 = arith.constant 0 : i32
      %dma_wait3A_377 = tpu.memref_slice %arg16[%add3A_363, %dma_wait3A_376] : memref<80x64xi32, #tpu.memory_space<vmem>> -> memref<1x64xi32, #tpu.memory_space<vmem>>
      %dma_wait3A_378 = tpu.memref_squeeze %dma_wait3A_377 : memref<1x64xi32, #tpu.memory_space<vmem>> -> memref<64xi32, #tpu.memory_space<vmem>>
      %dma_wait3A_379 = arith.constant 0 : i32
      %dma_wait3A_380 = arith.constant 0 : i32
      %dma_wait3A_381 = tpu.memref_slice %arg4[%dma_wait3A_379, %dma_wait3A_380] : memref<1000x128xi32, #tpu.memory_space<hbm>> -> memref<1000x128xi32, #tpu.memory_space<hbm>>
      tpu.wait_indirect_dma semaphore(%arg45 : memref<!tpu.dma_semaphore, #tpu.memory_space<semaphore_mem>>) src(%dma_wait3A_381 : memref<1000x128xi32, #tpu.memory_space<hbm>>) dst(%arg31 : memref<64x128xi32, #tpu.memory_space<vmem>>)
      %add3A_382 = arith.constant 5 : i32
      %add3A_383 = arith.addi %add3A_363, %add3A_382 : i32
      %sub3A_384 = arith.constant 1 : i32
      %sub3A_385 = arith.subi %add3A_383, %sub3A_384 : i32
      %lt3A_386 = arith.constant 80 : i32
      %lt3A_387 = arith.cmpi slt, %sub3A_385, %lt3A_386 : i32
      %convert_element_type3A_388 = arith.extui %lt3A_387 : i1 to i32
      %cond3A_389 = arith.constant 0 : i32
      %cond3A_390 = arith.cmpi ne, %convert_element_type3A_388, %cond3A_389 : i32
      scf.if %cond3A_390 {
        %add3A_464 = arith.constant 5 : i32
        %add3A_465 = arith.addi %add3A_363, %add3A_464 : i32
        %sub3A_466 = arith.constant 1 : i32
        %sub3A_467 = arith.subi %add3A_465, %sub3A_466 : i32
        %dma_start3A_468 = arith.constant 0 : i32
        %dma_start3A_469 = tpu.memref_slice %arg14[%sub3A_467, %dma_start3A_468] : memref<80x64xi32, #tpu.memory_space<vmem>> -> memref<1x64xi32, #tpu.memory_space<vmem>>
        %dma_start3A_470 = tpu.memref_squeeze %dma_start3A_469 : memref<1x64xi32, #tpu.memory_space<vmem>> -> memref<64xi32, #tpu.memory_space<vmem>>
        %dma_start3A_471 = arith.constant 0 : i32
        %dma_start3A_472 = arith.constant 0 : i32
        %dma_start3A_473 = tpu.memref_slice %arg2[%dma_start3A_471, %dma_start3A_472] : memref<10000x64xi32, #tpu.memory_space<hbm>> -> memref<10000x64xi32, #tpu.memory_space<hbm>>
        tpu.enqueue_indirect_dma source(%dma_start3A_473 : memref<10000x64xi32, #tpu.memory_space<hbm>>) target(%arg20 : memref<64x64xi32, #tpu.memory_space<vmem>>) offsets(%dma_start3A_470 : memref<64xi32, #tpu.memory_space<vmem>>) semaphore(%arg44 : memref<!tpu.dma_semaphore, #tpu.memory_space<semaphore_mem>>)
        %dma_start3A_474 = arith.constant 0 : i32
        %dma_start3A_475 = tpu.memref_slice %arg15[%sub3A_467, %dma_start3A_474] : memref<80x64xi32, #tpu.memory_space<vmem>> -> memref<1x64xi32, #tpu.memory_space<vmem>>
        %dma_start3A_476 = tpu.memref_squeeze %dma_start3A_475 : memref<1x64xi32, #tpu.memory_space<vmem>> -> memref<64xi32, #tpu.memory_space<vmem>>
        %dma_start3A_477 = arith.constant 0 : i32
        %dma_start3A_478 = arith.constant 0 : i32
        %dma_start3A_479 = tpu.memref_slice %arg3[%dma_start3A_477, %dma_start3A_478] : memref<10000x64xi32, #tpu.memory_space<hbm>> -> memref<10000x64xi32, #tpu.memory_space<hbm>>
        tpu.enqueue_indirect_dma source(%dma_start3A_479 : memref<10000x64xi32, #tpu.memory_space<hbm>>) target(%arg25 : memref<64x64xi32, #tpu.memory_space<vmem>>) offsets(%dma_start3A_476 : memref<64xi32, #tpu.memory_space<vmem>>) semaphore(%arg44 : memref<!tpu.dma_semaphore, #tpu.memory_space<semaphore_mem>>)
        %dma_start3A_480 = arith.constant 0 : i32
        %dma_start3A_481 = tpu.memref_slice %arg16[%sub3A_467, %dma_start3A_480] : memref<80x64xi32, #tpu.memory_space<vmem>> -> memref<1x64xi32, #tpu.memory_space<vmem>>
        %dma_start3A_482 = tpu.memref_squeeze %dma_start3A_481 : memref<1x64xi32, #tpu.memory_space<vmem>> -> memref<64xi32, #tpu.memory_space<vmem>>
        %dma_start3A_483 = arith.constant 0 : i32
        %dma_start3A_484 = arith.constant 0 : i32
        %dma_start3A_485 = tpu.memref_slice %arg4[%dma_start3A_483, %dma_start3A_484] : memref<1000x128xi32, #tpu.memory_space<hbm>> -> memref<1000x128xi32, #tpu.memory_space<hbm>>
        tpu.enqueue_indirect_dma source(%dma_start3A_485 : memref<1000x128xi32, #tpu.memory_space<hbm>>) target(%arg30 : memref<64x128xi32, #tpu.memory_space<vmem>>) offsets(%dma_start3A_482 : memref<64xi32, #tpu.memory_space<vmem>>) semaphore(%arg44 : memref<!tpu.dma_semaphore, #tpu.memory_space<semaphore_mem>>)
      } else {
      }
      %ge3A_391 = arith.constant 5 : i32
      %ge3A_392 = arith.cmpi sge, %add3A_363, %ge3A_391 : i32
      %convert_element_type3A_393 = arith.extui %ge3A_392 : i1 to i32
      %cond3A_394 = arith.constant 0 : i32
      %cond3A_395 = arith.cmpi ne, %convert_element_type3A_393, %cond3A_394 : i32
      scf.if %cond3A_395 {
        %sub3A_464 = arith.constant 5 : i32
        %sub3A_465 = arith.subi %add3A_363, %sub3A_464 : i32
        %dma_wait3A_466 = arith.constant 0 : i32
        %dma_wait3A_467 = tpu.memref_slice %arg17[%sub3A_465, %dma_wait3A_466] : memref<80x64xi32, #tpu.memory_space<vmem>> -> memref<1x64xi32, #tpu.memory_space<vmem>>
        %dma_wait3A_468 = tpu.memref_squeeze %dma_wait3A_467 : memref<1x64xi32, #tpu.memory_space<vmem>> -> memref<64xi32, #tpu.memory_space<vmem>>
        %dma_wait3A_469 = arith.constant 0 : i32
        %dma_wait3A_470 = tpu.memref_slice %arg40[%dma_wait3A_469] : memref<40960xf32, #tpu.memory_space<vmem_shared>> -> memref<40960xf32, #tpu.memory_space<vmem_shared>>
        tpu.wait_indirect_dma semaphore(%arg50 : memref<!tpu.dma_semaphore, #tpu.memory_space<semaphore_mem>>) src(%arg36 : memref<64xf32, #tpu.memory_space<vmem>>) dst(%dma_wait3A_470 : memref<40960xf32, #tpu.memory_space<vmem_shared>>)
        %dma_wait3A_471 = arith.constant 0 : i32
        %dma_wait3A_472 = tpu.memref_slice %arg17[%sub3A_465, %dma_wait3A_471] : memref<80x64xi32, #tpu.memory_space<vmem>> -> memref<1x64xi32, #tpu.memory_space<vmem>>
        %dma_wait3A_473 = tpu.memref_squeeze %dma_wait3A_472 : memref<1x64xi32, #tpu.memory_space<vmem>> -> memref<64xi32, #tpu.memory_space<vmem>>
        %dma_wait3A_474 = arith.constant 0 : i32
        %dma_wait3A_475 = tpu.memref_slice %arg41[%dma_wait3A_474] : memref<40960xf32, #tpu.memory_space<vmem_shared>> -> memref<40960xf32, #tpu.memory_space<vmem_shared>>
        tpu.wait_indirect_dma semaphore(%arg50 : memref<!tpu.dma_semaphore, #tpu.memory_space<semaphore_mem>>) src(%arg38 : memref<64xf32, #tpu.memory_space<vmem>>) dst(%dma_wait3A_475 : memref<40960xf32, #tpu.memory_space<vmem_shared>>)
      } else {
      }
      %scan3A_396 = arith.constant 0 : i32
      %scan3A_397 = arith.constant 0 : i32
      %scan3A_398 = arith.constant 4 : i32
      %scan3A_399 = arith.addi %scan3A_397, %scan3A_398 : i32
      %scan3A_400 = arith.constant 1 : i32
      scf.for %scan3A_464 = %scan3A_397 to %scan3A_399 step %scan3A_400  : i32 {
        %broadcast_in_dim3A_465 = arith.constant 0.000000e+00 : f32
        %broadcast_in_dim3A_466 = vector.broadcast %broadcast_in_dim3A_465 : f32 to vector<16xf32>
        %parallel_loop3A = arith.constant 0 : i32
        %parallel_loop3A_467 = arith.constant 16 : i32
        %parallel_loop3A_468 = arith.constant 1 : i32
        %parallel_loop3A_469 = scf.for %parallel_loop3A_476 = %parallel_loop3A to %parallel_loop3A_467 step %parallel_loop3A_468 iter_args(%parallel_loop3A_477 = %broadcast_in_dim3A_466) -> (vector<16xf32>)  : i32 {
          %parallel_loop3A_478 = arith.constant 16 : i32
          %parallel_loop3A_479 = arith.muli %scan3A_464, %parallel_loop3A_478 : i32
          %parallel_loop3A_480 = arith.addi %parallel_loop3A_479, %parallel_loop3A_476 : i32
          %parallel_loop3A_481 = arith.constant 0.000000e+00 : f32
          %parallel_loop3A_482 = vector.broadcast %parallel_loop3A_481 : f32 to vector<16xf32>
          %parallel_loop3A_483 = arith.index_cast %parallel_loop3A_480 : i32 to index
          %parallel_loop3A_484 = arith.constant 0 : index
          %parallel_loop3A_485 = tpu.vector_load %arg31[%parallel_loop3A_483, %parallel_loop3A_484] {strides = array<i32>} : memref<64x128xi32, #tpu.memory_space<vmem>>, vector<1x16xi32>,
          %parallel_loop3A_486 = vector.shape_cast %parallel_loop3A_485 : vector<1x16xi32> to vector<16xi32>
          %parallel_loop3A_487 = arith.index_cast %parallel_loop3A_480 : i32 to index
          %parallel_loop3A_488 = arith.constant 0 : index
          %parallel_loop3A_489 = tpu.vector_load %arg21[%parallel_loop3A_487, %parallel_loop3A_488] {strides = array<i32>} : memref<64x64xi32, #tpu.memory_space<vmem>>, vector<1x16xi32>,
          %parallel_loop3A_490 = vector.shape_cast %parallel_loop3A_489 : vector<1x16xi32> to vector<16xi32>
          %parallel_loop3A_491 = arith.index_cast %parallel_loop3A_480 : i32 to index
          %parallel_loop3A_492 = arith.constant 64 : index
          %parallel_loop3A_493 = tpu.vector_load %arg31[%parallel_loop3A_491, %parallel_loop3A_492] {strides = array<i32>} : memref<64x128xi32, #tpu.memory_space<vmem>>, vector<1x16xi32>,
          %parallel_loop3A_494 = vector.shape_cast %parallel_loop3A_493 : vector<1x16xi32> to vector<16xi32>
          %parallel_loop3A_495 = arith.index_cast %parallel_loop3A_480 : i32 to index
          %parallel_loop3A_496 = arith.constant 0 : index
          %parallel_loop3A_497 = tpu.vector_load %arg26[%parallel_loop3A_495, %parallel_loop3A_496] {strides = array<i32>} : memref<64x64xi32, #tpu.memory_space<vmem>>, vector<1x16xi32>,
          %parallel_loop3A_498 = vector.shape_cast %parallel_loop3A_497 : vector<1x16xi32> to vector<16xi32>
          %parallel_loop3A_499 = arith.constant 16 : i32
          %parallel_loop3A_500 = vector.broadcast %parallel_loop3A_499 : i32 to vector<16xi32>
          %parallel_loop3A_501 = arith.shli %parallel_loop3A_486, %parallel_loop3A_500 : vector<16xi32>
          %parallel_loop3A_502 = tpu.bitcast %parallel_loop3A_501 : vector<16xi32> -> vector<16xf32>
          %parallel_loop3A_503 = arith.constant 16 : i32
          %parallel_loop3A_504 = vector.broadcast %parallel_loop3A_503 : i32 to vector<16xi32>
          %parallel_loop3A_505 = arith.shli %parallel_loop3A_490, %parallel_loop3A_504 : vector<16xi32>
          %parallel_loop3A_506 = tpu.bitcast %parallel_loop3A_505 : vector<16xi32> -> vector<16xf32>
          %parallel_loop3A_507 = arith.addf %parallel_loop3A_502, %parallel_loop3A_506 : vector<16xf32>
          %parallel_loop3A_508 = arith.constant -65536 : i32
          %parallel_loop3A_509 = vector.broadcast %parallel_loop3A_508 : i32 to vector<16xi32>
          %parallel_loop3A_510 = arith.andi %parallel_loop3A_486, %parallel_loop3A_509 : vector<16xi32>
          %parallel_loop3A_511 = tpu.bitcast %parallel_loop3A_510 : vector<16xi32> -> vector<16xf32>
          %parallel_loop3A_512 = arith.constant -65536 : i32
          %parallel_loop3A_513 = vector.broadcast %parallel_loop3A_512 : i32 to vector<16xi32>
          %parallel_loop3A_514 = arith.andi %parallel_loop3A_490, %parallel_loop3A_513 : vector<16xi32>
          %parallel_loop3A_515 = tpu.bitcast %parallel_loop3A_514 : vector<16xi32> -> vector<16xf32>
          %parallel_loop3A_516 = arith.addf %parallel_loop3A_511, %parallel_loop3A_515 : vector<16xf32>
          %parallel_loop3A_517 = arith.constant 16 : i32
          %parallel_loop3A_518 = vector.broadcast %parallel_loop3A_517 : i32 to vector<16xi32>
          %parallel_loop3A_519 = arith.shli %parallel_loop3A_494, %parallel_loop3A_518 : vector<16xi32>
          %parallel_loop3A_520 = tpu.bitcast %parallel_loop3A_519 : vector<16xi32> -> vector<16xf32>
          %parallel_loop3A_521 = arith.constant 16 : i32
          %parallel_loop3A_522 = vector.broadcast %parallel_loop3A_521 : i32 to vector<16xi32>
          %parallel_loop3A_523 = arith.shli %parallel_loop3A_498, %parallel_loop3A_522 : vector<16xi32>
          %parallel_loop3A_524 = tpu.bitcast %parallel_loop3A_523 : vector<16xi32> -> vector<16xf32>
          %parallel_loop3A_525 = arith.addf %parallel_loop3A_520, %parallel_loop3A_524 : vector<16xf32>
          %parallel_loop3A_526 = arith.constant -65536 : i32
          %parallel_loop3A_527 = vector.broadcast %parallel_loop3A_526 : i32 to vector<16xi32>
          %parallel_loop3A_528 = arith.andi %parallel_loop3A_494, %parallel_loop3A_527 : vector<16xi32>
          %parallel_loop3A_529 = tpu.bitcast %parallel_loop3A_528 : vector<16xi32> -> vector<16xf32>
          %parallel_loop3A_530 = arith.constant -65536 : i32
          %parallel_loop3A_531 = vector.broadcast %parallel_loop3A_530 : i32 to vector<16xi32>
          %parallel_loop3A_532 = arith.andi %parallel_loop3A_498, %parallel_loop3A_531 : vector<16xi32>
          %parallel_loop3A_533 = tpu.bitcast %parallel_loop3A_532 : vector<16xi32> -> vector<16xf32>
          %parallel_loop3A_534 = arith.addf %parallel_loop3A_529, %parallel_loop3A_533 : vector<16xf32>
          %parallel_loop3A_535 = math.exp %parallel_loop3A_507 : vector<16xf32>
          %parallel_loop3A_536 = math.exp %parallel_loop3A_525 : vector<16xf32>
          %parallel_loop3A_537 = arith.subf %parallel_loop3A_535, %parallel_loop3A_536 : vector<16xf32>
          %parallel_loop3A_538 = arith.constant 1.000000e+00 : f32
          %parallel_loop3A_539 = vector.broadcast %parallel_loop3A_538 : f32 to vector<16xf32>
          %parallel_loop3A_540 = arith.addf %parallel_loop3A_539, %parallel_loop3A_535 : vector<16xf32>
          %parallel_loop3A_541 = arith.constant 1.000000e+00 : f32
          %parallel_loop3A_542 = vector.broadcast %parallel_loop3A_541 : f32 to vector<16xf32>
          %parallel_loop3A_543 = arith.addf %parallel_loop3A_542, %parallel_loop3A_536 : vector<16xf32>
          %parallel_loop3A_544 = arith.mulf %parallel_loop3A_540, %parallel_loop3A_543 : vector<16xf32>
          %parallel_loop3A_545 = arith.divf %parallel_loop3A_537, %parallel_loop3A_544 : vector<16xf32>
          %parallel_loop3A_546 = arith.mulf %get3A_20, %parallel_loop3A_545 : vector<16xf32>
          %parallel_loop3A_547 = arith.addf %parallel_loop3A_482, %parallel_loop3A_546 : vector<16xf32>
          %parallel_loop3A_548 = math.exp %parallel_loop3A_516 : vector<16xf32>
          %parallel_loop3A_549 = math.exp %parallel_loop3A_534 : vector<16xf32>
          %parallel_loop3A_550 = arith.subf %parallel_loop3A_548, %parallel_loop3A_549 : vector<16xf32>
          %parallel_loop3A_551 = arith.constant 1.000000e+00 : f32
          %parallel_loop3A_552 = vector.broadcast %parallel_loop3A_551 : f32 to vector<16xf32>
          %parallel_loop3A_553 = arith.addf %parallel_loop3A_552, %parallel_loop3A_548 : vector<16xf32>
          %parallel_loop3A_554 = arith.constant 1.000000e+00 : f32
          %parallel_loop3A_555 = vector.broadcast %parallel_loop3A_554 : f32 to vector<16xf32>
          %parallel_loop3A_556 = arith.addf %parallel_loop3A_555, %parallel_loop3A_549 : vector<16xf32>
          %parallel_loop3A_557 = arith.mulf %parallel_loop3A_553, %parallel_loop3A_556 : vector<16xf32>
          %parallel_loop3A_558 = arith.divf %parallel_loop3A_550, %parallel_loop3A_557 : vector<16xf32>
          %parallel_loop3A_559 = arith.mulf %get3A_23, %parallel_loop3A_558 : vector<16xf32>
          %parallel_loop3A_560 = arith.addf %parallel_loop3A_547, %parallel_loop3A_559 : vector<16xf32>
          %parallel_loop3A_561 = arith.index_cast %parallel_loop3A_480 : i32 to index
          %parallel_loop3A_562 = arith.constant 16 : index
          %parallel_loop3A_563 = tpu.vector_load %arg31[%parallel_loop3A_561, %parallel_loop3A_562] {strides = array<i32>} : memref<64x128xi32, #tpu.memory_space<vmem>>, vector<1x16xi32>,
          %parallel_loop3A_564 = vector.shape_cast %parallel_loop3A_563 : vector<1x16xi32> to vector<16xi32>
          %parallel_loop3A_565 = arith.index_cast %parallel_loop3A_480 : i32 to index
          %parallel_loop3A_566 = arith.constant 16 : index
          %parallel_loop3A_567 = tpu.vector_load %arg21[%parallel_loop3A_565, %parallel_loop3A_566] {strides = array<i32>} : memref<64x64xi32, #tpu.memory_space<vmem>>, vector<1x16xi32>,
          %parallel_loop3A_568 = vector.shape_cast %parallel_loop3A_567 : vector<1x16xi32> to vector<16xi32>
          %parallel_loop3A_569 = arith.index_cast %parallel_loop3A_480 : i32 to index
          %parallel_loop3A_570 = arith.constant 80 : index
          %parallel_loop3A_571 = tpu.vector_load %arg31[%parallel_loop3A_569, %parallel_loop3A_570] {strides = array<i32>} : memref<64x128xi32, #tpu.memory_space<vmem>>, vector<1x16xi32>,
          %parallel_loop3A_572 = vector.shape_cast %parallel_loop3A_571 : vector<1x16xi32> to vector<16xi32>
          %parallel_loop3A_573 = arith.index_cast %parallel_loop3A_480 : i32 to index
          %parallel_loop3A_574 = arith.constant 16 : index
          %parallel_loop3A_575 = tpu.vector_load %arg26[%parallel_loop3A_573, %parallel_loop3A_574] {strides = array<i32>} : memref<64x64xi32, #tpu.memory_space<vmem>>, vector<1x16xi32>,
          %parallel_loop3A_576 = vector.shape_cast %parallel_loop3A_575 : vector<1x16xi32> to vector<16xi32>
          %parallel_loop3A_577 = arith.constant 16 : i32
          %parallel_loop3A_578 = vector.broadcast %parallel_loop3A_577 : i32 to vector<16xi32>
          %parallel_loop3A_579 = arith.shli %parallel_loop3A_564, %parallel_loop3A_578 : vector<16xi32>
          %parallel_loop3A_580 = tpu.bitcast %parallel_loop3A_579 : vector<16xi32> -> vector<16xf32>
          %parallel_loop3A_581 = arith.constant 16 : i32
          %parallel_loop3A_582 = vector.broadcast %parallel_loop3A_581 : i32 to vector<16xi32>
          %parallel_loop3A_583 = arith.shli %parallel_loop3A_568, %parallel_loop3A_582 : vector<16xi32>
          %parallel_loop3A_584 = tpu.bitcast %parallel_loop3A_583 : vector<16xi32> -> vector<16xf32>
          %parallel_loop3A_585 = arith.addf %parallel_loop3A_580, %parallel_loop3A_584 : vector<16xf32>
          %parallel_loop3A_586 = arith.constant -65536 : i32
          %parallel_loop3A_587 = vector.broadcast %parallel_loop3A_586 : i32 to vector<16xi32>
          %parallel_loop3A_588 = arith.andi %parallel_loop3A_564, %parallel_loop3A_587 : vector<16xi32>
          %parallel_loop3A_589 = tpu.bitcast %parallel_loop3A_588 : vector<16xi32> -> vector<16xf32>
          %parallel_loop3A_590 = arith.constant -65536 : i32
          %parallel_loop3A_591 = vector.broadcast %parallel_loop3A_590 : i32 to vector<16xi32>
          %parallel_loop3A_592 = arith.andi %parallel_loop3A_568, %parallel_loop3A_591 : vector<16xi32>
          %parallel_loop3A_593 = tpu.bitcast %parallel_loop3A_592 : vector<16xi32> -> vector<16xf32>
          %parallel_loop3A_594 = arith.addf %parallel_loop3A_589, %parallel_loop3A_593 : vector<16xf32>
          %parallel_loop3A_595 = arith.constant 16 : i32
          %parallel_loop3A_596 = vector.broadcast %parallel_loop3A_595 : i32 to vector<16xi32>
          %parallel_loop3A_597 = arith.shli %parallel_loop3A_572, %parallel_loop3A_596 : vector<16xi32>
          %parallel_loop3A_598 = tpu.bitcast %parallel_loop3A_597 : vector<16xi32> -> vector<16xf32>
          %parallel_loop3A_599 = arith.constant 16 : i32
          %parallel_loop3A_600 = vector.broadcast %parallel_loop3A_599 : i32 to vector<16xi32>
          %parallel_loop3A_601 = arith.shli %parallel_loop3A_576, %parallel_loop3A_600 : vector<16xi32>
          %parallel_loop3A_602 = tpu.bitcast %parallel_loop3A_601 : vector<16xi32> -> vector<16xf32>
          %parallel_loop3A_603 = arith.addf %parallel_loop3A_598, %parallel_loop3A_602 : vector<16xf32>
          %parallel_loop3A_604 = arith.constant -65536 : i32
          %parallel_loop3A_605 = vector.broadcast %parallel_loop3A_604 : i32 to vector<16xi32>
          %parallel_loop3A_606 = arith.andi %parallel_loop3A_572, %parallel_loop3A_605 : vector<16xi32>
          %parallel_loop3A_607 = tpu.bitcast %parallel_loop3A_606 : vector<16xi32> -> vector<16xf32>
          %parallel_loop3A_608 = arith.constant -65536 : i32
          %parallel_loop3A_609 = vector.broadcast %parallel_loop3A_608 : i32 to vector<16xi32>
          %parallel_loop3A_610 = arith.andi %parallel_loop3A_576, %parallel_loop3A_609 : vector<16xi32>
          %parallel_loop3A_611 = tpu.bitcast %parallel_loop3A_610 : vector<16xi32> -> vector<16xf32>
          %parallel_loop3A_612 = arith.addf %parallel_loop3A_607, %parallel_loop3A_611 : vector<16xf32>
          %parallel_loop3A_613 = math.exp %parallel_loop3A_585 : vector<16xf32>
          %parallel_loop3A_614 = math.exp %parallel_loop3A_603 : vector<16xf32>
          %parallel_loop3A_615 = arith.subf %parallel_loop3A_613, %parallel_loop3A_614 : vector<16xf32>
          %parallel_loop3A_616 = arith.constant 1.000000e+00 : f32
          %parallel_loop3A_617 = vector.broadcast %parallel_loop3A_616 : f32 to vector<16xf32>
          %parallel_loop3A_618 = arith.addf %parallel_loop3A_617, %parallel_loop3A_613 : vector<16xf32>
          %parallel_loop3A_619 = arith.constant 1.000000e+00 : f32
          %parallel_loop3A_620 = vector.broadcast %parallel_loop3A_619 : f32 to vector<16xf32>
          %parallel_loop3A_621 = arith.addf %parallel_loop3A_620, %parallel_loop3A_614 : vector<16xf32>
          %parallel_loop3A_622 = arith.mulf %parallel_loop3A_618, %parallel_loop3A_621 : vector<16xf32>
          %parallel_loop3A_623 = arith.divf %parallel_loop3A_615, %parallel_loop3A_622 : vector<16xf32>
          %parallel_loop3A_624 = arith.mulf %get3A_26, %parallel_loop3A_623 : vector<16xf32>
          %parallel_loop3A_625 = arith.addf %parallel_loop3A_560, %parallel_loop3A_624 : vector<16xf32>
          %parallel_loop3A_626 = math.exp %parallel_loop3A_594 : vector<16xf32>
          %parallel_loop3A_627 = math.exp %parallel_loop3A_612 : vector<16xf32>
          %parallel_loop3A_628 = arith.subf %parallel_loop3A_626, %parallel_loop3A_627 : vector<16xf32>
          %parallel_loop3A_629 = arith.constant 1.000000e+00 : f32
          %parallel_loop3A_630 = vector.broadcast %parallel_loop3A_629 : f32 to vector<16xf32>
          %parallel_loop3A_631 = arith.addf %parallel_loop3A_630, %parallel_loop3A_626 : vector<16xf32>
          %parallel_loop3A_632 = arith.constant 1.000000e+00 : f32
          %parallel_loop3A_633 = vector.broadcast %parallel_loop3A_632 : f32 to vector<16xf32>
          %parallel_loop3A_634 = arith.addf %parallel_loop3A_633, %parallel_loop3A_627 : vector<16xf32>
          %parallel_loop3A_635 = arith.mulf %parallel_loop3A_631, %parallel_loop3A_634 : vector<16xf32>
          %parallel_loop3A_636 = arith.divf %parallel_loop3A_628, %parallel_loop3A_635 : vector<16xf32>
          %parallel_loop3A_637 = arith.mulf %get3A_29, %parallel_loop3A_636 : vector<16xf32>
          %parallel_loop3A_638 = arith.addf %parallel_loop3A_625, %parallel_loop3A_637 : vector<16xf32>
          %parallel_loop3A_639 = arith.index_cast %parallel_loop3A_480 : i32 to index
          %parallel_loop3A_640 = arith.constant 32 : index
          %parallel_loop3A_641 = tpu.vector_load %arg31[%parallel_loop3A_639, %parallel_loop3A_640] {strides = array<i32>} : memref<64x128xi32, #tpu.memory_space<vmem>>, vector<1x16xi32>,
          %parallel_loop3A_642 = vector.shape_cast %parallel_loop3A_641 : vector<1x16xi32> to vector<16xi32>
          %parallel_loop3A_643 = arith.index_cast %parallel_loop3A_480 : i32 to index
          %parallel_loop3A_644 = arith.constant 32 : index
          %parallel_loop3A_645 = tpu.vector_load %arg21[%parallel_loop3A_643, %parallel_loop3A_644] {strides = array<i32>} : memref<64x64xi32, #tpu.memory_space<vmem>>, vector<1x16xi32>,
          %parallel_loop3A_646 = vector.shape_cast %parallel_loop3A_645 : vector<1x16xi32> to vector<16xi32>
          %parallel_loop3A_647 = arith.index_cast %parallel_loop3A_480 : i32 to index
          %parallel_loop3A_648 = arith.constant 96 : index
          %parallel_loop3A_649 = tpu.vector_load %arg31[%parallel_loop3A_647, %parallel_loop3A_648] {strides = array<i32>} : memref<64x128xi32, #tpu.memory_space<vmem>>, vector<1x16xi32>,
          %parallel_loop3A_650 = vector.shape_cast %parallel_loop3A_649 : vector<1x16xi32> to vector<16xi32>
          %parallel_loop3A_651 = arith.index_cast %parallel_loop3A_480 : i32 to index
          %parallel_loop3A_652 = arith.constant 32 : index
          %parallel_loop3A_653 = tpu.vector_load %arg26[%parallel_loop3A_651, %parallel_loop3A_652] {strides = array<i32>} : memref<64x64xi32, #tpu.memory_space<vmem>>, vector<1x16xi32>,
          %parallel_loop3A_654 = vector.shape_cast %parallel_loop3A_653 : vector<1x16xi32> to vector<16xi32>
          %parallel_loop3A_655 = arith.constant 16 : i32
          %parallel_loop3A_656 = vector.broadcast %parallel_loop3A_655 : i32 to vector<16xi32>
          %parallel_loop3A_657 = arith.shli %parallel_loop3A_642, %parallel_loop3A_656 : vector<16xi32>
          %parallel_loop3A_658 = tpu.bitcast %parallel_loop3A_657 : vector<16xi32> -> vector<16xf32>
          %parallel_loop3A_659 = arith.constant 16 : i32
          %parallel_loop3A_660 = vector.broadcast %parallel_loop3A_659 : i32 to vector<16xi32>
          %parallel_loop3A_661 = arith.shli %parallel_loop3A_646, %parallel_loop3A_660 : vector<16xi32>
          %parallel_loop3A_662 = tpu.bitcast %parallel_loop3A_661 : vector<16xi32> -> vector<16xf32>
          %parallel_loop3A_663 = arith.addf %parallel_loop3A_658, %parallel_loop3A_662 : vector<16xf32>
          %parallel_loop3A_664 = arith.constant -65536 : i32
          %parallel_loop3A_665 = vector.broadcast %parallel_loop3A_664 : i32 to vector<16xi32>
          %parallel_loop3A_666 = arith.andi %parallel_loop3A_642, %parallel_loop3A_665 : vector<16xi32>
          %parallel_loop3A_667 = tpu.bitcast %parallel_loop3A_666 : vector<16xi32> -> vector<16xf32>
          %parallel_loop3A_668 = arith.constant -65536 : i32
          %parallel_loop3A_669 = vector.broadcast %parallel_loop3A_668 : i32 to vector<16xi32>
          %parallel_loop3A_670 = arith.andi %parallel_loop3A_646, %parallel_loop3A_669 : vector<16xi32>
          %parallel_loop3A_671 = tpu.bitcast %parallel_loop3A_670 : vector<16xi32> -> vector<16xf32>
          %parallel_loop3A_672 = arith.addf %parallel_loop3A_667, %parallel_loop3A_671 : vector<16xf32>
          %parallel_loop3A_673 = arith.constant 16 : i32
          %parallel_loop3A_674 = vector.broadcast %parallel_loop3A_673 : i32 to vector<16xi32>
          %parallel_loop3A_675 = arith.shli %parallel_loop3A_650, %parallel_loop3A_674 : vector<16xi32>
          %parallel_loop3A_676 = tpu.bitcast %parallel_loop3A_675 : vector<16xi32> -> vector<16xf32>
          %parallel_loop3A_677 = arith.constant 16 : i32
          %parallel_loop3A_678 = vector.broadcast %parallel_loop3A_677 : i32 to vector<16xi32>
          %parallel_loop3A_679 = arith.shli %parallel_loop3A_654, %parallel_loop3A_678 : vector<16xi32>
          %parallel_loop3A_680 = tpu.bitcast %parallel_loop3A_679 : vector<16xi32> -> vector<16xf32>
          %parallel_loop3A_681 = arith.addf %parallel_loop3A_676, %parallel_loop3A_680 : vector<16xf32>
          %parallel_loop3A_682 = arith.constant -65536 : i32
          %parallel_loop3A_683 = vector.broadcast %parallel_loop3A_682 : i32 to vector<16xi32>
          %parallel_loop3A_684 = arith.andi %parallel_loop3A_650, %parallel_loop3A_683 : vector<16xi32>
          %parallel_loop3A_685 = tpu.bitcast %parallel_loop3A_684 : vector<16xi32> -> vector<16xf32>
          %parallel_loop3A_686 = arith.constant -65536 : i32
          %parallel_loop3A_687 = vector.broadcast %parallel_loop3A_686 : i32 to vector<16xi32>
          %parallel_loop3A_688 = arith.andi %parallel_loop3A_654, %parallel_loop3A_687 : vector<16xi32>
          %parallel_loop3A_689 = tpu.bitcast %parallel_loop3A_688 : vector<16xi32> -> vector<16xf32>
          %parallel_loop3A_690 = arith.addf %parallel_loop3A_685, %parallel_loop3A_689 : vector<16xf32>
          %parallel_loop3A_691 = math.exp %parallel_loop3A_663 : vector<16xf32>
          %parallel_loop3A_692 = math.exp %parallel_loop3A_681 : vector<16xf32>
          %parallel_loop3A_693 = arith.subf %parallel_loop3A_691, %parallel_loop3A_692 : vector<16xf32>
          %parallel_loop3A_694 = arith.constant 1.000000e+00 : f32
          %parallel_loop3A_695 = vector.broadcast %parallel_loop3A_694 : f32 to vector<16xf32>
          %parallel_loop3A_696 = arith.addf %parallel_loop3A_695, %parallel_loop3A_691 : vector<16xf32>
          %parallel_loop3A_697 = arith.constant 1.000000e+00 : f32
          %parallel_loop3A_698 = vector.broadcast %parallel_loop3A_697 : f32 to vector<16xf32>
          %parallel_loop3A_699 = arith.addf %parallel_loop3A_698, %parallel_loop3A_692 : vector<16xf32>
          %parallel_loop3A_700 = arith.mulf %parallel_loop3A_696, %parallel_loop3A_699 : vector<16xf32>
          %parallel_loop3A_701 = arith.divf %parallel_loop3A_693, %parallel_loop3A_700 : vector<16xf32>
          %parallel_loop3A_702 = arith.mulf %get3A_32, %parallel_loop3A_701 : vector<16xf32>
          %parallel_loop3A_703 = arith.addf %parallel_loop3A_638, %parallel_loop3A_702 : vector<16xf32>
          %parallel_loop3A_704 = math.exp %parallel_loop3A_672 : vector<16xf32>
          %parallel_loop3A_705 = math.exp %parallel_loop3A_690 : vector<16xf32>
          %parallel_loop3A_706 = arith.subf %parallel_loop3A_704, %parallel_loop3A_705 : vector<16xf32>
          %parallel_loop3A_707 = arith.constant 1.000000e+00 : f32
          %parallel_loop3A_708 = vector.broadcast %parallel_loop3A_707 : f32 to vector<16xf32>
          %parallel_loop3A_709 = arith.addf %parallel_loop3A_708, %parallel_loop3A_704 : vector<16xf32>
          %parallel_loop3A_710 = arith.constant 1.000000e+00 : f32
          %parallel_loop3A_711 = vector.broadcast %parallel_loop3A_710 : f32 to vector<16xf32>
          %parallel_loop3A_712 = arith.addf %parallel_loop3A_711, %parallel_loop3A_705 : vector<16xf32>
          %parallel_loop3A_713 = arith.mulf %parallel_loop3A_709, %parallel_loop3A_712 : vector<16xf32>
          %parallel_loop3A_714 = arith.divf %parallel_loop3A_706, %parallel_loop3A_713 : vector<16xf32>
          %parallel_loop3A_715 = arith.mulf %get3A_35, %parallel_loop3A_714 : vector<16xf32>
          %parallel_loop3A_716 = arith.addf %parallel_loop3A_703, %parallel_loop3A_715 : vector<16xf32>
          %parallel_loop3A_717 = arith.index_cast %parallel_loop3A_480 : i32 to index
          %parallel_loop3A_718 = arith.constant 48 : index
          %parallel_loop3A_719 = tpu.vector_load %arg31[%parallel_loop3A_717, %parallel_loop3A_718] {strides = array<i32>} : memref<64x128xi32, #tpu.memory_space<vmem>>, vector<1x16xi32>,
          %parallel_loop3A_720 = vector.shape_cast %parallel_loop3A_719 : vector<1x16xi32> to vector<16xi32>
          %parallel_loop3A_721 = arith.index_cast %parallel_loop3A_480 : i32 to index
          %parallel_loop3A_722 = arith.constant 48 : index
          %parallel_loop3A_723 = tpu.vector_load %arg21[%parallel_loop3A_721, %parallel_loop3A_722] {strides = array<i32>} : memref<64x64xi32, #tpu.memory_space<vmem>>, vector<1x16xi32>,
          %parallel_loop3A_724 = vector.shape_cast %parallel_loop3A_723 : vector<1x16xi32> to vector<16xi32>
          %parallel_loop3A_725 = arith.index_cast %parallel_loop3A_480 : i32 to index
          %parallel_loop3A_726 = arith.constant 112 : index
          %parallel_loop3A_727 = tpu.vector_load %arg31[%parallel_loop3A_725, %parallel_loop3A_726] {strides = array<i32>} : memref<64x128xi32, #tpu.memory_space<vmem>>, vector<1x16xi32>,
          %parallel_loop3A_728 = vector.shape_cast %parallel_loop3A_727 : vector<1x16xi32> to vector<16xi32>
          %parallel_loop3A_729 = arith.index_cast %parallel_loop3A_480 : i32 to index
          %parallel_loop3A_730 = arith.constant 48 : index
          %parallel_loop3A_731 = tpu.vector_load %arg26[%parallel_loop3A_729, %parallel_loop3A_730] {strides = array<i32>} : memref<64x64xi32, #tpu.memory_space<vmem>>, vector<1x16xi32>,
          %parallel_loop3A_732 = vector.shape_cast %parallel_loop3A_731 : vector<1x16xi32> to vector<16xi32>
          %parallel_loop3A_733 = arith.constant 16 : i32
          %parallel_loop3A_734 = vector.broadcast %parallel_loop3A_733 : i32 to vector<16xi32>
          %parallel_loop3A_735 = arith.shli %parallel_loop3A_720, %parallel_loop3A_734 : vector<16xi32>
          %parallel_loop3A_736 = tpu.bitcast %parallel_loop3A_735 : vector<16xi32> -> vector<16xf32>
          %parallel_loop3A_737 = arith.constant 16 : i32
          %parallel_loop3A_738 = vector.broadcast %parallel_loop3A_737 : i32 to vector<16xi32>
          %parallel_loop3A_739 = arith.shli %parallel_loop3A_724, %parallel_loop3A_738 : vector<16xi32>
          %parallel_loop3A_740 = tpu.bitcast %parallel_loop3A_739 : vector<16xi32> -> vector<16xf32>
          %parallel_loop3A_741 = arith.addf %parallel_loop3A_736, %parallel_loop3A_740 : vector<16xf32>
          %parallel_loop3A_742 = arith.constant -65536 : i32
          %parallel_loop3A_743 = vector.broadcast %parallel_loop3A_742 : i32 to vector<16xi32>
          %parallel_loop3A_744 = arith.andi %parallel_loop3A_720, %parallel_loop3A_743 : vector<16xi32>
          %parallel_loop3A_745 = tpu.bitcast %parallel_loop3A_744 : vector<16xi32> -> vector<16xf32>
          %parallel_loop3A_746 = arith.constant -65536 : i32
          %parallel_loop3A_747 = vector.broadcast %parallel_loop3A_746 : i32 to vector<16xi32>
          %parallel_loop3A_748 = arith.andi %parallel_loop3A_724, %parallel_loop3A_747 : vector<16xi32>
          %parallel_loop3A_749 = tpu.bitcast %parallel_loop3A_748 : vector<16xi32> -> vector<16xf32>
          %parallel_loop3A_750 = arith.addf %parallel_loop3A_745, %parallel_loop3A_749 : vector<16xf32>
          %parallel_loop3A_751 = arith.constant 16 : i32
          %parallel_loop3A_752 = vector.broadcast %parallel_loop3A_751 : i32 to vector<16xi32>
          %parallel_loop3A_753 = arith.shli %parallel_loop3A_728, %parallel_loop3A_752 : vector<16xi32>
          %parallel_loop3A_754 = tpu.bitcast %parallel_loop3A_753 : vector<16xi32> -> vector<16xf32>
          %parallel_loop3A_755 = arith.constant 16 : i32
          %parallel_loop3A_756 = vector.broadcast %parallel_loop3A_755 : i32 to vector<16xi32>
          %parallel_loop3A_757 = arith.shli %parallel_loop3A_732, %parallel_loop3A_756 : vector<16xi32>
          %parallel_loop3A_758 = tpu.bitcast %parallel_loop3A_757 : vector<16xi32> -> vector<16xf32>
          %parallel_loop3A_759 = arith.addf %parallel_loop3A_754, %parallel_loop3A_758 : vector<16xf32>
          %parallel_loop3A_760 = arith.constant -65536 : i32
          %parallel_loop3A_761 = vector.broadcast %parallel_loop3A_760 : i32 to vector<16xi32>
          %parallel_loop3A_762 = arith.andi %parallel_loop3A_728, %parallel_loop3A_761 : vector<16xi32>
          %parallel_loop3A_763 = tpu.bitcast %parallel_loop3A_762 : vector<16xi32> -> vector<16xf32>
          %parallel_loop3A_764 = arith.constant -65536 : i32
          %parallel_loop3A_765 = vector.broadcast %parallel_loop3A_764 : i32 to vector<16xi32>
          %parallel_loop3A_766 = arith.andi %parallel_loop3A_732, %parallel_loop3A_765 : vector<16xi32>
          %parallel_loop3A_767 = tpu.bitcast %parallel_loop3A_766 : vector<16xi32> -> vector<16xf32>
          %parallel_loop3A_768 = arith.addf %parallel_loop3A_763, %parallel_loop3A_767 : vector<16xf32>
          %parallel_loop3A_769 = math.exp %parallel_loop3A_741 : vector<16xf32>
          %parallel_loop3A_770 = math.exp %parallel_loop3A_759 : vector<16xf32>
          %parallel_loop3A_771 = arith.subf %parallel_loop3A_769, %parallel_loop3A_770 : vector<16xf32>
          %parallel_loop3A_772 = arith.constant 1.000000e+00 : f32
          %parallel_loop3A_773 = vector.broadcast %parallel_loop3A_772 : f32 to vector<16xf32>
          %parallel_loop3A_774 = arith.addf %parallel_loop3A_773, %parallel_loop3A_769 : vector<16xf32>
          %parallel_loop3A_775 = arith.constant 1.000000e+00 : f32
          %parallel_loop3A_776 = vector.broadcast %parallel_loop3A_775 : f32 to vector<16xf32>
          %parallel_loop3A_777 = arith.addf %parallel_loop3A_776, %parallel_loop3A_770 : vector<16xf32>
          %parallel_loop3A_778 = arith.mulf %parallel_loop3A_774, %parallel_loop3A_777 : vector<16xf32>
          %parallel_loop3A_779 = arith.divf %parallel_loop3A_771, %parallel_loop3A_778 : vector<16xf32>
          %parallel_loop3A_780 = arith.mulf %get3A_38, %parallel_loop3A_779 : vector<16xf32>
          %parallel_loop3A_781 = arith.addf %parallel_loop3A_716, %parallel_loop3A_780 : vector<16xf32>
          %parallel_loop3A_782 = math.exp %parallel_loop3A_750 : vector<16xf32>
          %parallel_loop3A_783 = math.exp %parallel_loop3A_768 : vector<16xf32>
          %parallel_loop3A_784 = arith.subf %parallel_loop3A_782, %parallel_loop3A_783 : vector<16xf32>
          %parallel_loop3A_785 = arith.constant 1.000000e+00 : f32
          %parallel_loop3A_786 = vector.broadcast %parallel_loop3A_785 : f32 to vector<16xf32>
          %parallel_loop3A_787 = arith.addf %parallel_loop3A_786, %parallel_loop3A_782 : vector<16xf32>
          %parallel_loop3A_788 = arith.constant 1.000000e+00 : f32
          %parallel_loop3A_789 = vector.broadcast %parallel_loop3A_788 : f32 to vector<16xf32>
          %parallel_loop3A_790 = arith.addf %parallel_loop3A_789, %parallel_loop3A_783 : vector<16xf32>
          %parallel_loop3A_791 = arith.mulf %parallel_loop3A_787, %parallel_loop3A_790 : vector<16xf32>
          %parallel_loop3A_792 = arith.divf %parallel_loop3A_784, %parallel_loop3A_791 : vector<16xf32>
          %parallel_loop3A_793 = arith.mulf %get3A_41, %parallel_loop3A_792 : vector<16xf32>
          %parallel_loop3A_794 = arith.addf %parallel_loop3A_781, %parallel_loop3A_793 : vector<16xf32>
          %parallel_loop3A_795 = vector.shape_cast %xor3A_43 : vector<16xi32> to vector<16x1xi32>
          %parallel_loop3A_796 = vector.shape_cast %parallel_loop3A_795 : vector<16x1xi32> to vector<16xi32>
          %parallel_loop3A_797 = tpu.dynamic_gather %parallel_loop3A_794[%parallel_loop3A_796] in [0] : vector<16xf32>, vector<16xi32> -> vector<16xf32>
          %parallel_loop3A_798 = arith.addf %parallel_loop3A_794, %parallel_loop3A_797 : vector<16xf32>
          %parallel_loop3A_799 = vector.shape_cast %xor3A_46 : vector<16xi32> to vector<16x1xi32>
          %parallel_loop3A_800 = vector.shape_cast %parallel_loop3A_799 : vector<16x1xi32> to vector<16xi32>
          %parallel_loop3A_801 = tpu.dynamic_gather %parallel_loop3A_798[%parallel_loop3A_800] in [0] : vector<16xf32>, vector<16xi32> -> vector<16xf32>
          %parallel_loop3A_802 = arith.addf %parallel_loop3A_798, %parallel_loop3A_801 : vector<16xf32>
          %parallel_loop3A_803 = vector.shape_cast %xor3A_49 : vector<16xi32> to vector<16x1xi32>
          %parallel_loop3A_804 = vector.shape_cast %parallel_loop3A_803 : vector<16x1xi32> to vector<16xi32>
          %parallel_loop3A_805 = tpu.dynamic_gather %parallel_loop3A_802[%parallel_loop3A_804] in [0] : vector<16xf32>, vector<16xi32> -> vector<16xf32>
          %parallel_loop3A_806 = arith.addf %parallel_loop3A_802, %parallel_loop3A_805 : vector<16xf32>
          %parallel_loop3A_807 = vector.shape_cast %xor3A_52 : vector<16xi32> to vector<16x1xi32>
          %parallel_loop3A_808 = vector.shape_cast %parallel_loop3A_807 : vector<16x1xi32> to vector<16xi32>
          %parallel_loop3A_809 = tpu.dynamic_gather %parallel_loop3A_806[%parallel_loop3A_808] in [0] : vector<16xf32>, vector<16xi32> -> vector<16xf32>
          %parallel_loop3A_810 = arith.addf %parallel_loop3A_806, %parallel_loop3A_809 : vector<16xf32>
          %parallel_loop3A_811 = vector.broadcast %parallel_loop3A_476 : i32 to vector<16xi32>
          %parallel_loop3A_812 = arith.cmpi eq, %iota3A, %parallel_loop3A_811 : vector<16xi32>
          %parallel_loop3A_813 = arith.select %parallel_loop3A_812, %parallel_loop3A_810, %parallel_loop3A_477 : vector<16xi1>, vector<16xf32>
          scf.yield %parallel_loop3A_813 : vector<16xf32>
        } {sc.loop_unroll_factor = 4 : i64, sc.parallel_access}
        %mul3A_470 = arith.constant 16 : i32
        %mul3A_471 = arith.muli %scan3A_464, %mul3A_470 : i32
        %swap3A_472 = arith.index_cast %mul3A_471 : i32 to index
        %swap3A_473 = tpu.vector_load %arg36[%swap3A_472] {strides = array<i32>} : memref<64xf32, #tpu.memory_space<vmem>>, vector<16xf32>,
        %swap3A_474 = vector.shape_cast %swap3A_473 : vector<16xf32> to vector<16xf32>
        %swap3A_475 = vector.shape_cast %parallel_loop3A_469 : vector<16xf32> to vector<16xf32>
        tpu.vector_store %arg36[%swap3A_472], %swap3A_475 {strides = array<i32>} : memref<64xf32, #tpu.memory_space<vmem>>, vector<16xf32>,
      }
      %scan3A_401 = arith.constant 4 : i32
      %dma_start3A_402 = arith.constant 0 : i32
      %dma_start3A_403 = tpu.memref_slice %arg17[%add3A_363, %dma_start3A_402] : memref<80x64xi32, #tpu.memory_space<vmem>> -> memref<1x64xi32, #tpu.memory_space<vmem>>
      %dma_start3A_404 = tpu.memref_squeeze %dma_start3A_403 : memref<1x64xi32, #tpu.memory_space<vmem>> -> memref<64xi32, #tpu.memory_space<vmem>>
      %dma_start3A_405 = arith.constant 0 : i32
      %dma_start3A_406 = tpu.memref_slice %arg40[%dma_start3A_405] : memref<40960xf32, #tpu.memory_space<vmem_shared>> -> memref<40960xf32, #tpu.memory_space<vmem_shared>>
      tpu.enqueue_indirect_dma source(%arg36 : memref<64xf32, #tpu.memory_space<vmem>>) target(%dma_start3A_406 : memref<40960xf32, #tpu.memory_space<vmem_shared>>) offsets(%dma_start3A_404 : memref<64xi32, #tpu.memory_space<vmem>>) semaphore(%arg50 : memref<!tpu.dma_semaphore, #tpu.memory_space<semaphore_mem>>) {add = true}
      %dma_start3A_407 = arith.constant 0 : i32
      %dma_start3A_408 = tpu.memref_slice %arg17[%add3A_363, %dma_start3A_407] : memref<80x64xi32, #tpu.memory_space<vmem>> -> memref<1x64xi32, #tpu.memory_space<vmem>>
      %dma_start3A_409 = tpu.memref_squeeze %dma_start3A_408 : memref<1x64xi32, #tpu.memory_space<vmem>> -> memref<64xi32, #tpu.memory_space<vmem>>
      %dma_start3A_410 = arith.constant 0 : i32
      %dma_start3A_411 = tpu.memref_slice %arg41[%dma_start3A_410] : memref<40960xf32, #tpu.memory_space<vmem_shared>> -> memref<40960xf32, #tpu.memory_space<vmem_shared>>
      tpu.enqueue_indirect_dma source(%arg38 : memref<64xf32, #tpu.memory_space<vmem>>) target(%dma_start3A_411 : memref<40960xf32, #tpu.memory_space<vmem_shared>>) offsets(%dma_start3A_409 : memref<64xi32, #tpu.memory_space<vmem>>) semaphore(%arg50 : memref<!tpu.dma_semaphore, #tpu.memory_space<semaphore_mem>>) {add = true}
      %mul3A_412 = arith.constant 5 : i32
      %mul3A_413 = arith.muli %scan3A_206, %mul3A_412 : i32
      %add3A_414 = arith.constant 4 : i32
      %add3A_415 = arith.addi %mul3A_413, %add3A_414 : i32
      %dma_wait3A_416 = arith.constant 0 : i32
      %dma_wait3A_417 = tpu.memref_slice %arg14[%add3A_415, %dma_wait3A_416] : memref<80x64xi32, #tpu.memory_space<vmem>> -> memref<1x64xi32, #tpu.memory_space<vmem>>
      %dma_wait3A_418 = tpu.memref_squeeze %dma_wait3A_417 : memref<1x64xi32, #tpu.memory_space<vmem>> -> memref<64xi32, #tpu.memory_space<vmem>>
      %dma_wait3A_419 = arith.constant 0 : i32
      %dma_wait3A_420 = arith.constant 0 : i32
      %dma_wait3A_421 = tpu.memref_slice %arg2[%dma_wait3A_419, %dma_wait3A_420] : memref<10000x64xi32, #tpu.memory_space<hbm>> -> memref<10000x64xi32, #tpu.memory_space<hbm>>
      tpu.wait_indirect_dma semaphore(%arg46 : memref<!tpu.dma_semaphore, #tpu.memory_space<semaphore_mem>>) src(%dma_wait3A_421 : memref<10000x64xi32, #tpu.memory_space<hbm>>) dst(%arg22 : memref<64x64xi32, #tpu.memory_space<vmem>>)
      %dma_wait3A_422 = arith.constant 0 : i32
      %dma_wait3A_423 = tpu.memref_slice %arg15[%add3A_415, %dma_wait3A_422] : memref<80x64xi32, #tpu.memory_space<vmem>> -> memref<1x64xi32, #tpu.memory_space<vmem>>
      %dma_wait3A_424 = tpu.memref_squeeze %dma_wait3A_423 : memref<1x64xi32, #tpu.memory_space<vmem>> -> memref<64xi32, #tpu.memory_space<vmem>>
      %dma_wait3A_425 = arith.constant 0 : i32
      %dma_wait3A_426 = arith.constant 0 : i32
      %dma_wait3A_427 = tpu.memref_slice %arg3[%dma_wait3A_425, %dma_wait3A_426] : memref<10000x64xi32, #tpu.memory_space<hbm>> -> memref<10000x64xi32, #tpu.memory_space<hbm>>
      tpu.wait_indirect_dma semaphore(%arg46 : memref<!tpu.dma_semaphore, #tpu.memory_space<semaphore_mem>>) src(%dma_wait3A_427 : memref<10000x64xi32, #tpu.memory_space<hbm>>) dst(%arg27 : memref<64x64xi32, #tpu.memory_space<vmem>>)
      %dma_wait3A_428 = arith.constant 0 : i32
      %dma_wait3A_429 = tpu.memref_slice %arg16[%add3A_415, %dma_wait3A_428] : memref<80x64xi32, #tpu.memory_space<vmem>> -> memref<1x64xi32, #tpu.memory_space<vmem>>
      %dma_wait3A_430 = tpu.memref_squeeze %dma_wait3A_429 : memref<1x64xi32, #tpu.memory_space<vmem>> -> memref<64xi32, #tpu.memory_space<vmem>>
      %dma_wait3A_431 = arith.constant 0 : i32
      %dma_wait3A_432 = arith.constant 0 : i32
      %dma_wait3A_433 = tpu.memref_slice %arg4[%dma_wait3A_431, %dma_wait3A_432] : memref<1000x128xi32, #tpu.memory_space<hbm>> -> memref<1000x128xi32, #tpu.memory_space<hbm>>
      tpu.wait_indirect_dma semaphore(%arg46 : memref<!tpu.dma_semaphore, #tpu.memory_space<semaphore_mem>>) src(%dma_wait3A_433 : memref<1000x128xi32, #tpu.memory_space<hbm>>) dst(%arg32 : memref<64x128xi32, #tpu.memory_space<vmem>>)
      %add3A_434 = arith.constant 5 : i32
      %add3A_435 = arith.addi %add3A_415, %add3A_434 : i32
      %sub3A_436 = arith.constant 1 : i32
      %sub3A_437 = arith.subi %add3A_435, %sub3A_436 : i32
      %lt3A_438 = arith.constant 80 : i32
      %lt3A_439 = arith.cmpi slt, %sub3A_437, %lt3A_438 : i32
      %convert_element_type3A_440 = arith.extui %lt3A_439 : i1 to i32
      %cond3A_441 = arith.constant 0 : i32
      %cond3A_442 = arith.cmpi ne, %convert_element_type3A_440, %cond3A_441 : i32
      scf.if %cond3A_442 {
        %add3A_464 = arith.constant 5 : i32
        %add3A_465 = arith.addi %add3A_415, %add3A_464 : i32
        %sub3A_466 = arith.constant 1 : i32
        %sub3A_467 = arith.subi %add3A_465, %sub3A_466 : i32
        %dma_start3A_468 = arith.constant 0 : i32
        %dma_start3A_469 = tpu.memref_slice %arg14[%sub3A_467, %dma_start3A_468] : memref<80x64xi32, #tpu.memory_space<vmem>> -> memref<1x64xi32, #tpu.memory_space<vmem>>
        %dma_start3A_470 = tpu.memref_squeeze %dma_start3A_469 : memref<1x64xi32, #tpu.memory_space<vmem>> -> memref<64xi32, #tpu.memory_space<vmem>>
        %dma_start3A_471 = arith.constant 0 : i32
        %dma_start3A_472 = arith.constant 0 : i32
        %dma_start3A_473 = tpu.memref_slice %arg2[%dma_start3A_471, %dma_start3A_472] : memref<10000x64xi32, #tpu.memory_space<hbm>> -> memref<10000x64xi32, #tpu.memory_space<hbm>>
        tpu.enqueue_indirect_dma source(%dma_start3A_473 : memref<10000x64xi32, #tpu.memory_space<hbm>>) target(%arg21 : memref<64x64xi32, #tpu.memory_space<vmem>>) offsets(%dma_start3A_470 : memref<64xi32, #tpu.memory_space<vmem>>) semaphore(%arg45 : memref<!tpu.dma_semaphore, #tpu.memory_space<semaphore_mem>>)
        %dma_start3A_474 = arith.constant 0 : i32
        %dma_start3A_475 = tpu.memref_slice %arg15[%sub3A_467, %dma_start3A_474] : memref<80x64xi32, #tpu.memory_space<vmem>> -> memref<1x64xi32, #tpu.memory_space<vmem>>
        %dma_start3A_476 = tpu.memref_squeeze %dma_start3A_475 : memref<1x64xi32, #tpu.memory_space<vmem>> -> memref<64xi32, #tpu.memory_space<vmem>>
        %dma_start3A_477 = arith.constant 0 : i32
        %dma_start3A_478 = arith.constant 0 : i32
        %dma_start3A_479 = tpu.memref_slice %arg3[%dma_start3A_477, %dma_start3A_478] : memref<10000x64xi32, #tpu.memory_space<hbm>> -> memref<10000x64xi32, #tpu.memory_space<hbm>>
        tpu.enqueue_indirect_dma source(%dma_start3A_479 : memref<10000x64xi32, #tpu.memory_space<hbm>>) target(%arg26 : memref<64x64xi32, #tpu.memory_space<vmem>>) offsets(%dma_start3A_476 : memref<64xi32, #tpu.memory_space<vmem>>) semaphore(%arg45 : memref<!tpu.dma_semaphore, #tpu.memory_space<semaphore_mem>>)
        %dma_start3A_480 = arith.constant 0 : i32
        %dma_start3A_481 = tpu.memref_slice %arg16[%sub3A_467, %dma_start3A_480] : memref<80x64xi32, #tpu.memory_space<vmem>> -> memref<1x64xi32, #tpu.memory_space<vmem>>
        %dma_start3A_482 = tpu.memref_squeeze %dma_start3A_481 : memref<1x64xi32, #tpu.memory_space<vmem>> -> memref<64xi32, #tpu.memory_space<vmem>>
        %dma_start3A_483 = arith.constant 0 : i32
        %dma_start3A_484 = arith.constant 0 : i32
        %dma_start3A_485 = tpu.memref_slice %arg4[%dma_start3A_483, %dma_start3A_484] : memref<1000x128xi32, #tpu.memory_space<hbm>> -> memref<1000x128xi32, #tpu.memory_space<hbm>>
        tpu.enqueue_indirect_dma source(%dma_start3A_485 : memref<1000x128xi32, #tpu.memory_space<hbm>>) target(%arg31 : memref<64x128xi32, #tpu.memory_space<vmem>>) offsets(%dma_start3A_482 : memref<64xi32, #tpu.memory_space<vmem>>) semaphore(%arg45 : memref<!tpu.dma_semaphore, #tpu.memory_space<semaphore_mem>>)
      } else {
      }
      %ge3A_443 = arith.constant 5 : i32
      %ge3A_444 = arith.cmpi sge, %add3A_415, %ge3A_443 : i32
      %convert_element_type3A_445 = arith.extui %ge3A_444 : i1 to i32
      %cond3A_446 = arith.constant 0 : i32
      %cond3A_447 = arith.cmpi ne, %convert_element_type3A_445, %cond3A_446 : i32
      scf.if %cond3A_447 {
        %sub3A_464 = arith.constant 5 : i32
        %sub3A_465 = arith.subi %add3A_415, %sub3A_464 : i32
        %dma_wait3A_466 = arith.constant 0 : i32
        %dma_wait3A_467 = tpu.memref_slice %arg17[%sub3A_465, %dma_wait3A_466] : memref<80x64xi32, #tpu.memory_space<vmem>> -> memref<1x64xi32, #tpu.memory_space<vmem>>
        %dma_wait3A_468 = tpu.memref_squeeze %dma_wait3A_467 : memref<1x64xi32, #tpu.memory_space<vmem>> -> memref<64xi32, #tpu.memory_space<vmem>>
        %dma_wait3A_469 = arith.constant 0 : i32
        %dma_wait3A_470 = tpu.memref_slice %arg40[%dma_wait3A_469] : memref<40960xf32, #tpu.memory_space<vmem_shared>> -> memref<40960xf32, #tpu.memory_space<vmem_shared>>
        tpu.wait_indirect_dma semaphore(%arg51 : memref<!tpu.dma_semaphore, #tpu.memory_space<semaphore_mem>>) src(%arg37 : memref<64xf32, #tpu.memory_space<vmem>>) dst(%dma_wait3A_470 : memref<40960xf32, #tpu.memory_space<vmem_shared>>)
        %dma_wait3A_471 = arith.constant 0 : i32
        %dma_wait3A_472 = tpu.memref_slice %arg17[%sub3A_465, %dma_wait3A_471] : memref<80x64xi32, #tpu.memory_space<vmem>> -> memref<1x64xi32, #tpu.memory_space<vmem>>
        %dma_wait3A_473 = tpu.memref_squeeze %dma_wait3A_472 : memref<1x64xi32, #tpu.memory_space<vmem>> -> memref<64xi32, #tpu.memory_space<vmem>>
        %dma_wait3A_474 = arith.constant 0 : i32
        %dma_wait3A_475 = tpu.memref_slice %arg41[%dma_wait3A_474] : memref<40960xf32, #tpu.memory_space<vmem_shared>> -> memref<40960xf32, #tpu.memory_space<vmem_shared>>
        tpu.wait_indirect_dma semaphore(%arg51 : memref<!tpu.dma_semaphore, #tpu.memory_space<semaphore_mem>>) src(%arg38 : memref<64xf32, #tpu.memory_space<vmem>>) dst(%dma_wait3A_475 : memref<40960xf32, #tpu.memory_space<vmem_shared>>)
      } else {
      }
      %scan3A_448 = arith.constant 0 : i32
      %scan3A_449 = arith.constant 0 : i32
      %scan3A_450 = arith.constant 4 : i32
      %scan3A_451 = arith.addi %scan3A_449, %scan3A_450 : i32
      %scan3A_452 = arith.constant 1 : i32
      scf.for %scan3A_464 = %scan3A_449 to %scan3A_451 step %scan3A_452  : i32 {
        %broadcast_in_dim3A_465 = arith.constant 0.000000e+00 : f32
        %broadcast_in_dim3A_466 = vector.broadcast %broadcast_in_dim3A_465 : f32 to vector<16xf32>
        %parallel_loop3A = arith.constant 0 : i32
        %parallel_loop3A_467 = arith.constant 16 : i32
        %parallel_loop3A_468 = arith.constant 1 : i32
        %parallel_loop3A_469 = scf.for %parallel_loop3A_476 = %parallel_loop3A to %parallel_loop3A_467 step %parallel_loop3A_468 iter_args(%parallel_loop3A_477 = %broadcast_in_dim3A_466) -> (vector<16xf32>)  : i32 {
          %parallel_loop3A_478 = arith.constant 16 : i32
          %parallel_loop3A_479 = arith.muli %scan3A_464, %parallel_loop3A_478 : i32
          %parallel_loop3A_480 = arith.addi %parallel_loop3A_479, %parallel_loop3A_476 : i32
          %parallel_loop3A_481 = arith.constant 0.000000e+00 : f32
          %parallel_loop3A_482 = vector.broadcast %parallel_loop3A_481 : f32 to vector<16xf32>
          %parallel_loop3A_483 = arith.index_cast %parallel_loop3A_480 : i32 to index
          %parallel_loop3A_484 = arith.constant 0 : index
          %parallel_loop3A_485 = tpu.vector_load %arg32[%parallel_loop3A_483, %parallel_loop3A_484] {strides = array<i32>} : memref<64x128xi32, #tpu.memory_space<vmem>>, vector<1x16xi32>,
          %parallel_loop3A_486 = vector.shape_cast %parallel_loop3A_485 : vector<1x16xi32> to vector<16xi32>
          %parallel_loop3A_487 = arith.index_cast %parallel_loop3A_480 : i32 to index
          %parallel_loop3A_488 = arith.constant 0 : index
          %parallel_loop3A_489 = tpu.vector_load %arg22[%parallel_loop3A_487, %parallel_loop3A_488] {strides = array<i32>} : memref<64x64xi32, #tpu.memory_space<vmem>>, vector<1x16xi32>,
          %parallel_loop3A_490 = vector.shape_cast %parallel_loop3A_489 : vector<1x16xi32> to vector<16xi32>
          %parallel_loop3A_491 = arith.index_cast %parallel_loop3A_480 : i32 to index
          %parallel_loop3A_492 = arith.constant 64 : index
          %parallel_loop3A_493 = tpu.vector_load %arg32[%parallel_loop3A_491, %parallel_loop3A_492] {strides = array<i32>} : memref<64x128xi32, #tpu.memory_space<vmem>>, vector<1x16xi32>,
          %parallel_loop3A_494 = vector.shape_cast %parallel_loop3A_493 : vector<1x16xi32> to vector<16xi32>
          %parallel_loop3A_495 = arith.index_cast %parallel_loop3A_480 : i32 to index
          %parallel_loop3A_496 = arith.constant 0 : index
          %parallel_loop3A_497 = tpu.vector_load %arg27[%parallel_loop3A_495, %parallel_loop3A_496] {strides = array<i32>} : memref<64x64xi32, #tpu.memory_space<vmem>>, vector<1x16xi32>,
          %parallel_loop3A_498 = vector.shape_cast %parallel_loop3A_497 : vector<1x16xi32> to vector<16xi32>
          %parallel_loop3A_499 = arith.constant 16 : i32
          %parallel_loop3A_500 = vector.broadcast %parallel_loop3A_499 : i32 to vector<16xi32>
          %parallel_loop3A_501 = arith.shli %parallel_loop3A_486, %parallel_loop3A_500 : vector<16xi32>
          %parallel_loop3A_502 = tpu.bitcast %parallel_loop3A_501 : vector<16xi32> -> vector<16xf32>
          %parallel_loop3A_503 = arith.constant 16 : i32
          %parallel_loop3A_504 = vector.broadcast %parallel_loop3A_503 : i32 to vector<16xi32>
          %parallel_loop3A_505 = arith.shli %parallel_loop3A_490, %parallel_loop3A_504 : vector<16xi32>
          %parallel_loop3A_506 = tpu.bitcast %parallel_loop3A_505 : vector<16xi32> -> vector<16xf32>
          %parallel_loop3A_507 = arith.addf %parallel_loop3A_502, %parallel_loop3A_506 : vector<16xf32>
          %parallel_loop3A_508 = arith.constant -65536 : i32
          %parallel_loop3A_509 = vector.broadcast %parallel_loop3A_508 : i32 to vector<16xi32>
          %parallel_loop3A_510 = arith.andi %parallel_loop3A_486, %parallel_loop3A_509 : vector<16xi32>
          %parallel_loop3A_511 = tpu.bitcast %parallel_loop3A_510 : vector<16xi32> -> vector<16xf32>
          %parallel_loop3A_512 = arith.constant -65536 : i32
          %parallel_loop3A_513 = vector.broadcast %parallel_loop3A_512 : i32 to vector<16xi32>
          %parallel_loop3A_514 = arith.andi %parallel_loop3A_490, %parallel_loop3A_513 : vector<16xi32>
          %parallel_loop3A_515 = tpu.bitcast %parallel_loop3A_514 : vector<16xi32> -> vector<16xf32>
          %parallel_loop3A_516 = arith.addf %parallel_loop3A_511, %parallel_loop3A_515 : vector<16xf32>
          %parallel_loop3A_517 = arith.constant 16 : i32
          %parallel_loop3A_518 = vector.broadcast %parallel_loop3A_517 : i32 to vector<16xi32>
          %parallel_loop3A_519 = arith.shli %parallel_loop3A_494, %parallel_loop3A_518 : vector<16xi32>
          %parallel_loop3A_520 = tpu.bitcast %parallel_loop3A_519 : vector<16xi32> -> vector<16xf32>
          %parallel_loop3A_521 = arith.constant 16 : i32
          %parallel_loop3A_522 = vector.broadcast %parallel_loop3A_521 : i32 to vector<16xi32>
          %parallel_loop3A_523 = arith.shli %parallel_loop3A_498, %parallel_loop3A_522 : vector<16xi32>
          %parallel_loop3A_524 = tpu.bitcast %parallel_loop3A_523 : vector<16xi32> -> vector<16xf32>
          %parallel_loop3A_525 = arith.addf %parallel_loop3A_520, %parallel_loop3A_524 : vector<16xf32>
          %parallel_loop3A_526 = arith.constant -65536 : i32
          %parallel_loop3A_527 = vector.broadcast %parallel_loop3A_526 : i32 to vector<16xi32>
          %parallel_loop3A_528 = arith.andi %parallel_loop3A_494, %parallel_loop3A_527 : vector<16xi32>
          %parallel_loop3A_529 = tpu.bitcast %parallel_loop3A_528 : vector<16xi32> -> vector<16xf32>
          %parallel_loop3A_530 = arith.constant -65536 : i32
          %parallel_loop3A_531 = vector.broadcast %parallel_loop3A_530 : i32 to vector<16xi32>
          %parallel_loop3A_532 = arith.andi %parallel_loop3A_498, %parallel_loop3A_531 : vector<16xi32>
          %parallel_loop3A_533 = tpu.bitcast %parallel_loop3A_532 : vector<16xi32> -> vector<16xf32>
          %parallel_loop3A_534 = arith.addf %parallel_loop3A_529, %parallel_loop3A_533 : vector<16xf32>
          %parallel_loop3A_535 = math.exp %parallel_loop3A_507 : vector<16xf32>
          %parallel_loop3A_536 = math.exp %parallel_loop3A_525 : vector<16xf32>
          %parallel_loop3A_537 = arith.subf %parallel_loop3A_535, %parallel_loop3A_536 : vector<16xf32>
          %parallel_loop3A_538 = arith.constant 1.000000e+00 : f32
          %parallel_loop3A_539 = vector.broadcast %parallel_loop3A_538 : f32 to vector<16xf32>
          %parallel_loop3A_540 = arith.addf %parallel_loop3A_539, %parallel_loop3A_535 : vector<16xf32>
          %parallel_loop3A_541 = arith.constant 1.000000e+00 : f32
          %parallel_loop3A_542 = vector.broadcast %parallel_loop3A_541 : f32 to vector<16xf32>
          %parallel_loop3A_543 = arith.addf %parallel_loop3A_542, %parallel_loop3A_536 : vector<16xf32>
          %parallel_loop3A_544 = arith.mulf %parallel_loop3A_540, %parallel_loop3A_543 : vector<16xf32>
          %parallel_loop3A_545 = arith.divf %parallel_loop3A_537, %parallel_loop3A_544 : vector<16xf32>
          %parallel_loop3A_546 = arith.mulf %get3A_20, %parallel_loop3A_545 : vector<16xf32>
          %parallel_loop3A_547 = arith.addf %parallel_loop3A_482, %parallel_loop3A_546 : vector<16xf32>
          %parallel_loop3A_548 = math.exp %parallel_loop3A_516 : vector<16xf32>
          %parallel_loop3A_549 = math.exp %parallel_loop3A_534 : vector<16xf32>
          %parallel_loop3A_550 = arith.subf %parallel_loop3A_548, %parallel_loop3A_549 : vector<16xf32>
          %parallel_loop3A_551 = arith.constant 1.000000e+00 : f32
          %parallel_loop3A_552 = vector.broadcast %parallel_loop3A_551 : f32 to vector<16xf32>
          %parallel_loop3A_553 = arith.addf %parallel_loop3A_552, %parallel_loop3A_548 : vector<16xf32>
          %parallel_loop3A_554 = arith.constant 1.000000e+00 : f32
          %parallel_loop3A_555 = vector.broadcast %parallel_loop3A_554 : f32 to vector<16xf32>
          %parallel_loop3A_556 = arith.addf %parallel_loop3A_555, %parallel_loop3A_549 : vector<16xf32>
          %parallel_loop3A_557 = arith.mulf %parallel_loop3A_553, %parallel_loop3A_556 : vector<16xf32>
          %parallel_loop3A_558 = arith.divf %parallel_loop3A_550, %parallel_loop3A_557 : vector<16xf32>
          %parallel_loop3A_559 = arith.mulf %get3A_23, %parallel_loop3A_558 : vector<16xf32>
          %parallel_loop3A_560 = arith.addf %parallel_loop3A_547, %parallel_loop3A_559 : vector<16xf32>
          %parallel_loop3A_561 = arith.index_cast %parallel_loop3A_480 : i32 to index
          %parallel_loop3A_562 = arith.constant 16 : index
          %parallel_loop3A_563 = tpu.vector_load %arg32[%parallel_loop3A_561, %parallel_loop3A_562] {strides = array<i32>} : memref<64x128xi32, #tpu.memory_space<vmem>>, vector<1x16xi32>,
          %parallel_loop3A_564 = vector.shape_cast %parallel_loop3A_563 : vector<1x16xi32> to vector<16xi32>
          %parallel_loop3A_565 = arith.index_cast %parallel_loop3A_480 : i32 to index
          %parallel_loop3A_566 = arith.constant 16 : index
          %parallel_loop3A_567 = tpu.vector_load %arg22[%parallel_loop3A_565, %parallel_loop3A_566] {strides = array<i32>} : memref<64x64xi32, #tpu.memory_space<vmem>>, vector<1x16xi32>,
          %parallel_loop3A_568 = vector.shape_cast %parallel_loop3A_567 : vector<1x16xi32> to vector<16xi32>
          %parallel_loop3A_569 = arith.index_cast %parallel_loop3A_480 : i32 to index
          %parallel_loop3A_570 = arith.constant 80 : index
          %parallel_loop3A_571 = tpu.vector_load %arg32[%parallel_loop3A_569, %parallel_loop3A_570] {strides = array<i32>} : memref<64x128xi32, #tpu.memory_space<vmem>>, vector<1x16xi32>,
          %parallel_loop3A_572 = vector.shape_cast %parallel_loop3A_571 : vector<1x16xi32> to vector<16xi32>
          %parallel_loop3A_573 = arith.index_cast %parallel_loop3A_480 : i32 to index
          %parallel_loop3A_574 = arith.constant 16 : index
          %parallel_loop3A_575 = tpu.vector_load %arg27[%parallel_loop3A_573, %parallel_loop3A_574] {strides = array<i32>} : memref<64x64xi32, #tpu.memory_space<vmem>>, vector<1x16xi32>,
          %parallel_loop3A_576 = vector.shape_cast %parallel_loop3A_575 : vector<1x16xi32> to vector<16xi32>
          %parallel_loop3A_577 = arith.constant 16 : i32
          %parallel_loop3A_578 = vector.broadcast %parallel_loop3A_577 : i32 to vector<16xi32>
          %parallel_loop3A_579 = arith.shli %parallel_loop3A_564, %parallel_loop3A_578 : vector<16xi32>
          %parallel_loop3A_580 = tpu.bitcast %parallel_loop3A_579 : vector<16xi32> -> vector<16xf32>
          %parallel_loop3A_581 = arith.constant 16 : i32
          %parallel_loop3A_582 = vector.broadcast %parallel_loop3A_581 : i32 to vector<16xi32>
          %parallel_loop3A_583 = arith.shli %parallel_loop3A_568, %parallel_loop3A_582 : vector<16xi32>
          %parallel_loop3A_584 = tpu.bitcast %parallel_loop3A_583 : vector<16xi32> -> vector<16xf32>
          %parallel_loop3A_585 = arith.addf %parallel_loop3A_580, %parallel_loop3A_584 : vector<16xf32>
          %parallel_loop3A_586 = arith.constant -65536 : i32
          %parallel_loop3A_587 = vector.broadcast %parallel_loop3A_586 : i32 to vector<16xi32>
          %parallel_loop3A_588 = arith.andi %parallel_loop3A_564, %parallel_loop3A_587 : vector<16xi32>
          %parallel_loop3A_589 = tpu.bitcast %parallel_loop3A_588 : vector<16xi32> -> vector<16xf32>
          %parallel_loop3A_590 = arith.constant -65536 : i32
          %parallel_loop3A_591 = vector.broadcast %parallel_loop3A_590 : i32 to vector<16xi32>
          %parallel_loop3A_592 = arith.andi %parallel_loop3A_568, %parallel_loop3A_591 : vector<16xi32>
          %parallel_loop3A_593 = tpu.bitcast %parallel_loop3A_592 : vector<16xi32> -> vector<16xf32>
          %parallel_loop3A_594 = arith.addf %parallel_loop3A_589, %parallel_loop3A_593 : vector<16xf32>
          %parallel_loop3A_595 = arith.constant 16 : i32
          %parallel_loop3A_596 = vector.broadcast %parallel_loop3A_595 : i32 to vector<16xi32>
          %parallel_loop3A_597 = arith.shli %parallel_loop3A_572, %parallel_loop3A_596 : vector<16xi32>
          %parallel_loop3A_598 = tpu.bitcast %parallel_loop3A_597 : vector<16xi32> -> vector<16xf32>
          %parallel_loop3A_599 = arith.constant 16 : i32
          %parallel_loop3A_600 = vector.broadcast %parallel_loop3A_599 : i32 to vector<16xi32>
          %parallel_loop3A_601 = arith.shli %parallel_loop3A_576, %parallel_loop3A_600 : vector<16xi32>
          %parallel_loop3A_602 = tpu.bitcast %parallel_loop3A_601 : vector<16xi32> -> vector<16xf32>
          %parallel_loop3A_603 = arith.addf %parallel_loop3A_598, %parallel_loop3A_602 : vector<16xf32>
          %parallel_loop3A_604 = arith.constant -65536 : i32
          %parallel_loop3A_605 = vector.broadcast %parallel_loop3A_604 : i32 to vector<16xi32>
          %parallel_loop3A_606 = arith.andi %parallel_loop3A_572, %parallel_loop3A_605 : vector<16xi32>
          %parallel_loop3A_607 = tpu.bitcast %parallel_loop3A_606 : vector<16xi32> -> vector<16xf32>
          %parallel_loop3A_608 = arith.constant -65536 : i32
          %parallel_loop3A_609 = vector.broadcast %parallel_loop3A_608 : i32 to vector<16xi32>
          %parallel_loop3A_610 = arith.andi %parallel_loop3A_576, %parallel_loop3A_609 : vector<16xi32>
          %parallel_loop3A_611 = tpu.bitcast %parallel_loop3A_610 : vector<16xi32> -> vector<16xf32>
          %parallel_loop3A_612 = arith.addf %parallel_loop3A_607, %parallel_loop3A_611 : vector<16xf32>
          %parallel_loop3A_613 = math.exp %parallel_loop3A_585 : vector<16xf32>
          %parallel_loop3A_614 = math.exp %parallel_loop3A_603 : vector<16xf32>
          %parallel_loop3A_615 = arith.subf %parallel_loop3A_613, %parallel_loop3A_614 : vector<16xf32>
          %parallel_loop3A_616 = arith.constant 1.000000e+00 : f32
          %parallel_loop3A_617 = vector.broadcast %parallel_loop3A_616 : f32 to vector<16xf32>
          %parallel_loop3A_618 = arith.addf %parallel_loop3A_617, %parallel_loop3A_613 : vector<16xf32>
          %parallel_loop3A_619 = arith.constant 1.000000e+00 : f32
          %parallel_loop3A_620 = vector.broadcast %parallel_loop3A_619 : f32 to vector<16xf32>
          %parallel_loop3A_621 = arith.addf %parallel_loop3A_620, %parallel_loop3A_614 : vector<16xf32>
          %parallel_loop3A_622 = arith.mulf %parallel_loop3A_618, %parallel_loop3A_621 : vector<16xf32>
          %parallel_loop3A_623 = arith.divf %parallel_loop3A_615, %parallel_loop3A_622 : vector<16xf32>
          %parallel_loop3A_624 = arith.mulf %get3A_26, %parallel_loop3A_623 : vector<16xf32>
          %parallel_loop3A_625 = arith.addf %parallel_loop3A_560, %parallel_loop3A_624 : vector<16xf32>
          %parallel_loop3A_626 = math.exp %parallel_loop3A_594 : vector<16xf32>
          %parallel_loop3A_627 = math.exp %parallel_loop3A_612 : vector<16xf32>
          %parallel_loop3A_628 = arith.subf %parallel_loop3A_626, %parallel_loop3A_627 : vector<16xf32>
          %parallel_loop3A_629 = arith.constant 1.000000e+00 : f32
          %parallel_loop3A_630 = vector.broadcast %parallel_loop3A_629 : f32 to vector<16xf32>
          %parallel_loop3A_631 = arith.addf %parallel_loop3A_630, %parallel_loop3A_626 : vector<16xf32>
          %parallel_loop3A_632 = arith.constant 1.000000e+00 : f32
          %parallel_loop3A_633 = vector.broadcast %parallel_loop3A_632 : f32 to vector<16xf32>
          %parallel_loop3A_634 = arith.addf %parallel_loop3A_633, %parallel_loop3A_627 : vector<16xf32>
          %parallel_loop3A_635 = arith.mulf %parallel_loop3A_631, %parallel_loop3A_634 : vector<16xf32>
          %parallel_loop3A_636 = arith.divf %parallel_loop3A_628, %parallel_loop3A_635 : vector<16xf32>
          %parallel_loop3A_637 = arith.mulf %get3A_29, %parallel_loop3A_636 : vector<16xf32>
          %parallel_loop3A_638 = arith.addf %parallel_loop3A_625, %parallel_loop3A_637 : vector<16xf32>
          %parallel_loop3A_639 = arith.index_cast %parallel_loop3A_480 : i32 to index
          %parallel_loop3A_640 = arith.constant 32 : index
          %parallel_loop3A_641 = tpu.vector_load %arg32[%parallel_loop3A_639, %parallel_loop3A_640] {strides = array<i32>} : memref<64x128xi32, #tpu.memory_space<vmem>>, vector<1x16xi32>,
          %parallel_loop3A_642 = vector.shape_cast %parallel_loop3A_641 : vector<1x16xi32> to vector<16xi32>
          %parallel_loop3A_643 = arith.index_cast %parallel_loop3A_480 : i32 to index
          %parallel_loop3A_644 = arith.constant 32 : index
          %parallel_loop3A_645 = tpu.vector_load %arg22[%parallel_loop3A_643, %parallel_loop3A_644] {strides = array<i32>} : memref<64x64xi32, #tpu.memory_space<vmem>>, vector<1x16xi32>,
          %parallel_loop3A_646 = vector.shape_cast %parallel_loop3A_645 : vector<1x16xi32> to vector<16xi32>
          %parallel_loop3A_647 = arith.index_cast %parallel_loop3A_480 : i32 to index
          %parallel_loop3A_648 = arith.constant 96 : index
          %parallel_loop3A_649 = tpu.vector_load %arg32[%parallel_loop3A_647, %parallel_loop3A_648] {strides = array<i32>} : memref<64x128xi32, #tpu.memory_space<vmem>>, vector<1x16xi32>,
          %parallel_loop3A_650 = vector.shape_cast %parallel_loop3A_649 : vector<1x16xi32> to vector<16xi32>
          %parallel_loop3A_651 = arith.index_cast %parallel_loop3A_480 : i32 to index
          %parallel_loop3A_652 = arith.constant 32 : index
          %parallel_loop3A_653 = tpu.vector_load %arg27[%parallel_loop3A_651, %parallel_loop3A_652] {strides = array<i32>} : memref<64x64xi32, #tpu.memory_space<vmem>>, vector<1x16xi32>,
          %parallel_loop3A_654 = vector.shape_cast %parallel_loop3A_653 : vector<1x16xi32> to vector<16xi32>
          %parallel_loop3A_655 = arith.constant 16 : i32
          %parallel_loop3A_656 = vector.broadcast %parallel_loop3A_655 : i32 to vector<16xi32>
          %parallel_loop3A_657 = arith.shli %parallel_loop3A_642, %parallel_loop3A_656 : vector<16xi32>
          %parallel_loop3A_658 = tpu.bitcast %parallel_loop3A_657 : vector<16xi32> -> vector<16xf32>
          %parallel_loop3A_659 = arith.constant 16 : i32
          %parallel_loop3A_660 = vector.broadcast %parallel_loop3A_659 : i32 to vector<16xi32>
          %parallel_loop3A_661 = arith.shli %parallel_loop3A_646, %parallel_loop3A_660 : vector<16xi32>
          %parallel_loop3A_662 = tpu.bitcast %parallel_loop3A_661 : vector<16xi32> -> vector<16xf32>
          %parallel_loop3A_663 = arith.addf %parallel_loop3A_658, %parallel_loop3A_662 : vector<16xf32>
          %parallel_loop3A_664 = arith.constant -65536 : i32
          %parallel_loop3A_665 = vector.broadcast %parallel_loop3A_664 : i32 to vector<16xi32>
          %parallel_loop3A_666 = arith.andi %parallel_loop3A_642, %parallel_loop3A_665 : vector<16xi32>
          %parallel_loop3A_667 = tpu.bitcast %parallel_loop3A_666 : vector<16xi32> -> vector<16xf32>
          %parallel_loop3A_668 = arith.constant -65536 : i32
          %parallel_loop3A_669 = vector.broadcast %parallel_loop3A_668 : i32 to vector<16xi32>
          %parallel_loop3A_670 = arith.andi %parallel_loop3A_646, %parallel_loop3A_669 : vector<16xi32>
          %parallel_loop3A_671 = tpu.bitcast %parallel_loop3A_670 : vector<16xi32> -> vector<16xf32>
          %parallel_loop3A_672 = arith.addf %parallel_loop3A_667, %parallel_loop3A_671 : vector<16xf32>
          %parallel_loop3A_673 = arith.constant 16 : i32
          %parallel_loop3A_674 = vector.broadcast %parallel_loop3A_673 : i32 to vector<16xi32>
          %parallel_loop3A_675 = arith.shli %parallel_loop3A_650, %parallel_loop3A_674 : vector<16xi32>
          %parallel_loop3A_676 = tpu.bitcast %parallel_loop3A_675 : vector<16xi32> -> vector<16xf32>
          %parallel_loop3A_677 = arith.constant 16 : i32
          %parallel_loop3A_678 = vector.broadcast %parallel_loop3A_677 : i32 to vector<16xi32>
          %parallel_loop3A_679 = arith.shli %parallel_loop3A_654, %parallel_loop3A_678 : vector<16xi32>
          %parallel_loop3A_680 = tpu.bitcast %parallel_loop3A_679 : vector<16xi32> -> vector<16xf32>
          %parallel_loop3A_681 = arith.addf %parallel_loop3A_676, %parallel_loop3A_680 : vector<16xf32>
          %parallel_loop3A_682 = arith.constant -65536 : i32
          %parallel_loop3A_683 = vector.broadcast %parallel_loop3A_682 : i32 to vector<16xi32>
          %parallel_loop3A_684 = arith.andi %parallel_loop3A_650, %parallel_loop3A_683 : vector<16xi32>
          %parallel_loop3A_685 = tpu.bitcast %parallel_loop3A_684 : vector<16xi32> -> vector<16xf32>
          %parallel_loop3A_686 = arith.constant -65536 : i32
          %parallel_loop3A_687 = vector.broadcast %parallel_loop3A_686 : i32 to vector<16xi32>
          %parallel_loop3A_688 = arith.andi %parallel_loop3A_654, %parallel_loop3A_687 : vector<16xi32>
          %parallel_loop3A_689 = tpu.bitcast %parallel_loop3A_688 : vector<16xi32> -> vector<16xf32>
          %parallel_loop3A_690 = arith.addf %parallel_loop3A_685, %parallel_loop3A_689 : vector<16xf32>
          %parallel_loop3A_691 = math.exp %parallel_loop3A_663 : vector<16xf32>
          %parallel_loop3A_692 = math.exp %parallel_loop3A_681 : vector<16xf32>
          %parallel_loop3A_693 = arith.subf %parallel_loop3A_691, %parallel_loop3A_692 : vector<16xf32>
          %parallel_loop3A_694 = arith.constant 1.000000e+00 : f32
          %parallel_loop3A_695 = vector.broadcast %parallel_loop3A_694 : f32 to vector<16xf32>
          %parallel_loop3A_696 = arith.addf %parallel_loop3A_695, %parallel_loop3A_691 : vector<16xf32>
          %parallel_loop3A_697 = arith.constant 1.000000e+00 : f32
          %parallel_loop3A_698 = vector.broadcast %parallel_loop3A_697 : f32 to vector<16xf32>
          %parallel_loop3A_699 = arith.addf %parallel_loop3A_698, %parallel_loop3A_692 : vector<16xf32>
          %parallel_loop3A_700 = arith.mulf %parallel_loop3A_696, %parallel_loop3A_699 : vector<16xf32>
          %parallel_loop3A_701 = arith.divf %parallel_loop3A_693, %parallel_loop3A_700 : vector<16xf32>
          %parallel_loop3A_702 = arith.mulf %get3A_32, %parallel_loop3A_701 : vector<16xf32>
          %parallel_loop3A_703 = arith.addf %parallel_loop3A_638, %parallel_loop3A_702 : vector<16xf32>
          %parallel_loop3A_704 = math.exp %parallel_loop3A_672 : vector<16xf32>
          %parallel_loop3A_705 = math.exp %parallel_loop3A_690 : vector<16xf32>
          %parallel_loop3A_706 = arith.subf %parallel_loop3A_704, %parallel_loop3A_705 : vector<16xf32>
          %parallel_loop3A_707 = arith.constant 1.000000e+00 : f32
          %parallel_loop3A_708 = vector.broadcast %parallel_loop3A_707 : f32 to vector<16xf32>
          %parallel_loop3A_709 = arith.addf %parallel_loop3A_708, %parallel_loop3A_704 : vector<16xf32>
          %parallel_loop3A_710 = arith.constant 1.000000e+00 : f32
          %parallel_loop3A_711 = vector.broadcast %parallel_loop3A_710 : f32 to vector<16xf32>
          %parallel_loop3A_712 = arith.addf %parallel_loop3A_711, %parallel_loop3A_705 : vector<16xf32>
          %parallel_loop3A_713 = arith.mulf %parallel_loop3A_709, %parallel_loop3A_712 : vector<16xf32>
          %parallel_loop3A_714 = arith.divf %parallel_loop3A_706, %parallel_loop3A_713 : vector<16xf32>
          %parallel_loop3A_715 = arith.mulf %get3A_35, %parallel_loop3A_714 : vector<16xf32>
          %parallel_loop3A_716 = arith.addf %parallel_loop3A_703, %parallel_loop3A_715 : vector<16xf32>
          %parallel_loop3A_717 = arith.index_cast %parallel_loop3A_480 : i32 to index
          %parallel_loop3A_718 = arith.constant 48 : index
          %parallel_loop3A_719 = tpu.vector_load %arg32[%parallel_loop3A_717, %parallel_loop3A_718] {strides = array<i32>} : memref<64x128xi32, #tpu.memory_space<vmem>>, vector<1x16xi32>,
          %parallel_loop3A_720 = vector.shape_cast %parallel_loop3A_719 : vector<1x16xi32> to vector<16xi32>
          %parallel_loop3A_721 = arith.index_cast %parallel_loop3A_480 : i32 to index
          %parallel_loop3A_722 = arith.constant 48 : index
          %parallel_loop3A_723 = tpu.vector_load %arg22[%parallel_loop3A_721, %parallel_loop3A_722] {strides = array<i32>} : memref<64x64xi32, #tpu.memory_space<vmem>>, vector<1x16xi32>,
          %parallel_loop3A_724 = vector.shape_cast %parallel_loop3A_723 : vector<1x16xi32> to vector<16xi32>
          %parallel_loop3A_725 = arith.index_cast %parallel_loop3A_480 : i32 to index
          %parallel_loop3A_726 = arith.constant 112 : index
          %parallel_loop3A_727 = tpu.vector_load %arg32[%parallel_loop3A_725, %parallel_loop3A_726] {strides = array<i32>} : memref<64x128xi32, #tpu.memory_space<vmem>>, vector<1x16xi32>,
          %parallel_loop3A_728 = vector.shape_cast %parallel_loop3A_727 : vector<1x16xi32> to vector<16xi32>
          %parallel_loop3A_729 = arith.index_cast %parallel_loop3A_480 : i32 to index
          %parallel_loop3A_730 = arith.constant 48 : index
          %parallel_loop3A_731 = tpu.vector_load %arg27[%parallel_loop3A_729, %parallel_loop3A_730] {strides = array<i32>} : memref<64x64xi32, #tpu.memory_space<vmem>>, vector<1x16xi32>,
          %parallel_loop3A_732 = vector.shape_cast %parallel_loop3A_731 : vector<1x16xi32> to vector<16xi32>
          %parallel_loop3A_733 = arith.constant 16 : i32
          %parallel_loop3A_734 = vector.broadcast %parallel_loop3A_733 : i32 to vector<16xi32>
          %parallel_loop3A_735 = arith.shli %parallel_loop3A_720, %parallel_loop3A_734 : vector<16xi32>
          %parallel_loop3A_736 = tpu.bitcast %parallel_loop3A_735 : vector<16xi32> -> vector<16xf32>
          %parallel_loop3A_737 = arith.constant 16 : i32
          %parallel_loop3A_738 = vector.broadcast %parallel_loop3A_737 : i32 to vector<16xi32>
          %parallel_loop3A_739 = arith.shli %parallel_loop3A_724, %parallel_loop3A_738 : vector<16xi32>
          %parallel_loop3A_740 = tpu.bitcast %parallel_loop3A_739 : vector<16xi32> -> vector<16xf32>
          %parallel_loop3A_741 = arith.addf %parallel_loop3A_736, %parallel_loop3A_740 : vector<16xf32>
          %parallel_loop3A_742 = arith.constant -65536 : i32
          %parallel_loop3A_743 = vector.broadcast %parallel_loop3A_742 : i32 to vector<16xi32>
          %parallel_loop3A_744 = arith.andi %parallel_loop3A_720, %parallel_loop3A_743 : vector<16xi32>
          %parallel_loop3A_745 = tpu.bitcast %parallel_loop3A_744 : vector<16xi32> -> vector<16xf32>
          %parallel_loop3A_746 = arith.constant -65536 : i32
          %parallel_loop3A_747 = vector.broadcast %parallel_loop3A_746 : i32 to vector<16xi32>
          %parallel_loop3A_748 = arith.andi %parallel_loop3A_724, %parallel_loop3A_747 : vector<16xi32>
          %parallel_loop3A_749 = tpu.bitcast %parallel_loop3A_748 : vector<16xi32> -> vector<16xf32>
          %parallel_loop3A_750 = arith.addf %parallel_loop3A_745, %parallel_loop3A_749 : vector<16xf32>
          %parallel_loop3A_751 = arith.constant 16 : i32
          %parallel_loop3A_752 = vector.broadcast %parallel_loop3A_751 : i32 to vector<16xi32>
          %parallel_loop3A_753 = arith.shli %parallel_loop3A_728, %parallel_loop3A_752 : vector<16xi32>
          %parallel_loop3A_754 = tpu.bitcast %parallel_loop3A_753 : vector<16xi32> -> vector<16xf32>
          %parallel_loop3A_755 = arith.constant 16 : i32
          %parallel_loop3A_756 = vector.broadcast %parallel_loop3A_755 : i32 to vector<16xi32>
          %parallel_loop3A_757 = arith.shli %parallel_loop3A_732, %parallel_loop3A_756 : vector<16xi32>
          %parallel_loop3A_758 = tpu.bitcast %parallel_loop3A_757 : vector<16xi32> -> vector<16xf32>
          %parallel_loop3A_759 = arith.addf %parallel_loop3A_754, %parallel_loop3A_758 : vector<16xf32>
          %parallel_loop3A_760 = arith.constant -65536 : i32
          %parallel_loop3A_761 = vector.broadcast %parallel_loop3A_760 : i32 to vector<16xi32>
          %parallel_loop3A_762 = arith.andi %parallel_loop3A_728, %parallel_loop3A_761 : vector<16xi32>
          %parallel_loop3A_763 = tpu.bitcast %parallel_loop3A_762 : vector<16xi32> -> vector<16xf32>
          %parallel_loop3A_764 = arith.constant -65536 : i32
          %parallel_loop3A_765 = vector.broadcast %parallel_loop3A_764 : i32 to vector<16xi32>
          %parallel_loop3A_766 = arith.andi %parallel_loop3A_732, %parallel_loop3A_765 : vector<16xi32>
          %parallel_loop3A_767 = tpu.bitcast %parallel_loop3A_766 : vector<16xi32> -> vector<16xf32>
          %parallel_loop3A_768 = arith.addf %parallel_loop3A_763, %parallel_loop3A_767 : vector<16xf32>
          %parallel_loop3A_769 = math.exp %parallel_loop3A_741 : vector<16xf32>
          %parallel_loop3A_770 = math.exp %parallel_loop3A_759 : vector<16xf32>
          %parallel_loop3A_771 = arith.subf %parallel_loop3A_769, %parallel_loop3A_770 : vector<16xf32>
          %parallel_loop3A_772 = arith.constant 1.000000e+00 : f32
          %parallel_loop3A_773 = vector.broadcast %parallel_loop3A_772 : f32 to vector<16xf32>
          %parallel_loop3A_774 = arith.addf %parallel_loop3A_773, %parallel_loop3A_769 : vector<16xf32>
          %parallel_loop3A_775 = arith.constant 1.000000e+00 : f32
          %parallel_loop3A_776 = vector.broadcast %parallel_loop3A_775 : f32 to vector<16xf32>
          %parallel_loop3A_777 = arith.addf %parallel_loop3A_776, %parallel_loop3A_770 : vector<16xf32>
          %parallel_loop3A_778 = arith.mulf %parallel_loop3A_774, %parallel_loop3A_777 : vector<16xf32>
          %parallel_loop3A_779 = arith.divf %parallel_loop3A_771, %parallel_loop3A_778 : vector<16xf32>
          %parallel_loop3A_780 = arith.mulf %get3A_38, %parallel_loop3A_779 : vector<16xf32>
          %parallel_loop3A_781 = arith.addf %parallel_loop3A_716, %parallel_loop3A_780 : vector<16xf32>
          %parallel_loop3A_782 = math.exp %parallel_loop3A_750 : vector<16xf32>
          %parallel_loop3A_783 = math.exp %parallel_loop3A_768 : vector<16xf32>
          %parallel_loop3A_784 = arith.subf %parallel_loop3A_782, %parallel_loop3A_783 : vector<16xf32>
          %parallel_loop3A_785 = arith.constant 1.000000e+00 : f32
          %parallel_loop3A_786 = vector.broadcast %parallel_loop3A_785 : f32 to vector<16xf32>
          %parallel_loop3A_787 = arith.addf %parallel_loop3A_786, %parallel_loop3A_782 : vector<16xf32>
          %parallel_loop3A_788 = arith.constant 1.000000e+00 : f32
          %parallel_loop3A_789 = vector.broadcast %parallel_loop3A_788 : f32 to vector<16xf32>
          %parallel_loop3A_790 = arith.addf %parallel_loop3A_789, %parallel_loop3A_783 : vector<16xf32>
          %parallel_loop3A_791 = arith.mulf %parallel_loop3A_787, %parallel_loop3A_790 : vector<16xf32>
          %parallel_loop3A_792 = arith.divf %parallel_loop3A_784, %parallel_loop3A_791 : vector<16xf32>
          %parallel_loop3A_793 = arith.mulf %get3A_41, %parallel_loop3A_792 : vector<16xf32>
          %parallel_loop3A_794 = arith.addf %parallel_loop3A_781, %parallel_loop3A_793 : vector<16xf32>
          %parallel_loop3A_795 = vector.shape_cast %xor3A_43 : vector<16xi32> to vector<16x1xi32>
          %parallel_loop3A_796 = vector.shape_cast %parallel_loop3A_795 : vector<16x1xi32> to vector<16xi32>
          %parallel_loop3A_797 = tpu.dynamic_gather %parallel_loop3A_794[%parallel_loop3A_796] in [0] : vector<16xf32>, vector<16xi32> -> vector<16xf32>
          %parallel_loop3A_798 = arith.addf %parallel_loop3A_794, %parallel_loop3A_797 : vector<16xf32>
          %parallel_loop3A_799 = vector.shape_cast %xor3A_46 : vector<16xi32> to vector<16x1xi32>
          %parallel_loop3A_800 = vector.shape_cast %parallel_loop3A_799 : vector<16x1xi32> to vector<16xi32>
          %parallel_loop3A_801 = tpu.dynamic_gather %parallel_loop3A_798[%parallel_loop3A_800] in [0] : vector<16xf32>, vector<16xi32> -> vector<16xf32>
          %parallel_loop3A_802 = arith.addf %parallel_loop3A_798, %parallel_loop3A_801 : vector<16xf32>
          %parallel_loop3A_803 = vector.shape_cast %xor3A_49 : vector<16xi32> to vector<16x1xi32>
          %parallel_loop3A_804 = vector.shape_cast %parallel_loop3A_803 : vector<16x1xi32> to vector<16xi32>
          %parallel_loop3A_805 = tpu.dynamic_gather %parallel_loop3A_802[%parallel_loop3A_804] in [0] : vector<16xf32>, vector<16xi32> -> vector<16xf32>
          %parallel_loop3A_806 = arith.addf %parallel_loop3A_802, %parallel_loop3A_805 : vector<16xf32>
          %parallel_loop3A_807 = vector.shape_cast %xor3A_52 : vector<16xi32> to vector<16x1xi32>
          %parallel_loop3A_808 = vector.shape_cast %parallel_loop3A_807 : vector<16x1xi32> to vector<16xi32>
          %parallel_loop3A_809 = tpu.dynamic_gather %parallel_loop3A_806[%parallel_loop3A_808] in [0] : vector<16xf32>, vector<16xi32> -> vector<16xf32>
          %parallel_loop3A_810 = arith.addf %parallel_loop3A_806, %parallel_loop3A_809 : vector<16xf32>
          %parallel_loop3A_811 = vector.broadcast %parallel_loop3A_476 : i32 to vector<16xi32>
          %parallel_loop3A_812 = arith.cmpi eq, %iota3A, %parallel_loop3A_811 : vector<16xi32>
          %parallel_loop3A_813 = arith.select %parallel_loop3A_812, %parallel_loop3A_810, %parallel_loop3A_477 : vector<16xi1>, vector<16xf32>
          scf.yield %parallel_loop3A_813 : vector<16xf32>
        } {sc.loop_unroll_factor = 4 : i64, sc.parallel_access}
        %mul3A_470 = arith.constant 16 : i32
        %mul3A_471 = arith.muli %scan3A_464, %mul3A_470 : i32
        %swap3A_472 = arith.index_cast %mul3A_471 : i32 to index
        %swap3A_473 = tpu.vector_load %arg37[%swap3A_472] {strides = array<i32>} : memref<64xf32, #tpu.memory_space<vmem>>, vector<16xf32>,
        %swap3A_474 = vector.shape_cast %swap3A_473 : vector<16xf32> to vector<16xf32>
        %swap3A_475 = vector.shape_cast %parallel_loop3A_469 : vector<16xf32> to vector<16xf32>
        tpu.vector_store %arg37[%swap3A_472], %swap3A_475 {strides = array<i32>} : memref<64xf32, #tpu.memory_space<vmem>>, vector<16xf32>,
      }
      %scan3A_453 = arith.constant 4 : i32
      %dma_start3A_454 = arith.constant 0 : i32
      %dma_start3A_455 = tpu.memref_slice %arg17[%add3A_415, %dma_start3A_454] : memref<80x64xi32, #tpu.memory_space<vmem>> -> memref<1x64xi32, #tpu.memory_space<vmem>>
      %dma_start3A_456 = tpu.memref_squeeze %dma_start3A_455 : memref<1x64xi32, #tpu.memory_space<vmem>> -> memref<64xi32, #tpu.memory_space<vmem>>
      %dma_start3A_457 = arith.constant 0 : i32
      %dma_start3A_458 = tpu.memref_slice %arg40[%dma_start3A_457] : memref<40960xf32, #tpu.memory_space<vmem_shared>> -> memref<40960xf32, #tpu.memory_space<vmem_shared>>
      tpu.enqueue_indirect_dma source(%arg37 : memref<64xf32, #tpu.memory_space<vmem>>) target(%dma_start3A_458 : memref<40960xf32, #tpu.memory_space<vmem_shared>>) offsets(%dma_start3A_456 : memref<64xi32, #tpu.memory_space<vmem>>) semaphore(%arg51 : memref<!tpu.dma_semaphore, #tpu.memory_space<semaphore_mem>>) {add = true}
      %dma_start3A_459 = arith.constant 0 : i32
      %dma_start3A_460 = tpu.memref_slice %arg17[%add3A_415, %dma_start3A_459] : memref<80x64xi32, #tpu.memory_space<vmem>> -> memref<1x64xi32, #tpu.memory_space<vmem>>
      %dma_start3A_461 = tpu.memref_squeeze %dma_start3A_460 : memref<1x64xi32, #tpu.memory_space<vmem>> -> memref<64xi32, #tpu.memory_space<vmem>>
      %dma_start3A_462 = arith.constant 0 : i32
      %dma_start3A_463 = tpu.memref_slice %arg41[%dma_start3A_462] : memref<40960xf32, #tpu.memory_space<vmem_shared>> -> memref<40960xf32, #tpu.memory_space<vmem_shared>>
      tpu.enqueue_indirect_dma source(%arg38 : memref<64xf32, #tpu.memory_space<vmem>>) target(%dma_start3A_463 : memref<40960xf32, #tpu.memory_space<vmem_shared>>) offsets(%dma_start3A_461 : memref<64xi32, #tpu.memory_space<vmem>>) semaphore(%arg51 : memref<!tpu.dma_semaphore, #tpu.memory_space<semaphore_mem>>) {add = true}
    }
    %scan3A_140 = arith.constant 16 : i32
    %dma_wait3A = arith.constant 75 : i32
    %dma_wait3A_141 = arith.constant 0 : i32
    %dma_wait3A_142 = tpu.memref_slice %arg17[%dma_wait3A, %dma_wait3A_141] : memref<80x64xi32, #tpu.memory_space<vmem>> -> memref<1x64xi32, #tpu.memory_space<vmem>>
    %dma_wait3A_143 = tpu.memref_squeeze %dma_wait3A_142 : memref<1x64xi32, #tpu.memory_space<vmem>> -> memref<64xi32, #tpu.memory_space<vmem>>
    %dma_wait3A_144 = arith.constant 0 : i32
    %dma_wait3A_145 = tpu.memref_slice %arg40[%dma_wait3A_144] : memref<40960xf32, #tpu.memory_space<vmem_shared>> -> memref<40960xf32, #tpu.memory_space<vmem_shared>>
    tpu.wait_indirect_dma semaphore(%arg47 : memref<!tpu.dma_semaphore, #tpu.memory_space<semaphore_mem>>) src(%arg33 : memref<64xf32, #tpu.memory_space<vmem>>) dst(%dma_wait3A_145 : memref<40960xf32, #tpu.memory_space<vmem_shared>>)
    %dma_wait3A_146 = arith.constant 75 : i32
    %dma_wait3A_147 = arith.constant 0 : i32
    %dma_wait3A_148 = tpu.memref_slice %arg17[%dma_wait3A_146, %dma_wait3A_147] : memref<80x64xi32, #tpu.memory_space<vmem>> -> memref<1x64xi32, #tpu.memory_space<vmem>>
    %dma_wait3A_149 = tpu.memref_squeeze %dma_wait3A_148 : memref<1x64xi32, #tpu.memory_space<vmem>> -> memref<64xi32, #tpu.memory_space<vmem>>
    %dma_wait3A_150 = arith.constant 0 : i32
    %dma_wait3A_151 = tpu.memref_slice %arg41[%dma_wait3A_150] : memref<40960xf32, #tpu.memory_space<vmem_shared>> -> memref<40960xf32, #tpu.memory_space<vmem_shared>>
    tpu.wait_indirect_dma semaphore(%arg47 : memref<!tpu.dma_semaphore, #tpu.memory_space<semaphore_mem>>) src(%arg38 : memref<64xf32, #tpu.memory_space<vmem>>) dst(%dma_wait3A_151 : memref<40960xf32, #tpu.memory_space<vmem_shared>>)
    %dma_wait3A_152 = arith.constant 76 : i32
    %dma_wait3A_153 = arith.constant 0 : i32
    %dma_wait3A_154 = tpu.memref_slice %arg17[%dma_wait3A_152, %dma_wait3A_153] : memref<80x64xi32, #tpu.memory_space<vmem>> -> memref<1x64xi32, #tpu.memory_space<vmem>>
    %dma_wait3A_155 = tpu.memref_squeeze %dma_wait3A_154 : memref<1x64xi32, #tpu.memory_space<vmem>> -> memref<64xi32, #tpu.memory_space<vmem>>
    %dma_wait3A_156 = arith.constant 0 : i32
    %dma_wait3A_157 = tpu.memref_slice %arg40[%dma_wait3A_156] : memref<40960xf32, #tpu.memory_space<vmem_shared>> -> memref<40960xf32, #tpu.memory_space<vmem_shared>>
    tpu.wait_indirect_dma semaphore(%arg48 : memref<!tpu.dma_semaphore, #tpu.memory_space<semaphore_mem>>) src(%arg34 : memref<64xf32, #tpu.memory_space<vmem>>) dst(%dma_wait3A_157 : memref<40960xf32, #tpu.memory_space<vmem_shared>>)
    %dma_wait3A_158 = arith.constant 76 : i32
    %dma_wait3A_159 = arith.constant 0 : i32
    %dma_wait3A_160 = tpu.memref_slice %arg17[%dma_wait3A_158, %dma_wait3A_159] : memref<80x64xi32, #tpu.memory_space<vmem>> -> memref<1x64xi32, #tpu.memory_space<vmem>>
    %dma_wait3A_161 = tpu.memref_squeeze %dma_wait3A_160 : memref<1x64xi32, #tpu.memory_space<vmem>> -> memref<64xi32, #tpu.memory_space<vmem>>
    %dma_wait3A_162 = arith.constant 0 : i32
    %dma_wait3A_163 = tpu.memref_slice %arg41[%dma_wait3A_162] : memref<40960xf32, #tpu.memory_space<vmem_shared>> -> memref<40960xf32, #tpu.memory_space<vmem_shared>>
    tpu.wait_indirect_dma semaphore(%arg48 : memref<!tpu.dma_semaphore, #tpu.memory_space<semaphore_mem>>) src(%arg38 : memref<64xf32, #tpu.memory_space<vmem>>) dst(%dma_wait3A_163 : memref<40960xf32, #tpu.memory_space<vmem_shared>>)
    %dma_wait3A_164 = arith.constant 77 : i32
    %dma_wait3A_165 = arith.constant 0 : i32
    %dma_wait3A_166 = tpu.memref_slice %arg17[%dma_wait3A_164, %dma_wait3A_165] : memref<80x64xi32, #tpu.memory_space<vmem>> -> memref<1x64xi32, #tpu.memory_space<vmem>>
    %dma_wait3A_167 = tpu.memref_squeeze %dma_wait3A_166 : memref<1x64xi32, #tpu.memory_space<vmem>> -> memref<64xi32, #tpu.memory_space<vmem>>
    %dma_wait3A_168 = arith.constant 0 : i32
    %dma_wait3A_169 = tpu.memref_slice %arg40[%dma_wait3A_168] : memref<40960xf32, #tpu.memory_space<vmem_shared>> -> memref<40960xf32, #tpu.memory_space<vmem_shared>>
    tpu.wait_indirect_dma semaphore(%arg49 : memref<!tpu.dma_semaphore, #tpu.memory_space<semaphore_mem>>) src(%arg35 : memref<64xf32, #tpu.memory_space<vmem>>) dst(%dma_wait3A_169 : memref<40960xf32, #tpu.memory_space<vmem_shared>>)
    %dma_wait3A_170 = arith.constant 77 : i32
    %dma_wait3A_171 = arith.constant 0 : i32
    %dma_wait3A_172 = tpu.memref_slice %arg17[%dma_wait3A_170, %dma_wait3A_171] : memref<80x64xi32, #tpu.memory_space<vmem>> -> memref<1x64xi32, #tpu.memory_space<vmem>>
    %dma_wait3A_173 = tpu.memref_squeeze %dma_wait3A_172 : memref<1x64xi32, #tpu.memory_space<vmem>> -> memref<64xi32, #tpu.memory_space<vmem>>
    %dma_wait3A_174 = arith.constant 0 : i32
    %dma_wait3A_175 = tpu.memref_slice %arg41[%dma_wait3A_174] : memref<40960xf32, #tpu.memory_space<vmem_shared>> -> memref<40960xf32, #tpu.memory_space<vmem_shared>>
    tpu.wait_indirect_dma semaphore(%arg49 : memref<!tpu.dma_semaphore, #tpu.memory_space<semaphore_mem>>) src(%arg38 : memref<64xf32, #tpu.memory_space<vmem>>) dst(%dma_wait3A_175 : memref<40960xf32, #tpu.memory_space<vmem_shared>>)
    %dma_wait3A_176 = arith.constant 78 : i32
    %dma_wait3A_177 = arith.constant 0 : i32
    %dma_wait3A_178 = tpu.memref_slice %arg17[%dma_wait3A_176, %dma_wait3A_177] : memref<80x64xi32, #tpu.memory_space<vmem>> -> memref<1x64xi32, #tpu.memory_space<vmem>>
    %dma_wait3A_179 = tpu.memref_squeeze %dma_wait3A_178 : memref<1x64xi32, #tpu.memory_space<vmem>> -> memref<64xi32, #tpu.memory_space<vmem>>
    %dma_wait3A_180 = arith.constant 0 : i32
    %dma_wait3A_181 = tpu.memref_slice %arg40[%dma_wait3A_180] : memref<40960xf32, #tpu.memory_space<vmem_shared>> -> memref<40960xf32, #tpu.memory_space<vmem_shared>>
    tpu.wait_indirect_dma semaphore(%arg50 : memref<!tpu.dma_semaphore, #tpu.memory_space<semaphore_mem>>) src(%arg36 : memref<64xf32, #tpu.memory_space<vmem>>) dst(%dma_wait3A_181 : memref<40960xf32, #tpu.memory_space<vmem_shared>>)
    %dma_wait3A_182 = arith.constant 78 : i32
    %dma_wait3A_183 = arith.constant 0 : i32
    %dma_wait3A_184 = tpu.memref_slice %arg17[%dma_wait3A_182, %dma_wait3A_183] : memref<80x64xi32, #tpu.memory_space<vmem>> -> memref<1x64xi32, #tpu.memory_space<vmem>>
    %dma_wait3A_185 = tpu.memref_squeeze %dma_wait3A_184 : memref<1x64xi32, #tpu.memory_space<vmem>> -> memref<64xi32, #tpu.memory_space<vmem>>
    %dma_wait3A_186 = arith.constant 0 : i32
    %dma_wait3A_187 = tpu.memref_slice %arg41[%dma_wait3A_186] : memref<40960xf32, #tpu.memory_space<vmem_shared>> -> memref<40960xf32, #tpu.memory_space<vmem_shared>>
    tpu.wait_indirect_dma semaphore(%arg50 : memref<!tpu.dma_semaphore, #tpu.memory_space<semaphore_mem>>) src(%arg38 : memref<64xf32, #tpu.memory_space<vmem>>) dst(%dma_wait3A_187 : memref<40960xf32, #tpu.memory_space<vmem_shared>>)
    %dma_wait3A_188 = arith.constant 79 : i32
    %dma_wait3A_189 = arith.constant 0 : i32
    %dma_wait3A_190 = tpu.memref_slice %arg17[%dma_wait3A_188, %dma_wait3A_189] : memref<80x64xi32, #tpu.memory_space<vmem>> -> memref<1x64xi32, #tpu.memory_space<vmem>>
    %dma_wait3A_191 = tpu.memref_squeeze %dma_wait3A_190 : memref<1x64xi32, #tpu.memory_space<vmem>> -> memref<64xi32, #tpu.memory_space<vmem>>
    %dma_wait3A_192 = arith.constant 0 : i32
    %dma_wait3A_193 = tpu.memref_slice %arg40[%dma_wait3A_192] : memref<40960xf32, #tpu.memory_space<vmem_shared>> -> memref<40960xf32, #tpu.memory_space<vmem_shared>>
    tpu.wait_indirect_dma semaphore(%arg51 : memref<!tpu.dma_semaphore, #tpu.memory_space<semaphore_mem>>) src(%arg37 : memref<64xf32, #tpu.memory_space<vmem>>) dst(%dma_wait3A_193 : memref<40960xf32, #tpu.memory_space<vmem_shared>>)
    %dma_wait3A_194 = arith.constant 79 : i32
    %dma_wait3A_195 = arith.constant 0 : i32
    %dma_wait3A_196 = tpu.memref_slice %arg17[%dma_wait3A_194, %dma_wait3A_195] : memref<80x64xi32, #tpu.memory_space<vmem>> -> memref<1x64xi32, #tpu.memory_space<vmem>>
    %dma_wait3A_197 = tpu.memref_squeeze %dma_wait3A_196 : memref<1x64xi32, #tpu.memory_space<vmem>> -> memref<64xi32, #tpu.memory_space<vmem>>
    %dma_wait3A_198 = arith.constant 0 : i32
    %dma_wait3A_199 = tpu.memref_slice %arg41[%dma_wait3A_198] : memref<40960xf32, #tpu.memory_space<vmem_shared>> -> memref<40960xf32, #tpu.memory_space<vmem_shared>>
    tpu.wait_indirect_dma semaphore(%arg51 : memref<!tpu.dma_semaphore, #tpu.memory_space<semaphore_mem>>) src(%arg38 : memref<64xf32, #tpu.memory_space<vmem>>) dst(%dma_wait3A_199 : memref<40960xf32, #tpu.memory_space<vmem_shared>>)
    %barrier3A_200 = arith.constant 0 : index
    tpu.barrier barrier_id(%barrier3A_200)
    %eq3A_201 = arith.constant 0 : i32
    %eq3A_202 = arith.cmpi eq, %arg1, %eq3A_201 : i32
    %convert_element_type3A_203 = arith.extui %eq3A_202 : i1 to i32
    %cond3A_204 = arith.constant 0 : i32
    %cond3A_205 = arith.cmpi ne, %convert_element_type3A_203, %cond3A_204 : i32
    scf.if %cond3A_205 {
      "tpu.region"() ({
        %run_scoped3A = tpu.sem_alloc : memref<!tpu.dma_semaphore, #tpu.memory_space<semaphore_mem>>
        %dma_start3A_206 = arith.constant 0 : i32
        %dma_start3A_207 = tpu.memref_slice %arg12[%arg0, %dma_start3A_206] : memref<2x40960xf32, #tpu.memory_space<hbm>> -> memref<1x40960xf32, #tpu.memory_space<hbm>>
        %dma_start3A_208 = tpu.memref_squeeze %dma_start3A_207 : memref<1x40960xf32, #tpu.memory_space<hbm>> -> memref<40960xf32, #tpu.memory_space<hbm>>
        tpu.enqueue_dma source(%arg40 : memref<40960xf32, #tpu.memory_space<vmem_shared>>) target(%dma_start3A_208 : memref<40960xf32, #tpu.memory_space<hbm>>) target_semaphore(%run_scoped3A : memref<!tpu.dma_semaphore, #tpu.memory_space<semaphore_mem>>)
        %dma_wait3A_209 = arith.constant 0 : i32
        %dma_wait3A_210 = tpu.memref_slice %arg12[%arg0, %dma_wait3A_209] : memref<2x40960xf32, #tpu.memory_space<hbm>> -> memref<1x40960xf32, #tpu.memory_space<hbm>>
        %dma_wait3A_211 = tpu.memref_squeeze %dma_wait3A_210 : memref<1x40960xf32, #tpu.memory_space<hbm>> -> memref<40960xf32, #tpu.memory_space<hbm>>
        tpu.wait_dma2 semaphore(%run_scoped3A : memref<!tpu.dma_semaphore, #tpu.memory_space<semaphore_mem>>) src(%arg40 : memref<40960xf32, #tpu.memory_space<vmem_shared>>) dst(%dma_wait3A_211 : memref<40960xf32, #tpu.memory_space<hbm>>)
        tpu.yield
      }) : () -> ()
      "tpu.region"() ({
        %run_scoped3A = tpu.sem_alloc : memref<!tpu.dma_semaphore, #tpu.memory_space<semaphore_mem>>
        %dma_start3A_206 = arith.constant 0 : i32
        %dma_start3A_207 = tpu.memref_slice %arg13[%arg0, %dma_start3A_206] : memref<2x40960xf32, #tpu.memory_space<hbm>> -> memref<1x40960xf32, #tpu.memory_space<hbm>>
        %dma_start3A_208 = tpu.memref_squeeze %dma_start3A_207 : memref<1x40960xf32, #tpu.memory_space<hbm>> -> memref<40960xf32, #tpu.memory_space<hbm>>
        tpu.enqueue_dma source(%arg41 : memref<40960xf32, #tpu.memory_space<vmem_shared>>) target(%dma_start3A_208 : memref<40960xf32, #tpu.memory_space<hbm>>) target_semaphore(%run_scoped3A : memref<!tpu.dma_semaphore, #tpu.memory_space<semaphore_mem>>)
        %dma_wait3A_209 = arith.constant 0 : i32
        %dma_wait3A_210 = tpu.memref_slice %arg13[%arg0, %dma_wait3A_209] : memref<2x40960xf32, #tpu.memory_space<hbm>> -> memref<1x40960xf32, #tpu.memory_space<hbm>>
        %dma_wait3A_211 = tpu.memref_squeeze %dma_wait3A_210 : memref<1x40960xf32, #tpu.memory_space<hbm>> -> memref<40960xf32, #tpu.memory_space<hbm>>
        tpu.wait_dma2 semaphore(%run_scoped3A : memref<!tpu.dma_semaphore, #tpu.memory_space<semaphore_mem>>) src(%arg41 : memref<40960xf32, #tpu.memory_space<vmem_shared>>) dst(%dma_wait3A_211 : memref<40960xf32, #tpu.memory_space<hbm>>)
        tpu.yield
      }) : () -> ()
    } else {
    }
    return
  }
}

module attributes {stable_mosaic.version = 14 : i64} {
  func.func @_proj_body(%arg0: memref<10000x128xf32, #tpu.memory_space<vmem>>, %arg1: memref<1000x128xf32, #tpu.memory_space<vmem>>, %arg2: memref<10000x128xf32, #tpu.memory_space<vmem>>, %arg3: memref<128x128xf32, #tpu.memory_space<vmem>>, %arg4: memref<128x128xf32, #tpu.memory_space<vmem>>, %arg5: memref<1x128xf32, #tpu.memory_space<vmem>>, %arg6: memref<1x128xf32, #tpu.memory_space<vmem>>, %arg7: memref<10000x128xbf16, #tpu.memory_space<vmem>>, %arg8: memref<10000x128xbf16, #tpu.memory_space<vmem>>, %arg9: memref<1000x256xbf16, #tpu.memory_space<vmem>>) attributes {dimension_semantics = [], scalar_prefetch = 0 : i64, scratch_operands = 0 : i64, tpu.core_type = #tpu.core_type<tc>} {
    %get3A = arith.constant 0 : index
    %get3A_0 = arith.constant 0 : index
    %get3A_1 = vector.load %arg0[%get3A, %get3A_0] : memref<10000x128xf32, #tpu.memory_space<vmem>>, vector<10000x128xf32>
    %get3A_2 = arith.constant 0 : index
    %get3A_3 = arith.constant 0 : index
    %get3A_4 = vector.load %arg3[%get3A_2, %get3A_3] : memref<128x128xf32, #tpu.memory_space<vmem>>, vector<128x128xf32>
    %dot_general3A = arith.constant dense<0.000000e+00> : vector<10000x128xf32>
    %dot_general3A_5 = tpu.matmul %get3A_1, %get3A_4, %dot_general3A {dimension_numbers = #tpu.dot_dimension_numbers<[1], [0], [0], [1], [0, 0, 1, 1], [], []>, transpose_lhs_hint = false} : vector<10000x128xf32>, vector<128x128xf32>, vector<10000x128xf32> -> vector<10000x128xf32>
    %convert_element_type3A = arith.truncf %dot_general3A_5 : vector<10000x128xf32> to vector<10000x128xbf16>
    %swap3A = arith.constant 0 : index
    %swap3A_6 = arith.constant 0 : index
    %swap3A_7 = vector.load %arg7[%swap3A, %swap3A_6] : memref<10000x128xbf16, #tpu.memory_space<vmem>>, vector<10000x128xbf16>
    tpu.vector_store %arg7[%swap3A, %swap3A_6], %convert_element_type3A {strides = array<i32>} : memref<10000x128xbf16, #tpu.memory_space<vmem>>, vector<10000x128xbf16>,
    %get3A_8 = arith.constant 0 : index
    %get3A_9 = arith.constant 0 : index
    %get3A_10 = vector.load %arg2[%get3A_8, %get3A_9] : memref<10000x128xf32, #tpu.memory_space<vmem>>, vector<10000x128xf32>
    %get3A_11 = arith.constant 0 : index
    %get3A_12 = arith.constant 0 : index
    %get3A_13 = vector.load %arg4[%get3A_11, %get3A_12] : memref<128x128xf32, #tpu.memory_space<vmem>>, vector<128x128xf32>
    %dot_general3A_14 = arith.constant dense<0.000000e+00> : vector<10000x128xf32>
    %dot_general3A_15 = tpu.matmul %get3A_10, %get3A_13, %dot_general3A_14 {dimension_numbers = #tpu.dot_dimension_numbers<[1], [0], [0], [1], [0, 0, 1, 1], [], []>, transpose_lhs_hint = false} : vector<10000x128xf32>, vector<128x128xf32>, vector<10000x128xf32> -> vector<10000x128xf32>
    %convert_element_type3A_16 = arith.truncf %dot_general3A_15 : vector<10000x128xf32> to vector<10000x128xbf16>
    %swap3A_17 = arith.constant 0 : index
    %swap3A_18 = arith.constant 0 : index
    %swap3A_19 = vector.load %arg8[%swap3A_17, %swap3A_18] : memref<10000x128xbf16, #tpu.memory_space<vmem>>, vector<10000x128xbf16>
    tpu.vector_store %arg8[%swap3A_17, %swap3A_18], %convert_element_type3A_16 {strides = array<i32>} : memref<10000x128xbf16, #tpu.memory_space<vmem>>, vector<10000x128xbf16>,
    %get3A_20 = arith.constant 0 : index
    %get3A_21 = arith.constant 0 : index
    %get3A_22 = vector.load %arg1[%get3A_20, %get3A_21] : memref<1000x128xf32, #tpu.memory_space<vmem>>, vector<1000x128xf32>
    %get3A_23 = arith.constant 0 : index
    %get3A_24 = arith.constant 0 : index
    %get3A_25 = vector.load %arg3[%get3A_23, %get3A_24] : memref<128x128xf32, #tpu.memory_space<vmem>>, vector<128x128xf32>
    %dot_general3A_26 = arith.constant dense<0.000000e+00> : vector<1000x128xf32>
    %dot_general3A_27 = tpu.matmul %get3A_22, %get3A_25, %dot_general3A_26 {dimension_numbers = #tpu.dot_dimension_numbers<[1], [0], [0], [1], [0, 0, 1, 1], [], []>, transpose_lhs_hint = false} : vector<1000x128xf32>, vector<128x128xf32>, vector<1000x128xf32> -> vector<1000x128xf32>
    %get3A_28 = arith.constant 0 : index
    %get3A_29 = arith.constant 0 : index
    %get3A_30 = vector.load %arg5[%get3A_28, %get3A_29] : memref<1x128xf32, #tpu.memory_space<vmem>>, vector<1x128xf32>
    %add3A = vector.broadcast %get3A_30 : vector<1x128xf32> to vector<1000x128xf32>
    %add3A_31 = arith.addf %dot_general3A_27, %add3A : vector<1000x128xf32>
    %convert_element_type3A_32 = arith.truncf %add3A_31 : vector<1000x128xf32> to vector<1000x128xbf16>
    %swap3A_33 = arith.constant 0 : index
    %swap3A_34 = arith.constant 0 : index
    %swap3A_35 = vector.load %arg9[%swap3A_33, %swap3A_34] : memref<1000x256xbf16, #tpu.memory_space<vmem>>, vector<1000x128xbf16>
    tpu.vector_store %arg9[%swap3A_33, %swap3A_34], %convert_element_type3A_32 {strides = array<i32>} : memref<1000x256xbf16, #tpu.memory_space<vmem>>, vector<1000x128xbf16>,
    %get3A_36 = arith.constant 0 : index
    %get3A_37 = arith.constant 0 : index
    %get3A_38 = vector.load %arg1[%get3A_36, %get3A_37] : memref<1000x128xf32, #tpu.memory_space<vmem>>, vector<1000x128xf32>
    %get3A_39 = arith.constant 0 : index
    %get3A_40 = arith.constant 0 : index
    %get3A_41 = vector.load %arg4[%get3A_39, %get3A_40] : memref<128x128xf32, #tpu.memory_space<vmem>>, vector<128x128xf32>
    %dot_general3A_42 = arith.constant dense<0.000000e+00> : vector<1000x128xf32>
    %dot_general3A_43 = tpu.matmul %get3A_38, %get3A_41, %dot_general3A_42 {dimension_numbers = #tpu.dot_dimension_numbers<[1], [0], [0], [1], [0, 0, 1, 1], [], []>, transpose_lhs_hint = false} : vector<1000x128xf32>, vector<128x128xf32>, vector<1000x128xf32> -> vector<1000x128xf32>
    %get3A_44 = arith.constant 0 : index
    %get3A_45 = arith.constant 0 : index
    %get3A_46 = vector.load %arg6[%get3A_44, %get3A_45] : memref<1x128xf32, #tpu.memory_space<vmem>>, vector<1x128xf32>
    %add3A_47 = vector.broadcast %get3A_46 : vector<1x128xf32> to vector<1000x128xf32>
    %add3A_48 = arith.addf %dot_general3A_43, %add3A_47 : vector<1000x128xf32>
    %convert_element_type3A_49 = arith.truncf %add3A_48 : vector<1000x128xf32> to vector<1000x128xbf16>
    %swap3A_50 = arith.constant 0 : index
    %swap3A_51 = arith.constant 128 : index
    %swap3A_52 = vector.load %arg9[%swap3A_50, %swap3A_51] : memref<1000x256xbf16, #tpu.memory_space<vmem>>, vector<1000x128xbf16>
    tpu.vector_store %arg9[%swap3A_50, %swap3A_51], %convert_element_type3A_49 {strides = array<i32>} : memref<1000x256xbf16, #tpu.memory_space<vmem>>, vector<1000x128xbf16>,
    return
  }
}

module attributes {stable_mosaic.version = 14 : i64} {
  func.func @_combine_body(%arg0: memref<2x320x128xf32, #tpu.memory_space<vmem>>, %arg1: memref<2x320x128xf32, #tpu.memory_space<vmem>>, %arg2: memref<1x1xf32, #tpu.memory_space<smem>>, %arg3: memref<320x128xf32, #tpu.memory_space<vmem>>) attributes {dimension_semantics = [], scalar_prefetch = 0 : i64, scratch_operands = 0 : i64, tpu.core_type = #tpu.core_type<tc>} {
    %get3A = arith.constant 0 : index
    %get3A_0 = arith.constant 0 : index
    %get3A_1 = arith.constant 0 : index
    %get3A_2 = vector.load %arg0[%get3A, %get3A_0, %get3A_1] : memref<2x320x128xf32, #tpu.memory_space<vmem>>, vector<1x320x128xf32>
    %get3A_3 = vector.shape_cast %get3A_2 : vector<1x320x128xf32> to vector<320x128xf32>
    %get3A_4 = arith.constant 1 : index
    %get3A_5 = arith.constant 0 : index
    %get3A_6 = arith.constant 0 : index
    %get3A_7 = vector.load %arg0[%get3A_4, %get3A_5, %get3A_6] : memref<2x320x128xf32, #tpu.memory_space<vmem>>, vector<1x320x128xf32>
    %get3A_8 = vector.shape_cast %get3A_7 : vector<1x320x128xf32> to vector<320x128xf32>
    %add3A = arith.addf %get3A_3, %get3A_8 : vector<320x128xf32>
    %get3A_9 = arith.constant 0 : index
    %get3A_10 = arith.constant 0 : index
    %get3A_11 = arith.constant 0 : index
    %get3A_12 = vector.load %arg1[%get3A_9, %get3A_10, %get3A_11] : memref<2x320x128xf32, #tpu.memory_space<vmem>>, vector<1x320x128xf32>
    %get3A_13 = vector.shape_cast %get3A_12 : vector<1x320x128xf32> to vector<320x128xf32>
    %get3A_14 = arith.constant 1 : index
    %get3A_15 = arith.constant 0 : index
    %get3A_16 = arith.constant 0 : index
    %get3A_17 = vector.load %arg1[%get3A_14, %get3A_15, %get3A_16] : memref<2x320x128xf32, #tpu.memory_space<vmem>>, vector<1x320x128xf32>
    %get3A_18 = vector.shape_cast %get3A_17 : vector<1x320x128xf32> to vector<320x128xf32>
    %add3A_19 = arith.addf %get3A_13, %get3A_18 : vector<320x128xf32>
    %max3A = arith.constant 1.000000e+00 : f32
    %max3A_20 = vector.broadcast %max3A : f32 to vector<320x128xf32>
    %max3A_21 = arith.maximumf %add3A_19, %max3A_20 : vector<320x128xf32>
    %div3A = arith.divf %add3A, %max3A_21 : vector<320x128xf32>
    %get3A_22 = arith.constant 0 : index
    %get3A_23 = arith.constant 0 : index
    %get3A_24 = memref.load %arg2[%get3A_22, %get3A_23] : memref<1x1xf32, #tpu.memory_space<smem>>
    %add3A_25 = vector.broadcast %get3A_24 : f32 to vector<320x128xf32>
    %add3A_26 = arith.addf %div3A, %add3A_25 : vector<320x128xf32>
    %logistic3A = arith.negf %add3A_26 : vector<320x128xf32>
    %logistic3A_27 = math.exp %logistic3A : vector<320x128xf32>
    %logistic3A_28 = arith.constant 1.000000e+00 : f32
    %logistic3A_29 = vector.broadcast %logistic3A_28 : f32 to vector<320x128xf32>
    %logistic3A_30 = arith.addf %logistic3A_29, %logistic3A_27 : vector<320x128xf32>
    %logistic3A_31 = arith.divf %logistic3A_29, %logistic3A_30 : vector<320x128xf32>
    %swap3A = arith.constant 0 : index
    %swap3A_32 = arith.constant 0 : index
    %swap3A_33 = vector.load %arg3[%swap3A, %swap3A_32] : memref<320x128xf32, #tpu.memory_space<vmem>>, vector<320x128xf32>
    tpu.vector_store %arg3[%swap3A, %swap3A_32], %logistic3A_31 {strides = array<i32>} : memref<320x128xf32, #tpu.memory_space<vmem>>, vector<320x128xf32>,
    return
  }
}

</mosaic_0001>

<sc_bundles>
// kernel: kernel.5.cloned.1.call-start
scs
__scs_entry_jumppad:
0x0: {  	(pc) =	sbr.rel $0x88, $3  }
0x1: {  	(tag) =	ssettag $0x0;
	lr =	simm.s32 $0x1  }
0x2: {  	[smem:$0x3F94] =	sst lr;
	_ =	strace $0xD0000000  }
0x3: {  	_ = 	snop  }
0x4: {  	_ = 	snop  }
0x5: {  	_ = 	snop  }
0x6: {  	_ = 	snop  }
0x7: {  	_ = 	snop  }
__scs_overlays_trampoline_lowered:
0x8: {  	[smem:$0x3FA3] =	sst s0  }
0x9: {  	[smem:$0x3FA4] =	sst s1  }
0xa: {  	[smem:$0x3FA5] =	sst s2  }
0xb: {  	[smem:$0x3FA6] =	sst s3  }
0xc: {  	[smem:$0x3FA7] =	sst s4  }
0xd: {  	[smem:$0x3FA8] =	sst s5  }
0xe: {  	[smem:$0x3FA9] =	sst s6  }
0xf: {  	[smem:$0x3FAA] =	sst s7  }
0x10: {  	[smem:$0x3FAB] =	sst s8  }
0x11: {  	[smem:$0x3FAC] =	sst s9;
	s0 =	simm.s32 @!p0 $0x0  }
0x12: {  	s1 =	sld [smem:$0x3F92];
	s0 =	simm.s32 @p0 $0x1  }
0x13: {  	[smem:$0x3FAD] =	sst s0;
	s0 =	simm.s32 @!p1 $0x0  }
0x14: {  	s2 =	sld [smem:$0x3F91];
	s0 =	simm.s32 @p1 $0x1  }
0x15: {  	[smem:$0x3FAE] =	sst s0;
	s0 =	simm.s32 @!p2 $0x0  }
0x16: {  	s3 =	sld [smem:$0x3FDB];
	s0 =	simm.s32 @p2 $0x1  }
0x17: {  	s4 =	simm.s32 $0x1BF5;
	[smem:$0x3FB0] =	sst s0  }
0x18: {  	s0 =	sld [smem:$0x3F93];
	_ =	swait.ge [sflag:s4], $0x0  }
0x19: {  	s7 =	sld [smem:$0x3F94]  }
0x1a: {  	s8 =	sadd.s32 $0xFFFFE003, lr  }
0x1b: {  	s9 =	sadd.s32 $0xFFFFFEF7, lr;
	s5 =	simm.s32 $0xFFFFFFFF;
	p2 =	slt.u32 s8, $0xFFFFF086  }
0x1c: {  	p1 =	slt.u32 s9, $0xF7A;
	s5 =	simm.s32 @!p2 $0x0  }
0x1d: {  	s5 =	simm.s32 @p1 $0x1;
	p0 =	seq.s32 s7, s2  }
0x1e: {  	s7 =	smul.u32 @!p0 $0xF7A, s2;
	p2 =	seq.s32 @!p0 s5, $0x0  }
0x1f: {  	s9 =	smul.u32 $0xF7A, s1;
	s8 =	simm.s32 @!p0 $0x1BF5;
	p2 =	por !p2, p0  }
0x20: {  	[sflag:s8] =	ssyncset.s32 @!p0 $0xFFFFF086;
	s6 =	sadd.s32 @!p0 s3, s7;
	s7 =	simm.s32 @!p0 $0x108  }
0x21: {  	s3 =	sadd.s32 s3, s9;
	s6 =	sadd.s32 @!p0 $0x88, s6;
	s7 =	simm.s32 @p2 $0x1082  }
0x22: {  	[simem:s7], [sflag:s8] =	dma.local @!p0 [hbm:s6], $0xF7A  }
0x23: {  	s9 =	sor.u32 $0xD0000000, s2;
	s6 =	simm.s32 $0x108;
	_ =	swait.ge @!p0 [sflag:s8], $0x0  }
0x24: {  	s3 =	sadd.s32 $0x88, s3;
	s6 =	simm.s32 @!p1 $0x1082;
	[sflag:s4] =	ssyncset.s32 $0xFFFFF086  }
0x25: {  	[simem:s6], [sflag:s4] =	dma.local [hbm:s3], $0xF7A  }
0x26: {  	[smem:$0x3F94] =	sst s1;
	(tag) =	ssettag s2;
	_ =	strace s9  }
0x27: {  	s1 =	sld [smem:$0x3FA4]  }
0x28: {  	s2 =	sld [smem:$0x3FA5]  }
0x29: {  	s4 =	sld [smem:$0x3FA7]  }
0x2a: {  	p0 =	seq.s32 s5, $0x0;
	s5 =	sld [smem:$0x3FA8]  }
0x2b: {  	s6 =	sld [smem:$0x3FA9]  }
0x2c: {  	s7 =	sld [smem:$0x3FAA]  }
0x2d: {  	s3 =	simm.s32 $0x108;
	s8 =	sld [smem:$0x3FAB]  }
0x2e: {  	s3 =	simm.s32 @!p0 $0x1082;
	s9 =	sld [smem:$0x3FAC]  }
0x2f: {  	lr =	sadd.s32 s0, s3;
	s0 =	sld [smem:$0x3FA3]  }
0x30: {  	s3 =	sld [smem:$0x3FA6]  }
0x31: {  	[smem:$0x3FAF] =	sst s10  }
0x32: {  	s10 =	sld [smem:$0x3FAD];
	_ =	sdelay $0x3  }
0x33: {  	p0 =	seq.s32 s10, $0x1;
	s10 =	sld [smem:$0x3FAF];
	_ =	sdelay $0x3  }
0x34: {  	[smem:$0x3FAF] =	sst s10  }
0x35: {  	s10 =	sld [smem:$0x3FAE];
	_ =	sdelay $0x3  }
0x36: {  	p1 =	seq.s32 s10, $0x1;
	s10 =	sld [smem:$0x3FAF];
	_ =	sdelay $0x3  }
0x37: {  	[smem:$0x3FAF] =	sst s10  }
0x38: {  	s10 =	sld [smem:$0x3FB0]  }
0x39: {  	_ = 	snop;
	(pc) =	sbr.ind lr, $3  }
0x3a: {  	_ = 	snop  }
0x3b: {  	_ = 	snop  }
0x3c: {  	p2 =	seq.s32 s10, $0x1;
	s10 =	sld [smem:$0x3FAF]  }
0x3d: {  	_ =	shalt  }
0x3e: {  	_ =	shalt  }
0x3f: {  	_ =	shalt  }
0x40: {  	_ =	shalt  }
0x41: {  	_ =	shalt  }
0x42: {  	_ =	shalt  }
0x43: {  	_ =	shalt  }
0x44: {  	_ =	shalt  }
0x45: {  	_ =	shalt  }
0x46: {  	_ =	shalt  }
0x47: {  	_ =	shalt  }
0x48: {  	_ =	shalt  }
0x49: {  	_ =	shalt  }
0x4a: {  	_ =	shalt  }
0x4b: {  	_ =	shalt  }
0x4c: {  	_ =	shalt  }
0x4d: {  	_ =	shalt  }
0x4e: {  	_ =	shalt  }
0x4f: {  	_ =	shalt  }
0x50: {  	_ =	shalt  }
0x51: {  	_ =	shalt  }
0x52: {  	_ =	shalt  }
0x53: {  	_ =	shalt  }
0x54: {  	_ =	shalt  }
0x55: {  	_ =	shalt  }
0x56: {  	_ =	shalt  }
0x57: {  	_ =	shalt  }
0x58: {  	_ =	shalt  }
0x59: {  	_ =	shalt  }
0x5a: {  	_ =	shalt  }
0x5b: {  	_ =	shalt  }
0x5c: {  	_ =	shalt  }
0x5d: {  	_ =	shalt  }
0x5e: {  	_ =	shalt  }
0x5f: {  	_ =	shalt  }
0x60: {  	_ =	shalt  }
0x61: {  	_ =	shalt  }
0x62: {  	_ =	shalt  }
0x63: {  	_ =	shalt  }
0x64: {  	_ =	shalt  }
0x65: {  	_ =	shalt  }
0x66: {  	_ =	shalt  }
0x67: {  	_ =	shalt  }
0x68: {  	_ =	shalt  }
0x69: {  	_ =	shalt  }
0x6a: {  	_ =	shalt  }
0x6b: {  	_ =	shalt  }
0x6c: {  	_ =	shalt  }
0x6d: {  	_ =	shalt  }
0x6e: {  	_ =	shalt  }
0x6f: {  	_ =	shalt  }
0x70: {  	_ =	shalt  }
0x71: {  	_ =	shalt  }
0x72: {  	_ =	shalt  }
0x73: {  	_ =	shalt  }
0x74: {  	_ =	shalt  }
0x75: {  	_ =	shalt  }
0x76: {  	_ =	shalt  }
0x77: {  	_ =	shalt  }
0x78: {  	_ =	shalt  }
0x79: {  	_ =	shalt  }
0x7a: {  	_ =	shalt  }
0x7b: {  	_ =	shalt  }
0x7c: {  	_ =	shalt  }
0x7d: {  	_ =	shalt  }
0x7e: {  	_ =	shalt  }
0x7f: {  	_ =	shalt  }
0x80: {  	_ =	shalt  }
0x81: {  	_ =	shalt  }
0x82: {  	_ =	shalt  }
0x83: {  	_ =	shalt  }
0x84: {  	_ =	shalt  }
0x85: {  	_ =	shalt  }
0x86: {  	_ =	shalt  }
0x87: {  	_ =	shalt  }
.Lfunc_end0:
.L_simem_size_0:
called_computation_lowered:
.L_overlay_start_0:
0x88: {  	s2 =	sld [smem:$0x3FD9]  }
0x89: {  	s3 =	sld [smem:$0x3FFE];
	_ =	sdelay $0x1  }
0x8a: {  	s1 =	srdreg.scid  }
0x8b: {  	s0 =	sand.u32 $0x1, s1  }
0x8c: {  	s17 =	sshll.u32 s0, $0xA;
	s2 =	sadd.s32 s3, s2  }
0x8d: {  	s2 =	sadd.s32 s2, s17  }
0x8e: {  	[smem:$0x3FBB] =	sst s2  }
0x8f: {  	_ = 	snop  }
0x90: {  	s2 =	sld [smem:$0x3FD0];
	(tm) =	ssettm $0x1  }
0x91: {  	s18 =	sld [smem:$0x3FFB];
	_ =	sdelay $0x3  }
0x92: {  	_ =	strace s18  }
0x93: {  	s3 =	sld [smem:$0x3FFC];
	_ =	sdelay $0x3  }
0x94: {  	_ =	strace s3  }
0x95: {  	s3 =	sld [smem:$0x3FFD];
	_ =	sdelay $0x3  }
0x96: {  	_ =	strace s3  }
0x97: {  	_ =	strace $0x8FFFFFFF  }
0x98: {  	s19 =	sld [smem:$0x3FDB];
	_ =	sdelay $0x1  }
0x99: {  	s4 =	simm.s32 $_scs_section_size  }
0x9a: {  	s5 =	simm.s32 $_size__tile_overlayer_lowered;
	s6 =	simm.s32 $_tile_overlayer_lowered  }
0x9b: {  	s22 =	simm.s32 $0x1BFF;
	s21 =	sshll.u32 s6, $0x1;
	s3 =	sadd.s32 s4, s19  }
0x9c: {  	s7 =	simm.s32 $0x0;
	s20 =	sshll.u32 s5, $0x1;
	s5 =	sadd.s32 s21, s3  }
0x9d: {  	[timem:s7], [sflag:s22] =	dma.local [hbm:s5], s20  }
0x9e: {  	_ =	swait.ge [sflag:s22], s20  }
0x9f: {  	s4 =	ssub.s32 $0x0, s20;
	[sflag:s22] =	ssyncset.done $0x0  }
0xa0: {  	[sflag:s22] =	ssyncadd.s32 s4;
	_ =	sdelay $0x1  }
0xa1: {  	s23 =	simm.s32 $0x1B8B  }
0xa2: {  	_ =	swait.ge [sflag:s23], $0x1  }
0xa3: {  	[sflag:s23] =	ssyncset.done $0x0  }
0xa4: {  	s25 =	simm.s32 $0x1B8E;
	s24 =	sld [smem:$0x3FFE];
	[sflag:s23] =	ssyncadd.s32 $0xFFFFFFFF  }
0xa5: {  	s26 =	simm.s32 $execute0_lowered;
	[smem:$0x3FD2] =	sst s25  }
0xa6: {  	s5 =	sshll.u32 s26, $0x1;
	_ =	strace $0x80000046;
	[dreg:$0x1] =	wrdreg $0xFFFFFFFF  }
0xa7: {  	s28 =	simm.s32 $_size_execute0_lowered;
	s3 =	sadd.s32 s3, s5;
	[dreg:$0x0] =	wrdreg $0x0  }
0xa8: {  	s5 =	sshll.u32 s28, $0x1;
	[dreg:$0x2] =	wrdreg s3  }
0xa9: {  	[dreg:$0x3] =	wrdreg s5  }
0xaa: {  	[dreg:$0x4] =	wrdreg $0xC0  }
0xab: {  	_ =	task [dreg:s7], $0x5FFFF  }
0xac: {  	[dreg:$0x1] =	wrdreg $0xFFFFFFFF  }
0xad: {  	[dreg:$0x0] =	wrdreg $0x60  }
0xae: {  	[dreg:$0x2] =	wrdreg s24  }
0xaf: {  	[dreg:$0x3] =	wrdreg s2  }
0xb0: {  	[dreg:$0x4] =	wrdreg $0x192000  }
0xb1: {  	[dreg:$0x5] =	wrdreg $0x19C000  }
0xb2: {  	[dreg:$0x6] =	wrdreg $0x9  }
0xb3: {  	_ =	task.clear_ibuf [dreg:s7], $0x7FFFF;
	_ =	strace $0x90000046  }
0xb4: {  	s29 =	simm.s32 $0x9;
	_ =	strace $0x80000048  }
0xb5: {  	_ =	swait.ge [sflag:s29], $0x1  }
0xb6: {  	[sflag:s29] =	ssyncadd.s32 $0xFFFFFFFF  }
0xb7: {  	_ =	strace $0x90000048  }
0xb8: {  	_ =	sfence  }
0xb9: {  	s30 =	sld [smem:$0x0];
	_ =	sdelay $0x2  }
0xba: {  	s31 =	sshll.u32 s1, $0xD;
	s1 =	sshrl.u32 s1, $0x2  }
0xbb: {  	s3 =	sand.u32 $0x4000, s31;
	s1 =	sadd.s32 s1, s30  }
0xbc: {  	s0 =	sor.u32 s3, s0;
	s1 =	sshll.u32 s1, $0x11  }
0xbd: {  	s0 =	sor.u32 s1, s0  }
0xbe: {  	s0 =	sadd.s32 $0x8F2B, s0  }
0xbf: {  	[sflag:s0] =	ssyncadd.remote.s32 $0x1  }
0xc0: {  	_ =	sfence.sel $0xFFFF  }
0xc1: {  	[dreg:$0x0] =	wrdreg $0xFFFFFFFF;
	(pc) =	sbr.abs _section_cstart, $3  }
0xc2: {  	[dreg:$0x1] =	wrdreg $0xFFFFFFFF  }
0xc3: {  	_ =	task.clear_ibuf [dreg:s7], $0x2FFFF;
	_ =	strace $0x9FFFFFFF  }
0xc4: {  	(tm) =	ssettm $0x7FFFFFFF  }
0xc5: {  	_ =	shalt  }
tec
execute0_lowered:
.L_overlay_start_1:
0x0: {  	(tag) =	ssettag $0x1  }
0x1: {  	s0 =	rddreg [dreg:$0x0]  }
0x2: {  	s2 =	rddreg [dreg:$0x2]  }
0x3: {  	s3 =	rddreg [dreg:$0x3];
	s1 =	srdreg.scid  }
0x4: {  	s4 =	stileid.u32;
	s6 =	simm.s32 $0x0;
	s30 =	simm.s32 $0x19140  }
0x5: {  	s31 =	simm.s32 $0x2;
	s21 =	simm.s32 $0x3;
	s20 =	simm.s32 $0x5  }
0x6: {  	s11 =	simm.s32 $0x8;
	s12 =	simm.s32 $0x9;
	s13 =	simm.s32 $0xA  }
0x7: {  	s1 =	sand.u32 $0x1, s1;
	s5 =	sshll.u32 s4, $0x1;
	[smem:$0x7FF] =	sst s6  }
0x8: {  	s6 =	sadd.s32 $0x1200, s0;
	s7 =	sadd.s32 $0x28600, s0;
	s10 =	sadd.s32 $0x3B600, s0  }
0x9: {  	v0 =	vimm.s32 $0xEFCDAB89;
	p0 =	sne.s32 s4, $0x0;
	s5 =	sor.u32 s1, s5;
	_ =	strace $0x80000047  }
0xa: {  	v1 =	vimm.s32 $0x67452301;
	v2 =	vimm.s32 $0xDCFE98BA;
	s9 =	smul.u32 $0x1400, s1;
	[dreg:$0x5] =	wrdreg s10;
	s1 =	ssub.s32 $0x2, s1  }
0xb: {  	v3 =	vimm.s32 $0x54761032;
	v4 =	vimm.s32 $0xBA98FEDC;
	s14 =	sshrl.u32 @!p0 s2, $0x3;
	s8 =	smul.u32 $0x280, s5;
	s23 =	sshrl.u32 s1, $0x1  }
0xc: {  	v5 =	vimm.s32 $0x32107654;
	v6 =	vimm.s32 $0xFEDCBA98;
	v7 =	vimm.s32 $0x76543210;
	s15 =	sshrl.u32 @!p0 s3, $0x3;
	[dreg:$0xd] =	wrdreg s14;
	s1 =	ssub.s32 s1, s23  }
0xd: {  	v0 =	vunpack.c.l.s4.s8 v0;
	v1 =	vunpack.c.l.s4.s8 v1;
	v2 =	vunpack.c.l.s4.s8 v2;
	[dreg:$0xe] =	wrdreg s15;
	s8 =	sadd.s32 s8, s0;
	s29 =	smax.u32 s1, $0x1  }
0xe: {  	v3 =	vunpack.c.l.s4.s8 v3;
	v4 =	vunpack.c.l.s4.s8 v4;
	v5 =	vunpack.c.l.s4.s8 v5;
	s10 =	simm.s32 $0x7;
	s24 =	sadd.s32 $0x36600, s8;
	[dreg:$0xc] =	wrdreg s29  }
0xf: {  	v6 =	vunpack.c.l.s4.s8 v6;
	v7 =	vunpack.c.l.s4.s8 v7;
	s5 =	sadd.s32 $0x14C00, s0;
	v0 =	vunpack.c.0.s8.s32 v0;
	s25 =	sadd.s32 $0x31600, s8;
	[dreg:$0x6] =	wrdreg s24  }
0x10: {  	v1 =	vunpack.c.0.s8.s32 v1;
	v2 =	vunpack.c.0.s8.s32 v2;
	v3 =	vunpack.c.0.s8.s32 v3;
	s23 =	simm.s32 $0x40;
	s26 =	sadd.s32 $0x2C600, s8;
	[dreg:$0x7] =	wrdreg s25  }
0x11: {  	v4 =	vunpack.c.0.s8.s32 v4;
	v5 =	vunpack.c.0.s8.s32 v5;
	v6 =	vunpack.c.0.s8.s32 v6;
	s0 =	sadd.s32 s9, s0;
	s8 =	sadd.s32 $0x3B800, s8;
	[dreg:$0x8] =	wrdreg s26  }
0x12: {  	v7 =	vunpack.c.0.s8.s32 v7;
	s1 =	simm.s32 $0x4;
	v0 =	vcombine.low v1, v0;
	s28 =	sadd.s32 $0x40800, s0;
	[dreg:$0x9] =	wrdreg s8  }
0x13: {  	v1 =	vcombine.low v3, v2;
	v2 =	vcombine.low v5, v4;
	v4 =	vand.u32 $0xF, v6;
	s9 =	simm.s32 $0x0;
	s0 =	sadd.s32 $0x43000, s0;
	[dreg:$0xa] =	wrdreg s28  }
0x14: {  	v3 =	vimm.f32 $1.000000000e+00;
	v5 =	vlaneseq.u32;
	v4 =	vcombine.low v4, v7;
	[dreg:$0xb] =	wrdreg s0;
	s24 =	simm.s32 $0x1;
	s8 =	simm.s32 $0x19100  }
.LBB2_1:
0x15: {  	[dreg:$0xf] =	wrdreg s9  }
0x16: {  	s0 =	simm.s32 @!p0 $0x1C0B;
	s9 =	rddreg [dreg:$0x1];
	s4 =	simm.s32 @!p0 $0xB  }
0x17: {  	[spmem:s14], [sflag:s0] =	dma.local @!p0 [hbm:s9], $0x1400  }
0x18: {  	_ =	swait.ge @!p0 [sflag:s4], $0x1400  }
0x19: {  	[sflag:s4] =	ssyncset.done @!p0 $0x0  }
0x1a: {  	[sflag:s4] =	ssyncadd.s32 @!p0 $0xFFFFEC00  }
0x1b: {  	[spmem:s15], [sflag:s0] =	dma.local @!p0 [hbm:s9], $0x1400  }
0x1c: {  	_ =	swait.ge @!p0 [sflag:s4], $0x1400  }
0x1d: {  	s17 =	simm.s32 $0xB;
	[sflag:s4] =	ssyncset.done @!p0 $0x0  }
0x1e: {  	s15 =	simm.s32 $0x0;
	s16 =	rddreg [dreg:$0x6];
	[sflag:s4] =	ssyncadd.s32 @!p0 $0xFFFFEC00  }
0x1f: {  	[tilespmem:s15], [sflag:$0xB] =	stream.linear.gather [hbm4b:s16+s15], $0x1400, $0x38;
	[tilespmem:$0x1A600] =	vst v63  }
0x20: {  	_ =	swait.ge [sflag:s17], $0x1400  }
0x21: {  	[sflag:s17] =	ssyncset.done $0x0  }
0x22: {  	s19 =	simm.s32 $0x1400;
	s18 =	rddreg [dreg:$0x7];
	[sflag:s17] =	ssyncadd.s32 $0xFFFFEC00  }
0x23: {  	[tilespmem:s19], [sflag:$0xB] =	stream.linear.gather [hbm4b:s18+s15], $0x1400, $0x38;
	[tilespmem:$0x1A600] =	vst v63  }
0x24: {  	_ =	swait.ge [sflag:s17], $0x1400  }
0x25: {  	[sflag:s17] =	ssyncset.done $0x0  }
0x26: {  	s25 =	simm.s32 $0x2800;
	s22 =	rddreg [dreg:$0x8];
	[sflag:s17] =	ssyncadd.s32 $0xFFFFEC00  }
0x27: {  	[tilespmem:s25], [sflag:$0xB] =	stream.linear.gather [hbm4b:s22+s15], $0x1400, $0x38;
	[tilespmem:$0x1A600] =	vst v63  }
0x28: {  	_ =	swait.ge [sflag:s17], $0x1400  }
0x29: {  	[sflag:s17] =	ssyncset.done $0x0  }
0x2a: {  	s16 =	simm.s32 $0x3C00;
	s26 =	rddreg [dreg:$0x9];
	[sflag:s17] =	ssyncadd.s32 $0xFFFFEC00  }
0x2b: {  	[tilespmem:s16], [sflag:$0xB] =	stream.linear.gather [hbm4b:s26+s15], $0x1400, $0x38;
	[tilespmem:$0x1A600] =	vst v63  }
0x2c: {  	_ =	swait.ge [sflag:s17], $0x1400  }
0x2d: {  	[sflag:s17] =	ssyncset.done $0x0  }
0x2e: {  	s29 =	simm.s32 $0x19180;
	s28 =	rddreg [dreg:$0x5];
	[sflag:s17] =	ssyncadd.s32 $0xFFFFEC00  }
0x2f: {  	[tilespmem:s29], [sflag:$0xB] =	stream.linear.gather [hbm4b:s28+s15], $0x80, $0x38;
	[tilespmem:$0x1A600] =	vst v63  }
0x30: {  	_ =	swait.ge [sflag:s17], $0x80  }
0x31: {  	[sflag:s17] =	ssyncset.done $0x0  }
0x32: {  	[sflag:s17] =	ssyncadd.s32 $0xFFFFFF80  }
0x33: {  	v6 =	vld [tilespmem:$0x19180]  }
0x34: {  	v7 =	vld [tilespmem:$0x19190]  }
0x35: {  	v8 =	vld [tilespmem:$0x191A0]  }
0x36: {  	v9 =	vld [tilespmem:$0x191B0];
	[tilespmem:$0x19140] =	vst v3  }
0x37: {  	v10 =	vld [tilespmem:$0x191C0];
	[tilespmem:$0x19150] =	vst v3  }
0x38: {  	v11 =	vld [tilespmem:$0x191D0];
	[tilespmem:$0x19160] =	vst v3  }
0x39: {  	v12 =	vld [tilespmem:$0x191E0];
	[tilespmem:$0x19170] =	vst v3  }
0x3a: {  	s17 =	simm.s32 $0x5000;
	v13 =	vld [tilespmem:$0x191F0];
	[bflag:$0x0] =	sbarrier.arrive $0xFFFF  }
0x3b: {  	[tilespmem:s17], [sflag:$0x1] =	stream.indirect.gather [hbm4b:s5+s23], $0x40, s15, s23, $0xb8;
	[tilespmem:$0x1A600] =	vst v63  }
0x3c: {  	s18 =	simm.s32 $0xA000  }
0x3d: {  	[tilespmem:s18], [sflag:$0x1] =	stream.indirect.gather [hbm4b:s6+s23], $0x40, s19, s23, $0xb8;
	[tilespmem:$0x1A600] =	vst v63  }
0x3e: {  	s19 =	simm.s32 $0xF000  }
0x3f: {  	[tilespmem:s19], [sflag:$0x1] =	stream.indirect.gather [hbm4b:s7+s23], $0x80, s25, s23, $0xb8;
	[tilespmem:$0x1A600] =	vst v63  }
0x40: {  	s22 =	simm.s32 $0x6000  }
0x41: {  	[tilespmem:s22], [sflag:$0x2] =	stream.indirect.gather [hbm4b:s5+s23], $0x40, s23, s23, $0xb8;
	[tilespmem:$0x1A600] =	vst v63  }
0x42: {  	s26 =	simm.s32 $0xB000;
	s25 =	simm.s32 $0x1440  }
0x43: {  	[tilespmem:s26], [sflag:$0x2] =	stream.indirect.gather [hbm4b:s6+s23], $0x40, s25, s23, $0xb8;
	[tilespmem:$0x1A600] =	vst v63  }
0x44: {  	s28 =	simm.s32 $0x2840;
	s29 =	simm.s32 $0x11000  }
0x45: {  	[tilespmem:s29], [sflag:$0x2] =	stream.indirect.gather [hbm4b:s7+s23], $0x80, s28, s23, $0xb8;
	[tilespmem:$0x1A600] =	vst v63  }
0x46: {  	s14 =	simm.s32 $0x7000;
	s9 =	simm.s32 $0x80  }
0x47: {  	[tilespmem:s14], [sflag:$0x3] =	stream.indirect.gather [hbm4b:s5+s23], $0x40, s9, s23, $0xb8;
	[tilespmem:$0x1A600] =	vst v63  }
0x48: {  	s16 =	simm.s32 $0xC000;
	s15 =	simm.s32 $0x1480  }
0x49: {  	[tilespmem:s16], [sflag:$0x3] =	stream.indirect.gather [hbm4b:s6+s23], $0x40, s15, s23, $0xb8;
	[tilespmem:$0x1A600] =	vst v63  }
0x4a: {  	s17 =	simm.s32 $0x2880;
	s18 =	simm.s32 $0x13000  }
0x4b: {  	[tilespmem:s18], [sflag:$0x3] =	stream.indirect.gather [hbm4b:s7+s23], $0x80, s17, s23, $0xb8;
	[tilespmem:$0x1A600] =	vst v63  }
0x4c: {  	s19 =	simm.s32 $0xC0;
	s22 =	simm.s32 $0x8000  }
0x4d: {  	[tilespmem:s22], [sflag:$0x4] =	stream.indirect.gather [hbm4b:s5+s23], $0x40, s19, s23, $0xb8;
	[tilespmem:$0x1A600] =	vst v63  }
0x4e: {  	s25 =	simm.s32 $0x14C0;
	s26 =	simm.s32 $0xD000  }
0x4f: {  	[tilespmem:s26], [sflag:$0x4] =	stream.indirect.gather [hbm4b:s6+s23], $0x40, s25, s23, $0xb8;
	[tilespmem:$0x1A600] =	vst v63  }
0x50: {  	s28 =	simm.s32 $0x28C0;
	s29 =	simm.s32 $0x15000;
	s15 =	simm.s32 $0x0  }
0x51: {  	[tilespmem:s29], [sflag:$0x4] =	stream.indirect.gather [hbm4b:s7+s23], $0x80, s28, s23, $0xb8;
	[tilespmem:$0x1A600] =	vst v63  }
.LBB2_2:
0x52: {  	_ =	swait.ge [sflag:s24], $0x1000  }
0x53: {  	[sflag:s24] =	ssyncset.done $0x0  }
0x54: {  	[sflag:s24] =	ssyncadd.s32 $0xFFFFF000  }
0x55: {  	_ =	swait.ge [sflag:s24], $0x1000  }
0x56: {  	[sflag:s24] =	ssyncset.done $0x0  }
0x57: {  	s0 =	smul.u32 $0x5, s15;
	[sflag:s24] =	ssyncadd.s32 $0xFFFFF000  }
0x58: {  	_ =	swait.ge [sflag:s24], $0x2000  }
0x59: {  	s0 =	sadd.s32 $0x4, s0;
	[sflag:s24] =	ssyncset.done $0x0  }
0x5a: {  	s25 =	simm.s32 $0x9000;
	s16 =	sshll.u32 s0, $0x6;
	[sflag:s24] =	ssyncadd.s32 $0xFFFFE000  }
0x5b: {  	[tilespmem:s25], [sflag:$0x5] =	stream.indirect.gather [hbm4b:s5+s23], $0x40, s16, s23, $0xb8;
	[tilespmem:$0x1A600] =	vst v63  }
0x5c: {  	s4 =	simm.s32 $0xE000;
	p1 =	seq.s32 s15, $0x0;
	s26 =	sadd.s32 $0x1400, s16  }
0x5d: {  	[tilespmem:s4], [sflag:$0x5] =	stream.indirect.gather [hbm4b:s6+s23], $0x40, s26, s23, $0xb8;
	[tilespmem:$0x1A600] =	vst v63  }
0x5e: {  	s29 =	simm.s32 $0x17000;
	s0 =	simm.s32 @!p1 $0x6;
	s28 =	sadd.s32 $0x2800, s16  }
0x5f: {  	[tilespmem:s29], [sflag:$0x5] =	stream.indirect.gather [hbm4b:s7+s23], $0x80, s28, s23, $0xb8;
	[tilespmem:$0x1A600] =	vst v63  }
0x60: {  	_ =	swait.ge @!p1 [sflag:s0], $0x40  }
0x61: {  	[sflag:s0] =	ssyncset.done @!p1 $0x0  }
0x62: {  	[sflag:s0] =	ssyncadd.s32 @!p1 $0xFFFFFFC0  }
0x63: {  	s9 =	simm.s32 $0xF040;
	_ =	swait.ge @!p1 [sflag:s0], $0x40  }
0x64: {  	s14 =	simm.s32 $0xA020;
	s17 =	simm.s32 $0x5020;
	[sflag:s0] =	ssyncset.done @!p1 $0x0  }
0x65: {  	s18 =	simm.s32 $0x0;
	s4 =	simm.s32 $0x0;
	[sflag:s0] =	ssyncadd.s32 @!p1 $0xFFFFFFC0  }
.LBB2_3:
0x66: {  	v14 =	vld [tilespmem:s9+$0xFFFFFFF0]  }
0x67: {  	v15 =	vld [tilespmem:s17+$0x10]  }
0x68: {  	v16 =	vld [tilespmem:s9+$0x30]  }
0x69: {  	v17 =	vld [tilespmem:s14+$0x10]  }
0x6a: {  	v18 =	vld [tilespmem:s9+$0xFFFFFFE0]  }
0x6b: {  	v19 =	vld [tilespmem:s17+$0x0]  }
0x6c: {  	v20 =	vld [tilespmem:s9+$0x20]  }
0x6d: {  	v21 =	vld [tilespmem:s14+$0x0]  }
0x6e: {  	v22 =	vld [tilespmem:s9+$0xFFFFFFD0]  }
0x6f: {  	v23 =	vld [tilespmem:s17+$0xFFFFFFF0]  }
0x70: {  	v25 =	vld [tilespmem:s9+$0x10]  }
0x71: {  	v28 =	vld [tilespmem:s14+$0xFFFFFFF0];
	v24 =	vand.u32 $0xFFFF0000, v14;
	v26 =	vand.u32 $0xFFFF0000, v15;
	v27 =	vand.u32 $0xFFFF0000, v16  }
0x72: {  	v30 =	vld [tilespmem:s9+$0xFFFFFFC0];
	v14 =	vshll.u32 v14, $0x10;
	v15 =	vshll.u32 v15, $0x10;
	v16 =	vshll.u32 v16, $0x10  }
0x73: {  	v34 =	vld [tilespmem:s17+$0xFFFFFFE0];
	v29 =	vshll.u32 v17, $0x10;
	v31 =	vand.u32 $0xFFFF0000, v18;
	v32 =	vand.u32 $0xFFFF0000, v19  }
0x74: {  	v36 =	vld [tilespmem:s9+$0x0];
	v33 =	vand.u32 $0xFFFF0000, v20;
	v35 =	vand.u32 $0xFFFF0000, v21;
	v18 =	vshll.u32 v18, $0x10  }
0x75: {  	v19 =	vshll.u32 v19, $0x10;
	v20 =	vshll.u32 v20, $0x10;
	v21 =	vshll.u32 v21, $0x10  }
0x76: {  	v38 =	vld [tilespmem:s14+$0xFFFFFFE0];
	v37 =	vand.u32 $0xFFFF0000, v22;
	v39 =	vand.u32 $0xFFFF0000, v23;
	v40 =	vand.u32 $0xFFFF0000, v25  }
0x77: {  	v22 =	vshll.u32 v22, $0x10;
	v23 =	vshll.u32 v23, $0x10;
	v41 =	vand.u32 $0xFFFF0000, v28  }
0x78: {  	v25 =	vshll.u32 v25, $0x10;
	v42 =	vand.u32 $0xFFFF0000, v30;
	v43 =	vand.u32 $0xFFFF0000, v34  }
0x79: {  	v28 =	vshll.u32 v28, $0x10;
	v44 =	vand.u32 $0xFFFF0000, v36;
	v30 =	vshll.u32 v30, $0x10  }
0x7a: {  	v51 =	vshll.u32 v36, $0x10;
	v24 =	vadd.f32 v26, v24;
	v26 =	vshll.u32 v34, $0x10  }
0x7b: {  	v14 =	vadd.f32 v15, v14;
	v15 =	vshll.u32 v38, $0x10;
	v22 =	vadd.f32 v23, v22  }
0x7c: {  	v52 =	vadd.f32 v43, v42;
	v26 =	vadd.f32 v26, v30;
	v24 =	vmul.f32 $1.442695020e+00, v24  }
0x7d: {  	v15 =	vadd.f32 v15, v51;
	v14 =	vmul.f32 $1.442695020e+00, v14;
	v22 =	vmul.f32 $1.442695020e+00, v22  }
0x7e: {  	v30 =	vand.u32 $0xFFFF0000, v38;
	v26 =	vmul.f32 $1.442695020e+00, v26;
	(erf) = vpow2.f32 v24  }
0x7f: {  	v15 =	vmul.f32 $1.442695020e+00, v15;
	v24 =	vadd.f32 v30, v44;
	(erf) = vpow2.f32 v14  }
0x80: {  	v18 =	vadd.f32 v19, v18;
	v14 =	vmul.f32 $1.442695020e+00, v52;
	(erf) = vpow2.f32 v26  }
0x81: {  	v23 =	vmul.f32 $1.442695020e+00, v24;
	v24 =	vadd.f32 v28, v25;
	(erf) = vpow2.f32 v15  }
0x82: {  	v18 =	vmul.f32 $1.442695020e+00, v18;
	v15 =	vadd.f32 v39, v37;
	(erf) = vpow2.f32 v14  }
0x83: {  	v14 =	vadd.f32 v41, v40;
	v24 =	vmul.f32 $1.442695020e+00, v24;
	(erf) = vpow2.f32 v23  }
0x84: {  	v19 =	vadd.f32 v21, v20;
	v15 =	vmul.f32 $1.442695020e+00, v15;
	(erf) = vpow2.f32 v22  }
0x85: {  	v17 =	vand.u32 $0xFFFF0000, v17;
	v14 =	vmul.f32 $1.442695020e+00, v14;
	(erf) = vpow2.f32 v24  }
0x86: {  	v20 =	vadd.f32 v32, v31;
	v19 =	vmul.f32 $1.442695020e+00, v19;
	(erf) = vpow2.f32 v15  }
0x87: {  	v16 =	vadd.f32 v29, v16;
	v15 =	vadd.f32 v35, v33;
	(erf) = vpow2.f32 v14;
	v32 =	vpop (erf)  }
0x88: {  	v17 =	vadd.f32 v17, v27;
	v14 =	vmul.f32 $1.442695020e+00, v20;
	(erf) = vpow2.f32 v18;
	v29 =	vpop (erf)  }
0x89: {  	v15 =	vmul.f32 $1.442695020e+00, v15;
	v23 =	vpop (erf);
	(erf) = vpow2.f32 v19  }
0x8a: {  	v16 =	vmul.f32 $1.442695020e+00, v16;
	v19 =	vpop (erf);
	(erf) = vpow2.f32 v14  }
0x8b: {  	v18 =	vadd.f32 $1.000000000e+00, v23;
	v20 =	vadd.f32 $1.000000000e+00, v19;
	v24 =	vpop (erf);
	(erf) = vpow2.f32 v15  }
0x8c: {  	v28 =	vmov s4;
	v15 =	vmul.f32 $1.442695020e+00, v17;
	v17 =	vpop (erf);
	(erf) = vpow2.f32 v16  }
0x8d: {  	v16 =	vmul.f32 v20, v18;
	v18 =	vadd.f32 $1.000000000e+00, v24;
	v20 =	vadd.f32 $1.000000000e+00, v17;
	v26 =	vpop (erf)  }
0x8e: {  	s0 =	sadd.s32 $0x40, s14;
	(erf) = vpow2.f32 v15;
	v30 =	vpop (erf)  }
0x8f: {  	v45 =	vld [tilespmem:s0+$0xFFFFFFF0];
	v27 =	vadd.f32 $1.000000000e+00, v26;
	v15 =	vmul.f32 v20, v18;
	v20 =	vadd.f32 $1.000000000e+00, v30;
	v33 =	vpop (erf)  }
0x90: {  	vm0 =	veq.s32 v28, v5;
	(erf) = vrcp.f32 v16;
	v28 =	vpop (erf)  }
0x91: {  	s26 =	sadd.s32 $0x80, s9;
	v16 =	vadd.f32 $1.000000000e+00, v33;
	v27 =	vmul.f32 v20, v27;
	v53 =	vadd.f32 $1.000000000e+00, v28;
	v35 =	vpop (erf)  }
0x92: {  	v21 =	vld [tilespmem:s26+$0xFFFFFFF0];
	(erf) = vrcp.f32 v15;
	v55 =	vpop (erf)  }
0x93: {  	v25 =	vld [tilespmem:s26+$0x30];
	v54 =	vadd.f32 $1.000000000e+00, v35;
	v34 =	vmul.f32 v53, v16;
	v56 =	vadd.f32 $1.000000000e+00, v55  }
0x94: {  	s28 =	sadd.s32 $0x40, s17;
	v41 =	vshll.u32 v45, $0x10;
	v63 =	vadd.f32 $1.000000000e+00, v32  }
0x95: {  	v22 =	vld [tilespmem:s28+$0x10];
	v59 =	vadd.f32 $1.000000000e+00, v29;
	(erf) = vrcp.f32 v27;
	v27 =	vpop (erf);
	v36 =	vmul.f32 v56, v54  }
0x96: {  	v14 =	vimm.f32 $0.0e+00;
	v19 =	vsub.f32 v23, v19;
	v24 =	vsub.f32 v24, v17;
	v40 =	vpop (erf)  }
0x97: {  	(erf) = vrcp.f32 v34;
	v57 =	vadd.f32 $1.000000000e+00, v27;
	v58 =	vadd.f32 $1.000000000e+00, v40;
	v34 =	vpop (erf)  }
0x98: {  	v17 =	vshll.u32 v25, $0x10;
	v18 =	vand.u32 $0xFFFF0000, v21;
	v60 =	vadd.f32 $1.000000000e+00, v34  }
0x99: {  	v21 =	vshll.u32 v21, $0x10;
	(erf) = vrcp.f32 v36;
	v23 =	vmul.f32 v58, v57;
	v36 =	vpop (erf)  }
0x9a: {  	v20 =	vand.u32 $0xFFFF0000, v22;
	v62 =	vmul.f32 v60, v59;
	v48 =	vadd.f32 $1.000000000e+00, v36;
	v49 =	vpop (erf)  }
0x9b: {  	v31 =	vld [tilespmem:s0+$0x10];
	v15 =	vand.u32 $0xFFFF0000, v25;
	v19 =	vmul.f32 v49, v19;
	(erf) = vrcp.f32 v23  }
0x9c: {  	v22 =	vshll.u32 v22, $0x10;
	v25 =	vpop (erf);
	v23 =	vmul.f32 v48, v63;
	(erf) = vrcp.f32 v62  }
0x9d: {  	v43 =	vld [tilespmem:s0+$0xFFFFFFE0];
	v24 =	vmul.f32 v25, v24;
	v25 =	vsub.f32 v26, v30;
	v53 =	vmul.f32 v19, v6  }
0x9e: {  	v61 =	vld [tilespmem:s26+$0xFFFFFFE0];
	v28 =	vsub.f32 v33, v28;
	v33 =	vand.u32 $0xFFFF0000, v45;
	v26 =	vpop (erf);
	(erf) = vrcp.f32 v23  }
0x9f: {  	v50 =	vld [tilespmem:s28+$0x0];
	v24 =	vmul.f32 v24, v7;
	v30 =	vmul.f32 v26, v25;
	v23 =	vadd.f32 $0.0e+00, v53  }
0xa0: {  	v16 =	vand.u32 $0xFFFF0000, v31;
	v57 =	vld [tilespmem:s28+$0xFFFFFFF0];
	v19 =	vshll.u32 v31, $0x10;
	v31 =	vsub.f32 v35, v55;
	v54 =	vpop (erf)  }
0xa1: {  	v58 =	vld [tilespmem:s26+$0x10];
	v28 =	vmul.f32 v54, v28;
	v30 =	vmul.f32 v30, v8;
	v56 =	vadd.f32 v23, v24  }
0xa2: {  	v51 =	vld [tilespmem:s26+$0x20];
	v45 =	vand.u32 $0xFFFF0000, v43;
	v40 =	vsub.f32 v27, v40;
	v29 =	vsub.f32 v29, v34;
	v27 =	vpop (erf)  }
0xa3: {  	v52 =	vld [tilespmem:s0+$0x0];
	v59 =	vmul.f32 v28, v9;
	v31 =	vmul.f32 v27, v31;
	v30 =	vadd.f32 v30, v56  }
0xa4: {  	v36 =	vsub.f32 v32, v36;
	v25 =	vand.u32 $0xFFFF0000, v61;
	v27 =	vshll.u32 v61, $0x10;
	v60 =	vpop (erf)  }
0xa5: {  	v55 =	vld [tilespmem:s26+$0xFFFFFFD0];
	v62 =	vmul.f32 v31, v10;
	v61 =	vadd.f32 v30, v59;
	v34 =	vmul.f32 v60, v40  }
0xa6: {  	v42 =	vld [tilespmem:s26+$0x0];
	v26 =	vand.u32 $0xFFFF0000, v50;
	v39 =	vand.u32 $0xFFFF0000, v57;
	v32 =	vand.u32 $0xFFFF0000, v58;
	v46 =	vpop (erf)  }
0xa7: {  	v37 =	vld [tilespmem:s26+$0xFFFFFFC0];
	v29 =	vmul.f32 v46, v29;
	v44 =	vadd.f32 v62, v61;
	v34 =	vmul.f32 v34, v11  }
0xa8: {  	v35 =	vshll.u32 v58, $0x10;
	v23 =	vand.u32 $0xFFFF0000, v51;
	v24 =	vand.u32 $0xFFFF0000, v52;
	v40 =	vld [tilespmem:s28+$0xFFFFFFE0];
	v63 =	vpop (erf)  }
0xa9: {  	v29 =	vmul.f32 v29, v12;
	v46 =	vmul.f32 v63, v36;
	v44 =	vadd.f32 v44, v34  }
0xaa: {  	v28 =	vshll.u32 v50, $0x10;
	v38 =	vand.u32 $0xFFFF0000, v55;
	v31 =	vshll.u32 v52, $0x10  }
0xab: {  	v30 =	vshll.u32 v51, $0x10;
	v48 =	vmul.f32 v46, v13;
	v29 =	vadd.f32 v29, v44  }
0xac: {  	v36 =	vshll.u32 v57, $0x10;
	v34 =	vshll.u32 v55, $0x10;
	v46 =	vand.u32 $0xFFFF0000, v37  }
0xad: {  	s25 =	simm.s32 $0x1;
	s22 =	simm.s32 $0x2;
	v47 =	vand.u32 $0xFFFF0000, v40;
	v44 =	vand.u32 $0xFFFF0000, v42;
	v29 =	vadd.f32 v29, v48  }
.LBB2_4:
0xae: {  	p1 =	sne.s32 s22, $0xF;
	v37 =	vshll.u32 v37, $0x10;
	v40 =	vshll.u32 v40, $0x10;
	v42 =	vshll.u32 v42, $0x10  }
0xaf: {  	v21 =	vadd.f32 v22, v21;
	v18 =	vadd.f32 v20, v18;
	v20 =	vperm.xlane v29, v0  }
0xb0: {  	v22 =	vshll.u32 v43, $0x10;
	v38 =	vadd.f32 v39, v38;
	v25 =	vadd.f32 v26, v25  }
0xb1: {  	v26 =	vadd.f32 v47, v46;
	v18 =	vmul.f32 $1.442695020e+00, v18;
	v20 =	vadd.f32 v29, v20  }
0xb2: {  	v21 =	vmul.f32 $1.442695020e+00, v21;
	v29 =	vadd.f32 v40, v37;
	v37 =	vmul.f32 $1.442695020e+00, v38  }
0xb3: {  	v22 =	vadd.f32 v22, v42;
	v26 =	vmul.f32 $1.442695020e+00, v26;
	v38 =	vperm.xlane v20, v1  }
0xb4: {  	v39 =	vadd.f32 v45, v44;
	v29 =	vmul.f32 $1.442695020e+00, v29;
	(erf) = vpow2.f32 v18  }
0xb5: {  	v18 =	vmul.f32 $1.442695020e+00, v22;
	(erf) = vpow2.f32 v21;
	v20 =	vadd.f32 v20, v38  }
0xb6: {  	v22 =	vadd.f32 v36, v34;
	v21 =	vmul.f32 $1.442695020e+00, v39;
	(erf) = vpow2.f32 v29  }
0xb7: {  	v29 =	vadd.f32 v41, v35;
	(erf) = vpow2.f32 v18;
	v18 =	vperm.xlane v20, v2  }
0xb8: {  	v32 =	vadd.f32 v33, v32;
	v22 =	vmul.f32 $1.442695020e+00, v22;
	(erf) = vpow2.f32 v26  }
0xb9: {  	v26 =	vmul.f32 $1.442695020e+00, v29;
	(erf) = vpow2.f32 v21;
	v18 =	vadd.f32 v20, v18  }
0xba: {  	v20 =	vmul.f32 $1.442695020e+00, v32;
	v21 =	vadd.f32 v28, v27;
	(erf) = vpow2.f32 v22  }
0xbb: {  	v22 =	vadd.f32 v31, v30;
	(erf) = vpow2.f32 v26;
	v26 =	vperm.xlane v18, v4  }
0xbc: {  	v24 =	vadd.f32 v24, v23;
	v21 =	vmul.f32 $1.442695020e+00, v21;
	(erf) = vpow2.f32 v37  }
0xbd: {  	v22 =	vmul.f32 $1.442695020e+00, v22;
	(erf) = vpow2.f32 v20;
	v29 =	vpop (erf);
	v18 =	vadd.f32 v18, v26  }
0xbe: {  	v20 =	vmul.f32 $1.442695020e+00, v25;
	v25 =	vadd.f32 v19, v17;
	(erf) = vpow2.f32 v21;
	v30 =	vpop (erf)  }
0xbf: {  	v19 =	vmul.f32 $1.442695020e+00, v24;
	v23 =	vpop (erf);
	(erf) = vpow2.f32 v22;
	v14 =	vsel vm0, v18, v14  }
0xc0: {  	v15 =	vadd.f32 v16, v15;
	s26 =	sadd.s32 $0x80, s26;
	v16 =	vmul.f32 $1.442695020e+00, v25;
	v17 =	vpop (erf);
	(erf) = vpow2.f32 v20  }
0xc1: {  	s28 =	sadd.s32 $0x40, s28;
	v18 =	vadd.f32 $1.000000000e+00, v23;
	v21 =	vld [tilespmem:s26+$0xFFFFFFF0];
	v20 =	vadd.f32 $1.000000000e+00, v17;
	v24 =	vpop (erf);
	(erf) = vpow2.f32 v19  }
0xc2: {  	v15 =	vmul.f32 $1.442695020e+00, v15;
	v19 =	vld [tilespmem:s28+$0x10];
	v25 =	vpop (erf);
	(erf) = vpow2.f32 v16  }
0xc3: {  	v26 =	vld [tilespmem:s26+$0x30];
	v16 =	vmul.f32 v20, v18;
	v18 =	vadd.f32 $1.000000000e+00, v24;
	v20 =	vadd.f32 $1.000000000e+00, v25;
	v27 =	vpop (erf)  }
0xc4: {  	s0 =	sadd.s32 $0x40, s0;
	v34 =	vmov s25;
	s25 =	smov.u32 s22;
	v22 =	vadd.f32 $1.000000000e+00, v27;
	v31 =	vpop (erf);
	(erf) = vpow2.f32 v15  }
0xc5: {  	v32 =	vld [tilespmem:s0+$0x10];
	v15 =	vmul.f32 v20, v18;
	v20 =	vadd.f32 $1.000000000e+00, v31;
	(erf) = vrcp.f32 v16;
	v33 =	vpop (erf)  }
0xc6: {  	vm0 =	veq.s32 v34, v5;
	v18 =	vand.u32 $0xFFFF0000, v21;
	v16 =	vadd.f32 $1.000000000e+00, v33;
	v28 =	vpop (erf)  }
0xc7: {  	v22 =	vmul.f32 v20, v22;
	v34 =	vadd.f32 $1.000000000e+00, v28;
	(erf) = vrcp.f32 v15;
	v35 =	vpop (erf)  }
0xc8: {  	v20 =	vand.u32 $0xFFFF0000, v19;
	v15 =	vand.u32 $0xFFFF0000, v26;
	v36 =	vadd.f32 $1.000000000e+00, v35;
	v37 =	vpop (erf)  }
0xc9: {  	v42 =	vmul.f32 v34, v16;
	v38 =	vadd.f32 $1.000000000e+00, v37;
	(erf) = vrcp.f32 v22;
	v39 =	vpop (erf)  }
0xca: {  	v21 =	vshll.u32 v21, $0x10;
	v16 =	vand.u32 $0xFFFF0000, v32;
	v40 =	vadd.f32 $1.000000000e+00, v39;
	v41 =	vpop (erf)  }
0xcb: {  	v44 =	vmul.f32 v38, v36;
	v38 =	vadd.f32 $1.000000000e+00, v41;
	(erf) = vrcp.f32 v42;
	v34 =	vpop (erf)  }
0xcc: {  	v22 =	vshll.u32 v19, $0x10;
	v19 =	vadd.f32 $1.000000000e+00, v30;
	v42 =	vadd.f32 $1.000000000e+00, v34  }
0xcd: {  	v17 =	vsub.f32 v23, v17;
	v23 =	vmul.f32 v38, v40;
	(erf) = vrcp.f32 v44;
	v36 =	vpop (erf)  }
0xce: {  	v40 =	vadd.f32 $1.000000000e+00, v29;
	v38 =	vld [tilespmem:s26+$0xFFFFFFE0];
	v19 =	vmul.f32 v42, v19;
	v42 =	vadd.f32 $1.000000000e+00, v36;
	v43 =	vpop (erf)  }
0xcf: {  	v24 =	vsub.f32 v24, v25;
	v44 =	vld [tilespmem:s28+$0x0];
	v43 =	vmul.f32 v43, v17;
	(erf) = vrcp.f32 v23  }
0xd0: {  	v17 =	vshll.u32 v26, $0x10;
	v45 =	vld [tilespmem:s26+$0x20];
	v23 =	vmul.f32 v42, v40;
	v25 =	vpop (erf);
	(erf) = vrcp.f32 v19  }
0xd1: {  	v42 =	vld [tilespmem:s0+$0x0];
	v26 =	vmul.f32 v43, v6;
	v24 =	vmul.f32 v25, v24;
	v25 =	vsub.f32 v27, v31  }
0xd2: {  	v19 =	vshll.u32 v32, $0x10;
	v27 =	vsub.f32 v33, v28;
	v28 =	vpop (erf);
	(erf) = vrcp.f32 v23  }
0xd3: {  	v23 =	vadd.f32 $0.0e+00, v26;
	v24 =	vmul.f32 v24, v7;
	v28 =	vmul.f32 v28, v25  }
0xd4: {  	v31 =	vsub.f32 v35, v37;
	v25 =	vand.u32 $0xFFFF0000, v38;
	v26 =	vand.u32 $0xFFFF0000, v44;
	v32 =	vpop (erf)  }
0xd5: {  	v33 =	vld [tilespmem:s26+$0xFFFFFFD0];
	v35 =	vadd.f32 v23, v24;
	v28 =	vmul.f32 v28, v8;
	v27 =	vmul.f32 v32, v27  }
0xd6: {  	v23 =	vand.u32 $0xFFFF0000, v45;
	v32 =	vsub.f32 v39, v41;
	v46 =	vld [tilespmem:s28+$0xFFFFFFF0];
	v24 =	vand.u32 $0xFFFF0000, v42;
	v37 =	vpop (erf)  }
0xd7: {  	v41 =	vld [tilespmem:s26+$0x10];
	v35 =	vadd.f32 v28, v35;
	v40 =	vmul.f32 v27, v9;
	v31 =	vmul.f32 v37, v31  }
0xd8: {  	v34 =	vsub.f32 v30, v34;
	v27 =	vshll.u32 v38, $0x10;
	v28 =	vshll.u32 v44, $0x10;
	v48 =	vld [tilespmem:s0+$0xFFFFFFF0];
	v30 =	vpop (erf)  }
0xd9: {  	v37 =	vld [tilespmem:s26+$0xFFFFFFC0];
	v35 =	vadd.f32 v35, v40;
	v38 =	vmul.f32 v31, v10;
	v32 =	vmul.f32 v30, v32;
	v39 =	vpop (erf)  }
0xda: {  	v29 =	vsub.f32 v29, v36;
	v30 =	vshll.u32 v45, $0x10;
	v31 =	vshll.u32 v42, $0x10;
	v40 =	vld [tilespmem:s28+$0xFFFFFFE0]  }
0xdb: {  	v34 =	vmul.f32 v39, v34;
	v42 =	vld [tilespmem:s26+$0x0];
	v35 =	vadd.f32 v38, v35;
	v36 =	vmul.f32 v32, v11;
	v44 =	vpop (erf)  }
0xdc: {  	v38 =	vand.u32 $0xFFFF0000, v33;
	v39 =	vand.u32 $0xFFFF0000, v46;
	v43 =	vld [tilespmem:s0+$0xFFFFFFE0];
	v32 =	vand.u32 $0xFFFF0000, v41  }
.Ltmp0:
0xdd: {  	v47 =	vmul.f32 v34, v12;
	v29 =	vmul.f32 v44, v29;
	v45 =	vadd.f32 v35, v36;
	(pc) =	sbr.rel @p1 .LBB2_4-.Ltmp0, $4  }
0xde: {  	v34 =	vshll.u32 v33, $0x10;
	v36 =	vshll.u32 v46, $0x10;
	v33 =	vand.u32 $0xFFFF0000, v48  }
0xdf: {  	v35 =	vshll.u32 v41, $0x10;
	v29 =	vmul.f32 v29, v13;
	v49 =	vadd.f32 v47, v45  }
0xe0: {  	v41 =	vshll.u32 v48, $0x10;
	v46 =	vand.u32 $0xFFFF0000, v37;
	v47 =	vand.u32 $0xFFFF0000, v40  }
0xe1: {  	s22 =	sadd.s32 $0x1, s22;
	v44 =	vand.u32 $0xFFFF0000, v42;
	v45 =	vand.u32 $0xFFFF0000, v43;
	v29 =	vadd.f32 v49, v29  }
0xe2: {  	v37 =	vshll.u32 v37, $0x10;
	v18 =	vadd.f32 v20, v18;
	v48 =	vshll.u32 v40, $0x10  }
0xe3: {  	v49 =	vshll.u32 v42, $0x10;
	v21 =	vadd.f32 v22, v21;
	v51 =	vadd.f32 v47, v46  }
0xe4: {  	v50 =	vshll.u32 v43, $0x10;
	v20 =	vadd.f32 v48, v37;
	v18 =	vmul.f32 $1.442695020e+00, v18  }
0xe5: {  	v22 =	vadd.f32 v50, v49;
	v21 =	vmul.f32 $1.442695020e+00, v21;
	v53 =	vmul.f32 $1.442695020e+00, v51  }
0xe6: {  	v34 =	vadd.f32 v36, v34;
	v20 =	vmul.f32 $1.442695020e+00, v20;
	(erf) = vpow2.f32 v18  }
0xe7: {  	v52 =	vadd.f32 v45, v44;
	v22 =	vmul.f32 $1.442695020e+00, v22;
	(erf) = vpow2.f32 v21  }
0xe8: {  	v56 =	vadd.f32 v33, v32;
	v34 =	vmul.f32 $1.442695020e+00, v34;
	(erf) = vpow2.f32 v20  }
0xe9: {  	v54 =	vadd.f32 v41, v35;
	v18 =	vmul.f32 $1.442695020e+00, v52;
	(erf) = vpow2.f32 v22  }
0xea: {  	v55 =	vadd.f32 v39, v38;
	v21 =	vmul.f32 $1.442695020e+00, v56;
	(erf) = vpow2.f32 v53  }
0xeb: {  	v20 =	vmul.f32 $1.442695020e+00, v54;
	(erf) = vpow2.f32 v18  }
0xec: {  	v57 =	vmul.f32 $1.442695020e+00, v55;
	(erf) = vpow2.f32 v34  }
0xed: {  	(erf) = vpow2.f32 v20  }
0xee: {  	v58 =	vadd.f32 v28, v27;
	v59 =	vadd.f32 v31, v30;
	(erf) = vpow2.f32 v57  }
0xef: {  	v17 =	vadd.f32 v19, v17;
	v15 =	vadd.f32 v16, v15;
	(erf) = vpow2.f32 v21;
	v21 =	vpop (erf)  }
0xf0: {  	v60 =	vadd.f32 v26, v25;
	v62 =	vmul.f32 $1.442695020e+00, v59;
	v22 =	vmul.f32 $1.442695020e+00, v58;
	v19 =	vpop (erf)  }
0xf1: {  	v61 =	vadd.f32 v24, v23;
	v36 =	vmul.f32 $1.442695020e+00, v17;
	v15 =	vmul.f32 $1.442695020e+00, v15;
	v63 =	vpop (erf)  }
0xf2: {  	v20 =	vmul.f32 $1.442695020e+00, v60;
	(erf) = vpow2.f32 v22;
	v37 =	vpop (erf)  }
0xf3: {  	v18 =	vmul.f32 $1.442695020e+00, v61;
	(erf) = vpow2.f32 v62;
	v24 =	vpop (erf)  }
0xf4: {  	(erf) = vpow2.f32 v20;
	v38 =	vadd.f32 $1.000000000e+00, v63;
	v39 =	vadd.f32 $1.000000000e+00, v37;
	v40 =	vpop (erf)  }
0xf5: {  	(erf) = vpow2.f32 v18;
	v42 =	vadd.f32 $1.000000000e+00, v24;
	v43 =	vadd.f32 $1.000000000e+00, v40  }
0xf6: {  	(erf) = vpow2.f32 v36;
	v41 =	vmul.f32 v39, v38;
	v44 =	vpop (erf)  }
0xf7: {  	(erf) = vpow2.f32 v15;
	v46 =	vpop (erf);
	v15 =	vmul.f32 v43, v42  }
0xf8: {  	v48 =	vpop (erf)  }
0xf9: {  	v45 =	vadd.f32 $1.000000000e+00, v44;
	v47 =	vadd.f32 $1.000000000e+00, v46;
	(erf) = vrcp.f32 v41;
	v50 =	vpop (erf)  }
0xfa: {  	v49 =	vadd.f32 $1.000000000e+00, v48;
	v51 =	vadd.f32 $1.000000000e+00, v50;
	(erf) = vrcp.f32 v15  }
0xfb: {  	v20 =	vmul.f32 v47, v45;
	v15 =	vpop (erf)  }
0xfc: {  	v23 =	vmul.f32 v51, v49;
	v53 =	vpop (erf)  }
0xfd: {  	(erf) = vrcp.f32 v20;
	v52 =	vadd.f32 $1.000000000e+00, v15;
	v54 =	vadd.f32 $1.000000000e+00, v53;
	v55 =	vpop (erf)  }
0xfe: {  	v60 =	vadd.f32 $1.000000000e+00, v19;
	(erf) = vrcp.f32 v23;
	v57 =	vpop (erf)  }
0xff: {  	v56 =	vadd.f32 $1.000000000e+00, v55;
	v26 =	vmul.f32 v54, v52;
	v58 =	vadd.f32 $1.000000000e+00, v57;
	v59 =	vpop (erf)  }
0x100: {  	v17 =	vsub.f32 v63, v37;
	v61 =	vadd.f32 $1.000000000e+00, v59  }
0x101: {  	v37 =	vadd.f32 $1.000000000e+00, v21;
	v63 =	vpop (erf);
	v62 =	vmul.f32 v58, v56;
	(erf) = vrcp.f32 v26  }
0x102: {  	v18 =	vsub.f32 v24, v40;
	v38 =	vadd.f32 $1.000000000e+00, v63;
	v39 =	vpop (erf);
	v36 =	vmul.f32 v61, v60  }
0x103: {  	v17 =	vmul.f32 v39, v17;
	v41 =	vpop (erf);
	(erf) = vrcp.f32 v62  }
0x104: {  	v40 =	vmul.f32 v38, v37;
	v18 =	vmul.f32 v41, v18  }
0x105: {  	v42 =	vsub.f32 v44, v46;
	(erf) = vrcp.f32 v36;
	v17 =	vmul.f32 v17, v6  }
0x106: {  	v16 =	vsub.f32 v48, v50;
	v43 =	vpop (erf);
	(erf) = vrcp.f32 v40  }
0x107: {  	v18 =	vmul.f32 v18, v7;
	v44 =	vmul.f32 v43, v42;
	v17 =	vadd.f32 $0.0e+00, v17  }
0x108: {  	v15 =	vsub.f32 v15, v53;
	v45 =	vpop (erf)  }
0x109: {  	v46 =	vmul.f32 v44, v8;
	v16 =	vmul.f32 v45, v16;
	v17 =	vadd.f32 v17, v18  }
0x10a: {  	v20 =	vsub.f32 v55, v57;
	v47 =	vpop (erf)  }
0x10b: {  	v16 =	vmul.f32 v16, v9;
	v17 =	vadd.f32 v46, v17;
	v15 =	vmul.f32 v47, v15  }
0x10c: {  	v48 =	vsub.f32 v19, v59;
	v49 =	vpop (erf)  }
0x10d: {  	v16 =	vadd.f32 v17, v16;
	v15 =	vmul.f32 v15, v10;
	v50 =	vmul.f32 v49, v20  }
0x10e: {  	v52 =	vsub.f32 v21, v63;
	v51 =	vpop (erf)  }
0x10f: {  	v54 =	vmul.f32 v51, v48;
	v15 =	vadd.f32 v15, v16;
	v53 =	vmul.f32 v50, v11  }
0x110: {  	v55 =	vpop (erf)  }
0x111: {  	v57 =	vmul.f32 v55, v52;
	v56 =	vmul.f32 v54, v12;
	v15 =	vadd.f32 v15, v53;
	_ =	sdelay $0x1  }
0x112: {  	v58 =	vmul.f32 v57, v13;
	v15 =	vadd.f32 v56, v15;
	_ =	sdelay $0x1  }
0x113: {  	v15 =	vadd.f32 v15, v58  }
0x114: {  	v59 =	vperm.xlane v29, v0  }
0x115: {  	v60 =	vperm.xlane v15, v0  }
0x116: {  	v16 =	vadd.f32 v29, v59  }
0x117: {  	v15 =	vadd.f32 v15, v60  }
0x118: {  	v61 =	vperm.xlane v16, v1  }
0x119: {  	v62 =	vperm.xlane v15, v1  }
0x11a: {  	v16 =	vadd.f32 v16, v61  }
0x11b: {  	v15 =	vadd.f32 v15, v62  }
0x11c: {  	v17 =	vperm.xlane v16, v2  }
0x11d: {  	v18 =	vperm.xlane v15, v2  }
0x11e: {  	v16 =	vadd.f32 v16, v17  }
0x11f: {  	v15 =	vadd.f32 v15, v18  }
0x120: {  	s0 =	sshll.u32 s18, $0x4;
	s18 =	sadd.s32 $0x1, s18;
	v17 =	vperm.xlane v16, v4  }
0x121: {  	p1 =	sne.s32 s18, $0x4;
	v18 =	vperm.xlane v15, v4  }
.Ltmp1:
0x122: {  	v16 =	vadd.f32 v16, v17;
	(pc) =	sbr.rel @p1 .LBB2_3-.Ltmp1, $4  }
0x123: {  	v63 =	vmov s25;
	v15 =	vadd.f32 v15, v18  }
0x124: {  	vm15 =	veq.s32 v63, v5;
	v14 =	vsel vm0, v16, v14  }
0x125: {  	s0 =	sand.u32 $0x3FFFFFF0, s0;
	v14 =	vsel vm15, v15, v14  }
0x126: {  	s9 =	sadd.s32 $0x800, s9;
	s14 =	sadd.s32 $0x400, s14;
	s17 =	sadd.s32 $0x400, s17;
	[tilespmem:s0+$0x19000] =	vst v14  }
0x127: {  	s0 =	smul.u32 $0x500, s15;
	_ =	sdelay $0x1  }
0x128: {  	s4 =	sshra.s32 s0, $0x2  }
0x129: {  	s9 =	simm.s32 $0x19000;
	s0 =	sadd.s32 $0x3C00, s4  }
0x12a: {  	[spmem:s2] =	stream.indirect.scatter.add.f32 [tilespmem:s9], [sflag:$0x6], $0x1, s0, s23, $0xb8;
	[tilespmem:$0x1A600] =	vst v63  }
0x12b: {  	_ = 	snop  }
0x12c: {  	[spmem:s3] =	stream.indirect.scatter.add.f32 [tilespmem:s30], [sflag:$0x6], $0x1, s0, s23, $0xb8;
	[tilespmem:$0x1A600] =	vst v63  }
0x12d: {  	_ =	swait.ge [sflag:s31], $0x1000  }
0x12e: {  	[sflag:s31] =	ssyncset.done $0x0  }
0x12f: {  	[sflag:s31] =	ssyncadd.s32 $0xFFFFF000  }
0x130: {  	_ =	swait.ge [sflag:s31], $0x1000  }
0x131: {  	[sflag:s31] =	ssyncset.done $0x0  }
0x132: {  	p1 =	seq.s32 s15, $0xF;
	[sflag:s31] =	ssyncadd.s32 $0xFFFFF000  }
0x133: {  	s17 =	smul.u32 @!p1 $0x140, s15;
	_ =	swait.ge [sflag:s31], $0x2000  }
0x134: {  	s14 =	simm.s32 @!p1 $0x5000;
	[sflag:s31] =	ssyncset.done $0x0  }
0x135: {  	s9 =	simm.s32 @!p1 $0x40;
	s0 =	sadd.s32 @!p1 $0x140, s17;
	[sflag:s31] =	ssyncadd.s32 $0xFFFFE000  }
0x136: {  	[tilespmem:s14], [sflag:$0x1] =	stream.indirect.gather @!p1 [hbm4b:s5+s9], $0x40, s0, s9, $0xb8;
	[tilespmem:$0x1A600] =	vst v63  }
0x137: {  	p2 =	seq.s32 @!p1 s15, $0x0;
	s0 =	sadd.s32 @!p1 $0x1540, s17;
	s14 =	simm.s32 @!p1 $0xA000  }
0x138: {  	[tilespmem:s14], [sflag:$0x1] =	stream.indirect.gather @!p1 [hbm4b:s6+s9], $0x40, s0, s9, $0xb8;
	[tilespmem:$0x1A600] =	vst v63  }
0x139: {  	p2 =	por p1, !p2;
	s0 =	sadd.s32 @!p1 $0x2940, s17;
	s14 =	simm.s32 @!p1 $0xF000  }
0x13a: {  	[tilespmem:s14], [sflag:$0x1] =	stream.indirect.gather @!p1 [hbm4b:s7+s9], $0x80, s0, s9, $0xb8;
	[tilespmem:$0x1A600] =	vst v63  }
0x13b: {  	_ =	swait.ge @p2 [sflag:s10], $0x40  }
0x13c: {  	[sflag:s10] =	ssyncset.done @p2 $0x0  }
0x13d: {  	[sflag:s10] =	ssyncadd.s32 @p2 $0xFFFFFFC0  }
0x13e: {  	s18 =	simm.s32 $0xB020;
	_ =	swait.ge @p2 [sflag:s10], $0x40  }
0x13f: {  	s25 =	simm.s32 $0x6020;
	s26 =	simm.s32 $0x0;
	[sflag:s10] =	ssyncset.done @p2 $0x0  }
0x140: {  	s9 =	simm.s32 $0x0;
	s14 =	simm.s32 $0x11040;
	[sflag:s10] =	ssyncadd.s32 @p2 $0xFFFFFFC0  }
.LBB2_7:
0x141: {  	v14 =	vld [tilespmem:s14+$0xFFFFFFF0]  }
0x142: {  	v15 =	vld [tilespmem:s25+$0x10]  }
0x143: {  	v16 =	vld [tilespmem:s14+$0x30]  }
0x144: {  	v17 =	vld [tilespmem:s18+$0x10]  }
0x145: {  	v18 =	vld [tilespmem:s14+$0xFFFFFFE0]  }
0x146: {  	v19 =	vld [tilespmem:s25+$0x0]  }
0x147: {  	v20 =	vld [tilespmem:s14+$0x20]  }
0x148: {  	v21 =	vld [tilespmem:s18+$0x0]  }
0x149: {  	v22 =	vld [tilespmem:s14+$0xFFFFFFD0]  }
0x14a: {  	v23 =	vld [tilespmem:s25+$0xFFFFFFF0]  }
0x14b: {  	v25 =	vld [tilespmem:s14+$0x10]  }
0x14c: {  	v28 =	vld [tilespmem:s18+$0xFFFFFFF0];
	v24 =	vand.u32 $0xFFFF0000, v14;
	v26 =	vand.u32 $0xFFFF0000, v15;
	v27 =	vand.u32 $0xFFFF0000, v16  }
0x14d: {  	v30 =	vld [tilespmem:s14+$0xFFFFFFC0];
	v14 =	vshll.u32 v14, $0x10;
	v15 =	vshll.u32 v15, $0x10;
	v16 =	vshll.u32 v16, $0x10  }
0x14e: {  	v34 =	vld [tilespmem:s25+$0xFFFFFFE0];
	v29 =	vshll.u32 v17, $0x10;
	v31 =	vand.u32 $0xFFFF0000, v18;
	v32 =	vand.u32 $0xFFFF0000, v19  }
0x14f: {  	v36 =	vld [tilespmem:s14+$0x0];
	v33 =	vand.u32 $0xFFFF0000, v20;
	v35 =	vand.u32 $0xFFFF0000, v21;
	v18 =	vshll.u32 v18, $0x10  }
0x150: {  	v19 =	vshll.u32 v19, $0x10;
	v20 =	vshll.u32 v20, $0x10;
	v21 =	vshll.u32 v21, $0x10  }
0x151: {  	v38 =	vld [tilespmem:s18+$0xFFFFFFE0];
	v37 =	vand.u32 $0xFFFF0000, v22;
	v39 =	vand.u32 $0xFFFF0000, v23;
	v40 =	vand.u32 $0xFFFF0000, v25  }
0x152: {  	v22 =	vshll.u32 v22, $0x10;
	v23 =	vshll.u32 v23, $0x10;
	v41 =	vand.u32 $0xFFFF0000, v28  }
0x153: {  	v25 =	vshll.u32 v25, $0x10;
	v42 =	vand.u32 $0xFFFF0000, v30;
	v43 =	vand.u32 $0xFFFF0000, v34  }
0x154: {  	v28 =	vshll.u32 v28, $0x10;
	v44 =	vand.u32 $0xFFFF0000, v36;
	v30 =	vshll.u32 v30, $0x10  }
0x155: {  	v51 =	vshll.u32 v36, $0x10;
	v24 =	vadd.f32 v26, v24;
	v26 =	vshll.u32 v34, $0x10  }
0x156: {  	v14 =	vadd.f32 v15, v14;
	v15 =	vshll.u32 v38, $0x10;
	v22 =	vadd.f32 v23, v22  }
0x157: {  	v52 =	vadd.f32 v43, v42;
	v26 =	vadd.f32 v26, v30;
	v24 =	vmul.f32 $1.442695020e+00, v24  }
0x158: {  	v15 =	vadd.f32 v15, v51;
	v14 =	vmul.f32 $1.442695020e+00, v14;
	v22 =	vmul.f32 $1.442695020e+00, v22  }
0x159: {  	v30 =	vand.u32 $0xFFFF0000, v38;
	v26 =	vmul.f32 $1.442695020e+00, v26;
	(erf) = vpow2.f32 v24  }
0x15a: {  	v15 =	vmul.f32 $1.442695020e+00, v15;
	v24 =	vadd.f32 v30, v44;
	(erf) = vpow2.f32 v14  }
0x15b: {  	v18 =	vadd.f32 v19, v18;
	v14 =	vmul.f32 $1.442695020e+00, v52;
	(erf) = vpow2.f32 v26  }
0x15c: {  	v23 =	vmul.f32 $1.442695020e+00, v24;
	v24 =	vadd.f32 v28, v25;
	(erf) = vpow2.f32 v15  }
0x15d: {  	v18 =	vmul.f32 $1.442695020e+00, v18;
	v15 =	vadd.f32 v39, v37;
	(erf) = vpow2.f32 v14  }
0x15e: {  	v14 =	vadd.f32 v41, v40;
	v24 =	vmul.f32 $1.442695020e+00, v24;
	(erf) = vpow2.f32 v23  }
0x15f: {  	v19 =	vadd.f32 v21, v20;
	v15 =	vmul.f32 $1.442695020e+00, v15;
	(erf) = vpow2.f32 v22  }
0x160: {  	v17 =	vand.u32 $0xFFFF0000, v17;
	v14 =	vmul.f32 $1.442695020e+00, v14;
	(erf) = vpow2.f32 v24  }
0x161: {  	v20 =	vadd.f32 v32, v31;
	v19 =	vmul.f32 $1.442695020e+00, v19;
	(erf) = vpow2.f32 v15  }
0x162: {  	v16 =	vadd.f32 v29, v16;
	v15 =	vadd.f32 v35, v33;
	(erf) = vpow2.f32 v14;
	v32 =	vpop (erf)  }
0x163: {  	v17 =	vadd.f32 v17, v27;
	v14 =	vmul.f32 $1.442695020e+00, v20;
	(erf) = vpow2.f32 v18;
	v29 =	vpop (erf)  }
0x164: {  	v15 =	vmul.f32 $1.442695020e+00, v15;
	v23 =	vpop (erf);
	(erf) = vpow2.f32 v19  }
0x165: {  	v16 =	vmul.f32 $1.442695020e+00, v16;
	v19 =	vpop (erf);
	(erf) = vpow2.f32 v14  }
0x166: {  	v18 =	vadd.f32 $1.000000000e+00, v23;
	v20 =	vadd.f32 $1.000000000e+00, v19;
	v24 =	vpop (erf);
	(erf) = vpow2.f32 v15  }
0x167: {  	v28 =	vmov s9;
	v15 =	vmul.f32 $1.442695020e+00, v17;
	v17 =	vpop (erf);
	(erf) = vpow2.f32 v16  }
0x168: {  	v16 =	vmul.f32 v20, v18;
	v18 =	vadd.f32 $1.000000000e+00, v24;
	v20 =	vadd.f32 $1.000000000e+00, v17;
	v26 =	vpop (erf)  }
0x169: {  	s22 =	sadd.s32 $0x40, s18;
	(erf) = vpow2.f32 v15;
	v30 =	vpop (erf)  }
0x16a: {  	v45 =	vld [tilespmem:s22+$0xFFFFFFF0];
	v27 =	vadd.f32 $1.000000000e+00, v26;
	v15 =	vmul.f32 v20, v18;
	v20 =	vadd.f32 $1.000000000e+00, v30;
	v33 =	vpop (erf)  }
0x16b: {  	vm0 =	veq.s32 v28, v5;
	(erf) = vrcp.f32 v16;
	v28 =	vpop (erf)  }
0x16c: {  	s29 =	sadd.s32 $0x80, s14;
	v16 =	vadd.f32 $1.000000000e+00, v33;
	v27 =	vmul.f32 v20, v27;
	v53 =	vadd.f32 $1.000000000e+00, v28;
	v35 =	vpop (erf)  }
0x16d: {  	v21 =	vld [tilespmem:s29+$0xFFFFFFF0];
	(erf) = vrcp.f32 v15;
	v55 =	vpop (erf)  }
0x16e: {  	v25 =	vld [tilespmem:s29+$0x30];
	v54 =	vadd.f32 $1.000000000e+00, v35;
	v34 =	vmul.f32 v53, v16;
	v56 =	vadd.f32 $1.000000000e+00, v55  }
0x16f: {  	s0 =	sadd.s32 $0x40, s25;
	v41 =	vshll.u32 v45, $0x10;
	v63 =	vadd.f32 $1.000000000e+00, v32  }
0x170: {  	v22 =	vld [tilespmem:s0+$0x10];
	v59 =	vadd.f32 $1.000000000e+00, v29;
	(erf) = vrcp.f32 v27;
	v27 =	vpop (erf);
	v36 =	vmul.f32 v56, v54  }
0x171: {  	v14 =	vimm.f32 $0.0e+00;
	v19 =	vsub.f32 v23, v19;
	v24 =	vsub.f32 v24, v17;
	v40 =	vpop (erf)  }
0x172: {  	(erf) = vrcp.f32 v34;
	v57 =	vadd.f32 $1.000000000e+00, v27;
	v58 =	vadd.f32 $1.000000000e+00, v40;
	v34 =	vpop (erf)  }
0x173: {  	v17 =	vshll.u32 v25, $0x10;
	v18 =	vand.u32 $0xFFFF0000, v21;
	v60 =	vadd.f32 $1.000000000e+00, v34  }
0x174: {  	v21 =	vshll.u32 v21, $0x10;
	(erf) = vrcp.f32 v36;
	v23 =	vmul.f32 v58, v57;
	v36 =	vpop (erf)  }
0x175: {  	v20 =	vand.u32 $0xFFFF0000, v22;
	v62 =	vmul.f32 v60, v59;
	v48 =	vadd.f32 $1.000000000e+00, v36;
	v49 =	vpop (erf)  }
0x176: {  	v31 =	vld [tilespmem:s22+$0x10];
	v15 =	vand.u32 $0xFFFF0000, v25;
	v19 =	vmul.f32 v49, v19;
	(erf) = vrcp.f32 v23  }
0x177: {  	v22 =	vshll.u32 v22, $0x10;
	v25 =	vpop (erf);
	v23 =	vmul.f32 v48, v63;
	(erf) = vrcp.f32 v62  }
0x178: {  	v43 =	vld [tilespmem:s22+$0xFFFFFFE0];
	v24 =	vmul.f32 v25, v24;
	v25 =	vsub.f32 v26, v30;
	v53 =	vmul.f32 v19, v6  }
0x179: {  	v61 =	vld [tilespmem:s29+$0xFFFFFFE0];
	v28 =	vsub.f32 v33, v28;
	v33 =	vand.u32 $0xFFFF0000, v45;
	v26 =	vpop (erf);
	(erf) = vrcp.f32 v23  }
0x17a: {  	v50 =	vld [tilespmem:s0+$0x0];
	v24 =	vmul.f32 v24, v7;
	v30 =	vmul.f32 v26, v25;
	v23 =	vadd.f32 $0.0e+00, v53  }
0x17b: {  	v16 =	vand.u32 $0xFFFF0000, v31;
	v57 =	vld [tilespmem:s0+$0xFFFFFFF0];
	v19 =	vshll.u32 v31, $0x10;
	v31 =	vsub.f32 v35, v55;
	v54 =	vpop (erf)  }
0x17c: {  	v58 =	vld [tilespmem:s29+$0x10];
	v28 =	vmul.f32 v54, v28;
	v30 =	vmul.f32 v30, v8;
	v56 =	vadd.f32 v23, v24  }
0x17d: {  	v51 =	vld [tilespmem:s29+$0x20];
	v45 =	vand.u32 $0xFFFF0000, v43;
	v40 =	vsub.f32 v27, v40;
	v29 =	vsub.f32 v29, v34;
	v27 =	vpop (erf)  }
0x17e: {  	v52 =	vld [tilespmem:s22+$0x0];
	v59 =	vmul.f32 v28, v9;
	v31 =	vmul.f32 v27, v31;
	v30 =	vadd.f32 v30, v56  }
0x17f: {  	v36 =	vsub.f32 v32, v36;
	v25 =	vand.u32 $0xFFFF0000, v61;
	v27 =	vshll.u32 v61, $0x10;
	v60 =	vpop (erf)  }
0x180: {  	v55 =	vld [tilespmem:s29+$0xFFFFFFD0];
	v62 =	vmul.f32 v31, v10;
	v61 =	vadd.f32 v30, v59;
	v34 =	vmul.f32 v60, v40  }
0x181: {  	v42 =	vld [tilespmem:s29+$0x0];
	v26 =	vand.u32 $0xFFFF0000, v50;
	v39 =	vand.u32 $0xFFFF0000, v57;
	v32 =	vand.u32 $0xFFFF0000, v58;
	v46 =	vpop (erf)  }
0x182: {  	v37 =	vld [tilespmem:s29+$0xFFFFFFC0];
	v29 =	vmul.f32 v46, v29;
	v44 =	vadd.f32 v62, v61;
	v34 =	vmul.f32 v34, v11  }
0x183: {  	v35 =	vshll.u32 v58, $0x10;
	v23 =	vand.u32 $0xFFFF0000, v51;
	v24 =	vand.u32 $0xFFFF0000, v52;
	v40 =	vld [tilespmem:s0+$0xFFFFFFE0];
	v63 =	vpop (erf)  }
0x184: {  	v29 =	vmul.f32 v29, v12;
	v46 =	vmul.f32 v63, v36;
	v44 =	vadd.f32 v44, v34  }
0x185: {  	v28 =	vshll.u32 v50, $0x10;
	v38 =	vand.u32 $0xFFFF0000, v55;
	v31 =	vshll.u32 v52, $0x10  }
0x186: {  	v30 =	vshll.u32 v51, $0x10;
	v48 =	vmul.f32 v46, v13;
	v29 =	vadd.f32 v29, v44  }
0x187: {  	v36 =	vshll.u32 v57, $0x10;
	v34 =	vshll.u32 v55, $0x10;
	v46 =	vand.u32 $0xFFFF0000, v37  }
0x188: {  	s28 =	simm.s32 $0x1;
	s19 =	simm.s32 $0x2;
	v47 =	vand.u32 $0xFFFF0000, v40;
	v44 =	vand.u32 $0xFFFF0000, v42;
	v29 =	vadd.f32 v29, v48  }
.LBB2_8:
0x189: {  	p3 =	sne.s32 s19, $0xF;
	v37 =	vshll.u32 v37, $0x10;
	v40 =	vshll.u32 v40, $0x10;
	v42 =	vshll.u32 v42, $0x10  }
0x18a: {  	v21 =	vadd.f32 v22, v21;
	v18 =	vadd.f32 v20, v18;
	v20 =	vperm.xlane v29, v0  }
0x18b: {  	v22 =	vshll.u32 v43, $0x10;
	v38 =	vadd.f32 v39, v38;
	v25 =	vadd.f32 v26, v25  }
0x18c: {  	v26 =	vadd.f32 v47, v46;
	v18 =	vmul.f32 $1.442695020e+00, v18;
	v20 =	vadd.f32 v29, v20  }
0x18d: {  	v21 =	vmul.f32 $1.442695020e+00, v21;
	v29 =	vadd.f32 v40, v37;
	v37 =	vmul.f32 $1.442695020e+00, v38  }
0x18e: {  	v22 =	vadd.f32 v22, v42;
	v26 =	vmul.f32 $1.442695020e+00, v26;
	v38 =	vperm.xlane v20, v1  }
0x18f: {  	v39 =	vadd.f32 v45, v44;
	v29 =	vmul.f32 $1.442695020e+00, v29;
	(erf) = vpow2.f32 v18  }
0x190: {  	v18 =	vmul.f32 $1.442695020e+00, v22;
	(erf) = vpow2.f32 v21;
	v20 =	vadd.f32 v20, v38  }
0x191: {  	v22 =	vadd.f32 v36, v34;
	v21 =	vmul.f32 $1.442695020e+00, v39;
	(erf) = vpow2.f32 v29  }
0x192: {  	v29 =	vadd.f32 v41, v35;
	(erf) = vpow2.f32 v18;
	v18 =	vperm.xlane v20, v2  }
0x193: {  	v32 =	vadd.f32 v33, v32;
	v22 =	vmul.f32 $1.442695020e+00, v22;
	(erf) = vpow2.f32 v26  }
0x194: {  	v26 =	vmul.f32 $1.442695020e+00, v29;
	(erf) = vpow2.f32 v21;
	v18 =	vadd.f32 v20, v18  }
0x195: {  	v20 =	vmul.f32 $1.442695020e+00, v32;
	v21 =	vadd.f32 v28, v27;
	(erf) = vpow2.f32 v22  }
0x196: {  	v22 =	vadd.f32 v31, v30;
	(erf) = vpow2.f32 v26;
	v26 =	vperm.xlane v18, v4  }
0x197: {  	v24 =	vadd.f32 v24, v23;
	v21 =	vmul.f32 $1.442695020e+00, v21;
	(erf) = vpow2.f32 v37  }
0x198: {  	v22 =	vmul.f32 $1.442695020e+00, v22;
	(erf) = vpow2.f32 v20;
	v29 =	vpop (erf);
	v18 =	vadd.f32 v18, v26  }
0x199: {  	v20 =	vmul.f32 $1.442695020e+00, v25;
	v25 =	vadd.f32 v19, v17;
	(erf) = vpow2.f32 v21;
	v30 =	vpop (erf)  }
0x19a: {  	v19 =	vmul.f32 $1.442695020e+00, v24;
	v23 =	vpop (erf);
	(erf) = vpow2.f32 v22;
	v14 =	vsel vm0, v18, v14  }
0x19b: {  	v15 =	vadd.f32 v16, v15;
	s29 =	sadd.s32 $0x80, s29;
	v16 =	vmul.f32 $1.442695020e+00, v25;
	v17 =	vpop (erf);
	(erf) = vpow2.f32 v20  }
0x19c: {  	s0 =	sadd.s32 $0x40, s0;
	v18 =	vadd.f32 $1.000000000e+00, v23;
	v21 =	vld [tilespmem:s29+$0xFFFFFFF0];
	v20 =	vadd.f32 $1.000000000e+00, v17;
	v24 =	vpop (erf);
	(erf) = vpow2.f32 v19  }
0x19d: {  	v15 =	vmul.f32 $1.442695020e+00, v15;
	v19 =	vld [tilespmem:s0+$0x10];
	v25 =	vpop (erf);
	(erf) = vpow2.f32 v16  }
0x19e: {  	v26 =	vld [tilespmem:s29+$0x30];
	v16 =	vmul.f32 v20, v18;
	v18 =	vadd.f32 $1.000000000e+00, v24;
	v20 =	vadd.f32 $1.000000000e+00, v25;
	v27 =	vpop (erf)  }
0x19f: {  	s22 =	sadd.s32 $0x40, s22;
	v34 =	vmov s28;
	s28 =	smov.u32 s19;
	v22 =	vadd.f32 $1.000000000e+00, v27;
	v31 =	vpop (erf);
	(erf) = vpow2.f32 v15  }
0x1a0: {  	v32 =	vld [tilespmem:s22+$0x10];
	v15 =	vmul.f32 v20, v18;
	v20 =	vadd.f32 $1.000000000e+00, v31;
	(erf) = vrcp.f32 v16;
	v33 =	vpop (erf)  }
0x1a1: {  	vm0 =	veq.s32 v34, v5;
	v18 =	vand.u32 $0xFFFF0000, v21;
	v16 =	vadd.f32 $1.000000000e+00, v33;
	v28 =	vpop (erf)  }
0x1a2: {  	v22 =	vmul.f32 v20, v22;
	v34 =	vadd.f32 $1.000000000e+00, v28;
	(erf) = vrcp.f32 v15;
	v35 =	vpop (erf)  }
0x1a3: {  	v20 =	vand.u32 $0xFFFF0000, v19;
	v15 =	vand.u32 $0xFFFF0000, v26;
	v36 =	vadd.f32 $1.000000000e+00, v35;
	v37 =	vpop (erf)  }
0x1a4: {  	v42 =	vmul.f32 v34, v16;
	v38 =	vadd.f32 $1.000000000e+00, v37;
	(erf) = vrcp.f32 v22;
	v39 =	vpop (erf)  }
0x1a5: {  	v21 =	vshll.u32 v21, $0x10;
	v16 =	vand.u32 $0xFFFF0000, v32;
	v40 =	vadd.f32 $1.000000000e+00, v39;
	v41 =	vpop (erf)  }
0x1a6: {  	v44 =	vmul.f32 v38, v36;
	v38 =	vadd.f32 $1.000000000e+00, v41;
	(erf) = vrcp.f32 v42;
	v34 =	vpop (erf)  }
0x1a7: {  	v22 =	vshll.u32 v19, $0x10;
	v19 =	vadd.f32 $1.000000000e+00, v30;
	v42 =	vadd.f32 $1.000000000e+00, v34  }
0x1a8: {  	v17 =	vsub.f32 v23, v17;
	v23 =	vmul.f32 v38, v40;
	(erf) = vrcp.f32 v44;
	v36 =	vpop (erf)  }
0x1a9: {  	v40 =	vadd.f32 $1.000000000e+00, v29;
	v38 =	vld [tilespmem:s29+$0xFFFFFFE0];
	v19 =	vmul.f32 v42, v19;
	v42 =	vadd.f32 $1.000000000e+00, v36;
	v43 =	vpop (erf)  }
0x1aa: {  	v24 =	vsub.f32 v24, v25;
	v44 =	vld [tilespmem:s0+$0x0];
	v43 =	vmul.f32 v43, v17;
	(erf) = vrcp.f32 v23  }
0x1ab: {  	v17 =	vshll.u32 v26, $0x10;
	v45 =	vld [tilespmem:s29+$0x20];
	v23 =	vmul.f32 v42, v40;
	v25 =	vpop (erf);
	(erf) = vrcp.f32 v19  }
0x1ac: {  	v42 =	vld [tilespmem:s22+$0x0];
	v26 =	vmul.f32 v43, v6;
	v24 =	vmul.f32 v25, v24;
	v25 =	vsub.f32 v27, v31  }
0x1ad: {  	v19 =	vshll.u32 v32, $0x10;
	v27 =	vsub.f32 v33, v28;
	v28 =	vpop (erf);
	(erf) = vrcp.f32 v23  }
0x1ae: {  	v23 =	vadd.f32 $0.0e+00, v26;
	v24 =	vmul.f32 v24, v7;
	v28 =	vmul.f32 v28, v25  }
0x1af: {  	v31 =	vsub.f32 v35, v37;
	v25 =	vand.u32 $0xFFFF0000, v38;
	v26 =	vand.u32 $0xFFFF0000, v44;
	v32 =	vpop (erf)  }
0x1b0: {  	v33 =	vld [tilespmem:s29+$0xFFFFFFD0];
	v35 =	vadd.f32 v23, v24;
	v28 =	vmul.f32 v28, v8;
	v27 =	vmul.f32 v32, v27  }
0x1b1: {  	v23 =	vand.u32 $0xFFFF0000, v45;
	v32 =	vsub.f32 v39, v41;
	v46 =	vld [tilespmem:s0+$0xFFFFFFF0];
	v24 =	vand.u32 $0xFFFF0000, v42;
	v37 =	vpop (erf)  }
0x1b2: {  	v41 =	vld [tilespmem:s29+$0x10];
	v35 =	vadd.f32 v28, v35;
	v40 =	vmul.f32 v27, v9;
	v31 =	vmul.f32 v37, v31  }
0x1b3: {  	v34 =	vsub.f32 v30, v34;
	v27 =	vshll.u32 v38, $0x10;
	v28 =	vshll.u32 v44, $0x10;
	v48 =	vld [tilespmem:s22+$0xFFFFFFF0];
	v30 =	vpop (erf)  }
0x1b4: {  	v37 =	vld [tilespmem:s29+$0xFFFFFFC0];
	v35 =	vadd.f32 v35, v40;
	v38 =	vmul.f32 v31, v10;
	v32 =	vmul.f32 v30, v32;
	v39 =	vpop (erf)  }
0x1b5: {  	v29 =	vsub.f32 v29, v36;
	v30 =	vshll.u32 v45, $0x10;
	v31 =	vshll.u32 v42, $0x10;
	v40 =	vld [tilespmem:s0+$0xFFFFFFE0]  }
0x1b6: {  	v34 =	vmul.f32 v39, v34;
	v42 =	vld [tilespmem:s29+$0x0];
	v35 =	vadd.f32 v38, v35;
	v36 =	vmul.f32 v32, v11;
	v44 =	vpop (erf)  }
0x1b7: {  	v38 =	vand.u32 $0xFFFF0000, v33;
	v39 =	vand.u32 $0xFFFF0000, v46;
	v43 =	vld [tilespmem:s22+$0xFFFFFFE0];
	v32 =	vand.u32 $0xFFFF0000, v41  }
.Ltmp2:
0x1b8: {  	v47 =	vmul.f32 v34, v12;
	v29 =	vmul.f32 v44, v29;
	v45 =	vadd.f32 v35, v36;
	(pc) =	sbr.rel @p3 .LBB2_8-.Ltmp2, $4  }
0x1b9: {  	v34 =	vshll.u32 v33, $0x10;
	v36 =	vshll.u32 v46, $0x10;
	v33 =	vand.u32 $0xFFFF0000, v48  }
0x1ba: {  	v35 =	vshll.u32 v41, $0x10;
	v29 =	vmul.f32 v29, v13;
	v49 =	vadd.f32 v47, v45  }
0x1bb: {  	v41 =	vshll.u32 v48, $0x10;
	v46 =	vand.u32 $0xFFFF0000, v37;
	v47 =	vand.u32 $0xFFFF0000, v40  }
0x1bc: {  	s19 =	sadd.s32 $0x1, s19;
	v44 =	vand.u32 $0xFFFF0000, v42;
	v45 =	vand.u32 $0xFFFF0000, v43;
	v29 =	vadd.f32 v49, v29  }
0x1bd: {  	v37 =	vshll.u32 v37, $0x10;
	v18 =	vadd.f32 v20, v18;
	v48 =	vshll.u32 v40, $0x10  }
0x1be: {  	v49 =	vshll.u32 v42, $0x10;
	v21 =	vadd.f32 v22, v21;
	v51 =	vadd.f32 v47, v46  }
0x1bf: {  	v50 =	vshll.u32 v43, $0x10;
	v20 =	vadd.f32 v48, v37;
	v18 =	vmul.f32 $1.442695020e+00, v18  }
0x1c0: {  	v22 =	vadd.f32 v50, v49;
	v21 =	vmul.f32 $1.442695020e+00, v21;
	v53 =	vmul.f32 $1.442695020e+00, v51  }
0x1c1: {  	v34 =	vadd.f32 v36, v34;
	v20 =	vmul.f32 $1.442695020e+00, v20;
	(erf) = vpow2.f32 v18  }
0x1c2: {  	v52 =	vadd.f32 v45, v44;
	v22 =	vmul.f32 $1.442695020e+00, v22;
	(erf) = vpow2.f32 v21  }
0x1c3: {  	v56 =	vadd.f32 v33, v32;
	v34 =	vmul.f32 $1.442695020e+00, v34;
	(erf) = vpow2.f32 v20  }
0x1c4: {  	v54 =	vadd.f32 v41, v35;
	v18 =	vmul.f32 $1.442695020e+00, v52;
	(erf) = vpow2.f32 v22  }
0x1c5: {  	v55 =	vadd.f32 v39, v38;
	v21 =	vmul.f32 $1.442695020e+00, v56;
	(erf) = vpow2.f32 v53  }
0x1c6: {  	v20 =	vmul.f32 $1.442695020e+00, v54;
	(erf) = vpow2.f32 v18  }
0x1c7: {  	v57 =	vmul.f32 $1.442695020e+00, v55;
	(erf) = vpow2.f32 v34  }
0x1c8: {  	(erf) = vpow2.f32 v20  }
0x1c9: {  	v58 =	vadd.f32 v28, v27;
	v59 =	vadd.f32 v31, v30;
	(erf) = vpow2.f32 v57  }
0x1ca: {  	v17 =	vadd.f32 v19, v17;
	v15 =	vadd.f32 v16, v15;
	(erf) = vpow2.f32 v21;
	v21 =	vpop (erf)  }
0x1cb: {  	v60 =	vadd.f32 v26, v25;
	v62 =	vmul.f32 $1.442695020e+00, v59;
	v22 =	vmul.f32 $1.442695020e+00, v58;
	v19 =	vpop (erf)  }
0x1cc: {  	v61 =	vadd.f32 v24, v23;
	v36 =	vmul.f32 $1.442695020e+00, v17;
	v15 =	vmul.f32 $1.442695020e+00, v15;
	v63 =	vpop (erf)  }
0x1cd: {  	v20 =	vmul.f32 $1.442695020e+00, v60;
	(erf) = vpow2.f32 v22;
	v37 =	vpop (erf)  }
0x1ce: {  	v18 =	vmul.f32 $1.442695020e+00, v61;
	(erf) = vpow2.f32 v62;
	v24 =	vpop (erf)  }
0x1cf: {  	(erf) = vpow2.f32 v20;
	v38 =	vadd.f32 $1.000000000e+00, v63;
	v39 =	vadd.f32 $1.000000000e+00, v37;
	v40 =	vpop (erf)  }
0x1d0: {  	(erf) = vpow2.f32 v18;
	v42 =	vadd.f32 $1.000000000e+00, v24;
	v43 =	vadd.f32 $1.000000000e+00, v40  }
0x1d1: {  	(erf) = vpow2.f32 v36;
	v41 =	vmul.f32 v39, v38;
	v44 =	vpop (erf)  }
0x1d2: {  	(erf) = vpow2.f32 v15;
	v46 =	vpop (erf);
	v15 =	vmul.f32 v43, v42  }
0x1d3: {  	v48 =	vpop (erf)  }
0x1d4: {  	v45 =	vadd.f32 $1.000000000e+00, v44;
	v47 =	vadd.f32 $1.000000000e+00, v46;
	(erf) = vrcp.f32 v41;
	v50 =	vpop (erf)  }
0x1d5: {  	v49 =	vadd.f32 $1.000000000e+00, v48;
	v51 =	vadd.f32 $1.000000000e+00, v50;
	(erf) = vrcp.f32 v15  }
0x1d6: {  	v20 =	vmul.f32 v47, v45;
	v15 =	vpop (erf)  }
0x1d7: {  	v23 =	vmul.f32 v51, v49;
	v53 =	vpop (erf)  }
0x1d8: {  	(erf) = vrcp.f32 v20;
	v52 =	vadd.f32 $1.000000000e+00, v15;
	v54 =	vadd.f32 $1.000000000e+00, v53;
	v55 =	vpop (erf)  }
0x1d9: {  	v60 =	vadd.f32 $1.000000000e+00, v19;
	(erf) = vrcp.f32 v23;
	v57 =	vpop (erf)  }
0x1da: {  	v56 =	vadd.f32 $1.000000000e+00, v55;
	v26 =	vmul.f32 v54, v52;
	v58 =	vadd.f32 $1.000000000e+00, v57;
	v59 =	vpop (erf)  }
0x1db: {  	v17 =	vsub.f32 v63, v37;
	v61 =	vadd.f32 $1.000000000e+00, v59  }
0x1dc: {  	v37 =	vadd.f32 $1.000000000e+00, v21;
	v63 =	vpop (erf);
	v62 =	vmul.f32 v58, v56;
	(erf) = vrcp.f32 v26  }
0x1dd: {  	v18 =	vsub.f32 v24, v40;
	v38 =	vadd.f32 $1.000000000e+00, v63;
	v39 =	vpop (erf);
	v36 =	vmul.f32 v61, v60  }
0x1de: {  	v17 =	vmul.f32 v39, v17;
	v41 =	vpop (erf);
	(erf) = vrcp.f32 v62  }
0x1df: {  	v40 =	vmul.f32 v38, v37;
	v18 =	vmul.f32 v41, v18  }
0x1e0: {  	v42 =	vsub.f32 v44, v46;
	(erf) = vrcp.f32 v36;
	v17 =	vmul.f32 v17, v6  }
0x1e1: {  	v16 =	vsub.f32 v48, v50;
	v43 =	vpop (erf);
	(erf) = vrcp.f32 v40  }
0x1e2: {  	v18 =	vmul.f32 v18, v7;
	v44 =	vmul.f32 v43, v42;
	v17 =	vadd.f32 $0.0e+00, v17  }
0x1e3: {  	v15 =	vsub.f32 v15, v53;
	v45 =	vpop (erf)  }
0x1e4: {  	v46 =	vmul.f32 v44, v8;
	v16 =	vmul.f32 v45, v16;
	v17 =	vadd.f32 v17, v18  }
0x1e5: {  	v20 =	vsub.f32 v55, v57;
	v47 =	vpop (erf)  }
0x1e6: {  	v16 =	vmul.f32 v16, v9;
	v17 =	vadd.f32 v46, v17;
	v15 =	vmul.f32 v47, v15  }
0x1e7: {  	v48 =	vsub.f32 v19, v59;
	v49 =	vpop (erf)  }
0x1e8: {  	v16 =	vadd.f32 v17, v16;
	v15 =	vmul.f32 v15, v10;
	v50 =	vmul.f32 v49, v20  }
0x1e9: {  	v52 =	vsub.f32 v21, v63;
	v51 =	vpop (erf)  }
0x1ea: {  	v54 =	vmul.f32 v51, v48;
	v15 =	vadd.f32 v15, v16;
	v53 =	vmul.f32 v50, v11  }
0x1eb: {  	v55 =	vpop (erf)  }
0x1ec: {  	v57 =	vmul.f32 v55, v52;
	v56 =	vmul.f32 v54, v12;
	v15 =	vadd.f32 v15, v53;
	_ =	sdelay $0x1  }
0x1ed: {  	v58 =	vmul.f32 v57, v13;
	v15 =	vadd.f32 v56, v15;
	_ =	sdelay $0x1  }
0x1ee: {  	v15 =	vadd.f32 v15, v58  }
0x1ef: {  	v59 =	vperm.xlane v29, v0  }
0x1f0: {  	v60 =	vperm.xlane v15, v0  }
0x1f1: {  	v16 =	vadd.f32 v29, v59  }
0x1f2: {  	v15 =	vadd.f32 v15, v60  }
0x1f3: {  	v61 =	vperm.xlane v16, v1  }
0x1f4: {  	v62 =	vperm.xlane v15, v1  }
0x1f5: {  	v16 =	vadd.f32 v16, v61  }
0x1f6: {  	v15 =	vadd.f32 v15, v62  }
0x1f7: {  	v17 =	vperm.xlane v16, v2  }
0x1f8: {  	v18 =	vperm.xlane v15, v2  }
0x1f9: {  	v16 =	vadd.f32 v16, v17  }
0x1fa: {  	v15 =	vadd.f32 v15, v18  }
0x1fb: {  	s0 =	sshll.u32 s26, $0x4;
	s26 =	sadd.s32 $0x1, s26;
	v17 =	vperm.xlane v16, v4  }
0x1fc: {  	p3 =	sne.s32 s26, $0x4;
	v18 =	vperm.xlane v15, v4  }
.Ltmp3:
0x1fd: {  	v16 =	vadd.f32 v16, v17;
	(pc) =	sbr.rel @p3 .LBB2_7-.Ltmp3, $4  }
0x1fe: {  	v63 =	vmov s28;
	v15 =	vadd.f32 v15, v18  }
0x1ff: {  	vm15 =	veq.s32 v63, v5;
	v14 =	vsel vm0, v16, v14  }
0x200: {  	s0 =	sand.u32 $0x3FFFFFF0, s0;
	v14 =	vsel vm15, v15, v14  }
0x201: {  	s14 =	sadd.s32 $0x800, s14;
	s18 =	sadd.s32 $0x400, s18;
	s25 =	sadd.s32 $0x400, s25;
	[tilespmem:s0+$0x19040] =	vst v14  }
0x202: {  	s0 =	sadd.s32 $0x3C40, s4;
	s9 =	simm.s32 $0x19040  }
0x203: {  	[spmem:s2] =	stream.indirect.scatter.add.f32 [tilespmem:s9], [sflag:$0x7], $0x1, s0, s23, $0xb8;
	[tilespmem:$0x1A600] =	vst v63  }
0x204: {  	_ = 	snop  }
0x205: {  	[spmem:s3] =	stream.indirect.scatter.add.f32 [tilespmem:s30], [sflag:$0x7], $0x1, s0, s23, $0xb8;
	[tilespmem:$0x1A600] =	vst v63  }
0x206: {  	_ =	swait.ge [sflag:s21], $0x1000  }
0x207: {  	[sflag:s21] =	ssyncset.done $0x0  }
0x208: {  	[sflag:s21] =	ssyncadd.s32 $0xFFFFF000  }
0x209: {  	_ =	swait.ge [sflag:s21], $0x1000  }
0x20a: {  	[sflag:s21] =	ssyncset.done $0x0  }
0x20b: {  	[sflag:s21] =	ssyncadd.s32 $0xFFFFF000  }
0x20c: {  	_ =	swait.ge [sflag:s21], $0x2000  }
0x20d: {  	s14 =	simm.s32 @!p1 $0x6000;
	[sflag:s21] =	ssyncset.done $0x0  }
0x20e: {  	s9 =	simm.s32 @!p1 $0x40;
	s0 =	sadd.s32 @!p1 $0x180, s17;
	[sflag:s21] =	ssyncadd.s32 $0xFFFFE000  }
0x20f: {  	[tilespmem:s14], [sflag:$0x2] =	stream.indirect.gather @!p1 [hbm4b:s5+s9], $0x40, s0, s9, $0xb8;
	[tilespmem:$0x1A600] =	vst v63  }
0x210: {  	s0 =	sadd.s32 @!p1 $0x1580, s17;
	s14 =	simm.s32 @!p1 $0xB000  }
0x211: {  	[tilespmem:s14], [sflag:$0x2] =	stream.indirect.gather @!p1 [hbm4b:s6+s9], $0x40, s0, s9, $0xb8;
	[tilespmem:$0x1A600] =	vst v63  }
0x212: {  	s0 =	sadd.s32 @!p1 $0x2980, s17;
	s14 =	simm.s32 @!p1 $0x11000  }
0x213: {  	[tilespmem:s14], [sflag:$0x2] =	stream.indirect.gather @!p1 [hbm4b:s7+s9], $0x80, s0, s9, $0xb8;
	[tilespmem:$0x1A600] =	vst v63  }
0x214: {  	_ =	swait.ge @p2 [sflag:s11], $0x40  }
0x215: {  	[sflag:s11] =	ssyncset.done @p2 $0x0  }
0x216: {  	[sflag:s11] =	ssyncadd.s32 @p2 $0xFFFFFFC0  }
0x217: {  	s18 =	simm.s32 $0xC020;
	_ =	swait.ge @p2 [sflag:s11], $0x40  }
0x218: {  	s25 =	simm.s32 $0x7020;
	s26 =	simm.s32 $0x0;
	[sflag:s11] =	ssyncset.done @p2 $0x0  }
0x219: {  	s9 =	simm.s32 $0x0;
	s14 =	simm.s32 $0x13040;
	[sflag:s11] =	ssyncadd.s32 @p2 $0xFFFFFFC0  }
.LBB2_11:
0x21a: {  	v14 =	vld [tilespmem:s14+$0xFFFFFFF0]  }
0x21b: {  	v15 =	vld [tilespmem:s25+$0x10]  }
0x21c: {  	v16 =	vld [tilespmem:s14+$0x30]  }
0x21d: {  	v17 =	vld [tilespmem:s18+$0x10]  }
0x21e: {  	v18 =	vld [tilespmem:s14+$0xFFFFFFE0]  }
0x21f: {  	v19 =	vld [tilespmem:s25+$0x0]  }
0x220: {  	v20 =	vld [tilespmem:s14+$0x20]  }
0x221: {  	v21 =	vld [tilespmem:s18+$0x0]  }
0x222: {  	v22 =	vld [tilespmem:s14+$0xFFFFFFD0]  }
0x223: {  	v23 =	vld [tilespmem:s25+$0xFFFFFFF0]  }
0x224: {  	v25 =	vld [tilespmem:s14+$0x10]  }
0x225: {  	v28 =	vld [tilespmem:s18+$0xFFFFFFF0];
	v24 =	vand.u32 $0xFFFF0000, v14;
	v26 =	vand.u32 $0xFFFF0000, v15;
	v27 =	vand.u32 $0xFFFF0000, v16  }
0x226: {  	v30 =	vld [tilespmem:s14+$0xFFFFFFC0];
	v14 =	vshll.u32 v14, $0x10;
	v15 =	vshll.u32 v15, $0x10;
	v16 =	vshll.u32 v16, $0x10  }
0x227: {  	v34 =	vld [tilespmem:s25+$0xFFFFFFE0];
	v29 =	vshll.u32 v17, $0x10;
	v31 =	vand.u32 $0xFFFF0000, v18;
	v32 =	vand.u32 $0xFFFF0000, v19  }
0x228: {  	v36 =	vld [tilespmem:s14+$0x0];
	v33 =	vand.u32 $0xFFFF0000, v20;
	v35 =	vand.u32 $0xFFFF0000, v21;
	v18 =	vshll.u32 v18, $0x10  }
0x229: {  	v19 =	vshll.u32 v19, $0x10;
	v20 =	vshll.u32 v20, $0x10;
	v21 =	vshll.u32 v21, $0x10  }
0x22a: {  	v38 =	vld [tilespmem:s18+$0xFFFFFFE0];
	v37 =	vand.u32 $0xFFFF0000, v22;
	v39 =	vand.u32 $0xFFFF0000, v23;
	v40 =	vand.u32 $0xFFFF0000, v25  }
0x22b: {  	v22 =	vshll.u32 v22, $0x10;
	v23 =	vshll.u32 v23, $0x10;
	v41 =	vand.u32 $0xFFFF0000, v28  }
0x22c: {  	v25 =	vshll.u32 v25, $0x10;
	v42 =	vand.u32 $0xFFFF0000, v30;
	v43 =	vand.u32 $0xFFFF0000, v34  }
0x22d: {  	v28 =	vshll.u32 v28, $0x10;
	v44 =	vand.u32 $0xFFFF0000, v36;
	v30 =	vshll.u32 v30, $0x10  }
0x22e: {  	v51 =	vshll.u32 v36, $0x10;
	v24 =	vadd.f32 v26, v24;
	v26 =	vshll.u32 v34, $0x10  }
0x22f: {  	v14 =	vadd.f32 v15, v14;
	v15 =	vshll.u32 v38, $0x10;
	v22 =	vadd.f32 v23, v22  }
0x230: {  	v52 =	vadd.f32 v43, v42;
	v26 =	vadd.f32 v26, v30;
	v24 =	vmul.f32 $1.442695020e+00, v24  }
0x231: {  	v15 =	vadd.f32 v15, v51;
	v14 =	vmul.f32 $1.442695020e+00, v14;
	v22 =	vmul.f32 $1.442695020e+00, v22  }
0x232: {  	v30 =	vand.u32 $0xFFFF0000, v38;
	v26 =	vmul.f32 $1.442695020e+00, v26;
	(erf) = vpow2.f32 v24  }
0x233: {  	v15 =	vmul.f32 $1.442695020e+00, v15;
	v24 =	vadd.f32 v30, v44;
	(erf) = vpow2.f32 v14  }
0x234: {  	v18 =	vadd.f32 v19, v18;
	v14 =	vmul.f32 $1.442695020e+00, v52;
	(erf) = vpow2.f32 v26  }
0x235: {  	v23 =	vmul.f32 $1.442695020e+00, v24;
	v24 =	vadd.f32 v28, v25;
	(erf) = vpow2.f32 v15  }
0x236: {  	v18 =	vmul.f32 $1.442695020e+00, v18;
	v15 =	vadd.f32 v39, v37;
	(erf) = vpow2.f32 v14  }
0x237: {  	v14 =	vadd.f32 v41, v40;
	v24 =	vmul.f32 $1.442695020e+00, v24;
	(erf) = vpow2.f32 v23  }
0x238: {  	v19 =	vadd.f32 v21, v20;
	v15 =	vmul.f32 $1.442695020e+00, v15;
	(erf) = vpow2.f32 v22  }
0x239: {  	v17 =	vand.u32 $0xFFFF0000, v17;
	v14 =	vmul.f32 $1.442695020e+00, v14;
	(erf) = vpow2.f32 v24  }
0x23a: {  	v20 =	vadd.f32 v32, v31;
	v19 =	vmul.f32 $1.442695020e+00, v19;
	(erf) = vpow2.f32 v15  }
0x23b: {  	v16 =	vadd.f32 v29, v16;
	v15 =	vadd.f32 v35, v33;
	(erf) = vpow2.f32 v14;
	v32 =	vpop (erf)  }
0x23c: {  	v17 =	vadd.f32 v17, v27;
	v14 =	vmul.f32 $1.442695020e+00, v20;
	(erf) = vpow2.f32 v18;
	v29 =	vpop (erf)  }
0x23d: {  	v15 =	vmul.f32 $1.442695020e+00, v15;
	v23 =	vpop (erf);
	(erf) = vpow2.f32 v19  }
0x23e: {  	v16 =	vmul.f32 $1.442695020e+00, v16;
	v19 =	vpop (erf);
	(erf) = vpow2.f32 v14  }
0x23f: {  	v18 =	vadd.f32 $1.000000000e+00, v23;
	v20 =	vadd.f32 $1.000000000e+00, v19;
	v24 =	vpop (erf);
	(erf) = vpow2.f32 v15  }
0x240: {  	v28 =	vmov s9;
	v15 =	vmul.f32 $1.442695020e+00, v17;
	v17 =	vpop (erf);
	(erf) = vpow2.f32 v16  }
0x241: {  	v16 =	vmul.f32 v20, v18;
	v18 =	vadd.f32 $1.000000000e+00, v24;
	v20 =	vadd.f32 $1.000000000e+00, v17;
	v26 =	vpop (erf)  }
0x242: {  	s22 =	sadd.s32 $0x40, s18;
	(erf) = vpow2.f32 v15;
	v30 =	vpop (erf)  }
0x243: {  	v45 =	vld [tilespmem:s22+$0xFFFFFFF0];
	v27 =	vadd.f32 $1.000000000e+00, v26;
	v15 =	vmul.f32 v20, v18;
	v20 =	vadd.f32 $1.000000000e+00, v30;
	v33 =	vpop (erf)  }
0x244: {  	vm0 =	veq.s32 v28, v5;
	(erf) = vrcp.f32 v16;
	v28 =	vpop (erf)  }
0x245: {  	s29 =	sadd.s32 $0x80, s14;
	v16 =	vadd.f32 $1.000000000e+00, v33;
	v27 =	vmul.f32 v20, v27;
	v53 =	vadd.f32 $1.000000000e+00, v28;
	v35 =	vpop (erf)  }
0x246: {  	v21 =	vld [tilespmem:s29+$0xFFFFFFF0];
	(erf) = vrcp.f32 v15;
	v55 =	vpop (erf)  }
0x247: {  	v25 =	vld [tilespmem:s29+$0x30];
	v54 =	vadd.f32 $1.000000000e+00, v35;
	v34 =	vmul.f32 v53, v16;
	v56 =	vadd.f32 $1.000000000e+00, v55  }
0x248: {  	s0 =	sadd.s32 $0x40, s25;
	v41 =	vshll.u32 v45, $0x10;
	v63 =	vadd.f32 $1.000000000e+00, v32  }
0x249: {  	v22 =	vld [tilespmem:s0+$0x10];
	v59 =	vadd.f32 $1.000000000e+00, v29;
	(erf) = vrcp.f32 v27;
	v27 =	vpop (erf);
	v36 =	vmul.f32 v56, v54  }
0x24a: {  	v14 =	vimm.f32 $0.0e+00;
	v19 =	vsub.f32 v23, v19;
	v24 =	vsub.f32 v24, v17;
	v40 =	vpop (erf)  }
0x24b: {  	(erf) = vrcp.f32 v34;
	v57 =	vadd.f32 $1.000000000e+00, v27;
	v58 =	vadd.f32 $1.000000000e+00, v40;
	v34 =	vpop (erf)  }
0x24c: {  	v17 =	vshll.u32 v25, $0x10;
	v18 =	vand.u32 $0xFFFF0000, v21;
	v60 =	vadd.f32 $1.000000000e+00, v34  }
0x24d: {  	v21 =	vshll.u32 v21, $0x10;
	(erf) = vrcp.f32 v36;
	v23 =	vmul.f32 v58, v57;
	v36 =	vpop (erf)  }
0x24e: {  	v20 =	vand.u32 $0xFFFF0000, v22;
	v62 =	vmul.f32 v60, v59;
	v48 =	vadd.f32 $1.000000000e+00, v36;
	v49 =	vpop (erf)  }
0x24f: {  	v31 =	vld [tilespmem:s22+$0x10];
	v15 =	vand.u32 $0xFFFF0000, v25;
	v19 =	vmul.f32 v49, v19;
	(erf) = vrcp.f32 v23  }
0x250: {  	v22 =	vshll.u32 v22, $0x10;
	v25 =	vpop (erf);
	v23 =	vmul.f32 v48, v63;
	(erf) = vrcp.f32 v62  }
0x251: {  	v43 =	vld [tilespmem:s22+$0xFFFFFFE0];
	v24 =	vmul.f32 v25, v24;
	v25 =	vsub.f32 v26, v30;
	v53 =	vmul.f32 v19, v6  }
0x252: {  	v61 =	vld [tilespmem:s29+$0xFFFFFFE0];
	v28 =	vsub.f32 v33, v28;
	v33 =	vand.u32 $0xFFFF0000, v45;
	v26 =	vpop (erf);
	(erf) = vrcp.f32 v23  }
0x253: {  	v50 =	vld [tilespmem:s0+$0x0];
	v24 =	vmul.f32 v24, v7;
	v30 =	vmul.f32 v26, v25;
	v23 =	vadd.f32 $0.0e+00, v53  }
0x254: {  	v16 =	vand.u32 $0xFFFF0000, v31;
	v57 =	vld [tilespmem:s0+$0xFFFFFFF0];
	v19 =	vshll.u32 v31, $0x10;
	v31 =	vsub.f32 v35, v55;
	v54 =	vpop (erf)  }
0x255: {  	v58 =	vld [tilespmem:s29+$0x10];
	v28 =	vmul.f32 v54, v28;
	v30 =	vmul.f32 v30, v8;
	v56 =	vadd.f32 v23, v24  }
0x256: {  	v51 =	vld [tilespmem:s29+$0x20];
	v45 =	vand.u32 $0xFFFF0000, v43;
	v40 =	vsub.f32 v27, v40;
	v29 =	vsub.f32 v29, v34;
	v27 =	vpop (erf)  }
0x257: {  	v52 =	vld [tilespmem:s22+$0x0];
	v59 =	vmul.f32 v28, v9;
	v31 =	vmul.f32 v27, v31;
	v30 =	vadd.f32 v30, v56  }
0x258: {  	v36 =	vsub.f32 v32, v36;
	v25 =	vand.u32 $0xFFFF0000, v61;
	v27 =	vshll.u32 v61, $0x10;
	v60 =	vpop (erf)  }
0x259: {  	v55 =	vld [tilespmem:s29+$0xFFFFFFD0];
	v62 =	vmul.f32 v31, v10;
	v61 =	vadd.f32 v30, v59;
	v34 =	vmul.f32 v60, v40  }
0x25a: {  	v42 =	vld [tilespmem:s29+$0x0];
	v26 =	vand.u32 $0xFFFF0000, v50;
	v39 =	vand.u32 $0xFFFF0000, v57;
	v32 =	vand.u32 $0xFFFF0000, v58;
	v46 =	vpop (erf)  }
0x25b: {  	v37 =	vld [tilespmem:s29+$0xFFFFFFC0];
	v29 =	vmul.f32 v46, v29;
	v44 =	vadd.f32 v62, v61;
	v34 =	vmul.f32 v34, v11  }
0x25c: {  	v35 =	vshll.u32 v58, $0x10;
	v23 =	vand.u32 $0xFFFF0000, v51;
	v24 =	vand.u32 $0xFFFF0000, v52;
	v40 =	vld [tilespmem:s0+$0xFFFFFFE0];
	v63 =	vpop (erf)  }
0x25d: {  	v29 =	vmul.f32 v29, v12;
	v46 =	vmul.f32 v63, v36;
	v44 =	vadd.f32 v44, v34  }
0x25e: {  	v28 =	vshll.u32 v50, $0x10;
	v38 =	vand.u32 $0xFFFF0000, v55;
	v31 =	vshll.u32 v52, $0x10  }
0x25f: {  	v30 =	vshll.u32 v51, $0x10;
	v48 =	vmul.f32 v46, v13;
	v29 =	vadd.f32 v29, v44  }
0x260: {  	v36 =	vshll.u32 v57, $0x10;
	v34 =	vshll.u32 v55, $0x10;
	v46 =	vand.u32 $0xFFFF0000, v37  }
0x261: {  	s28 =	simm.s32 $0x1;
	s19 =	simm.s32 $0x2;
	v47 =	vand.u32 $0xFFFF0000, v40;
	v44 =	vand.u32 $0xFFFF0000, v42;
	v29 =	vadd.f32 v29, v48  }
.LBB2_12:
0x262: {  	p3 =	sne.s32 s19, $0xF;
	v37 =	vshll.u32 v37, $0x10;
	v40 =	vshll.u32 v40, $0x10;
	v42 =	vshll.u32 v42, $0x10  }
0x263: {  	v21 =	vadd.f32 v22, v21;
	v18 =	vadd.f32 v20, v18;
	v20 =	vperm.xlane v29, v0  }
0x264: {  	v22 =	vshll.u32 v43, $0x10;
	v38 =	vadd.f32 v39, v38;
	v25 =	vadd.f32 v26, v25  }
0x265: {  	v26 =	vadd.f32 v47, v46;
	v18 =	vmul.f32 $1.442695020e+00, v18;
	v20 =	vadd.f32 v29, v20  }
0x266: {  	v21 =	vmul.f32 $1.442695020e+00, v21;
	v29 =	vadd.f32 v40, v37;
	v37 =	vmul.f32 $1.442695020e+00, v38  }
0x267: {  	v22 =	vadd.f32 v22, v42;
	v26 =	vmul.f32 $1.442695020e+00, v26;
	v38 =	vperm.xlane v20, v1  }
0x268: {  	v39 =	vadd.f32 v45, v44;
	v29 =	vmul.f32 $1.442695020e+00, v29;
	(erf) = vpow2.f32 v18  }
0x269: {  	v18 =	vmul.f32 $1.442695020e+00, v22;
	(erf) = vpow2.f32 v21;
	v20 =	vadd.f32 v20, v38  }
0x26a: {  	v22 =	vadd.f32 v36, v34;
	v21 =	vmul.f32 $1.442695020e+00, v39;
	(erf) = vpow2.f32 v29  }
0x26b: {  	v29 =	vadd.f32 v41, v35;
	(erf) = vpow2.f32 v18;
	v18 =	vperm.xlane v20, v2  }
0x26c: {  	v32 =	vadd.f32 v33, v32;
	v22 =	vmul.f32 $1.442695020e+00, v22;
	(erf) = vpow2.f32 v26  }
0x26d: {  	v26 =	vmul.f32 $1.442695020e+00, v29;
	(erf) = vpow2.f32 v21;
	v18 =	vadd.f32 v20, v18  }
0x26e: {  	v20 =	vmul.f32 $1.442695020e+00, v32;
	v21 =	vadd.f32 v28, v27;
	(erf) = vpow2.f32 v22  }
0x26f: {  	v22 =	vadd.f32 v31, v30;
	(erf) = vpow2.f32 v26;
	v26 =	vperm.xlane v18, v4  }
0x270: {  	v24 =	vadd.f32 v24, v23;
	v21 =	vmul.f32 $1.442695020e+00, v21;
	(erf) = vpow2.f32 v37  }
0x271: {  	v22 =	vmul.f32 $1.442695020e+00, v22;
	(erf) = vpow2.f32 v20;
	v29 =	vpop (erf);
	v18 =	vadd.f32 v18, v26  }
0x272: {  	v20 =	vmul.f32 $1.442695020e+00, v25;
	v25 =	vadd.f32 v19, v17;
	(erf) = vpow2.f32 v21;
	v30 =	vpop (erf)  }
0x273: {  	v19 =	vmul.f32 $1.442695020e+00, v24;
	v23 =	vpop (erf);
	(erf) = vpow2.f32 v22;
	v14 =	vsel vm0, v18, v14  }
0x274: {  	v15 =	vadd.f32 v16, v15;
	s29 =	sadd.s32 $0x80, s29;
	v16 =	vmul.f32 $1.442695020e+00, v25;
	v17 =	vpop (erf);
	(erf) = vpow2.f32 v20  }
0x275: {  	s0 =	sadd.s32 $0x40, s0;
	v18 =	vadd.f32 $1.000000000e+00, v23;
	v21 =	vld [tilespmem:s29+$0xFFFFFFF0];
	v20 =	vadd.f32 $1.000000000e+00, v17;
	v24 =	vpop (erf);
	(erf) = vpow2.f32 v19  }
0x276: {  	v15 =	vmul.f32 $1.442695020e+00, v15;
	v19 =	vld [tilespmem:s0+$0x10];
	v25 =	vpop (erf);
	(erf) = vpow2.f32 v16  }
0x277: {  	v26 =	vld [tilespmem:s29+$0x30];
	v16 =	vmul.f32 v20, v18;
	v18 =	vadd.f32 $1.000000000e+00, v24;
	v20 =	vadd.f32 $1.000000000e+00, v25;
	v27 =	vpop (erf)  }
0x278: {  	s22 =	sadd.s32 $0x40, s22;
	v34 =	vmov s28;
	s28 =	smov.u32 s19;
	v22 =	vadd.f32 $1.000000000e+00, v27;
	v31 =	vpop (erf);
	(erf) = vpow2.f32 v15  }
0x279: {  	v32 =	vld [tilespmem:s22+$0x10];
	v15 =	vmul.f32 v20, v18;
	v20 =	vadd.f32 $1.000000000e+00, v31;
	(erf) = vrcp.f32 v16;
	v33 =	vpop (erf)  }
0x27a: {  	vm0 =	veq.s32 v34, v5;
	v18 =	vand.u32 $0xFFFF0000, v21;
	v16 =	vadd.f32 $1.000000000e+00, v33;
	v28 =	vpop (erf)  }
0x27b: {  	v22 =	vmul.f32 v20, v22;
	v34 =	vadd.f32 $1.000000000e+00, v28;
	(erf) = vrcp.f32 v15;
	v35 =	vpop (erf)  }
0x27c: {  	v20 =	vand.u32 $0xFFFF0000, v19;
	v15 =	vand.u32 $0xFFFF0000, v26;
	v36 =	vadd.f32 $1.000000000e+00, v35;
	v37 =	vpop (erf)  }
0x27d: {  	v42 =	vmul.f32 v34, v16;
	v38 =	vadd.f32 $1.000000000e+00, v37;
	(erf) = vrcp.f32 v22;
	v39 =	vpop (erf)  }
0x27e: {  	v21 =	vshll.u32 v21, $0x10;
	v16 =	vand.u32 $0xFFFF0000, v32;
	v40 =	vadd.f32 $1.000000000e+00, v39;
	v41 =	vpop (erf)  }
0x27f: {  	v44 =	vmul.f32 v38, v36;
	v38 =	vadd.f32 $1.000000000e+00, v41;
	(erf) = vrcp.f32 v42;
	v34 =	vpop (erf)  }
0x280: {  	v22 =	vshll.u32 v19, $0x10;
	v19 =	vadd.f32 $1.000000000e+00, v30;
	v42 =	vadd.f32 $1.000000000e+00, v34  }
0x281: {  	v17 =	vsub.f32 v23, v17;
	v23 =	vmul.f32 v38, v40;
	(erf) = vrcp.f32 v44;
	v36 =	vpop (erf)  }
0x282: {  	v40 =	vadd.f32 $1.000000000e+00, v29;
	v38 =	vld [tilespmem:s29+$0xFFFFFFE0];
	v19 =	vmul.f32 v42, v19;
	v42 =	vadd.f32 $1.000000000e+00, v36;
	v43 =	vpop (erf)  }
0x283: {  	v24 =	vsub.f32 v24, v25;
	v44 =	vld [tilespmem:s0+$0x0];
	v43 =	vmul.f32 v43, v17;
	(erf) = vrcp.f32 v23  }
0x284: {  	v17 =	vshll.u32 v26, $0x10;
	v45 =	vld [tilespmem:s29+$0x20];
	v23 =	vmul.f32 v42, v40;
	v25 =	vpop (erf);
	(erf) = vrcp.f32 v19  }
0x285: {  	v42 =	vld [tilespmem:s22+$0x0];
	v26 =	vmul.f32 v43, v6;
	v24 =	vmul.f32 v25, v24;
	v25 =	vsub.f32 v27, v31  }
0x286: {  	v19 =	vshll.u32 v32, $0x10;
	v27 =	vsub.f32 v33, v28;
	v28 =	vpop (erf);
	(erf) = vrcp.f32 v23  }
0x287: {  	v23 =	vadd.f32 $0.0e+00, v26;
	v24 =	vmul.f32 v24, v7;
	v28 =	vmul.f32 v28, v25  }
0x288: {  	v31 =	vsub.f32 v35, v37;
	v25 =	vand.u32 $0xFFFF0000, v38;
	v26 =	vand.u32 $0xFFFF0000, v44;
	v32 =	vpop (erf)  }
0x289: {  	v33 =	vld [tilespmem:s29+$0xFFFFFFD0];
	v35 =	vadd.f32 v23, v24;
	v28 =	vmul.f32 v28, v8;
	v27 =	vmul.f32 v32, v27  }
0x28a: {  	v23 =	vand.u32 $0xFFFF0000, v45;
	v32 =	vsub.f32 v39, v41;
	v46 =	vld [tilespmem:s0+$0xFFFFFFF0];
	v24 =	vand.u32 $0xFFFF0000, v42;
	v37 =	vpop (erf)  }
0x28b: {  	v41 =	vld [tilespmem:s29+$0x10];
	v35 =	vadd.f32 v28, v35;
	v40 =	vmul.f32 v27, v9;
	v31 =	vmul.f32 v37, v31  }
0x28c: {  	v34 =	vsub.f32 v30, v34;
	v27 =	vshll.u32 v38, $0x10;
	v28 =	vshll.u32 v44, $0x10;
	v48 =	vld [tilespmem:s22+$0xFFFFFFF0];
	v30 =	vpop (erf)  }
0x28d: {  	v37 =	vld [tilespmem:s29+$0xFFFFFFC0];
	v35 =	vadd.f32 v35, v40;
	v38 =	vmul.f32 v31, v10;
	v32 =	vmul.f32 v30, v32;
	v39 =	vpop (erf)  }
0x28e: {  	v29 =	vsub.f32 v29, v36;
	v30 =	vshll.u32 v45, $0x10;
	v31 =	vshll.u32 v42, $0x10;
	v40 =	vld [tilespmem:s0+$0xFFFFFFE0]  }
0x28f: {  	v34 =	vmul.f32 v39, v34;
	v42 =	vld [tilespmem:s29+$0x0];
	v35 =	vadd.f32 v38, v35;
	v36 =	vmul.f32 v32, v11;
	v44 =	vpop (erf)  }
0x290: {  	v38 =	vand.u32 $0xFFFF0000, v33;
	v39 =	vand.u32 $0xFFFF0000, v46;
	v43 =	vld [tilespmem:s22+$0xFFFFFFE0];
	v32 =	vand.u32 $0xFFFF0000, v41  }
.Ltmp4:
0x291: {  	v47 =	vmul.f32 v34, v12;
	v29 =	vmul.f32 v44, v29;
	v45 =	vadd.f32 v35, v36;
	(pc) =	sbr.rel @p3 .LBB2_12-.Ltmp4, $4  }
0x292: {  	v34 =	vshll.u32 v33, $0x10;
	v36 =	vshll.u32 v46, $0x10;
	v33 =	vand.u32 $0xFFFF0000, v48  }
0x293: {  	v35 =	vshll.u32 v41, $0x10;
	v29 =	vmul.f32 v29, v13;
	v49 =	vadd.f32 v47, v45  }
0x294: {  	v41 =	vshll.u32 v48, $0x10;
	v46 =	vand.u32 $0xFFFF0000, v37;
	v47 =	vand.u32 $0xFFFF0000, v40  }
0x295: {  	s19 =	sadd.s32 $0x1, s19;
	v44 =	vand.u32 $0xFFFF0000, v42;
	v45 =	vand.u32 $0xFFFF0000, v43;
	v29 =	vadd.f32 v49, v29  }
0x296: {  	v37 =	vshll.u32 v37, $0x10;
	v18 =	vadd.f32 v20, v18;
	v48 =	vshll.u32 v40, $0x10  }
0x297: {  	v49 =	vshll.u32 v42, $0x10;
	v21 =	vadd.f32 v22, v21;
	v51 =	vadd.f32 v47, v46  }
0x298: {  	v50 =	vshll.u32 v43, $0x10;
	v20 =	vadd.f32 v48, v37;
	v18 =	vmul.f32 $1.442695020e+00, v18  }
0x299: {  	v22 =	vadd.f32 v50, v49;
	v21 =	vmul.f32 $1.442695020e+00, v21;
	v53 =	vmul.f32 $1.442695020e+00, v51  }
0x29a: {  	v34 =	vadd.f32 v36, v34;
	v20 =	vmul.f32 $1.442695020e+00, v20;
	(erf) = vpow2.f32 v18  }
0x29b: {  	v52 =	vadd.f32 v45, v44;
	v22 =	vmul.f32 $1.442695020e+00, v22;
	(erf) = vpow2.f32 v21  }
0x29c: {  	v56 =	vadd.f32 v33, v32;
	v34 =	vmul.f32 $1.442695020e+00, v34;
	(erf) = vpow2.f32 v20  }
0x29d: {  	v54 =	vadd.f32 v41, v35;
	v18 =	vmul.f32 $1.442695020e+00, v52;
	(erf) = vpow2.f32 v22  }
0x29e: {  	v55 =	vadd.f32 v39, v38;
	v21 =	vmul.f32 $1.442695020e+00, v56;
	(erf) = vpow2.f32 v53  }
0x29f: {  	v20 =	vmul.f32 $1.442695020e+00, v54;
	(erf) = vpow2.f32 v18  }
0x2a0: {  	v57 =	vmul.f32 $1.442695020e+00, v55;
	(erf) = vpow2.f32 v34  }
0x2a1: {  	(erf) = vpow2.f32 v20  }
0x2a2: {  	v58 =	vadd.f32 v28, v27;
	v59 =	vadd.f32 v31, v30;
	(erf) = vpow2.f32 v57  }
0x2a3: {  	v17 =	vadd.f32 v19, v17;
	v15 =	vadd.f32 v16, v15;
	(erf) = vpow2.f32 v21;
	v21 =	vpop (erf)  }
0x2a4: {  	v60 =	vadd.f32 v26, v25;
	v62 =	vmul.f32 $1.442695020e+00, v59;
	v22 =	vmul.f32 $1.442695020e+00, v58;
	v19 =	vpop (erf)  }
0x2a5: {  	v61 =	vadd.f32 v24, v23;
	v36 =	vmul.f32 $1.442695020e+00, v17;
	v15 =	vmul.f32 $1.442695020e+00, v15;
	v63 =	vpop (erf)  }
0x2a6: {  	v20 =	vmul.f32 $1.442695020e+00, v60;
	(erf) = vpow2.f32 v22;
	v37 =	vpop (erf)  }
0x2a7: {  	v18 =	vmul.f32 $1.442695020e+00, v61;
	(erf) = vpow2.f32 v62;
	v24 =	vpop (erf)  }
0x2a8: {  	(erf) = vpow2.f32 v20;
	v38 =	vadd.f32 $1.000000000e+00, v63;
	v39 =	vadd.f32 $1.000000000e+00, v37;
	v40 =	vpop (erf)  }
0x2a9: {  	(erf) = vpow2.f32 v18;
	v42 =	vadd.f32 $1.000000000e+00, v24;
	v43 =	vadd.f32 $1.000000000e+00, v40  }
0x2aa: {  	(erf) = vpow2.f32 v36;
	v41 =	vmul.f32 v39, v38;
	v44 =	vpop (erf)  }
0x2ab: {  	(erf) = vpow2.f32 v15;
	v46 =	vpop (erf);
	v15 =	vmul.f32 v43, v42  }
0x2ac: {  	v48 =	vpop (erf)  }
0x2ad: {  	v45 =	vadd.f32 $1.000000000e+00, v44;
	v47 =	vadd.f32 $1.000000000e+00, v46;
	(erf) = vrcp.f32 v41;
	v50 =	vpop (erf)  }
0x2ae: {  	v49 =	vadd.f32 $1.000000000e+00, v48;
	v51 =	vadd.f32 $1.000000000e+00, v50;
	(erf) = vrcp.f32 v15  }
0x2af: {  	v20 =	vmul.f32 v47, v45;
	v15 =	vpop (erf)  }
0x2b0: {  	v23 =	vmul.f32 v51, v49;
	v53 =	vpop (erf)  }
0x2b1: {  	(erf) = vrcp.f32 v20;
	v52 =	vadd.f32 $1.000000000e+00, v15;
	v54 =	vadd.f32 $1.000000000e+00, v53;
	v55 =	vpop (erf)  }
0x2b2: {  	v60 =	vadd.f32 $1.000000000e+00, v19;
	(erf) = vrcp.f32 v23;
	v57 =	vpop (erf)  }
0x2b3: {  	v56 =	vadd.f32 $1.000000000e+00, v55;
	v26 =	vmul.f32 v54, v52;
	v58 =	vadd.f32 $1.000000000e+00, v57;
	v59 =	vpop (erf)  }
0x2b4: {  	v17 =	vsub.f32 v63, v37;
	v61 =	vadd.f32 $1.000000000e+00, v59  }
0x2b5: {  	v37 =	vadd.f32 $1.000000000e+00, v21;
	v63 =	vpop (erf);
	v62 =	vmul.f32 v58, v56;
	(erf) = vrcp.f32 v26  }
0x2b6: {  	v18 =	vsub.f32 v24, v40;
	v38 =	vadd.f32 $1.000000000e+00, v63;
	v39 =	vpop (erf);
	v36 =	vmul.f32 v61, v60  }
0x2b7: {  	v17 =	vmul.f32 v39, v17;
	v41 =	vpop (erf);
	(erf) = vrcp.f32 v62  }
0x2b8: {  	v40 =	vmul.f32 v38, v37;
	v18 =	vmul.f32 v41, v18  }
0x2b9: {  	v42 =	vsub.f32 v44, v46;
	(erf) = vrcp.f32 v36;
	v17 =	vmul.f32 v17, v6  }
0x2ba: {  	v16 =	vsub.f32 v48, v50;
	v43 =	vpop (erf);
	(erf) = vrcp.f32 v40  }
0x2bb: {  	v18 =	vmul.f32 v18, v7;
	v44 =	vmul.f32 v43, v42;
	v17 =	vadd.f32 $0.0e+00, v17  }
0x2bc: {  	v15 =	vsub.f32 v15, v53;
	v45 =	vpop (erf)  }
0x2bd: {  	v46 =	vmul.f32 v44, v8;
	v16 =	vmul.f32 v45, v16;
	v17 =	vadd.f32 v17, v18  }
0x2be: {  	v20 =	vsub.f32 v55, v57;
	v47 =	vpop (erf)  }
0x2bf: {  	v16 =	vmul.f32 v16, v9;
	v17 =	vadd.f32 v46, v17;
	v15 =	vmul.f32 v47, v15  }
0x2c0: {  	v48 =	vsub.f32 v19, v59;
	v49 =	vpop (erf)  }
0x2c1: {  	v16 =	vadd.f32 v17, v16;
	v15 =	vmul.f32 v15, v10;
	v50 =	vmul.f32 v49, v20  }
0x2c2: {  	v52 =	vsub.f32 v21, v63;
	v51 =	vpop (erf)  }
0x2c3: {  	v54 =	vmul.f32 v51, v48;
	v15 =	vadd.f32 v15, v16;
	v53 =	vmul.f32 v50, v11  }
0x2c4: {  	v55 =	vpop (erf)  }
0x2c5: {  	v57 =	vmul.f32 v55, v52;
	v56 =	vmul.f32 v54, v12;
	v15 =	vadd.f32 v15, v53;
	_ =	sdelay $0x1  }
0x2c6: {  	v58 =	vmul.f32 v57, v13;
	v15 =	vadd.f32 v56, v15;
	_ =	sdelay $0x1  }
0x2c7: {  	v15 =	vadd.f32 v15, v58  }
0x2c8: {  	v59 =	vperm.xlane v29, v0  }
0x2c9: {  	v60 =	vperm.xlane v15, v0  }
0x2ca: {  	v16 =	vadd.f32 v29, v59  }
0x2cb: {  	v15 =	vadd.f32 v15, v60  }
0x2cc: {  	v61 =	vperm.xlane v16, v1  }
0x2cd: {  	v62 =	vperm.xlane v15, v1  }
0x2ce: {  	v16 =	vadd.f32 v16, v61  }
0x2cf: {  	v15 =	vadd.f32 v15, v62  }
0x2d0: {  	v17 =	vperm.xlane v16, v2  }
0x2d1: {  	v18 =	vperm.xlane v15, v2  }
0x2d2: {  	v16 =	vadd.f32 v16, v17  }
0x2d3: {  	v15 =	vadd.f32 v15, v18  }
0x2d4: {  	s0 =	sshll.u32 s26, $0x4;
	s26 =	sadd.s32 $0x1, s26;
	v17 =	vperm.xlane v16, v4  }
0x2d5: {  	p3 =	sne.s32 s26, $0x4;
	v18 =	vperm.xlane v15, v4  }
.Ltmp5:
0x2d6: {  	v16 =	vadd.f32 v16, v17;
	(pc) =	sbr.rel @p3 .LBB2_11-.Ltmp5, $4  }
0x2d7: {  	v63 =	vmov s28;
	v15 =	vadd.f32 v15, v18  }
0x2d8: {  	vm15 =	veq.s32 v63, v5;
	v14 =	vsel vm0, v16, v14  }
0x2d9: {  	s0 =	sand.u32 $0x3FFFFFF0, s0;
	v14 =	vsel vm15, v15, v14  }
0x2da: {  	s14 =	sadd.s32 $0x800, s14;
	s18 =	sadd.s32 $0x400, s18;
	s25 =	sadd.s32 $0x400, s25;
	[tilespmem:s0+$0x19080] =	vst v14  }
0x2db: {  	s0 =	sadd.s32 $0x3C80, s4;
	s9 =	simm.s32 $0x19080  }
0x2dc: {  	[spmem:s2] =	stream.indirect.scatter.add.f32 [tilespmem:s9], [sflag:$0x8], $0x1, s0, s23, $0xb8;
	[tilespmem:$0x1A600] =	vst v63  }
0x2dd: {  	_ = 	snop  }
0x2de: {  	[spmem:s3] =	stream.indirect.scatter.add.f32 [tilespmem:s30], [sflag:$0x8], $0x1, s0, s23, $0xb8;
	[tilespmem:$0x1A600] =	vst v63  }
0x2df: {  	_ =	swait.ge [sflag:s1], $0x1000  }
0x2e0: {  	[sflag:s1] =	ssyncset.done $0x0  }
0x2e1: {  	[sflag:s1] =	ssyncadd.s32 $0xFFFFF000  }
0x2e2: {  	_ =	swait.ge [sflag:s1], $0x1000  }
0x2e3: {  	[sflag:s1] =	ssyncset.done $0x0  }
0x2e4: {  	[sflag:s1] =	ssyncadd.s32 $0xFFFFF000  }
0x2e5: {  	_ =	swait.ge [sflag:s1], $0x2000  }
0x2e6: {  	s14 =	simm.s32 @!p1 $0x7000;
	[sflag:s1] =	ssyncset.done $0x0  }
0x2e7: {  	s9 =	simm.s32 @!p1 $0x40;
	s0 =	sadd.s32 @!p1 $0x1C0, s17;
	[sflag:s1] =	ssyncadd.s32 $0xFFFFE000  }
0x2e8: {  	[tilespmem:s14], [sflag:$0x3] =	stream.indirect.gather @!p1 [hbm4b:s5+s9], $0x40, s0, s9, $0xb8;
	[tilespmem:$0x1A600] =	vst v63  }
0x2e9: {  	s0 =	sadd.s32 @!p1 $0x15C0, s17;
	s14 =	simm.s32 @!p1 $0xC000  }
0x2ea: {  	[tilespmem:s14], [sflag:$0x3] =	stream.indirect.gather @!p1 [hbm4b:s6+s9], $0x40, s0, s9, $0xb8;
	[tilespmem:$0x1A600] =	vst v63  }
0x2eb: {  	s0 =	sadd.s32 @!p1 $0x29C0, s17;
	s14 =	simm.s32 @!p1 $0x13000  }
0x2ec: {  	[tilespmem:s14], [sflag:$0x3] =	stream.indirect.gather @!p1 [hbm4b:s7+s9], $0x80, s0, s9, $0xb8;
	[tilespmem:$0x1A600] =	vst v63  }
0x2ed: {  	_ =	swait.ge @p2 [sflag:s12], $0x40  }
0x2ee: {  	[sflag:s12] =	ssyncset.done @p2 $0x0  }
0x2ef: {  	[sflag:s12] =	ssyncadd.s32 @p2 $0xFFFFFFC0  }
0x2f0: {  	s18 =	simm.s32 $0xD020;
	_ =	swait.ge @p2 [sflag:s12], $0x40  }
0x2f1: {  	s25 =	simm.s32 $0x8020;
	s26 =	simm.s32 $0x0;
	[sflag:s12] =	ssyncset.done @p2 $0x0  }
0x2f2: {  	s9 =	simm.s32 $0x0;
	s14 =	simm.s32 $0x15040;
	[sflag:s12] =	ssyncadd.s32 @p2 $0xFFFFFFC0  }
.LBB2_15:
0x2f3: {  	v14 =	vld [tilespmem:s14+$0xFFFFFFF0]  }
0x2f4: {  	v15 =	vld [tilespmem:s25+$0x10]  }
0x2f5: {  	v16 =	vld [tilespmem:s14+$0x30]  }
0x2f6: {  	v17 =	vld [tilespmem:s18+$0x10]  }
0x2f7: {  	v18 =	vld [tilespmem:s14+$0xFFFFFFE0]  }
0x2f8: {  	v19 =	vld [tilespmem:s25+$0x0]  }
0x2f9: {  	v20 =	vld [tilespmem:s14+$0x20]  }
0x2fa: {  	v21 =	vld [tilespmem:s18+$0x0]  }
0x2fb: {  	v22 =	vld [tilespmem:s14+$0xFFFFFFD0]  }
0x2fc: {  	v23 =	vld [tilespmem:s25+$0xFFFFFFF0]  }
0x2fd: {  	v25 =	vld [tilespmem:s14+$0x10]  }
0x2fe: {  	v28 =	vld [tilespmem:s18+$0xFFFFFFF0];
	v24 =	vand.u32 $0xFFFF0000, v14;
	v26 =	vand.u32 $0xFFFF0000, v15;
	v27 =	vand.u32 $0xFFFF0000, v16  }
0x2ff: {  	v30 =	vld [tilespmem:s14+$0xFFFFFFC0];
	v14 =	vshll.u32 v14, $0x10;
	v15 =	vshll.u32 v15, $0x10;
	v16 =	vshll.u32 v16, $0x10  }
0x300: {  	v34 =	vld [tilespmem:s25+$0xFFFFFFE0];
	v29 =	vshll.u32 v17, $0x10;
	v31 =	vand.u32 $0xFFFF0000, v18;
	v32 =	vand.u32 $0xFFFF0000, v19  }
0x301: {  	v36 =	vld [tilespmem:s14+$0x0];
	v33 =	vand.u32 $0xFFFF0000, v20;
	v35 =	vand.u32 $0xFFFF0000, v21;
	v18 =	vshll.u32 v18, $0x10  }
0x302: {  	v19 =	vshll.u32 v19, $0x10;
	v20 =	vshll.u32 v20, $0x10;
	v21 =	vshll.u32 v21, $0x10  }
0x303: {  	v38 =	vld [tilespmem:s18+$0xFFFFFFE0];
	v37 =	vand.u32 $0xFFFF0000, v22;
	v39 =	vand.u32 $0xFFFF0000, v23;
	v40 =	vand.u32 $0xFFFF0000, v25  }
0x304: {  	v22 =	vshll.u32 v22, $0x10;
	v23 =	vshll.u32 v23, $0x10;
	v41 =	vand.u32 $0xFFFF0000, v28  }
0x305: {  	v25 =	vshll.u32 v25, $0x10;
	v42 =	vand.u32 $0xFFFF0000, v30;
	v43 =	vand.u32 $0xFFFF0000, v34  }
0x306: {  	v28 =	vshll.u32 v28, $0x10;
	v44 =	vand.u32 $0xFFFF0000, v36;
	v30 =	vshll.u32 v30, $0x10  }
0x307: {  	v51 =	vshll.u32 v36, $0x10;
	v24 =	vadd.f32 v26, v24;
	v26 =	vshll.u32 v34, $0x10  }
0x308: {  	v14 =	vadd.f32 v15, v14;
	v15 =	vshll.u32 v38, $0x10;
	v22 =	vadd.f32 v23, v22  }
0x309: {  	v52 =	vadd.f32 v43, v42;
	v26 =	vadd.f32 v26, v30;
	v24 =	vmul.f32 $1.442695020e+00, v24  }
0x30a: {  	v15 =	vadd.f32 v15, v51;
	v14 =	vmul.f32 $1.442695020e+00, v14;
	v22 =	vmul.f32 $1.442695020e+00, v22  }
0x30b: {  	v30 =	vand.u32 $0xFFFF0000, v38;
	v26 =	vmul.f32 $1.442695020e+00, v26;
	(erf) = vpow2.f32 v24  }
0x30c: {  	v15 =	vmul.f32 $1.442695020e+00, v15;
	v24 =	vadd.f32 v30, v44;
	(erf) = vpow2.f32 v14  }
0x30d: {  	v18 =	vadd.f32 v19, v18;
	v14 =	vmul.f32 $1.442695020e+00, v52;
	(erf) = vpow2.f32 v26  }
0x30e: {  	v23 =	vmul.f32 $1.442695020e+00, v24;
	v24 =	vadd.f32 v28, v25;
	(erf) = vpow2.f32 v15  }
0x30f: {  	v18 =	vmul.f32 $1.442695020e+00, v18;
	v15 =	vadd.f32 v39, v37;
	(erf) = vpow2.f32 v14  }
0x310: {  	v14 =	vadd.f32 v41, v40;
	v24 =	vmul.f32 $1.442695020e+00, v24;
	(erf) = vpow2.f32 v23  }
0x311: {  	v19 =	vadd.f32 v21, v20;
	v15 =	vmul.f32 $1.442695020e+00, v15;
	(erf) = vpow2.f32 v22  }
0x312: {  	v17 =	vand.u32 $0xFFFF0000, v17;
	v14 =	vmul.f32 $1.442695020e+00, v14;
	(erf) = vpow2.f32 v24  }
0x313: {  	v20 =	vadd.f32 v32, v31;
	v19 =	vmul.f32 $1.442695020e+00, v19;
	(erf) = vpow2.f32 v15  }
0x314: {  	v16 =	vadd.f32 v29, v16;
	v15 =	vadd.f32 v35, v33;
	(erf) = vpow2.f32 v14;
	v32 =	vpop (erf)  }
0x315: {  	v17 =	vadd.f32 v17, v27;
	v14 =	vmul.f32 $1.442695020e+00, v20;
	(erf) = vpow2.f32 v18;
	v29 =	vpop (erf)  }
0x316: {  	v15 =	vmul.f32 $1.442695020e+00, v15;
	v23 =	vpop (erf);
	(erf) = vpow2.f32 v19  }
0x317: {  	v16 =	vmul.f32 $1.442695020e+00, v16;
	v19 =	vpop (erf);
	(erf) = vpow2.f32 v14  }
0x318: {  	v18 =	vadd.f32 $1.000000000e+00, v23;
	v20 =	vadd.f32 $1.000000000e+00, v19;
	v24 =	vpop (erf);
	(erf) = vpow2.f32 v15  }
0x319: {  	v28 =	vmov s9;
	v15 =	vmul.f32 $1.442695020e+00, v17;
	v17 =	vpop (erf);
	(erf) = vpow2.f32 v16  }
0x31a: {  	v16 =	vmul.f32 v20, v18;
	v18 =	vadd.f32 $1.000000000e+00, v24;
	v20 =	vadd.f32 $1.000000000e+00, v17;
	v26 =	vpop (erf)  }
0x31b: {  	s22 =	sadd.s32 $0x40, s18;
	(erf) = vpow2.f32 v15;
	v30 =	vpop (erf)  }
0x31c: {  	v45 =	vld [tilespmem:s22+$0xFFFFFFF0];
	v27 =	vadd.f32 $1.000000000e+00, v26;
	v15 =	vmul.f32 v20, v18;
	v20 =	vadd.f32 $1.000000000e+00, v30;
	v33 =	vpop (erf)  }
0x31d: {  	vm0 =	veq.s32 v28, v5;
	(erf) = vrcp.f32 v16;
	v28 =	vpop (erf)  }
0x31e: {  	s29 =	sadd.s32 $0x80, s14;
	v16 =	vadd.f32 $1.000000000e+00, v33;
	v27 =	vmul.f32 v20, v27;
	v53 =	vadd.f32 $1.000000000e+00, v28;
	v35 =	vpop (erf)  }
0x31f: {  	v21 =	vld [tilespmem:s29+$0xFFFFFFF0];
	(erf) = vrcp.f32 v15;
	v55 =	vpop (erf)  }
0x320: {  	v25 =	vld [tilespmem:s29+$0x30];
	v54 =	vadd.f32 $1.000000000e+00, v35;
	v34 =	vmul.f32 v53, v16;
	v56 =	vadd.f32 $1.000000000e+00, v55  }
0x321: {  	s0 =	sadd.s32 $0x40, s25;
	v41 =	vshll.u32 v45, $0x10;
	v63 =	vadd.f32 $1.000000000e+00, v32  }
0x322: {  	v22 =	vld [tilespmem:s0+$0x10];
	v59 =	vadd.f32 $1.000000000e+00, v29;
	(erf) = vrcp.f32 v27;
	v27 =	vpop (erf);
	v36 =	vmul.f32 v56, v54  }
0x323: {  	v14 =	vimm.f32 $0.0e+00;
	v19 =	vsub.f32 v23, v19;
	v24 =	vsub.f32 v24, v17;
	v40 =	vpop (erf)  }
0x324: {  	(erf) = vrcp.f32 v34;
	v57 =	vadd.f32 $1.000000000e+00, v27;
	v58 =	vadd.f32 $1.000000000e+00, v40;
	v34 =	vpop (erf)  }
0x325: {  	v17 =	vshll.u32 v25, $0x10;
	v18 =	vand.u32 $0xFFFF0000, v21;
	v60 =	vadd.f32 $1.000000000e+00, v34  }
0x326: {  	v21 =	vshll.u32 v21, $0x10;
	(erf) = vrcp.f32 v36;
	v23 =	vmul.f32 v58, v57;
	v36 =	vpop (erf)  }
0x327: {  	v20 =	vand.u32 $0xFFFF0000, v22;
	v62 =	vmul.f32 v60, v59;
	v48 =	vadd.f32 $1.000000000e+00, v36;
	v49 =	vpop (erf)  }
0x328: {  	v31 =	vld [tilespmem:s22+$0x10];
	v15 =	vand.u32 $0xFFFF0000, v25;
	v19 =	vmul.f32 v49, v19;
	(erf) = vrcp.f32 v23  }
0x329: {  	v22 =	vshll.u32 v22, $0x10;
	v25 =	vpop (erf);
	v23 =	vmul.f32 v48, v63;
	(erf) = vrcp.f32 v62  }
0x32a: {  	v43 =	vld [tilespmem:s22+$0xFFFFFFE0];
	v24 =	vmul.f32 v25, v24;
	v25 =	vsub.f32 v26, v30;
	v53 =	vmul.f32 v19, v6  }
0x32b: {  	v61 =	vld [tilespmem:s29+$0xFFFFFFE0];
	v28 =	vsub.f32 v33, v28;
	v33 =	vand.u32 $0xFFFF0000, v45;
	v26 =	vpop (erf);
	(erf) = vrcp.f32 v23  }
0x32c: {  	v50 =	vld [tilespmem:s0+$0x0];
	v24 =	vmul.f32 v24, v7;
	v30 =	vmul.f32 v26, v25;
	v23 =	vadd.f32 $0.0e+00, v53  }
0x32d: {  	v16 =	vand.u32 $0xFFFF0000, v31;
	v57 =	vld [tilespmem:s0+$0xFFFFFFF0];
	v19 =	vshll.u32 v31, $0x10;
	v31 =	vsub.f32 v35, v55;
	v54 =	vpop (erf)  }
0x32e: {  	v58 =	vld [tilespmem:s29+$0x10];
	v28 =	vmul.f32 v54, v28;
	v30 =	vmul.f32 v30, v8;
	v56 =	vadd.f32 v23, v24  }
0x32f: {  	v51 =	vld [tilespmem:s29+$0x20];
	v45 =	vand.u32 $0xFFFF0000, v43;
	v40 =	vsub.f32 v27, v40;
	v29 =	vsub.f32 v29, v34;
	v27 =	vpop (erf)  }
0x330: {  	v52 =	vld [tilespmem:s22+$0x0];
	v59 =	vmul.f32 v28, v9;
	v31 =	vmul.f32 v27, v31;
	v30 =	vadd.f32 v30, v56  }
0x331: {  	v36 =	vsub.f32 v32, v36;
	v25 =	vand.u32 $0xFFFF0000, v61;
	v27 =	vshll.u32 v61, $0x10;
	v60 =	vpop (erf)  }
0x332: {  	v55 =	vld [tilespmem:s29+$0xFFFFFFD0];
	v62 =	vmul.f32 v31, v10;
	v61 =	vadd.f32 v30, v59;
	v34 =	vmul.f32 v60, v40  }
0x333: {  	v42 =	vld [tilespmem:s29+$0x0];
	v26 =	vand.u32 $0xFFFF0000, v50;
	v39 =	vand.u32 $0xFFFF0000, v57;
	v32 =	vand.u32 $0xFFFF0000, v58;
	v46 =	vpop (erf)  }
0x334: {  	v37 =	vld [tilespmem:s29+$0xFFFFFFC0];
	v29 =	vmul.f32 v46, v29;
	v44 =	vadd.f32 v62, v61;
	v34 =	vmul.f32 v34, v11  }
0x335: {  	v35 =	vshll.u32 v58, $0x10;
	v23 =	vand.u32 $0xFFFF0000, v51;
	v24 =	vand.u32 $0xFFFF0000, v52;
	v40 =	vld [tilespmem:s0+$0xFFFFFFE0];
	v63 =	vpop (erf)  }
0x336: {  	v29 =	vmul.f32 v29, v12;
	v46 =	vmul.f32 v63, v36;
	v44 =	vadd.f32 v44, v34  }
0x337: {  	v28 =	vshll.u32 v50, $0x10;
	v38 =	vand.u32 $0xFFFF0000, v55;
	v31 =	vshll.u32 v52, $0x10  }
0x338: {  	v30 =	vshll.u32 v51, $0x10;
	v48 =	vmul.f32 v46, v13;
	v29 =	vadd.f32 v29, v44  }
0x339: {  	v36 =	vshll.u32 v57, $0x10;
	v34 =	vshll.u32 v55, $0x10;
	v46 =	vand.u32 $0xFFFF0000, v37  }
0x33a: {  	s28 =	simm.s32 $0x1;
	s19 =	simm.s32 $0x2;
	v47 =	vand.u32 $0xFFFF0000, v40;
	v44 =	vand.u32 $0xFFFF0000, v42;
	v29 =	vadd.f32 v29, v48  }
.LBB2_16:
0x33b: {  	p3 =	sne.s32 s19, $0xF;
	v37 =	vshll.u32 v37, $0x10;
	v40 =	vshll.u32 v40, $0x10;
	v42 =	vshll.u32 v42, $0x10  }
0x33c: {  	v21 =	vadd.f32 v22, v21;
	v18 =	vadd.f32 v20, v18;
	v20 =	vperm.xlane v29, v0  }
0x33d: {  	v22 =	vshll.u32 v43, $0x10;
	v38 =	vadd.f32 v39, v38;
	v25 =	vadd.f32 v26, v25  }
0x33e: {  	v26 =	vadd.f32 v47, v46;
	v18 =	vmul.f32 $1.442695020e+00, v18;
	v20 =	vadd.f32 v29, v20  }
0x33f: {  	v21 =	vmul.f32 $1.442695020e+00, v21;
	v29 =	vadd.f32 v40, v37;
	v37 =	vmul.f32 $1.442695020e+00, v38  }
0x340: {  	v22 =	vadd.f32 v22, v42;
	v26 =	vmul.f32 $1.442695020e+00, v26;
	v38 =	vperm.xlane v20, v1  }
0x341: {  	v39 =	vadd.f32 v45, v44;
	v29 =	vmul.f32 $1.442695020e+00, v29;
	(erf) = vpow2.f32 v18  }
0x342: {  	v18 =	vmul.f32 $1.442695020e+00, v22;
	(erf) = vpow2.f32 v21;
	v20 =	vadd.f32 v20, v38  }
0x343: {  	v22 =	vadd.f32 v36, v34;
	v21 =	vmul.f32 $1.442695020e+00, v39;
	(erf) = vpow2.f32 v29  }
0x344: {  	v29 =	vadd.f32 v41, v35;
	(erf) = vpow2.f32 v18;
	v18 =	vperm.xlane v20, v2  }
0x345: {  	v32 =	vadd.f32 v33, v32;
	v22 =	vmul.f32 $1.442695020e+00, v22;
	(erf) = vpow2.f32 v26  }
0x346: {  	v26 =	vmul.f32 $1.442695020e+00, v29;
	(erf) = vpow2.f32 v21;
	v18 =	vadd.f32 v20, v18  }
0x347: {  	v20 =	vmul.f32 $1.442695020e+00, v32;
	v21 =	vadd.f32 v28, v27;
	(erf) = vpow2.f32 v22  }
0x348: {  	v22 =	vadd.f32 v31, v30;
	(erf) = vpow2.f32 v26;
	v26 =	vperm.xlane v18, v4  }
0x349: {  	v24 =	vadd.f32 v24, v23;
	v21 =	vmul.f32 $1.442695020e+00, v21;
	(erf) = vpow2.f32 v37  }
0x34a: {  	v22 =	vmul.f32 $1.442695020e+00, v22;
	(erf) = vpow2.f32 v20;
	v29 =	vpop (erf);
	v18 =	vadd.f32 v18, v26  }
0x34b: {  	v20 =	vmul.f32 $1.442695020e+00, v25;
	v25 =	vadd.f32 v19, v17;
	(erf) = vpow2.f32 v21;
	v30 =	vpop (erf)  }
0x34c: {  	v19 =	vmul.f32 $1.442695020e+00, v24;
	v23 =	vpop (erf);
	(erf) = vpow2.f32 v22;
	v14 =	vsel vm0, v18, v14  }
0x34d: {  	v15 =	vadd.f32 v16, v15;
	s29 =	sadd.s32 $0x80, s29;
	v16 =	vmul.f32 $1.442695020e+00, v25;
	v17 =	vpop (erf);
	(erf) = vpow2.f32 v20  }
0x34e: {  	s0 =	sadd.s32 $0x40, s0;
	v18 =	vadd.f32 $1.000000000e+00, v23;
	v21 =	vld [tilespmem:s29+$0xFFFFFFF0];
	v20 =	vadd.f32 $1.000000000e+00, v17;
	v24 =	vpop (erf);
	(erf) = vpow2.f32 v19  }
0x34f: {  	v15 =	vmul.f32 $1.442695020e+00, v15;
	v19 =	vld [tilespmem:s0+$0x10];
	v25 =	vpop (erf);
	(erf) = vpow2.f32 v16  }
0x350: {  	v26 =	vld [tilespmem:s29+$0x30];
	v16 =	vmul.f32 v20, v18;
	v18 =	vadd.f32 $1.000000000e+00, v24;
	v20 =	vadd.f32 $1.000000000e+00, v25;
	v27 =	vpop (erf)  }
0x351: {  	s22 =	sadd.s32 $0x40, s22;
	v34 =	vmov s28;
	s28 =	smov.u32 s19;
	v22 =	vadd.f32 $1.000000000e+00, v27;
	v31 =	vpop (erf);
	(erf) = vpow2.f32 v15  }
0x352: {  	v32 =	vld [tilespmem:s22+$0x10];
	v15 =	vmul.f32 v20, v18;
	v20 =	vadd.f32 $1.000000000e+00, v31;
	(erf) = vrcp.f32 v16;
	v33 =	vpop (erf)  }
0x353: {  	vm0 =	veq.s32 v34, v5;
	v18 =	vand.u32 $0xFFFF0000, v21;
	v16 =	vadd.f32 $1.000000000e+00, v33;
	v28 =	vpop (erf)  }
0x354: {  	v22 =	vmul.f32 v20, v22;
	v34 =	vadd.f32 $1.000000000e+00, v28;
	(erf) = vrcp.f32 v15;
	v35 =	vpop (erf)  }
0x355: {  	v20 =	vand.u32 $0xFFFF0000, v19;
	v15 =	vand.u32 $0xFFFF0000, v26;
	v36 =	vadd.f32 $1.000000000e+00, v35;
	v37 =	vpop (erf)  }
0x356: {  	v42 =	vmul.f32 v34, v16;
	v38 =	vadd.f32 $1.000000000e+00, v37;
	(erf) = vrcp.f32 v22;
	v39 =	vpop (erf)  }
0x357: {  	v21 =	vshll.u32 v21, $0x10;
	v16 =	vand.u32 $0xFFFF0000, v32;
	v40 =	vadd.f32 $1.000000000e+00, v39;
	v41 =	vpop (erf)  }
0x358: {  	v44 =	vmul.f32 v38, v36;
	v38 =	vadd.f32 $1.000000000e+00, v41;
	(erf) = vrcp.f32 v42;
	v34 =	vpop (erf)  }
0x359: {  	v22 =	vshll.u32 v19, $0x10;
	v19 =	vadd.f32 $1.000000000e+00, v30;
	v42 =	vadd.f32 $1.000000000e+00, v34  }
0x35a: {  	v17 =	vsub.f32 v23, v17;
	v23 =	vmul.f32 v38, v40;
	(erf) = vrcp.f32 v44;
	v36 =	vpop (erf)  }
0x35b: {  	v40 =	vadd.f32 $1.000000000e+00, v29;
	v38 =	vld [tilespmem:s29+$0xFFFFFFE0];
	v19 =	vmul.f32 v42, v19;
	v42 =	vadd.f32 $1.000000000e+00, v36;
	v43 =	vpop (erf)  }
0x35c: {  	v24 =	vsub.f32 v24, v25;
	v44 =	vld [tilespmem:s0+$0x0];
	v43 =	vmul.f32 v43, v17;
	(erf) = vrcp.f32 v23  }
0x35d: {  	v17 =	vshll.u32 v26, $0x10;
	v45 =	vld [tilespmem:s29+$0x20];
	v23 =	vmul.f32 v42, v40;
	v25 =	vpop (erf);
	(erf) = vrcp.f32 v19  }
0x35e: {  	v42 =	vld [tilespmem:s22+$0x0];
	v26 =	vmul.f32 v43, v6;
	v24 =	vmul.f32 v25, v24;
	v25 =	vsub.f32 v27, v31  }
0x35f: {  	v19 =	vshll.u32 v32, $0x10;
	v27 =	vsub.f32 v33, v28;
	v28 =	vpop (erf);
	(erf) = vrcp.f32 v23  }
0x360: {  	v23 =	vadd.f32 $0.0e+00, v26;
	v24 =	vmul.f32 v24, v7;
	v28 =	vmul.f32 v28, v25  }
0x361: {  	v31 =	vsub.f32 v35, v37;
	v25 =	vand.u32 $0xFFFF0000, v38;
	v26 =	vand.u32 $0xFFFF0000, v44;
	v32 =	vpop (erf)  }
0x362: {  	v33 =	vld [tilespmem:s29+$0xFFFFFFD0];
	v35 =	vadd.f32 v23, v24;
	v28 =	vmul.f32 v28, v8;
	v27 =	vmul.f32 v32, v27  }
0x363: {  	v23 =	vand.u32 $0xFFFF0000, v45;
	v32 =	vsub.f32 v39, v41;
	v46 =	vld [tilespmem:s0+$0xFFFFFFF0];
	v24 =	vand.u32 $0xFFFF0000, v42;
	v37 =	vpop (erf)  }
0x364: {  	v41 =	vld [tilespmem:s29+$0x10];
	v35 =	vadd.f32 v28, v35;
	v40 =	vmul.f32 v27, v9;
	v31 =	vmul.f32 v37, v31  }
0x365: {  	v34 =	vsub.f32 v30, v34;
	v27 =	vshll.u32 v38, $0x10;
	v28 =	vshll.u32 v44, $0x10;
	v48 =	vld [tilespmem:s22+$0xFFFFFFF0];
	v30 =	vpop (erf)  }
0x366: {  	v37 =	vld [tilespmem:s29+$0xFFFFFFC0];
	v35 =	vadd.f32 v35, v40;
	v38 =	vmul.f32 v31, v10;
	v32 =	vmul.f32 v30, v32;
	v39 =	vpop (erf)  }
0x367: {  	v29 =	vsub.f32 v29, v36;
	v30 =	vshll.u32 v45, $0x10;
	v31 =	vshll.u32 v42, $0x10;
	v40 =	vld [tilespmem:s0+$0xFFFFFFE0]  }
0x368: {  	v34 =	vmul.f32 v39, v34;
	v42 =	vld [tilespmem:s29+$0x0];
	v35 =	vadd.f32 v38, v35;
	v36 =	vmul.f32 v32, v11;
	v44 =	vpop (erf)  }
0x369: {  	v38 =	vand.u32 $0xFFFF0000, v33;
	v39 =	vand.u32 $0xFFFF0000, v46;
	v43 =	vld [tilespmem:s22+$0xFFFFFFE0];
	v32 =	vand.u32 $0xFFFF0000, v41  }
.Ltmp6:
0x36a: {  	v47 =	vmul.f32 v34, v12;
	v29 =	vmul.f32 v44, v29;
	v45 =	vadd.f32 v35, v36;
	(pc) =	sbr.rel @p3 .LBB2_16-.Ltmp6, $4  }
0x36b: {  	v34 =	vshll.u32 v33, $0x10;
	v36 =	vshll.u32 v46, $0x10;
	v33 =	vand.u32 $0xFFFF0000, v48  }
0x36c: {  	v35 =	vshll.u32 v41, $0x10;
	v29 =	vmul.f32 v29, v13;
	v49 =	vadd.f32 v47, v45  }
0x36d: {  	v41 =	vshll.u32 v48, $0x10;
	v46 =	vand.u32 $0xFFFF0000, v37;
	v47 =	vand.u32 $0xFFFF0000, v40  }
0x36e: {  	s19 =	sadd.s32 $0x1, s19;
	v44 =	vand.u32 $0xFFFF0000, v42;
	v45 =	vand.u32 $0xFFFF0000, v43;
	v29 =	vadd.f32 v49, v29  }
0x36f: {  	v37 =	vshll.u32 v37, $0x10;
	v18 =	vadd.f32 v20, v18;
	v48 =	vshll.u32 v40, $0x10  }
0x370: {  	v49 =	vshll.u32 v42, $0x10;
	v21 =	vadd.f32 v22, v21;
	v51 =	vadd.f32 v47, v46  }
0x371: {  	v50 =	vshll.u32 v43, $0x10;
	v20 =	vadd.f32 v48, v37;
	v18 =	vmul.f32 $1.442695020e+00, v18  }
0x372: {  	v22 =	vadd.f32 v50, v49;
	v21 =	vmul.f32 $1.442695020e+00, v21;
	v53 =	vmul.f32 $1.442695020e+00, v51  }
0x373: {  	v34 =	vadd.f32 v36, v34;
	v20 =	vmul.f32 $1.442695020e+00, v20;
	(erf) = vpow2.f32 v18  }
0x374: {  	v52 =	vadd.f32 v45, v44;
	v22 =	vmul.f32 $1.442695020e+00, v22;
	(erf) = vpow2.f32 v21  }
0x375: {  	v56 =	vadd.f32 v33, v32;
	v34 =	vmul.f32 $1.442695020e+00, v34;
	(erf) = vpow2.f32 v20  }
0x376: {  	v54 =	vadd.f32 v41, v35;
	v18 =	vmul.f32 $1.442695020e+00, v52;
	(erf) = vpow2.f32 v22  }
0x377: {  	v55 =	vadd.f32 v39, v38;
	v21 =	vmul.f32 $1.442695020e+00, v56;
	(erf) = vpow2.f32 v53  }
0x378: {  	v20 =	vmul.f32 $1.442695020e+00, v54;
	(erf) = vpow2.f32 v18  }
0x379: {  	v57 =	vmul.f32 $1.442695020e+00, v55;
	(erf) = vpow2.f32 v34  }
0x37a: {  	(erf) = vpow2.f32 v20  }
0x37b: {  	v58 =	vadd.f32 v28, v27;
	v59 =	vadd.f32 v31, v30;
	(erf) = vpow2.f32 v57  }
0x37c: {  	v17 =	vadd.f32 v19, v17;
	v15 =	vadd.f32 v16, v15;
	(erf) = vpow2.f32 v21;
	v21 =	vpop (erf)  }
0x37d: {  	v60 =	vadd.f32 v26, v25;
	v62 =	vmul.f32 $1.442695020e+00, v59;
	v22 =	vmul.f32 $1.442695020e+00, v58;
	v19 =	vpop (erf)  }
0x37e: {  	v61 =	vadd.f32 v24, v23;
	v36 =	vmul.f32 $1.442695020e+00, v17;
	v15 =	vmul.f32 $1.442695020e+00, v15;
	v63 =	vpop (erf)  }
0x37f: {  	v20 =	vmul.f32 $1.442695020e+00, v60;
	(erf) = vpow2.f32 v22;
	v37 =	vpop (erf)  }
0x380: {  	v18 =	vmul.f32 $1.442695020e+00, v61;
	(erf) = vpow2.f32 v62;
	v24 =	vpop (erf)  }
0x381: {  	(erf) = vpow2.f32 v20;
	v38 =	vadd.f32 $1.000000000e+00, v63;
	v39 =	vadd.f32 $1.000000000e+00, v37;
	v40 =	vpop (erf)  }
0x382: {  	(erf) = vpow2.f32 v18;
	v42 =	vadd.f32 $1.000000000e+00, v24;
	v43 =	vadd.f32 $1.000000000e+00, v40  }
0x383: {  	(erf) = vpow2.f32 v36;
	v41 =	vmul.f32 v39, v38;
	v44 =	vpop (erf)  }
0x384: {  	(erf) = vpow2.f32 v15;
	v46 =	vpop (erf);
	v15 =	vmul.f32 v43, v42  }
0x385: {  	v48 =	vpop (erf)  }
0x386: {  	v45 =	vadd.f32 $1.000000000e+00, v44;
	v47 =	vadd.f32 $1.000000000e+00, v46;
	(erf) = vrcp.f32 v41;
	v50 =	vpop (erf)  }
0x387: {  	v49 =	vadd.f32 $1.000000000e+00, v48;
	v51 =	vadd.f32 $1.000000000e+00, v50;
	(erf) = vrcp.f32 v15  }
0x388: {  	v20 =	vmul.f32 v47, v45;
	v15 =	vpop (erf)  }
0x389: {  	v23 =	vmul.f32 v51, v49;
	v53 =	vpop (erf)  }
0x38a: {  	(erf) = vrcp.f32 v20;
	v52 =	vadd.f32 $1.000000000e+00, v15;
	v54 =	vadd.f32 $1.000000000e+00, v53;
	v55 =	vpop (erf)  }
0x38b: {  	v60 =	vadd.f32 $1.000000000e+00, v19;
	(erf) = vrcp.f32 v23;
	v57 =	vpop (erf)  }
0x38c: {  	v56 =	vadd.f32 $1.000000000e+00, v55;
	v26 =	vmul.f32 v54, v52;
	v58 =	vadd.f32 $1.000000000e+00, v57;
	v59 =	vpop (erf)  }
0x38d: {  	v17 =	vsub.f32 v63, v37;
	v61 =	vadd.f32 $1.000000000e+00, v59  }
0x38e: {  	v37 =	vadd.f32 $1.000000000e+00, v21;
	v63 =	vpop (erf);
	v62 =	vmul.f32 v58, v56;
	(erf) = vrcp.f32 v26  }
0x38f: {  	v18 =	vsub.f32 v24, v40;
	v38 =	vadd.f32 $1.000000000e+00, v63;
	v39 =	vpop (erf);
	v36 =	vmul.f32 v61, v60  }
0x390: {  	v17 =	vmul.f32 v39, v17;
	v41 =	vpop (erf);
	(erf) = vrcp.f32 v62  }
0x391: {  	v40 =	vmul.f32 v38, v37;
	v18 =	vmul.f32 v41, v18  }
0x392: {  	v42 =	vsub.f32 v44, v46;
	(erf) = vrcp.f32 v36;
	v17 =	vmul.f32 v17, v6  }
0x393: {  	v16 =	vsub.f32 v48, v50;
	v43 =	vpop (erf);
	(erf) = vrcp.f32 v40  }
0x394: {  	v18 =	vmul.f32 v18, v7;
	v44 =	vmul.f32 v43, v42;
	v17 =	vadd.f32 $0.0e+00, v17  }
0x395: {  	v15 =	vsub.f32 v15, v53;
	v45 =	vpop (erf)  }
0x396: {  	v46 =	vmul.f32 v44, v8;
	v16 =	vmul.f32 v45, v16;
	v17 =	vadd.f32 v17, v18  }
0x397: {  	v20 =	vsub.f32 v55, v57;
	v47 =	vpop (erf)  }
0x398: {  	v16 =	vmul.f32 v16, v9;
	v17 =	vadd.f32 v46, v17;
	v15 =	vmul.f32 v47, v15  }
0x399: {  	v48 =	vsub.f32 v19, v59;
	v49 =	vpop (erf)  }
0x39a: {  	v16 =	vadd.f32 v17, v16;
	v15 =	vmul.f32 v15, v10;
	v50 =	vmul.f32 v49, v20  }
0x39b: {  	v52 =	vsub.f32 v21, v63;
	v51 =	vpop (erf)  }
0x39c: {  	v54 =	vmul.f32 v51, v48;
	v15 =	vadd.f32 v15, v16;
	v53 =	vmul.f32 v50, v11  }
0x39d: {  	v55 =	vpop (erf)  }
0x39e: {  	v57 =	vmul.f32 v55, v52;
	v56 =	vmul.f32 v54, v12;
	v15 =	vadd.f32 v15, v53;
	_ =	sdelay $0x1  }
0x39f: {  	v58 =	vmul.f32 v57, v13;
	v15 =	vadd.f32 v56, v15;
	_ =	sdelay $0x1  }
0x3a0: {  	v15 =	vadd.f32 v15, v58  }
0x3a1: {  	v59 =	vperm.xlane v29, v0  }
0x3a2: {  	v60 =	vperm.xlane v15, v0  }
0x3a3: {  	v16 =	vadd.f32 v29, v59  }
0x3a4: {  	v15 =	vadd.f32 v15, v60  }
0x3a5: {  	v61 =	vperm.xlane v16, v1  }
0x3a6: {  	v62 =	vperm.xlane v15, v1  }
0x3a7: {  	v16 =	vadd.f32 v16, v61  }
0x3a8: {  	v15 =	vadd.f32 v15, v62  }
0x3a9: {  	v17 =	vperm.xlane v16, v2  }
0x3aa: {  	v18 =	vperm.xlane v15, v2  }
0x3ab: {  	v16 =	vadd.f32 v16, v17  }
0x3ac: {  	v15 =	vadd.f32 v15, v18  }
0x3ad: {  	s0 =	sshll.u32 s26, $0x4;
	s26 =	sadd.s32 $0x1, s26;
	v17 =	vperm.xlane v16, v4  }
0x3ae: {  	p3 =	sne.s32 s26, $0x4;
	v18 =	vperm.xlane v15, v4  }
.Ltmp7:
0x3af: {  	v16 =	vadd.f32 v16, v17;
	(pc) =	sbr.rel @p3 .LBB2_15-.Ltmp7, $4  }
0x3b0: {  	v63 =	vmov s28;
	v15 =	vadd.f32 v15, v18  }
0x3b1: {  	vm15 =	veq.s32 v63, v5;
	v14 =	vsel vm0, v16, v14  }
0x3b2: {  	s0 =	sand.u32 $0x3FFFFFF0, s0;
	v14 =	vsel vm15, v15, v14  }
0x3b3: {  	s14 =	sadd.s32 $0x800, s14;
	s18 =	sadd.s32 $0x400, s18;
	s25 =	sadd.s32 $0x400, s25;
	[tilespmem:s0+$0x190C0] =	vst v14  }
0x3b4: {  	s0 =	sadd.s32 $0x3CC0, s4;
	s29 =	simm.s32 $0x190C0  }
0x3b5: {  	[spmem:s2] =	stream.indirect.scatter.add.f32 [tilespmem:s29], [sflag:$0x9], $0x1, s0, s23, $0xb8;
	[tilespmem:$0x1A600] =	vst v63  }
0x3b6: {  	_ = 	snop  }
0x3b7: {  	[spmem:s3] =	stream.indirect.scatter.add.f32 [tilespmem:s30], [sflag:$0x9], $0x1, s0, s23, $0xb8;
	[tilespmem:$0x1A600] =	vst v63  }
0x3b8: {  	_ =	swait.ge [sflag:s20], $0x1000  }
0x3b9: {  	[sflag:s20] =	ssyncset.done $0x0  }
0x3ba: {  	[sflag:s20] =	ssyncadd.s32 $0xFFFFF000  }
0x3bb: {  	_ =	swait.ge [sflag:s20], $0x1000  }
0x3bc: {  	[sflag:s20] =	ssyncset.done $0x0  }
0x3bd: {  	[sflag:s20] =	ssyncadd.s32 $0xFFFFF000  }
0x3be: {  	_ =	swait.ge [sflag:s20], $0x2000  }
0x3bf: {  	s4 =	simm.s32 @!p1 $0x40;
	[sflag:s20] =	ssyncset.done $0x0  }
0x3c0: {  	s9 =	simm.s32 @!p1 $0x8000;
	s0 =	sadd.s32 @!p1 $0x200, s17;
	[sflag:s20] =	ssyncadd.s32 $0xFFFFE000  }
0x3c1: {  	[tilespmem:s9], [sflag:$0x4] =	stream.indirect.gather @!p1 [hbm4b:s5+s4], $0x40, s0, s4, $0xb8;
	[tilespmem:$0x1A600] =	vst v63  }
0x3c2: {  	s0 =	sadd.s32 @!p1 $0x1600, s17;
	s9 =	simm.s32 @!p1 $0xD000  }
0x3c3: {  	[tilespmem:s9], [sflag:$0x4] =	stream.indirect.gather @!p1 [hbm4b:s6+s4], $0x40, s0, s4, $0xb8;
	[tilespmem:$0x1A600] =	vst v63  }
0x3c4: {  	s0 =	sadd.s32 @!p1 $0x2A00, s17;
	s9 =	simm.s32 @!p1 $0x15000  }
0x3c5: {  	[tilespmem:s9], [sflag:$0x4] =	stream.indirect.gather @!p1 [hbm4b:s7+s4], $0x80, s0, s4, $0xb8;
	[tilespmem:$0x1A600] =	vst v63  }
0x3c6: {  	_ =	swait.ge @p2 [sflag:s13], $0x40  }
0x3c7: {  	[sflag:s13] =	ssyncset.done @p2 $0x0  }
0x3c8: {  	[sflag:s13] =	ssyncadd.s32 @p2 $0xFFFFFFC0  }
0x3c9: {  	s14 =	simm.s32 $0xE020;
	_ =	swait.ge @p2 [sflag:s13], $0x40  }
0x3ca: {  	s18 =	simm.s32 $0x0;
	s17 =	simm.s32 $0x9020;
	[sflag:s13] =	ssyncset.done @p2 $0x0  }
0x3cb: {  	s4 =	simm.s32 $0x0;
	s9 =	simm.s32 $0x17040;
	[sflag:s13] =	ssyncadd.s32 @p2 $0xFFFFFFC0  }
.LBB2_19:
0x3cc: {  	v14 =	vld [tilespmem:s9+$0xFFFFFFF0]  }
0x3cd: {  	v15 =	vld [tilespmem:s17+$0x10]  }
0x3ce: {  	v16 =	vld [tilespmem:s9+$0x30]  }
0x3cf: {  	v17 =	vld [tilespmem:s14+$0x10]  }
0x3d0: {  	v18 =	vld [tilespmem:s9+$0xFFFFFFE0]  }
0x3d1: {  	v19 =	vld [tilespmem:s17+$0x0]  }
0x3d2: {  	v20 =	vld [tilespmem:s9+$0x20]  }
0x3d3: {  	v21 =	vld [tilespmem:s14+$0x0]  }
0x3d4: {  	v22 =	vld [tilespmem:s9+$0xFFFFFFD0]  }
0x3d5: {  	v23 =	vld [tilespmem:s17+$0xFFFFFFF0]  }
0x3d6: {  	v25 =	vld [tilespmem:s9+$0x10]  }
0x3d7: {  	v28 =	vld [tilespmem:s14+$0xFFFFFFF0];
	v24 =	vand.u32 $0xFFFF0000, v14;
	v26 =	vand.u32 $0xFFFF0000, v15;
	v27 =	vand.u32 $0xFFFF0000, v16  }
0x3d8: {  	v30 =	vld [tilespmem:s9+$0xFFFFFFC0];
	v14 =	vshll.u32 v14, $0x10;
	v15 =	vshll.u32 v15, $0x10;
	v16 =	vshll.u32 v16, $0x10  }
0x3d9: {  	v34 =	vld [tilespmem:s17+$0xFFFFFFE0];
	v29 =	vshll.u32 v17, $0x10;
	v31 =	vand.u32 $0xFFFF0000, v18;
	v32 =	vand.u32 $0xFFFF0000, v19  }
0x3da: {  	v36 =	vld [tilespmem:s9+$0x0];
	v33 =	vand.u32 $0xFFFF0000, v20;
	v35 =	vand.u32 $0xFFFF0000, v21;
	v18 =	vshll.u32 v18, $0x10  }
0x3db: {  	v19 =	vshll.u32 v19, $0x10;
	v20 =	vshll.u32 v20, $0x10;
	v21 =	vshll.u32 v21, $0x10  }
0x3dc: {  	v38 =	vld [tilespmem:s14+$0xFFFFFFE0];
	v37 =	vand.u32 $0xFFFF0000, v22;
	v39 =	vand.u32 $0xFFFF0000, v23;
	v40 =	vand.u32 $0xFFFF0000, v25  }
0x3dd: {  	v22 =	vshll.u32 v22, $0x10;
	v23 =	vshll.u32 v23, $0x10;
	v41 =	vand.u32 $0xFFFF0000, v28  }
0x3de: {  	v25 =	vshll.u32 v25, $0x10;
	v42 =	vand.u32 $0xFFFF0000, v30;
	v43 =	vand.u32 $0xFFFF0000, v34  }
0x3df: {  	v28 =	vshll.u32 v28, $0x10;
	v44 =	vand.u32 $0xFFFF0000, v36;
	v30 =	vshll.u32 v30, $0x10  }
0x3e0: {  	v51 =	vshll.u32 v36, $0x10;
	v24 =	vadd.f32 v26, v24;
	v26 =	vshll.u32 v34, $0x10  }
0x3e1: {  	v14 =	vadd.f32 v15, v14;
	v15 =	vshll.u32 v38, $0x10;
	v22 =	vadd.f32 v23, v22  }
0x3e2: {  	v52 =	vadd.f32 v43, v42;
	v26 =	vadd.f32 v26, v30;
	v24 =	vmul.f32 $1.442695020e+00, v24  }
0x3e3: {  	v15 =	vadd.f32 v15, v51;
	v14 =	vmul.f32 $1.442695020e+00, v14;
	v22 =	vmul.f32 $1.442695020e+00, v22  }
0x3e4: {  	v30 =	vand.u32 $0xFFFF0000, v38;
	v26 =	vmul.f32 $1.442695020e+00, v26;
	(erf) = vpow2.f32 v24  }
0x3e5: {  	v15 =	vmul.f32 $1.442695020e+00, v15;
	v24 =	vadd.f32 v30, v44;
	(erf) = vpow2.f32 v14  }
0x3e6: {  	v18 =	vadd.f32 v19, v18;
	v14 =	vmul.f32 $1.442695020e+00, v52;
	(erf) = vpow2.f32 v26  }
0x3e7: {  	v23 =	vmul.f32 $1.442695020e+00, v24;
	v24 =	vadd.f32 v28, v25;
	(erf) = vpow2.f32 v15  }
0x3e8: {  	v18 =	vmul.f32 $1.442695020e+00, v18;
	v15 =	vadd.f32 v39, v37;
	(erf) = vpow2.f32 v14  }
0x3e9: {  	v14 =	vadd.f32 v41, v40;
	v24 =	vmul.f32 $1.442695020e+00, v24;
	(erf) = vpow2.f32 v23  }
0x3ea: {  	v19 =	vadd.f32 v21, v20;
	v15 =	vmul.f32 $1.442695020e+00, v15;
	(erf) = vpow2.f32 v22  }
0x3eb: {  	v17 =	vand.u32 $0xFFFF0000, v17;
	v14 =	vmul.f32 $1.442695020e+00, v14;
	(erf) = vpow2.f32 v24  }
0x3ec: {  	v20 =	vadd.f32 v32, v31;
	v19 =	vmul.f32 $1.442695020e+00, v19;
	(erf) = vpow2.f32 v15  }
0x3ed: {  	v16 =	vadd.f32 v29, v16;
	v15 =	vadd.f32 v35, v33;
	(erf) = vpow2.f32 v14;
	v32 =	vpop (erf)  }
0x3ee: {  	v17 =	vadd.f32 v17, v27;
	v14 =	vmul.f32 $1.442695020e+00, v20;
	(erf) = vpow2.f32 v18;
	v29 =	vpop (erf)  }
0x3ef: {  	v15 =	vmul.f32 $1.442695020e+00, v15;
	v23 =	vpop (erf);
	(erf) = vpow2.f32 v19  }
0x3f0: {  	v16 =	vmul.f32 $1.442695020e+00, v16;
	v19 =	vpop (erf);
	(erf) = vpow2.f32 v14  }
0x3f1: {  	v18 =	vadd.f32 $1.000000000e+00, v23;
	v20 =	vadd.f32 $1.000000000e+00, v19;
	v24 =	vpop (erf);
	(erf) = vpow2.f32 v15  }
0x3f2: {  	v28 =	vmov s4;
	v15 =	vmul.f32 $1.442695020e+00, v17;
	v17 =	vpop (erf);
	(erf) = vpow2.f32 v16  }
0x3f3: {  	v16 =	vmul.f32 v20, v18;
	v18 =	vadd.f32 $1.000000000e+00, v24;
	v20 =	vadd.f32 $1.000000000e+00, v17;
	v26 =	vpop (erf)  }
0x3f4: {  	s22 =	sadd.s32 $0x40, s14;
	(erf) = vpow2.f32 v15;
	v30 =	vpop (erf)  }
0x3f5: {  	v45 =	vld [tilespmem:s22+$0xFFFFFFF0];
	v27 =	vadd.f32 $1.000000000e+00, v26;
	v15 =	vmul.f32 v20, v18;
	v20 =	vadd.f32 $1.000000000e+00, v30;
	v33 =	vpop (erf)  }
0x3f6: {  	vm0 =	veq.s32 v28, v5;
	(erf) = vrcp.f32 v16;
	v28 =	vpop (erf)  }
0x3f7: {  	s26 =	sadd.s32 $0x80, s9;
	v16 =	vadd.f32 $1.000000000e+00, v33;
	v27 =	vmul.f32 v20, v27;
	v53 =	vadd.f32 $1.000000000e+00, v28;
	v35 =	vpop (erf)  }
0x3f8: {  	v21 =	vld [tilespmem:s26+$0xFFFFFFF0];
	(erf) = vrcp.f32 v15;
	v55 =	vpop (erf)  }
0x3f9: {  	v25 =	vld [tilespmem:s26+$0x30];
	v54 =	vadd.f32 $1.000000000e+00, v35;
	v34 =	vmul.f32 v53, v16;
	v56 =	vadd.f32 $1.000000000e+00, v55  }
0x3fa: {  	s0 =	sadd.s32 $0x40, s17;
	v41 =	vshll.u32 v45, $0x10;
	v63 =	vadd.f32 $1.000000000e+00, v32  }
0x3fb: {  	v22 =	vld [tilespmem:s0+$0x10];
	v59 =	vadd.f32 $1.000000000e+00, v29;
	(erf) = vrcp.f32 v27;
	v27 =	vpop (erf);
	v36 =	vmul.f32 v56, v54  }
0x3fc: {  	v14 =	vimm.f32 $0.0e+00;
	v19 =	vsub.f32 v23, v19;
	v24 =	vsub.f32 v24, v17;
	v40 =	vpop (erf)  }
0x3fd: {  	(erf) = vrcp.f32 v34;
	v57 =	vadd.f32 $1.000000000e+00, v27;
	v58 =	vadd.f32 $1.000000000e+00, v40;
	v34 =	vpop (erf)  }
0x3fe: {  	v17 =	vshll.u32 v25, $0x10;
	v18 =	vand.u32 $0xFFFF0000, v21;
	v60 =	vadd.f32 $1.000000000e+00, v34  }
0x3ff: {  	v21 =	vshll.u32 v21, $0x10;
	(erf) = vrcp.f32 v36;
	v23 =	vmul.f32 v58, v57;
	v36 =	vpop (erf)  }
0x400: {  	v20 =	vand.u32 $0xFFFF0000, v22;
	v62 =	vmul.f32 v60, v59;
	v48 =	vadd.f32 $1.000000000e+00, v36;
	v49 =	vpop (erf)  }
0x401: {  	v31 =	vld [tilespmem:s22+$0x10];
	v15 =	vand.u32 $0xFFFF0000, v25;
	v19 =	vmul.f32 v49, v19;
	(erf) = vrcp.f32 v23  }
0x402: {  	v22 =	vshll.u32 v22, $0x10;
	v25 =	vpop (erf);
	v23 =	vmul.f32 v48, v63;
	(erf) = vrcp.f32 v62  }
0x403: {  	v43 =	vld [tilespmem:s22+$0xFFFFFFE0];
	v24 =	vmul.f32 v25, v24;
	v25 =	vsub.f32 v26, v30;
	v53 =	vmul.f32 v19, v6  }
0x404: {  	v61 =	vld [tilespmem:s26+$0xFFFFFFE0];
	v28 =	vsub.f32 v33, v28;
	v33 =	vand.u32 $0xFFFF0000, v45;
	v26 =	vpop (erf);
	(erf) = vrcp.f32 v23  }
0x405: {  	v50 =	vld [tilespmem:s0+$0x0];
	v24 =	vmul.f32 v24, v7;
	v30 =	vmul.f32 v26, v25;
	v23 =	vadd.f32 $0.0e+00, v53  }
0x406: {  	v16 =	vand.u32 $0xFFFF0000, v31;
	v57 =	vld [tilespmem:s0+$0xFFFFFFF0];
	v19 =	vshll.u32 v31, $0x10;
	v31 =	vsub.f32 v35, v55;
	v54 =	vpop (erf)  }
0x407: {  	v58 =	vld [tilespmem:s26+$0x10];
	v28 =	vmul.f32 v54, v28;
	v30 =	vmul.f32 v30, v8;
	v56 =	vadd.f32 v23, v24  }
0x408: {  	v51 =	vld [tilespmem:s26+$0x20];
	v45 =	vand.u32 $0xFFFF0000, v43;
	v40 =	vsub.f32 v27, v40;
	v29 =	vsub.f32 v29, v34;
	v27 =	vpop (erf)  }
0x409: {  	v52 =	vld [tilespmem:s22+$0x0];
	v59 =	vmul.f32 v28, v9;
	v31 =	vmul.f32 v27, v31;
	v30 =	vadd.f32 v30, v56  }
0x40a: {  	v36 =	vsub.f32 v32, v36;
	v25 =	vand.u32 $0xFFFF0000, v61;
	v27 =	vshll.u32 v61, $0x10;
	v60 =	vpop (erf)  }
0x40b: {  	v55 =	vld [tilespmem:s26+$0xFFFFFFD0];
	v62 =	vmul.f32 v31, v10;
	v61 =	vadd.f32 v30, v59;
	v34 =	vmul.f32 v60, v40  }
0x40c: {  	v42 =	vld [tilespmem:s26+$0x0];
	v26 =	vand.u32 $0xFFFF0000, v50;
	v39 =	vand.u32 $0xFFFF0000, v57;
	v32 =	vand.u32 $0xFFFF0000, v58;
	v46 =	vpop (erf)  }
0x40d: {  	v37 =	vld [tilespmem:s26+$0xFFFFFFC0];
	v29 =	vmul.f32 v46, v29;
	v44 =	vadd.f32 v62, v61;
	v34 =	vmul.f32 v34, v11  }
0x40e: {  	v35 =	vshll.u32 v58, $0x10;
	v23 =	vand.u32 $0xFFFF0000, v51;
	v24 =	vand.u32 $0xFFFF0000, v52;
	v40 =	vld [tilespmem:s0+$0xFFFFFFE0];
	v63 =	vpop (erf)  }
0x40f: {  	v29 =	vmul.f32 v29, v12;
	v46 =	vmul.f32 v63, v36;
	v44 =	vadd.f32 v44, v34  }
0x410: {  	v28 =	vshll.u32 v50, $0x10;
	v38 =	vand.u32 $0xFFFF0000, v55;
	v31 =	vshll.u32 v52, $0x10  }
0x411: {  	v30 =	vshll.u32 v51, $0x10;
	v48 =	vmul.f32 v46, v13;
	v29 =	vadd.f32 v29, v44  }
0x412: {  	v36 =	vshll.u32 v57, $0x10;
	v34 =	vshll.u32 v55, $0x10;
	v46 =	vand.u32 $0xFFFF0000, v37  }
0x413: {  	s25 =	simm.s32 $0x1;
	s19 =	simm.s32 $0x2;
	v47 =	vand.u32 $0xFFFF0000, v40;
	v44 =	vand.u32 $0xFFFF0000, v42;
	v29 =	vadd.f32 v29, v48  }
.LBB2_20:
0x414: {  	p1 =	sne.s32 s19, $0xF;
	v37 =	vshll.u32 v37, $0x10;
	v40 =	vshll.u32 v40, $0x10;
	v42 =	vshll.u32 v42, $0x10  }
0x415: {  	v21 =	vadd.f32 v22, v21;
	v18 =	vadd.f32 v20, v18;
	v20 =	vperm.xlane v29, v0  }
0x416: {  	v22 =	vshll.u32 v43, $0x10;
	v38 =	vadd.f32 v39, v38;
	v25 =	vadd.f32 v26, v25  }
0x417: {  	v26 =	vadd.f32 v47, v46;
	v18 =	vmul.f32 $1.442695020e+00, v18;
	v20 =	vadd.f32 v29, v20  }
0x418: {  	v21 =	vmul.f32 $1.442695020e+00, v21;
	v29 =	vadd.f32 v40, v37;
	v37 =	vmul.f32 $1.442695020e+00, v38  }
0x419: {  	v22 =	vadd.f32 v22, v42;
	v26 =	vmul.f32 $1.442695020e+00, v26;
	v38 =	vperm.xlane v20, v1  }
0x41a: {  	v39 =	vadd.f32 v45, v44;
	v29 =	vmul.f32 $1.442695020e+00, v29;
	(erf) = vpow2.f32 v18  }
0x41b: {  	v18 =	vmul.f32 $1.442695020e+00, v22;
	(erf) = vpow2.f32 v21;
	v20 =	vadd.f32 v20, v38  }
0x41c: {  	v22 =	vadd.f32 v36, v34;
	v21 =	vmul.f32 $1.442695020e+00, v39;
	(erf) = vpow2.f32 v29  }
0x41d: {  	v29 =	vadd.f32 v41, v35;
	(erf) = vpow2.f32 v18;
	v18 =	vperm.xlane v20, v2  }
0x41e: {  	v32 =	vadd.f32 v33, v32;
	v22 =	vmul.f32 $1.442695020e+00, v22;
	(erf) = vpow2.f32 v26  }
0x41f: {  	v26 =	vmul.f32 $1.442695020e+00, v29;
	(erf) = vpow2.f32 v21;
	v18 =	vadd.f32 v20, v18  }
0x420: {  	v20 =	vmul.f32 $1.442695020e+00, v32;
	v21 =	vadd.f32 v28, v27;
	(erf) = vpow2.f32 v22  }
0x421: {  	v22 =	vadd.f32 v31, v30;
	(erf) = vpow2.f32 v26;
	v26 =	vperm.xlane v18, v4  }
0x422: {  	v24 =	vadd.f32 v24, v23;
	v21 =	vmul.f32 $1.442695020e+00, v21;
	(erf) = vpow2.f32 v37  }
0x423: {  	v22 =	vmul.f32 $1.442695020e+00, v22;
	(erf) = vpow2.f32 v20;
	v29 =	vpop (erf);
	v18 =	vadd.f32 v18, v26  }
0x424: {  	v20 =	vmul.f32 $1.442695020e+00, v25;
	v25 =	vadd.f32 v19, v17;
	(erf) = vpow2.f32 v21;
	v30 =	vpop (erf)  }
0x425: {  	v19 =	vmul.f32 $1.442695020e+00, v24;
	v23 =	vpop (erf);
	(erf) = vpow2.f32 v22;
	v14 =	vsel vm0, v18, v14  }
0x426: {  	v15 =	vadd.f32 v16, v15;
	s26 =	sadd.s32 $0x80, s26;
	v16 =	vmul.f32 $1.442695020e+00, v25;
	v17 =	vpop (erf);
	(erf) = vpow2.f32 v20  }
0x427: {  	s0 =	sadd.s32 $0x40, s0;
	v18 =	vadd.f32 $1.000000000e+00, v23;
	v21 =	vld [tilespmem:s26+$0xFFFFFFF0];
	v20 =	vadd.f32 $1.000000000e+00, v17;
	v24 =	vpop (erf);
	(erf) = vpow2.f32 v19  }
0x428: {  	v15 =	vmul.f32 $1.442695020e+00, v15;
	v19 =	vld [tilespmem:s0+$0x10];
	v25 =	vpop (erf);
	(erf) = vpow2.f32 v16  }
0x429: {  	v26 =	vld [tilespmem:s26+$0x30];
	v16 =	vmul.f32 v20, v18;
	v18 =	vadd.f32 $1.000000000e+00, v24;
	v20 =	vadd.f32 $1.000000000e+00, v25;
	v27 =	vpop (erf)  }
0x42a: {  	s22 =	sadd.s32 $0x40, s22;
	v34 =	vmov s25;
	s25 =	smov.u32 s19;
	v22 =	vadd.f32 $1.000000000e+00, v27;
	v31 =	vpop (erf);
	(erf) = vpow2.f32 v15  }
0x42b: {  	v32 =	vld [tilespmem:s22+$0x10];
	v15 =	vmul.f32 v20, v18;
	v20 =	vadd.f32 $1.000000000e+00, v31;
	(erf) = vrcp.f32 v16;
	v33 =	vpop (erf)  }
0x42c: {  	vm0 =	veq.s32 v34, v5;
	v18 =	vand.u32 $0xFFFF0000, v21;
	v16 =	vadd.f32 $1.000000000e+00, v33;
	v28 =	vpop (erf)  }
0x42d: {  	v22 =	vmul.f32 v20, v22;
	v34 =	vadd.f32 $1.000000000e+00, v28;
	(erf) = vrcp.f32 v15;
	v35 =	vpop (erf)  }
0x42e: {  	v20 =	vand.u32 $0xFFFF0000, v19;
	v15 =	vand.u32 $0xFFFF0000, v26;
	v36 =	vadd.f32 $1.000000000e+00, v35;
	v37 =	vpop (erf)  }
0x42f: {  	v42 =	vmul.f32 v34, v16;
	v38 =	vadd.f32 $1.000000000e+00, v37;
	(erf) = vrcp.f32 v22;
	v39 =	vpop (erf)  }
0x430: {  	v21 =	vshll.u32 v21, $0x10;
	v16 =	vand.u32 $0xFFFF0000, v32;
	v40 =	vadd.f32 $1.000000000e+00, v39;
	v41 =	vpop (erf)  }
0x431: {  	v44 =	vmul.f32 v38, v36;
	v38 =	vadd.f32 $1.000000000e+00, v41;
	(erf) = vrcp.f32 v42;
	v34 =	vpop (erf)  }
0x432: {  	v22 =	vshll.u32 v19, $0x10;
	v19 =	vadd.f32 $1.000000000e+00, v30;
	v42 =	vadd.f32 $1.000000000e+00, v34  }
0x433: {  	v17 =	vsub.f32 v23, v17;
	v23 =	vmul.f32 v38, v40;
	(erf) = vrcp.f32 v44;
	v36 =	vpop (erf)  }
0x434: {  	v40 =	vadd.f32 $1.000000000e+00, v29;
	v38 =	vld [tilespmem:s26+$0xFFFFFFE0];
	v19 =	vmul.f32 v42, v19;
	v42 =	vadd.f32 $1.000000000e+00, v36;
	v43 =	vpop (erf)  }
0x435: {  	v24 =	vsub.f32 v24, v25;
	v44 =	vld [tilespmem:s0+$0x0];
	v43 =	vmul.f32 v43, v17;
	(erf) = vrcp.f32 v23  }
0x436: {  	v17 =	vshll.u32 v26, $0x10;
	v45 =	vld [tilespmem:s26+$0x20];
	v23 =	vmul.f32 v42, v40;
	v25 =	vpop (erf);
	(erf) = vrcp.f32 v19  }
0x437: {  	v42 =	vld [tilespmem:s22+$0x0];
	v26 =	vmul.f32 v43, v6;
	v24 =	vmul.f32 v25, v24;
	v25 =	vsub.f32 v27, v31  }
0x438: {  	v19 =	vshll.u32 v32, $0x10;
	v27 =	vsub.f32 v33, v28;
	v28 =	vpop (erf);
	(erf) = vrcp.f32 v23  }
0x439: {  	v23 =	vadd.f32 $0.0e+00, v26;
	v24 =	vmul.f32 v24, v7;
	v28 =	vmul.f32 v28, v25  }
0x43a: {  	v31 =	vsub.f32 v35, v37;
	v25 =	vand.u32 $0xFFFF0000, v38;
	v26 =	vand.u32 $0xFFFF0000, v44;
	v32 =	vpop (erf)  }
0x43b: {  	v33 =	vld [tilespmem:s26+$0xFFFFFFD0];
	v35 =	vadd.f32 v23, v24;
	v28 =	vmul.f32 v28, v8;
	v27 =	vmul.f32 v32, v27  }
0x43c: {  	v23 =	vand.u32 $0xFFFF0000, v45;
	v32 =	vsub.f32 v39, v41;
	v46 =	vld [tilespmem:s0+$0xFFFFFFF0];
	v24 =	vand.u32 $0xFFFF0000, v42;
	v37 =	vpop (erf)  }
0x43d: {  	v41 =	vld [tilespmem:s26+$0x10];
	v35 =	vadd.f32 v28, v35;
	v40 =	vmul.f32 v27, v9;
	v31 =	vmul.f32 v37, v31  }
0x43e: {  	v34 =	vsub.f32 v30, v34;
	v27 =	vshll.u32 v38, $0x10;
	v28 =	vshll.u32 v44, $0x10;
	v48 =	vld [tilespmem:s22+$0xFFFFFFF0];
	v30 =	vpop (erf)  }
0x43f: {  	v37 =	vld [tilespmem:s26+$0xFFFFFFC0];
	v35 =	vadd.f32 v35, v40;
	v38 =	vmul.f32 v31, v10;
	v32 =	vmul.f32 v30, v32;
	v39 =	vpop (erf)  }
0x440: {  	v29 =	vsub.f32 v29, v36;
	v30 =	vshll.u32 v45, $0x10;
	v31 =	vshll.u32 v42, $0x10;
	v40 =	vld [tilespmem:s0+$0xFFFFFFE0]  }
0x441: {  	v34 =	vmul.f32 v39, v34;
	v42 =	vld [tilespmem:s26+$0x0];
	v35 =	vadd.f32 v38, v35;
	v36 =	vmul.f32 v32, v11;
	v44 =	vpop (erf)  }
0x442: {  	v38 =	vand.u32 $0xFFFF0000, v33;
	v39 =	vand.u32 $0xFFFF0000, v46;
	v43 =	vld [tilespmem:s22+$0xFFFFFFE0];
	v32 =	vand.u32 $0xFFFF0000, v41  }
.Ltmp8:
0x443: {  	v47 =	vmul.f32 v34, v12;
	v29 =	vmul.f32 v44, v29;
	v45 =	vadd.f32 v35, v36;
	(pc) =	sbr.rel @p1 .LBB2_20-.Ltmp8, $4  }
0x444: {  	v34 =	vshll.u32 v33, $0x10;
	v36 =	vshll.u32 v46, $0x10;
	v33 =	vand.u32 $0xFFFF0000, v48  }
0x445: {  	v35 =	vshll.u32 v41, $0x10;
	v29 =	vmul.f32 v29, v13;
	v49 =	vadd.f32 v47, v45  }
0x446: {  	v41 =	vshll.u32 v48, $0x10;
	v46 =	vand.u32 $0xFFFF0000, v37;
	v47 =	vand.u32 $0xFFFF0000, v40  }
0x447: {  	s19 =	sadd.s32 $0x1, s19;
	v44 =	vand.u32 $0xFFFF0000, v42;
	v45 =	vand.u32 $0xFFFF0000, v43;
	v29 =	vadd.f32 v49, v29  }
0x448: {  	v37 =	vshll.u32 v37, $0x10;
	v18 =	vadd.f32 v20, v18;
	v48 =	vshll.u32 v40, $0x10  }
0x449: {  	v49 =	vshll.u32 v42, $0x10;
	v21 =	vadd.f32 v22, v21;
	v51 =	vadd.f32 v47, v46  }
0x44a: {  	v50 =	vshll.u32 v43, $0x10;
	v20 =	vadd.f32 v48, v37;
	v18 =	vmul.f32 $1.442695020e+00, v18  }
0x44b: {  	v22 =	vadd.f32 v50, v49;
	v21 =	vmul.f32 $1.442695020e+00, v21;
	v53 =	vmul.f32 $1.442695020e+00, v51  }
0x44c: {  	v34 =	vadd.f32 v36, v34;
	v20 =	vmul.f32 $1.442695020e+00, v20;
	(erf) = vpow2.f32 v18  }
0x44d: {  	v52 =	vadd.f32 v45, v44;
	v22 =	vmul.f32 $1.442695020e+00, v22;
	(erf) = vpow2.f32 v21  }
0x44e: {  	v56 =	vadd.f32 v33, v32;
	v34 =	vmul.f32 $1.442695020e+00, v34;
	(erf) = vpow2.f32 v20  }
0x44f: {  	v54 =	vadd.f32 v41, v35;
	v18 =	vmul.f32 $1.442695020e+00, v52;
	(erf) = vpow2.f32 v22  }
0x450: {  	v55 =	vadd.f32 v39, v38;
	v21 =	vmul.f32 $1.442695020e+00, v56;
	(erf) = vpow2.f32 v53  }
0x451: {  	v20 =	vmul.f32 $1.442695020e+00, v54;
	(erf) = vpow2.f32 v18  }
0x452: {  	v57 =	vmul.f32 $1.442695020e+00, v55;
	(erf) = vpow2.f32 v34  }
0x453: {  	(erf) = vpow2.f32 v20  }
0x454: {  	v58 =	vadd.f32 v28, v27;
	v59 =	vadd.f32 v31, v30;
	(erf) = vpow2.f32 v57  }
0x455: {  	v17 =	vadd.f32 v19, v17;
	v15 =	vadd.f32 v16, v15;
	(erf) = vpow2.f32 v21;
	v21 =	vpop (erf)  }
0x456: {  	v60 =	vadd.f32 v26, v25;
	v62 =	vmul.f32 $1.442695020e+00, v59;
	v22 =	vmul.f32 $1.442695020e+00, v58;
	v19 =	vpop (erf)  }
0x457: {  	v61 =	vadd.f32 v24, v23;
	v36 =	vmul.f32 $1.442695020e+00, v17;
	v15 =	vmul.f32 $1.442695020e+00, v15;
	v63 =	vpop (erf)  }
0x458: {  	v20 =	vmul.f32 $1.442695020e+00, v60;
	(erf) = vpow2.f32 v22;
	v37 =	vpop (erf)  }
0x459: {  	v18 =	vmul.f32 $1.442695020e+00, v61;
	(erf) = vpow2.f32 v62;
	v24 =	vpop (erf)  }
0x45a: {  	(erf) = vpow2.f32 v20;
	v38 =	vadd.f32 $1.000000000e+00, v63;
	v39 =	vadd.f32 $1.000000000e+00, v37;
	v40 =	vpop (erf)  }
0x45b: {  	(erf) = vpow2.f32 v18;
	v42 =	vadd.f32 $1.000000000e+00, v24;
	v43 =	vadd.f32 $1.000000000e+00, v40  }
0x45c: {  	(erf) = vpow2.f32 v36;
	v41 =	vmul.f32 v39, v38;
	v44 =	vpop (erf)  }
0x45d: {  	(erf) = vpow2.f32 v15;
	v46 =	vpop (erf);
	v15 =	vmul.f32 v43, v42  }
0x45e: {  	v48 =	vpop (erf)  }
0x45f: {  	v45 =	vadd.f32 $1.000000000e+00, v44;
	v47 =	vadd.f32 $1.000000000e+00, v46;
	(erf) = vrcp.f32 v41;
	v50 =	vpop (erf)  }
0x460: {  	v49 =	vadd.f32 $1.000000000e+00, v48;
	v51 =	vadd.f32 $1.000000000e+00, v50;
	(erf) = vrcp.f32 v15  }
0x461: {  	v20 =	vmul.f32 v47, v45;
	v15 =	vpop (erf)  }
0x462: {  	v23 =	vmul.f32 v51, v49;
	v53 =	vpop (erf)  }
0x463: {  	(erf) = vrcp.f32 v20;
	v52 =	vadd.f32 $1.000000000e+00, v15;
	v54 =	vadd.f32 $1.000000000e+00, v53;
	v55 =	vpop (erf)  }
0x464: {  	v60 =	vadd.f32 $1.000000000e+00, v19;
	(erf) = vrcp.f32 v23;
	v57 =	vpop (erf)  }
0x465: {  	v56 =	vadd.f32 $1.000000000e+00, v55;
	v26 =	vmul.f32 v54, v52;
	v58 =	vadd.f32 $1.000000000e+00, v57;
	v59 =	vpop (erf)  }
0x466: {  	v17 =	vsub.f32 v63, v37;
	v61 =	vadd.f32 $1.000000000e+00, v59  }
0x467: {  	v37 =	vadd.f32 $1.000000000e+00, v21;
	v63 =	vpop (erf);
	v62 =	vmul.f32 v58, v56;
	(erf) = vrcp.f32 v26  }
0x468: {  	v18 =	vsub.f32 v24, v40;
	v38 =	vadd.f32 $1.000000000e+00, v63;
	v39 =	vpop (erf);
	v36 =	vmul.f32 v61, v60  }
0x469: {  	v17 =	vmul.f32 v39, v17;
	v41 =	vpop (erf);
	(erf) = vrcp.f32 v62  }
0x46a: {  	v40 =	vmul.f32 v38, v37;
	v18 =	vmul.f32 v41, v18  }
0x46b: {  	v42 =	vsub.f32 v44, v46;
	(erf) = vrcp.f32 v36;
	v17 =	vmul.f32 v17, v6  }
0x46c: {  	v16 =	vsub.f32 v48, v50;
	v43 =	vpop (erf);
	(erf) = vrcp.f32 v40  }
0x46d: {  	v18 =	vmul.f32 v18, v7;
	v44 =	vmul.f32 v43, v42;
	v17 =	vadd.f32 $0.0e+00, v17  }
0x46e: {  	v15 =	vsub.f32 v15, v53;
	v45 =	vpop (erf)  }
0x46f: {  	v46 =	vmul.f32 v44, v8;
	v16 =	vmul.f32 v45, v16;
	v17 =	vadd.f32 v17, v18  }
0x470: {  	v20 =	vsub.f32 v55, v57;
	v47 =	vpop (erf)  }
0x471: {  	v16 =	vmul.f32 v16, v9;
	v17 =	vadd.f32 v46, v17;
	v15 =	vmul.f32 v47, v15  }
0x472: {  	v48 =	vsub.f32 v19, v59;
	v49 =	vpop (erf)  }
0x473: {  	v16 =	vadd.f32 v17, v16;
	v15 =	vmul.f32 v15, v10;
	v50 =	vmul.f32 v49, v20  }
0x474: {  	v52 =	vsub.f32 v21, v63;
	v51 =	vpop (erf)  }
0x475: {  	v54 =	vmul.f32 v51, v48;
	v15 =	vadd.f32 v15, v16;
	v53 =	vmul.f32 v50, v11  }
0x476: {  	v55 =	vpop (erf)  }
0x477: {  	v57 =	vmul.f32 v55, v52;
	v56 =	vmul.f32 v54, v12;
	v15 =	vadd.f32 v15, v53;
	_ =	sdelay $0x1  }
0x478: {  	v58 =	vmul.f32 v57, v13;
	v15 =	vadd.f32 v56, v15;
	_ =	sdelay $0x1  }
0x479: {  	v15 =	vadd.f32 v15, v58  }
0x47a: {  	v59 =	vperm.xlane v29, v0  }
0x47b: {  	v60 =	vperm.xlane v15, v0  }
0x47c: {  	v16 =	vadd.f32 v29, v59  }
0x47d: {  	v15 =	vadd.f32 v15, v60  }
0x47e: {  	v61 =	vperm.xlane v16, v1  }
0x47f: {  	v62 =	vperm.xlane v15, v1  }
0x480: {  	v16 =	vadd.f32 v16, v61  }
0x481: {  	v15 =	vadd.f32 v15, v62  }
0x482: {  	v17 =	vperm.xlane v16, v2  }
0x483: {  	v18 =	vperm.xlane v15, v2  }
0x484: {  	v16 =	vadd.f32 v16, v17  }
0x485: {  	v15 =	vadd.f32 v15, v18  }
0x486: {  	s0 =	sshll.u32 s18, $0x4;
	s18 =	sadd.s32 $0x1, s18;
	v17 =	vperm.xlane v16, v4  }
0x487: {  	p1 =	sne.s32 s18, $0x4;
	v18 =	vperm.xlane v15, v4  }
.Ltmp9:
0x488: {  	v16 =	vadd.f32 v16, v17;
	(pc) =	sbr.rel @p1 .LBB2_19-.Ltmp9, $4  }
0x489: {  	v63 =	vmov s25;
	v15 =	vadd.f32 v15, v18  }
0x48a: {  	vm15 =	veq.s32 v63, v5;
	v14 =	vsel vm0, v16, v14  }
0x48b: {  	s0 =	sand.u32 $0x3FFFFFF0, s0;
	v14 =	vsel vm15, v15, v14  }
0x48c: {  	s9 =	sadd.s32 $0x800, s9;
	s14 =	sadd.s32 $0x400, s14;
	s17 =	sadd.s32 $0x400, s17;
	[tilespmem:s0+$0x19100] =	vst v14  }
0x48d: {  	s15 =	sadd.s32 $0x1, s15  }
0x48e: {  	p1 =	sne.s32 s15, $0x10  }
.Ltmp10:
0x48f: {  	s0 =	sand.u32 $0x3FFFFFC0, s16;
	(pc) =	sbr.rel @p1 .LBB2_2-.Ltmp10, $4  }
0x490: {  	s0 =	sadd.s32 $0x3C00, s0  }
0x491: {  	[spmem:s2] =	stream.indirect.scatter.add.f32 [tilespmem:s8], [sflag:$0xA], $0x1, s0, s23, $0xb8;
	[tilespmem:$0x1A600] =	vst v63  }
0x492: {  	_ = 	snop  }
0x493: {  	[spmem:s3] =	stream.indirect.scatter.add.f32 [tilespmem:s30], [sflag:$0xA], $0x1, s0, s23, $0xb8;
	[tilespmem:$0x1A600] =	vst v63  }
0x494: {  	s0 =	simm.s32 $0x6  }
0x495: {  	_ =	swait.ge [sflag:s0], $0x40  }
0x496: {  	[sflag:s0] =	ssyncset.done $0x0  }
0x497: {  	[sflag:s0] =	ssyncadd.s32 $0xFFFFFFC0  }
0x498: {  	_ =	swait.ge [sflag:s0], $0x40  }
0x499: {  	[sflag:s0] =	ssyncset.done $0x0  }
0x49a: {  	[sflag:s0] =	ssyncadd.s32 $0xFFFFFFC0  }
0x49b: {  	_ =	swait.ge [sflag:s10], $0x40  }
0x49c: {  	[sflag:s10] =	ssyncset.done $0x0  }
0x49d: {  	[sflag:s10] =	ssyncadd.s32 $0xFFFFFFC0  }
0x49e: {  	_ =	swait.ge [sflag:s10], $0x40  }
0x49f: {  	[sflag:s10] =	ssyncset.done $0x0  }
0x4a0: {  	[sflag:s10] =	ssyncadd.s32 $0xFFFFFFC0  }
0x4a1: {  	_ =	swait.ge [sflag:s11], $0x40  }
0x4a2: {  	[sflag:s11] =	ssyncset.done $0x0  }
0x4a3: {  	[sflag:s11] =	ssyncadd.s32 $0xFFFFFFC0  }
0x4a4: {  	_ =	swait.ge [sflag:s11], $0x40  }
0x4a5: {  	[sflag:s11] =	ssyncset.done $0x0  }
0x4a6: {  	[sflag:s11] =	ssyncadd.s32 $0xFFFFFFC0  }
0x4a7: {  	_ =	swait.ge [sflag:s12], $0x40  }
0x4a8: {  	[sflag:s12] =	ssyncset.done $0x0  }
0x4a9: {  	[sflag:s12] =	ssyncadd.s32 $0xFFFFFFC0  }
0x4aa: {  	_ =	swait.ge [sflag:s12], $0x40  }
0x4ab: {  	[sflag:s12] =	ssyncset.done $0x0  }
0x4ac: {  	[sflag:s12] =	ssyncadd.s32 $0xFFFFFFC0  }
0x4ad: {  	_ =	swait.ge [sflag:s13], $0x40  }
0x4ae: {  	[sflag:s13] =	ssyncset.done $0x0  }
0x4af: {  	[sflag:s13] =	ssyncadd.s32 $0xFFFFFFC0  }
0x4b0: {  	_ =	swait.ge [sflag:s13], $0x40  }
0x4b1: {  	[sflag:s13] =	ssyncset.done $0x0  }
0x4b2: {  	[sflag:s13] =	ssyncadd.s32 $0xFFFFFFC0  }
0x4b3: {  	[bflag:$0x0] =	sbarrier.arrive $0xFFFF  }
0x4b4: {  	s4 =	rddreg [dreg:$0xa]  }
0x4b5: {  	s0 =	simm.s32 @!p0 $0x1C0B;
	s14 =	rddreg [dreg:$0xd]  }
0x4b6: {  	[hbm:s4], [sflag:s0] =	dma.local @!p0 [spmem:s14], $0x1400  }
0x4b7: {  	s4 =	simm.s32 @!p0 $0xB  }
0x4b8: {  	_ =	swait.ge @!p0 [sflag:s4], $0x1400  }
0x4b9: {  	[sflag:s4] =	ssyncset.done @!p0 $0x0;
	s9 =	rddreg [dreg:$0xb]  }
0x4ba: {  	s15 =	rddreg [dreg:$0xe];
	[sflag:s4] =	ssyncadd.s32 @!p0 $0xFFFFEC00  }
0x4bb: {  	[hbm:s9], [sflag:s0] =	dma.local @!p0 [spmem:s15], $0x1400  }
0x4bc: {  	_ =	swait.ge @!p0 [sflag:s4], $0x1400  }
0x4bd: {  	s28 =	rddreg [dreg:$0xf]  }
0x4be: {  	s29 =	rddreg [dreg:$0xc];
	s9 =	sadd.s32 $0x1, s28  }
0x4bf: {  	p1 =	sne.s32 s9, s29  }
.Ltmp11:
0x4c0: {  	_ = 	snop;
	(pc) =	sbr.rel @p1 .LBB2_1-.Ltmp11, $3  }
0x4c1: {  	_ =	sdelay $0x1  }
0x4c2: {  	[sflag:s4] =	ssyncset.done @!p0 $0x0  }
0x4c3: {  	[sflag:s4] =	ssyncadd.s32 @!p0 $0xFFFFEC00  }
0x4c4: {  	_ =	sfence.sel $0x180000  }
0x4c5: {  	[bflag:$0x0] =	sbarrier.arrive $0xFFFF  }
0x4c6: {  	_ =	strace $0x90000047  }
0x4c7: {  	[bflag:$0x2] =	sbarrier.arrive $0xFFFF  }
0x4c8: {  	s0 =	rddreg [dreg:$0x4]  }
0x4c9: {  	s0 =	sadd.s32 @!p0 $0x100000, s0  }
0x4ca: {  	[sflag:s0] =	ssyncadd.tile.s32 @!p0 $0x1;
	_ =	shalt  }
.Lfunc_end2:
_tile_overlayer_lowered:
.L_overlay_start_2:
0x4cb: {  	(tag) =	ssettag $0x2  }
0x4cc: {  	s0 =	rddreg [dreg:$0x0];
	s2 =	stileid.u32  }
0x4cd: {  	s1 =	rddreg [dreg:$0x1];
	p0 =	sne.s32 s2, $0x0  }
0x4ce: {  	s3 =	rddreg [dreg:$0x2];
	[bflag:$0x3] =	sbarrier.arrive $0xFFFF;
	s2 =	simm.s32 @!p0 $0x1C0B  }
0x4cf: {  	[timem:s3], [sflag:s2] =	dma.local @!p0 [hbm:s0], s1  }
0x4d0: {  	s0 =	simm.s32 @!p0 $0xB  }
0x4d1: {  	_ =	swait.ge @!p0 [sflag:s0], s1  }
0x4d2: {  	s1 =	ssub.s32 @!p0 $0x0, s1;
	[sflag:s0] =	ssyncset.done @!p0 $0x0  }
0x4d3: {  	[sflag:s0] =	ssyncadd.s32 @!p0 s1  }
0x4d4: {  	[bflag:$0x3] =	sbarrier.arrive $0xFFFF  }
0x4d5: {  	_ =	shalt  }

</sc_bundles>
